<compile_context>
chip_gen: v7x
topology: tpu7x:2x2x1
jax: 0.10.2.dev20260603
libtpu: 0.0.44.dev20260713+nightly
codegen_flags: <defaults>
</compile_context>

<pallas_src>
import functools

import jax
import jax.numpy as jnp
from jax import lax
from jax.experimental import pallas as pl
from jax.experimental.pallas import tpu as pltpu
from jax.experimental.pallas import tpu_sc as plsc

NC, NS, L = 2, 16, 16


def _deg_body(dst_hbm, degp_hbm, dstv, hist, nrows, ept):
    c = lax.axis_index("c")
    s = lax.axis_index("s")
    w = c * NS + s
    pltpu.sync_copy(dst_hbm.at[w], dstv)

    def zero(i, carry):
        hist[pl.ds(i * L, L)] = jnp.zeros((L,), jnp.float32)
        return carry

    lax.fori_loop(0, nrows // L, zero, 0)

    ones = jnp.ones((L,), jnp.float32)

    def acc(i, carry):
        idx = dstv[pl.ds(i * L, L)]
        plsc.addupdate_scatter(hist, [idx], ones)
        return carry

    lax.fori_loop(0, ept // L, acc, 0)
    pltpu.sync_copy(hist, degp_hbm.at[w])


def _dinv_body(degp_ref, dinv_ref):
    deg = jnp.sum(degp_ref[...], axis=0) + 1.0
    dinv_ref[...] = lax.rsqrt(deg)[:, None]


def _xw_body(x_ref, w_ref, dinv_ref, y_ref):
    xw = jnp.dot(x_ref[0], w_ref[0], preferred_element_type=jnp.float32)
    y_ref[0, 0] = xw * dinv_ref[...]


def _agg_body(y_hbm, src_hbm, dst_hbm, S_hbm, src_v, dst_v, b0,
              S_sh, tab_sh, g0,
              ngraphs, nchunks, ept, rows_per_tile, hh, nnodes):
    c = lax.axis_index("c")
    s = lax.axis_index("s")
    pltpu.sync_copy(src_hbm.at[s], src_v)
    pltpu.sync_copy(dst_hbm.at[s], dst_v)

    def zero(i, carry):
        r = i // (hh // L)
        l = i % (hh // L)
        b0[r, pl.ds(l * L, L)] = jnp.zeros((L,), jnp.float32)
        return carry

    base = s * rows_per_tile
    rpt = nnodes // NS
    for g in range(ngraphs):
        lax.fori_loop(0, 128 * hh // L, zero, 0)
        for k in range(rows_per_tile // 128):
            pltpu.sync_copy(b0, S_sh.at[pl.ds(base + k * 128, 128)])
        pltpu.sync_copy(y_hbm.at[c, g, pl.ds(s * rpt, rpt)],
                        tab_sh.at[pl.ds(s * rpt, rpt)])
        plsc.subcore_barrier()

        def chunk(q, carry):
            pltpu.async_copy(tab_sh.at[src_v.at[q]], b0, g0).wait()
            pltpu.sync_copy(b0, S_sh.at[dst_v.at[q]], add=True)
            return carry

        lax.fori_loop(0, nchunks, chunk, 0)
        plsc.subcore_barrier()
        for k in range(rows_per_tile // 128):
            pltpu.sync_copy(S_sh.at[pl.ds(base + k * 128, 128)],
                            S_hbm.at[c, g, pl.ds(base + k * 128, 128)])
        plsc.subcore_barrier()


def _out_body(S0_ref, S1_ref, y0_ref, y1_ref, dinv_ref, b_ref, o_ref):
    S = jnp.concatenate([S0_ref[0, 0], S1_ref[0, 0]], axis=-1)
    y = jnp.concatenate([y0_ref[0, 0], y1_ref[0, 0]], axis=-1)
    o_ref[0] = dinv_ref[...] * (S + y) + b_ref[...]


def kernel(x, edge_index, W, b):
    B, T, N, F = x.shape
    H = W.shape[1]
    G = B * T
    E = edge_index.shape[1]
    HH = H // 2

    ept = ((E // NS + 127) // 128) * 128
    nchunks = ept // 128
    EP = NS * ept
    NR = ((N + (NS * 128) - 1) // (NS * 128)) * (NS * 128)
    rows_per_tile = NR // NS

    src = edge_index[0]
    dst = edge_index[1]
    pad = EP - E
    srcp = jnp.concatenate([src, jnp.zeros((pad,), jnp.int32)])
    dstp = jnp.concatenate([dst, jnp.full((pad,), N, jnp.int32)])
    srcT = srcp.reshape(NS, nchunks, 128)
    dstT = dstp.reshape(NS, nchunks, 128)
    dstA = dstp.reshape(NC * NS, EP // (NC * NS))

    mesh = plsc.VectorSubcoreMesh(core_axis_name="c", subcore_axis_name="s")

    deg_parts = pl.kernel(
        functools.partial(_deg_body, nrows=NR, ept=EP // (NC * NS)),
        out_type=jax.ShapeDtypeStruct((NC * NS, NR), jnp.float32),
        mesh=mesh,
        scratch_types=[
            pltpu.VMEM((EP // (NC * NS),), jnp.int32),
            pltpu.VMEM((NR,), jnp.float32),
        ],
        compiler_params=pltpu.CompilerParams(needs_layout_passes=False),
    )(dstA)

    dinv = pl.pallas_call(
        _dinv_body,
        out_shape=jax.ShapeDtypeStruct((NR, 1), jnp.float32),
    )(deg_parts)

    RB = 2000
    nrb = N // RB
    xg = x.reshape(G, N, F)
    Wh = jnp.stack([W[:, :HH], W[:, HH:]])
    y = pl.pallas_call(
        _xw_body,
        grid=(NC, G, nrb),
        in_specs=[
            pl.BlockSpec((1, RB, F), lambda h, g, i: (g, i, 0)),
            pl.BlockSpec((1, F, HH), lambda h, g, i: (h, 0, 0)),
            pl.BlockSpec((RB, 1), lambda h, g, i: (i, 0)),
        ],
        out_specs=pl.BlockSpec((1, 1, RB, HH), lambda h, g, i: (h, g, i, 0)),
        out_shape=jax.ShapeDtypeStruct((NC, G, N, HH), jnp.float32),
    )(xg, Wh, dinv)

    S = pl.kernel(
        functools.partial(_agg_body, ngraphs=G, nchunks=nchunks, ept=ept,
                          rows_per_tile=rows_per_tile, hh=HH, nnodes=N),
        out_type=jax.ShapeDtypeStruct((NC, G, NR, HH), jnp.float32),
        mesh=mesh,
        scratch_types=[
            pltpu.VMEM((nchunks, 128), jnp.int32),
            pltpu.VMEM((nchunks, 128), jnp.int32),
            pltpu.VMEM((128, HH), jnp.float32),
            pltpu.VMEM_SHARED((NR, HH), jnp.float32),
            pltpu.VMEM_SHARED((N, HH), jnp.float32),
            pltpu.SemaphoreType.DMA,
        ],
        compiler_params=pltpu.CompilerParams(needs_layout_passes=False,
                                            use_tc_tiling_on_sc=False),
    )(y, srcT, dstT)

    out = pl.pallas_call(
        _out_body,
        grid=(G, nrb),
        in_specs=[
            pl.BlockSpec((1, 1, RB, HH), lambda g, i: (0, g, i, 0)),
            pl.BlockSpec((1, 1, RB, HH), lambda g, i: (1, g, i, 0)),
            pl.BlockSpec((1, 1, RB, HH), lambda g, i: (0, g, i, 0)),
            pl.BlockSpec((1, 1, RB, HH), lambda g, i: (1, g, i, 0)),
            pl.BlockSpec((RB, 1), lambda g, i: (i, 0)),
            pl.BlockSpec((1, H), lambda g, i: (0, 0)),
        ],
        out_specs=pl.BlockSpec((1, RB, H), lambda g, i: (g, i, 0)),
        out_shape=jax.ShapeDtypeStruct((G, N, H), jnp.float32),
    )(S, S, y, y, dinv, b.reshape(1, H))

    return out.reshape(B, T, N, H)

# --- scband reference (transcript-rebuilt; emitter-appended) ---
"""Pipeline reference for scband-spatial-gcn-19507741458586 (READ-ONLY COPY).

The authoritative reference and input builder live on the scoring server;
editing this copy changes nothing except your own understanding.
"""

import jax, jax.numpy as jnp
import numpy as np

B, T, N, F, H, E = 2, 4, 10000, 128, 128, 320000

def setup_inputs(seed: int = 0) -> dict:
    key = jax.random.key(seed)
    k1, k2, k3 = jax.random.split(key, 3)
    x = jax.random.normal(k1, (B, T, N, F), dtype=jnp.float32)
    edge_index = jax.random.randint(k2, (2, E), 0, N, dtype=jnp.int32)
    W = jax.random.normal(k3, (F, H), dtype=jnp.float32) * (1.0 / np.sqrt(F))
    b = jnp.zeros((H,), dtype=jnp.float32)
    return {"x": x, "edge_index": edge_index, "W": W, "b": b}

def reference(x, edge_index, W, b):
    Bv, Tv, Nv, Fv = x.shape
    loop = jnp.arange(Nv, dtype=edge_index.dtype)
    src = jnp.concatenate([edge_index[0], loop])
    dst = jnp.concatenate([edge_index[1], loop])
    # GCN symmetric normalization with self-loops (PyG GCNConv defaults)
    deg = jnp.zeros((Nv,), dtype=x.dtype).at[dst].add(1.0)
    dinv = jnp.where(deg > 0, 1.0 / jnp.sqrt(deg), 0.0)
    norm = dinv[src] * dinv[dst]

    def gcn_one(xg):
        xw = xg @ W                       # [N, H] dense transform
        msg = jnp.take(xw, src, axis=0) * norm[:, None]   # gather + scale
        agg = jax.ops.segment_sum(msg, dst, num_segments=Nv)  # scatter-add
        return agg + b

    flat = x.reshape(Bv * Tv, Nv, Fv)
    out = jax.vmap(gcn_one)(flat)
    return out.reshape(Bv, Tv, Nv, -1)

if __name__ == "__main__":
    import jax
    _d = setup_inputs()
    print(jax.jit(kernel)(*tuple(_d.values())))

</pallas_src>

<mosaic_0001>
#map = affine_map<(d0, d1) -> (0, 0)>
module attributes {stable_mosaic.version = 14 : i64} {
  func.func @_deg_body(%arg0: i32, %arg1: i32, %arg2: memref<32x10048xi32, #tpu.memory_space<hbm>>, %arg3: memref<32x10240xf32, #tpu.memory_space<hbm>>, %arg4: memref<10048xi32, #tpu.memory_space<vmem>>, %arg5: memref<10240xf32, #tpu.memory_space<vmem>>) attributes {dimension_semantics = [#tpu.dimension_semantics<core_parallel>, #tpu.dimension_semantics<subcore_parallel>], iteration_bounds = array<i64: 2, 16>, scalar_prefetch = 0 : i64, scratch_operands = 2 : i64, tpu.core_type = #tpu.core_type<sc_vector_subcore>, window_params = [{transform_indices = #map}, {transform_indices = #map}]} {
    %mul3A = arith.constant 16 : i32
    %mul3A_0 = arith.muli %arg0, %mul3A : i32
    %add3A = arith.addi %mul3A_0, %arg1 : i32
    "tpu.region"() ({
      %run_scoped3A = tpu.sem_alloc : memref<!tpu.dma_semaphore, #tpu.memory_space<semaphore_mem>>
      %dma_start3A = arith.constant 0 : i32
      %dma_start3A_13 = tpu.memref_slice %arg2[%add3A, %dma_start3A] : memref<32x10048xi32, #tpu.memory_space<hbm>> -> memref<1x10048xi32, #tpu.memory_space<hbm>>
      %dma_start3A_14 = tpu.memref_squeeze %dma_start3A_13 : memref<1x10048xi32, #tpu.memory_space<hbm>> -> memref<10048xi32, #tpu.memory_space<hbm>>
      %dma_start3A_15 = arith.constant 0 : i32
      %dma_start3A_16 = tpu.memref_slice %arg2[%add3A, %dma_start3A_15] : memref<32x10048xi32, #tpu.memory_space<hbm>> -> memref<1x10048xi32, #tpu.memory_space<hbm>>
      %dma_start3A_17 = tpu.memref_squeeze %dma_start3A_16 : memref<1x10048xi32, #tpu.memory_space<hbm>> -> memref<10048xi32, #tpu.memory_space<hbm>>
      tpu.enqueue_dma source(%dma_start3A_17 : memref<10048xi32, #tpu.memory_space<hbm>>) target(%arg4 : memref<10048xi32, #tpu.memory_space<vmem>>) target_semaphore(%run_scoped3A : memref<!tpu.dma_semaphore, #tpu.memory_space<semaphore_mem>>)
      %dma_wait3A = arith.constant 0 : i32
      %dma_wait3A_18 = tpu.memref_slice %arg2[%add3A, %dma_wait3A] : memref<32x10048xi32, #tpu.memory_space<hbm>> -> memref<1x10048xi32, #tpu.memory_space<hbm>>
      %dma_wait3A_19 = tpu.memref_squeeze %dma_wait3A_18 : memref<1x10048xi32, #tpu.memory_space<hbm>> -> memref<10048xi32, #tpu.memory_space<hbm>>
      %dma_wait3A_20 = arith.constant 0 : i32
      %dma_wait3A_21 = tpu.memref_slice %arg2[%add3A, %dma_wait3A_20] : memref<32x10048xi32, #tpu.memory_space<hbm>> -> memref<1x10048xi32, #tpu.memory_space<hbm>>
      %dma_wait3A_22 = tpu.memref_squeeze %dma_wait3A_21 : memref<1x10048xi32, #tpu.memory_space<hbm>> -> memref<10048xi32, #tpu.memory_space<hbm>>
      tpu.wait_dma2 semaphore(%run_scoped3A : memref<!tpu.dma_semaphore, #tpu.memory_space<semaphore_mem>>) src(%dma_wait3A_22 : memref<10048xi32, #tpu.memory_space<hbm>>) dst(%arg4 : memref<10048xi32, #tpu.memory_space<vmem>>)
      tpu.yield
    }) : () -> ()
    %scan3A = arith.constant 0 : i32
    %scan3A_1 = arith.constant 0 : i32
    %scan3A_2 = arith.constant 640 : i32
    %scan3A_3 = arith.addi %scan3A_1, %scan3A_2 : i32
    %scan3A_4 = arith.constant 1 : i32
    scf.for %scan3A_13 = %scan3A_1 to %scan3A_3 step %scan3A_4  : i32 {
      %broadcast_in_dim3A_14 = arith.constant 0.000000e+00 : f32
      %broadcast_in_dim3A_15 = vector.broadcast %broadcast_in_dim3A_14 : f32 to vector<16xf32>
      %mul3A_16 = arith.constant 16 : i32
      %mul3A_17 = arith.muli %scan3A_13, %mul3A_16 : i32
      %swap3A = arith.index_cast %mul3A_17 : i32 to index
      %swap3A_18 = tpu.vector_load %arg5[%swap3A] {strides = array<i32>} : memref<10240xf32, #tpu.memory_space<vmem>>, vector<16xf32>,
      tpu.vector_store %arg5[%swap3A], %broadcast_in_dim3A_15 {strides = array<i32>} : memref<10240xf32, #tpu.memory_space<vmem>>, vector<16xf32>,
    }
    %scan3A_5 = arith.constant 640 : i32
    %broadcast_in_dim3A = arith.constant 1.000000e+00 : f32
    %broadcast_in_dim3A_6 = vector.broadcast %broadcast_in_dim3A : f32 to vector<16xf32>
    %scan3A_7 = arith.constant 0 : i32
    %scan3A_8 = arith.constant 0 : i32
    %scan3A_9 = arith.constant 628 : i32
    %scan3A_10 = arith.addi %scan3A_8, %scan3A_9 : i32
    %scan3A_11 = arith.constant 1 : i32
    scf.for %scan3A_13 = %scan3A_8 to %scan3A_10 step %scan3A_11  : i32 {
      %mul3A_14 = arith.constant 16 : i32
      %mul3A_15 = arith.muli %scan3A_13, %mul3A_14 : i32
      %get3A = arith.index_cast %mul3A_15 : i32 to index
      %get3A_16 = tpu.vector_load %arg4[%get3A] {strides = array<i32>} : memref<10048xi32, #tpu.memory_space<vmem>>, vector<16xi32>,
      tpu.vector_store_idx %arg5[%get3A_16], %broadcast_in_dim3A_6 {add = true} : memref<10240xf32, #tpu.memory_space<vmem>>[vector<16xi32>], vector<16xf32>,
    }
    %scan3A_12 = arith.constant 628 : i32
    "tpu.region"() ({
      %run_scoped3A = tpu.sem_alloc : memref<!tpu.dma_semaphore, #tpu.memory_space<semaphore_mem>>
      %dma_start3A = arith.constant 0 : i32
      %dma_start3A_13 = tpu.memref_slice %arg3[%add3A, %dma_start3A] : memref<32x10240xf32, #tpu.memory_space<hbm>> -> memref<1x10240xf32, #tpu.memory_space<hbm>>
      %dma_start3A_14 = tpu.memref_squeeze %dma_start3A_13 : memref<1x10240xf32, #tpu.memory_space<hbm>> -> memref<10240xf32, #tpu.memory_space<hbm>>
      %dma_start3A_15 = arith.constant 0 : i32
      %dma_start3A_16 = tpu.memref_slice %arg3[%add3A, %dma_start3A_15] : memref<32x10240xf32, #tpu.memory_space<hbm>> -> memref<1x10240xf32, #tpu.memory_space<hbm>>
      %dma_start3A_17 = tpu.memref_squeeze %dma_start3A_16 : memref<1x10240xf32, #tpu.memory_space<hbm>> -> memref<10240xf32, #tpu.memory_space<hbm>>
      tpu.enqueue_dma source(%arg5 : memref<10240xf32, #tpu.memory_space<vmem>>) target(%dma_start3A_17 : memref<10240xf32, #tpu.memory_space<hbm>>) target_semaphore(%run_scoped3A : memref<!tpu.dma_semaphore, #tpu.memory_space<semaphore_mem>>)
      %dma_wait3A = arith.constant 0 : i32
      %dma_wait3A_18 = tpu.memref_slice %arg3[%add3A, %dma_wait3A] : memref<32x10240xf32, #tpu.memory_space<hbm>> -> memref<1x10240xf32, #tpu.memory_space<hbm>>
      %dma_wait3A_19 = tpu.memref_squeeze %dma_wait3A_18 : memref<1x10240xf32, #tpu.memory_space<hbm>> -> memref<10240xf32, #tpu.memory_space<hbm>>
      %dma_wait3A_20 = arith.constant 0 : i32
      %dma_wait3A_21 = tpu.memref_slice %arg3[%add3A, %dma_wait3A_20] : memref<32x10240xf32, #tpu.memory_space<hbm>> -> memref<1x10240xf32, #tpu.memory_space<hbm>>
      %dma_wait3A_22 = tpu.memref_squeeze %dma_wait3A_21 : memref<1x10240xf32, #tpu.memory_space<hbm>> -> memref<10240xf32, #tpu.memory_space<hbm>>
      tpu.wait_dma2 semaphore(%run_scoped3A : memref<!tpu.dma_semaphore, #tpu.memory_space<semaphore_mem>>) src(%arg5 : memref<10240xf32, #tpu.memory_space<vmem>>) dst(%dma_wait3A_22 : memref<10240xf32, #tpu.memory_space<hbm>>)
      tpu.yield
    }) : () -> ()
    return
  }
}

#map = affine_map<(d0, d1) -> (0, 0, 0, 0)>
#map1 = affine_map<(d0, d1) -> (0, 0, 0)>
module attributes {stable_mosaic.version = 14 : i64} {
  func.func @_agg_body(%arg0: i32, %arg1: i32, %arg2: memref<2x8x10000x64xf32, #tpu.memory_space<hbm>>, %arg3: memref<16x157x128xi32, #tpu.memory_space<hbm>>, %arg4: memref<16x157x128xi32, #tpu.memory_space<hbm>>, %arg5: memref<2x8x10240x64xf32, #tpu.memory_space<hbm>>, %arg6: memref<157x128xi32, #tpu.memory_space<vmem>>, %arg7: memref<157x128xi32, #tpu.memory_space<vmem>>, %arg8: memref<128x64xf32, #tpu.memory_space<vmem>>, %arg9: memref<10240x64xf32, #tpu.memory_space<vmem_shared>>, %arg10: memref<10000x64xf32, #tpu.memory_space<vmem_shared>>, %arg11: memref<!tpu.dma_semaphore, #tpu.memory_space<semaphore_mem>>) attributes {dimension_semantics = [#tpu.dimension_semantics<core_parallel>, #tpu.dimension_semantics<subcore_parallel>], iteration_bounds = array<i64: 2, 16>, scalar_prefetch = 0 : i64, scratch_operands = 6 : i64, tpu.core_type = #tpu.core_type<sc_vector_subcore>, window_params = [{transform_indices = #map}, {transform_indices = #map1}, {transform_indices = #map1}, {transform_indices = #map}]} {
    "tpu.region"() ({
      %run_scoped3A_437 = tpu.sem_alloc : memref<!tpu.dma_semaphore, #tpu.memory_space<semaphore_mem>>
      %dma_start3A = arith.constant 0 : i32
      %dma_start3A_438 = arith.constant 0 : i32
      %dma_start3A_439 = tpu.memref_slice %arg3[%arg1, %dma_start3A, %dma_start3A_438] : memref<16x157x128xi32, #tpu.memory_space<hbm>> -> memref<1x157x128xi32, #tpu.memory_space<hbm>>
      %dma_start3A_440 = tpu.memref_squeeze %dma_start3A_439 : memref<1x157x128xi32, #tpu.memory_space<hbm>> -> memref<157x128xi32, #tpu.memory_space<hbm>>
      %dma_start3A_441 = arith.constant 0 : i32
      %dma_start3A_442 = arith.constant 0 : i32
      %dma_start3A_443 = tpu.memref_slice %arg3[%arg1, %dma_start3A_441, %dma_start3A_442] : memref<16x157x128xi32, #tpu.memory_space<hbm>> -> memref<1x157x128xi32, #tpu.memory_space<hbm>>
      %dma_start3A_444 = tpu.memref_squeeze %dma_start3A_443 : memref<1x157x128xi32, #tpu.memory_space<hbm>> -> memref<157x128xi32, #tpu.memory_space<hbm>>
      tpu.enqueue_dma source(%dma_start3A_444 : memref<157x128xi32, #tpu.memory_space<hbm>>) target(%arg6 : memref<157x128xi32, #tpu.memory_space<vmem>>) target_semaphore(%run_scoped3A_437 : memref<!tpu.dma_semaphore, #tpu.memory_space<semaphore_mem>>)
      %dma_wait3A = arith.constant 0 : i32
      %dma_wait3A_445 = arith.constant 0 : i32
      %dma_wait3A_446 = tpu.memref_slice %arg3[%arg1, %dma_wait3A, %dma_wait3A_445] : memref<16x157x128xi32, #tpu.memory_space<hbm>> -> memref<1x157x128xi32, #tpu.memory_space<hbm>>
      %dma_wait3A_447 = tpu.memref_squeeze %dma_wait3A_446 : memref<1x157x128xi32, #tpu.memory_space<hbm>> -> memref<157x128xi32, #tpu.memory_space<hbm>>
      %dma_wait3A_448 = arith.constant 0 : i32
      %dma_wait3A_449 = arith.constant 0 : i32
      %dma_wait3A_450 = tpu.memref_slice %arg3[%arg1, %dma_wait3A_448, %dma_wait3A_449] : memref<16x157x128xi32, #tpu.memory_space<hbm>> -> memref<1x157x128xi32, #tpu.memory_space<hbm>>
      %dma_wait3A_451 = tpu.memref_squeeze %dma_wait3A_450 : memref<1x157x128xi32, #tpu.memory_space<hbm>> -> memref<157x128xi32, #tpu.memory_space<hbm>>
      tpu.wait_dma2 semaphore(%run_scoped3A_437 : memref<!tpu.dma_semaphore, #tpu.memory_space<semaphore_mem>>) src(%dma_wait3A_451 : memref<157x128xi32, #tpu.memory_space<hbm>>) dst(%arg6 : memref<157x128xi32, #tpu.memory_space<vmem>>)
      tpu.yield
    }) : () -> ()
    "tpu.region"() ({
      %run_scoped3A_437 = tpu.sem_alloc : memref<!tpu.dma_semaphore, #tpu.memory_space<semaphore_mem>>
      %dma_start3A = arith.constant 0 : i32
      %dma_start3A_438 = arith.constant 0 : i32
      %dma_start3A_439 = tpu.memref_slice %arg4[%arg1, %dma_start3A, %dma_start3A_438] : memref<16x157x128xi32, #tpu.memory_space<hbm>> -> memref<1x157x128xi32, #tpu.memory_space<hbm>>
      %dma_start3A_440 = tpu.memref_squeeze %dma_start3A_439 : memref<1x157x128xi32, #tpu.memory_space<hbm>> -> memref<157x128xi32, #tpu.memory_space<hbm>>
      %dma_start3A_441 = arith.constant 0 : i32
      %dma_start3A_442 = arith.constant 0 : i32
      %dma_start3A_443 = tpu.memref_slice %arg4[%arg1, %dma_start3A_441, %dma_start3A_442] : memref<16x157x128xi32, #tpu.memory_space<hbm>> -> memref<1x157x128xi32, #tpu.memory_space<hbm>>
      %dma_start3A_444 = tpu.memref_squeeze %dma_start3A_443 : memref<1x157x128xi32, #tpu.memory_space<hbm>> -> memref<157x128xi32, #tpu.memory_space<hbm>>
      tpu.enqueue_dma source(%dma_start3A_444 : memref<157x128xi32, #tpu.memory_space<hbm>>) target(%arg7 : memref<157x128xi32, #tpu.memory_space<vmem>>) target_semaphore(%run_scoped3A_437 : memref<!tpu.dma_semaphore, #tpu.memory_space<semaphore_mem>>)
      %dma_wait3A = arith.constant 0 : i32
      %dma_wait3A_445 = arith.constant 0 : i32
      %dma_wait3A_446 = tpu.memref_slice %arg4[%arg1, %dma_wait3A, %dma_wait3A_445] : memref<16x157x128xi32, #tpu.memory_space<hbm>> -> memref<1x157x128xi32, #tpu.memory_space<hbm>>
      %dma_wait3A_447 = tpu.memref_squeeze %dma_wait3A_446 : memref<1x157x128xi32, #tpu.memory_space<hbm>> -> memref<157x128xi32, #tpu.memory_space<hbm>>
      %dma_wait3A_448 = arith.constant 0 : i32
      %dma_wait3A_449 = arith.constant 0 : i32
      %dma_wait3A_450 = tpu.memref_slice %arg4[%arg1, %dma_wait3A_448, %dma_wait3A_449] : memref<16x157x128xi32, #tpu.memory_space<hbm>> -> memref<1x157x128xi32, #tpu.memory_space<hbm>>
      %dma_wait3A_451 = tpu.memref_squeeze %dma_wait3A_450 : memref<1x157x128xi32, #tpu.memory_space<hbm>> -> memref<157x128xi32, #tpu.memory_space<hbm>>
      tpu.wait_dma2 semaphore(%run_scoped3A_437 : memref<!tpu.dma_semaphore, #tpu.memory_space<semaphore_mem>>) src(%dma_wait3A_451 : memref<157x128xi32, #tpu.memory_space<hbm>>) dst(%arg7 : memref<157x128xi32, #tpu.memory_space<vmem>>)
      tpu.yield
    }) : () -> ()
    %mul3A = arith.constant 640 : i32
    %mul3A_0 = arith.muli %arg1, %mul3A : i32
    %scan3A = arith.constant 0 : i32
    %scan3A_1 = arith.constant 0 : i32
    %scan3A_2 = arith.constant 512 : i32
    %scan3A_3 = arith.addi %scan3A_1, %scan3A_2 : i32
    %scan3A_4 = arith.constant 1 : i32
    scf.for %scan3A_437 = %scan3A_1 to %scan3A_3 step %scan3A_4  : i32 {
      %jit3A = arith.constant 4 : i32
      %div3A = arith.divsi %scan3A_437, %jit3A : i32
      %sign3A = arith.constant 0 : i32
      %sign3A_438 = arith.cmpi sgt, %scan3A_437, %sign3A : i32
      %sign3A_439 = arith.extui %sign3A_438 : i1 to i32
      %sign3A_440 = arith.constant 0 : i32
      %sign3A_441 = arith.cmpi slt, %scan3A_437, %sign3A_440 : i32
      %sign3A_442 = arith.extui %sign3A_441 : i1 to i32
      %sign3A_443 = arith.subi %sign3A_439, %sign3A_442 : i32
      %sign3A_444 = arith.constant 0 : i32
      %sign3A_445 = arith.cmpi sgt, %jit3A, %sign3A_444 : i32
      %sign3A_446 = arith.extui %sign3A_445 : i1 to i32
      %sign3A_447 = arith.constant 0 : i32
      %sign3A_448 = arith.cmpi slt, %jit3A, %sign3A_447 : i32
      %sign3A_449 = arith.extui %sign3A_448 : i1 to i32
      %sign3A_450 = arith.subi %sign3A_446, %sign3A_449 : i32
      %ne3A = arith.cmpi ne, %sign3A_443, %sign3A_450 : i32
      %rem3A = arith.remsi %scan3A_437, %jit3A : i32
      %ne3A_451 = arith.constant 0 : i32
      %ne3A_452 = arith.cmpi ne, %rem3A, %ne3A_451 : i32
      %and3A = arith.andi %ne3A, %ne3A_452 : i1
      %sub3A = arith.constant 1 : i32
      %sub3A_453 = arith.subi %div3A, %sub3A : i32
      %select_n3A = arith.select %and3A, %sub3A_453, %div3A : i32
      %jit3A_454 = arith.constant 4 : i32
      %eq3A = arith.constant 0 : i32
      %eq3A_455 = arith.cmpi eq, %jit3A_454, %eq3A : i32
      %jit3A_456 = arith.constant 1 : i32
      %select_n3A_457 = arith.select %eq3A_455, %jit3A_456, %jit3A_454 : i32
      %rem3A_458 = arith.remsi %scan3A_437, %select_n3A_457 : i32
      %ne3A_459 = arith.constant 0 : i32
      %ne3A_460 = arith.cmpi ne, %rem3A_458, %ne3A_459 : i32
      %lt3A = arith.constant 0 : i32
      %lt3A_461 = arith.cmpi slt, %rem3A_458, %lt3A : i32
      %lt3A_462 = arith.constant 0 : i32
      %lt3A_463 = arith.cmpi slt, %select_n3A_457, %lt3A_462 : i32
      %ne3A_464 = arith.xori %lt3A_461, %lt3A_463 : i1
      %and3A_465 = arith.andi %ne3A_464, %ne3A_460 : i1
      %add3A_466 = arith.addi %rem3A_458, %select_n3A_457 : i32
      %select_n3A_467 = arith.select %and3A_465, %add3A_466, %rem3A_458 : i32
      %broadcast_in_dim3A = arith.constant 0.000000e+00 : f32
      %broadcast_in_dim3A_468 = vector.broadcast %broadcast_in_dim3A : f32 to vector<16xf32>
      %mul3A_469 = arith.constant 16 : i32
      %mul3A_470 = arith.muli %select_n3A_467, %mul3A_469 : i32
      %swap3A = arith.index_cast %select_n3A : i32 to index
      %swap3A_471 = arith.index_cast %mul3A_470 : i32 to index
      %swap3A_472 = tpu.vector_load %arg8[%swap3A, %swap3A_471] {strides = array<i32>} : memref<128x64xf32, #tpu.memory_space<vmem>>, vector<16xf32>,
      tpu.vector_store %arg8[%swap3A, %swap3A_471], %broadcast_in_dim3A_468 {strides = array<i32>} : memref<128x64xf32, #tpu.memory_space<vmem>>, vector<16xf32>,
    }
    %scan3A_5 = arith.constant 512 : i32
    %add3A = arith.constant 0 : i32
    %add3A_6 = arith.addi %mul3A_0, %add3A : i32
    "tpu.region"() ({
      %run_scoped3A_437 = tpu.sem_alloc : memref<!tpu.dma_semaphore, #tpu.memory_space<semaphore_mem>>
      %dma_start3A = arith.constant 0 : i32
      %dma_start3A_438 = tpu.memref_slice %arg9[%add3A_6, %dma_start3A] : memref<10240x64xf32, #tpu.memory_space<vmem_shared>> -> memref<128x64xf32, #tpu.memory_space<vmem_shared>>
      %dma_start3A_439 = arith.constant 0 : i32
      %dma_start3A_440 = tpu.memref_slice %arg9[%add3A_6, %dma_start3A_439] : memref<10240x64xf32, #tpu.memory_space<vmem_shared>> -> memref<128x64xf32, #tpu.memory_space<vmem_shared>>
      tpu.enqueue_dma source(%arg8 : memref<128x64xf32, #tpu.memory_space<vmem>>) target(%dma_start3A_440 : memref<128x64xf32, #tpu.memory_space<vmem_shared>>) target_semaphore(%run_scoped3A_437 : memref<!tpu.dma_semaphore, #tpu.memory_space<semaphore_mem>>)
      %dma_wait3A = arith.constant 0 : i32
      %dma_wait3A_441 = tpu.memref_slice %arg9[%add3A_6, %dma_wait3A] : memref<10240x64xf32, #tpu.memory_space<vmem_shared>> -> memref<128x64xf32, #tpu.memory_space<vmem_shared>>
      %dma_wait3A_442 = arith.constant 0 : i32
      %dma_wait3A_443 = tpu.memref_slice %arg9[%add3A_6, %dma_wait3A_442] : memref<10240x64xf32, #tpu.memory_space<vmem_shared>> -> memref<128x64xf32, #tpu.memory_space<vmem_shared>>
      tpu.wait_dma2 semaphore(%run_scoped3A_437 : memref<!tpu.dma_semaphore, #tpu.memory_space<semaphore_mem>>) src(%arg8 : memref<128x64xf32, #tpu.memory_space<vmem>>) dst(%dma_wait3A_443 : memref<128x64xf32, #tpu.memory_space<vmem_shared>>)
      tpu.yield
    }) : () -> ()
    %add3A_7 = arith.constant 128 : i32
    %add3A_8 = arith.addi %mul3A_0, %add3A_7 : i32
    "tpu.region"() ({
      %run_scoped3A_437 = tpu.sem_alloc : memref<!tpu.dma_semaphore, #tpu.memory_space<semaphore_mem>>
      %dma_start3A = arith.constant 0 : i32
      %dma_start3A_438 = tpu.memref_slice %arg9[%add3A_8, %dma_start3A] : memref<10240x64xf32, #tpu.memory_space<vmem_shared>> -> memref<128x64xf32, #tpu.memory_space<vmem_shared>>
      %dma_start3A_439 = arith.constant 0 : i32
      %dma_start3A_440 = tpu.memref_slice %arg9[%add3A_8, %dma_start3A_439] : memref<10240x64xf32, #tpu.memory_space<vmem_shared>> -> memref<128x64xf32, #tpu.memory_space<vmem_shared>>
      tpu.enqueue_dma source(%arg8 : memref<128x64xf32, #tpu.memory_space<vmem>>) target(%dma_start3A_440 : memref<128x64xf32, #tpu.memory_space<vmem_shared>>) target_semaphore(%run_scoped3A_437 : memref<!tpu.dma_semaphore, #tpu.memory_space<semaphore_mem>>)
      %dma_wait3A = arith.constant 0 : i32
      %dma_wait3A_441 = tpu.memref_slice %arg9[%add3A_8, %dma_wait3A] : memref<10240x64xf32, #tpu.memory_space<vmem_shared>> -> memref<128x64xf32, #tpu.memory_space<vmem_shared>>
      %dma_wait3A_442 = arith.constant 0 : i32
      %dma_wait3A_443 = tpu.memref_slice %arg9[%add3A_8, %dma_wait3A_442] : memref<10240x64xf32, #tpu.memory_space<vmem_shared>> -> memref<128x64xf32, #tpu.memory_space<vmem_shared>>
      tpu.wait_dma2 semaphore(%run_scoped3A_437 : memref<!tpu.dma_semaphore, #tpu.memory_space<semaphore_mem>>) src(%arg8 : memref<128x64xf32, #tpu.memory_space<vmem>>) dst(%dma_wait3A_443 : memref<128x64xf32, #tpu.memory_space<vmem_shared>>)
      tpu.yield
    }) : () -> ()
    %add3A_9 = arith.constant 256 : i32
    %add3A_10 = arith.addi %mul3A_0, %add3A_9 : i32
    "tpu.region"() ({
      %run_scoped3A_437 = tpu.sem_alloc : memref<!tpu.dma_semaphore, #tpu.memory_space<semaphore_mem>>
      %dma_start3A = arith.constant 0 : i32
      %dma_start3A_438 = tpu.memref_slice %arg9[%add3A_10, %dma_start3A] : memref<10240x64xf32, #tpu.memory_space<vmem_shared>> -> memref<128x64xf32, #tpu.memory_space<vmem_shared>>
      %dma_start3A_439 = arith.constant 0 : i32
      %dma_start3A_440 = tpu.memref_slice %arg9[%add3A_10, %dma_start3A_439] : memref<10240x64xf32, #tpu.memory_space<vmem_shared>> -> memref<128x64xf32, #tpu.memory_space<vmem_shared>>
      tpu.enqueue_dma source(%arg8 : memref<128x64xf32, #tpu.memory_space<vmem>>) target(%dma_start3A_440 : memref<128x64xf32, #tpu.memory_space<vmem_shared>>) target_semaphore(%run_scoped3A_437 : memref<!tpu.dma_semaphore, #tpu.memory_space<semaphore_mem>>)
      %dma_wait3A = arith.constant 0 : i32
      %dma_wait3A_441 = tpu.memref_slice %arg9[%add3A_10, %dma_wait3A] : memref<10240x64xf32, #tpu.memory_space<vmem_shared>> -> memref<128x64xf32, #tpu.memory_space<vmem_shared>>
      %dma_wait3A_442 = arith.constant 0 : i32
      %dma_wait3A_443 = tpu.memref_slice %arg9[%add3A_10, %dma_wait3A_442] : memref<10240x64xf32, #tpu.memory_space<vmem_shared>> -> memref<128x64xf32, #tpu.memory_space<vmem_shared>>
      tpu.wait_dma2 semaphore(%run_scoped3A_437 : memref<!tpu.dma_semaphore, #tpu.memory_space<semaphore_mem>>) src(%arg8 : memref<128x64xf32, #tpu.memory_space<vmem>>) dst(%dma_wait3A_443 : memref<128x64xf32, #tpu.memory_space<vmem_shared>>)
      tpu.yield
    }) : () -> ()
    %add3A_11 = arith.constant 384 : i32
    %add3A_12 = arith.addi %mul3A_0, %add3A_11 : i32
    "tpu.region"() ({
      %run_scoped3A_437 = tpu.sem_alloc : memref<!tpu.dma_semaphore, #tpu.memory_space<semaphore_mem>>
      %dma_start3A = arith.constant 0 : i32
      %dma_start3A_438 = tpu.memref_slice %arg9[%add3A_12, %dma_start3A] : memref<10240x64xf32, #tpu.memory_space<vmem_shared>> -> memref<128x64xf32, #tpu.memory_space<vmem_shared>>
      %dma_start3A_439 = arith.constant 0 : i32
      %dma_start3A_440 = tpu.memref_slice %arg9[%add3A_12, %dma_start3A_439] : memref<10240x64xf32, #tpu.memory_space<vmem_shared>> -> memref<128x64xf32, #tpu.memory_space<vmem_shared>>
      tpu.enqueue_dma source(%arg8 : memref<128x64xf32, #tpu.memory_space<vmem>>) target(%dma_start3A_440 : memref<128x64xf32, #tpu.memory_space<vmem_shared>>) target_semaphore(%run_scoped3A_437 : memref<!tpu.dma_semaphore, #tpu.memory_space<semaphore_mem>>)
      %dma_wait3A = arith.constant 0 : i32
      %dma_wait3A_441 = tpu.memref_slice %arg9[%add3A_12, %dma_wait3A] : memref<10240x64xf32, #tpu.memory_space<vmem_shared>> -> memref<128x64xf32, #tpu.memory_space<vmem_shared>>
      %dma_wait3A_442 = arith.constant 0 : i32
      %dma_wait3A_443 = tpu.memref_slice %arg9[%add3A_12, %dma_wait3A_442] : memref<10240x64xf32, #tpu.memory_space<vmem_shared>> -> memref<128x64xf32, #tpu.memory_space<vmem_shared>>
      tpu.wait_dma2 semaphore(%run_scoped3A_437 : memref<!tpu.dma_semaphore, #tpu.memory_space<semaphore_mem>>) src(%arg8 : memref<128x64xf32, #tpu.memory_space<vmem>>) dst(%dma_wait3A_443 : memref<128x64xf32, #tpu.memory_space<vmem_shared>>)
      tpu.yield
    }) : () -> ()
    %add3A_13 = arith.constant 512 : i32
    %add3A_14 = arith.addi %mul3A_0, %add3A_13 : i32
    "tpu.region"() ({
      %run_scoped3A_437 = tpu.sem_alloc : memref<!tpu.dma_semaphore, #tpu.memory_space<semaphore_mem>>
      %dma_start3A = arith.constant 0 : i32
      %dma_start3A_438 = tpu.memref_slice %arg9[%add3A_14, %dma_start3A] : memref<10240x64xf32, #tpu.memory_space<vmem_shared>> -> memref<128x64xf32, #tpu.memory_space<vmem_shared>>
      %dma_start3A_439 = arith.constant 0 : i32
      %dma_start3A_440 = tpu.memref_slice %arg9[%add3A_14, %dma_start3A_439] : memref<10240x64xf32, #tpu.memory_space<vmem_shared>> -> memref<128x64xf32, #tpu.memory_space<vmem_shared>>
      tpu.enqueue_dma source(%arg8 : memref<128x64xf32, #tpu.memory_space<vmem>>) target(%dma_start3A_440 : memref<128x64xf32, #tpu.memory_space<vmem_shared>>) target_semaphore(%run_scoped3A_437 : memref<!tpu.dma_semaphore, #tpu.memory_space<semaphore_mem>>)
      %dma_wait3A = arith.constant 0 : i32
      %dma_wait3A_441 = tpu.memref_slice %arg9[%add3A_14, %dma_wait3A] : memref<10240x64xf32, #tpu.memory_space<vmem_shared>> -> memref<128x64xf32, #tpu.memory_space<vmem_shared>>
      %dma_wait3A_442 = arith.constant 0 : i32
      %dma_wait3A_443 = tpu.memref_slice %arg9[%add3A_14, %dma_wait3A_442] : memref<10240x64xf32, #tpu.memory_space<vmem_shared>> -> memref<128x64xf32, #tpu.memory_space<vmem_shared>>
      tpu.wait_dma2 semaphore(%run_scoped3A_437 : memref<!tpu.dma_semaphore, #tpu.memory_space<semaphore_mem>>) src(%arg8 : memref<128x64xf32, #tpu.memory_space<vmem>>) dst(%dma_wait3A_443 : memref<128x64xf32, #tpu.memory_space<vmem_shared>>)
      tpu.yield
    }) : () -> ()
    %mul3A_15 = arith.constant 625 : i32
    %mul3A_16 = arith.muli %arg1, %mul3A_15 : i32
    %mul3A_17 = arith.constant 625 : i32
    %mul3A_18 = arith.muli %arg1, %mul3A_17 : i32
    %run_scoped3A = arith.constant 0 : i32
    "tpu.region"() ({
      %run_scoped3A_437 = tpu.sem_alloc : memref<!tpu.dma_semaphore, #tpu.memory_space<semaphore_mem>>
      %dma_start3A = arith.constant 0 : i32
      %dma_start3A_438 = tpu.memref_slice %arg10[%mul3A_18, %dma_start3A] : memref<10000x64xf32, #tpu.memory_space<vmem_shared>> -> memref<625x64xf32, #tpu.memory_space<vmem_shared>>
      %dma_start3A_439 = arith.constant 0 : i32
      %dma_start3A_440 = tpu.memref_slice %arg2[%arg0, %run_scoped3A, %mul3A_16, %dma_start3A_439] : memref<2x8x10000x64xf32, #tpu.memory_space<hbm>> -> memref<1x1x625x64xf32, #tpu.memory_space<hbm>>
      %dma_start3A_441 = tpu.memref_squeeze %dma_start3A_440 : memref<1x1x625x64xf32, #tpu.memory_space<hbm>> -> memref<625x64xf32, #tpu.memory_space<hbm>>
      tpu.enqueue_dma source(%dma_start3A_441 : memref<625x64xf32, #tpu.memory_space<hbm>>) target(%dma_start3A_438 : memref<625x64xf32, #tpu.memory_space<vmem_shared>>) target_semaphore(%run_scoped3A_437 : memref<!tpu.dma_semaphore, #tpu.memory_space<semaphore_mem>>)
      %dma_wait3A = arith.constant 0 : i32
      %dma_wait3A_442 = tpu.memref_slice %arg10[%mul3A_18, %dma_wait3A] : memref<10000x64xf32, #tpu.memory_space<vmem_shared>> -> memref<625x64xf32, #tpu.memory_space<vmem_shared>>
      %dma_wait3A_443 = arith.constant 0 : i32
      %dma_wait3A_444 = tpu.memref_slice %arg2[%arg0, %run_scoped3A, %mul3A_16, %dma_wait3A_443] : memref<2x8x10000x64xf32, #tpu.memory_space<hbm>> -> memref<1x1x625x64xf32, #tpu.memory_space<hbm>>
      %dma_wait3A_445 = tpu.memref_squeeze %dma_wait3A_444 : memref<1x1x625x64xf32, #tpu.memory_space<hbm>> -> memref<625x64xf32, #tpu.memory_space<hbm>>
      tpu.wait_dma2 semaphore(%run_scoped3A_437 : memref<!tpu.dma_semaphore, #tpu.memory_space<semaphore_mem>>) src(%dma_wait3A_445 : memref<625x64xf32, #tpu.memory_space<hbm>>) dst(%dma_wait3A_442 : memref<625x64xf32, #tpu.memory_space<vmem_shared>>)
      tpu.yield
    }) : () -> ()
    %barrier3A = arith.constant 0 : index
    tpu.barrier barrier_id(%barrier3A)
    %scan3A_19 = arith.constant 0 : i32
    %scan3A_20 = arith.constant 0 : i32
    %scan3A_21 = arith.constant 157 : i32
    %scan3A_22 = arith.addi %scan3A_20, %scan3A_21 : i32
    %scan3A_23 = arith.constant 1 : i32
    scf.for %scan3A_437 = %scan3A_20 to %scan3A_22 step %scan3A_23  : i32 {
      %dma_start3A = arith.constant 0 : i32
      %dma_start3A_438 = tpu.memref_slice %arg6[%scan3A_437, %dma_start3A] : memref<157x128xi32, #tpu.memory_space<vmem>> -> memref<1x128xi32, #tpu.memory_space<vmem>>
      %dma_start3A_439 = tpu.memref_squeeze %dma_start3A_438 : memref<1x128xi32, #tpu.memory_space<vmem>> -> memref<128xi32, #tpu.memory_space<vmem>>
      %dma_start3A_440 = arith.constant 0 : i32
      %dma_start3A_441 = arith.constant 0 : i32
      %dma_start3A_442 = tpu.memref_slice %arg10[%dma_start3A_440, %dma_start3A_441] : memref<10000x64xf32, #tpu.memory_space<vmem_shared>> -> memref<10000x64xf32, #tpu.memory_space<vmem_shared>>
      tpu.enqueue_indirect_dma source(%dma_start3A_442 : memref<10000x64xf32, #tpu.memory_space<vmem_shared>>) target(%arg8 : memref<128x64xf32, #tpu.memory_space<vmem>>) offsets(%dma_start3A_439 : memref<128xi32, #tpu.memory_space<vmem>>) semaphore(%arg11 : memref<!tpu.dma_semaphore, #tpu.memory_space<semaphore_mem>>)
      %dma_wait3A = arith.constant 0 : i32
      %dma_wait3A_443 = tpu.memref_slice %arg6[%scan3A_437, %dma_wait3A] : memref<157x128xi32, #tpu.memory_space<vmem>> -> memref<1x128xi32, #tpu.memory_space<vmem>>
      %dma_wait3A_444 = tpu.memref_squeeze %dma_wait3A_443 : memref<1x128xi32, #tpu.memory_space<vmem>> -> memref<128xi32, #tpu.memory_space<vmem>>
      %dma_wait3A_445 = arith.constant 0 : i32
      %dma_wait3A_446 = arith.constant 0 : i32
      %dma_wait3A_447 = tpu.memref_slice %arg10[%dma_wait3A_445, %dma_wait3A_446] : memref<10000x64xf32, #tpu.memory_space<vmem_shared>> -> memref<10000x64xf32, #tpu.memory_space<vmem_shared>>
      tpu.wait_indirect_dma semaphore(%arg11 : memref<!tpu.dma_semaphore, #tpu.memory_space<semaphore_mem>>) src(%dma_wait3A_447 : memref<10000x64xf32, #tpu.memory_space<vmem_shared>>) dst(%arg8 : memref<128x64xf32, #tpu.memory_space<vmem>>)
      "tpu.region"() ({
        %run_scoped3A_448 = tpu.sem_alloc : memref<!tpu.dma_semaphore, #tpu.memory_space<semaphore_mem>>
        %dma_start3A_449 = arith.constant 0 : i32
        %dma_start3A_450 = tpu.memref_slice %arg7[%scan3A_437, %dma_start3A_449] : memref<157x128xi32, #tpu.memory_space<vmem>> -> memref<1x128xi32, #tpu.memory_space<vmem>>
        %dma_start3A_451 = tpu.memref_squeeze %dma_start3A_450 : memref<1x128xi32, #tpu.memory_space<vmem>> -> memref<128xi32, #tpu.memory_space<vmem>>
        %dma_start3A_452 = arith.constant 0 : i32
        %dma_start3A_453 = arith.constant 0 : i32
        %dma_start3A_454 = tpu.memref_slice %arg9[%dma_start3A_452, %dma_start3A_453] : memref<10240x64xf32, #tpu.memory_space<vmem_shared>> -> memref<10240x64xf32, #tpu.memory_space<vmem_shared>>
        tpu.enqueue_indirect_dma source(%arg8 : memref<128x64xf32, #tpu.memory_space<vmem>>) target(%dma_start3A_454 : memref<10240x64xf32, #tpu.memory_space<vmem_shared>>) offsets(%dma_start3A_451 : memref<128xi32, #tpu.memory_space<vmem>>) semaphore(%run_scoped3A_448 : memref<!tpu.dma_semaphore, #tpu.memory_space<semaphore_mem>>) {add = true}
        %dma_wait3A_455 = arith.constant 0 : i32
        %dma_wait3A_456 = tpu.memref_slice %arg7[%scan3A_437, %dma_wait3A_455] : memref<157x128xi32, #tpu.memory_space<vmem>> -> memref<1x128xi32, #tpu.memory_space<vmem>>
        %dma_wait3A_457 = tpu.memref_squeeze %dma_wait3A_456 : memref<1x128xi32, #tpu.memory_space<vmem>> -> memref<128xi32, #tpu.memory_space<vmem>>
        %dma_wait3A_458 = arith.constant 0 : i32
        %dma_wait3A_459 = arith.constant 0 : i32
        %dma_wait3A_460 = tpu.memref_slice %arg9[%dma_wait3A_458, %dma_wait3A_459] : memref<10240x64xf32, #tpu.memory_space<vmem_shared>> -> memref<10240x64xf32, #tpu.memory_space<vmem_shared>>
        tpu.wait_indirect_dma semaphore(%run_scoped3A_448 : memref<!tpu.dma_semaphore, #tpu.memory_space<semaphore_mem>>) src(%arg8 : memref<128x64xf32, #tpu.memory_space<vmem>>) dst(%dma_wait3A_460 : memref<10240x64xf32, #tpu.memory_space<vmem_shared>>)
        tpu.yield
      }) : () -> ()
    }
    %scan3A_24 = arith.constant 157 : i32
    %barrier3A_25 = arith.constant 0 : index
    tpu.barrier barrier_id(%barrier3A_25)
    %add3A_26 = arith.constant 0 : i32
    %add3A_27 = arith.addi %mul3A_0, %add3A_26 : i32
    %add3A_28 = arith.constant 0 : i32
    %add3A_29 = arith.addi %mul3A_0, %add3A_28 : i32
    %run_scoped3A_30 = arith.constant 0 : i32
    "tpu.region"() ({
      %run_scoped3A_437 = tpu.sem_alloc : memref<!tpu.dma_semaphore, #tpu.memory_space<semaphore_mem>>
      %dma_start3A = arith.constant 0 : i32
      %dma_start3A_438 = tpu.memref_slice %arg5[%arg0, %run_scoped3A_30, %add3A_29, %dma_start3A] : memref<2x8x10240x64xf32, #tpu.memory_space<hbm>> -> memref<1x1x128x64xf32, #tpu.memory_space<hbm>>
      %dma_start3A_439 = tpu.memref_squeeze %dma_start3A_438 : memref<1x1x128x64xf32, #tpu.memory_space<hbm>> -> memref<128x64xf32, #tpu.memory_space<hbm>>
      %dma_start3A_440 = arith.constant 0 : i32
      %dma_start3A_441 = tpu.memref_slice %arg9[%add3A_27, %dma_start3A_440] : memref<10240x64xf32, #tpu.memory_space<vmem_shared>> -> memref<128x64xf32, #tpu.memory_space<vmem_shared>>
      tpu.enqueue_dma source(%dma_start3A_441 : memref<128x64xf32, #tpu.memory_space<vmem_shared>>) target(%dma_start3A_439 : memref<128x64xf32, #tpu.memory_space<hbm>>) target_semaphore(%run_scoped3A_437 : memref<!tpu.dma_semaphore, #tpu.memory_space<semaphore_mem>>)
      %dma_wait3A = arith.constant 0 : i32
      %dma_wait3A_442 = tpu.memref_slice %arg5[%arg0, %run_scoped3A_30, %add3A_29, %dma_wait3A] : memref<2x8x10240x64xf32, #tpu.memory_space<hbm>> -> memref<1x1x128x64xf32, #tpu.memory_space<hbm>>
      %dma_wait3A_443 = tpu.memref_squeeze %dma_wait3A_442 : memref<1x1x128x64xf32, #tpu.memory_space<hbm>> -> memref<128x64xf32, #tpu.memory_space<hbm>>
      %dma_wait3A_444 = arith.constant 0 : i32
      %dma_wait3A_445 = tpu.memref_slice %arg9[%add3A_27, %dma_wait3A_444] : memref<10240x64xf32, #tpu.memory_space<vmem_shared>> -> memref<128x64xf32, #tpu.memory_space<vmem_shared>>
      tpu.wait_dma2 semaphore(%run_scoped3A_437 : memref<!tpu.dma_semaphore, #tpu.memory_space<semaphore_mem>>) src(%dma_wait3A_445 : memref<128x64xf32, #tpu.memory_space<vmem_shared>>) dst(%dma_wait3A_443 : memref<128x64xf32, #tpu.memory_space<hbm>>)
      tpu.yield
    }) : () -> ()
    %add3A_31 = arith.constant 128 : i32
    %add3A_32 = arith.addi %mul3A_0, %add3A_31 : i32
    %add3A_33 = arith.constant 128 : i32
    %add3A_34 = arith.addi %mul3A_0, %add3A_33 : i32
    %run_scoped3A_35 = arith.constant 0 : i32
    "tpu.region"() ({
      %run_scoped3A_437 = tpu.sem_alloc : memref<!tpu.dma_semaphore, #tpu.memory_space<semaphore_mem>>
      %dma_start3A = arith.constant 0 : i32
      %dma_start3A_438 = tpu.memref_slice %arg5[%arg0, %run_scoped3A_35, %add3A_34, %dma_start3A] : memref<2x8x10240x64xf32, #tpu.memory_space<hbm>> -> memref<1x1x128x64xf32, #tpu.memory_space<hbm>>
      %dma_start3A_439 = tpu.memref_squeeze %dma_start3A_438 : memref<1x1x128x64xf32, #tpu.memory_space<hbm>> -> memref<128x64xf32, #tpu.memory_space<hbm>>
      %dma_start3A_440 = arith.constant 0 : i32
      %dma_start3A_441 = tpu.memref_slice %arg9[%add3A_32, %dma_start3A_440] : memref<10240x64xf32, #tpu.memory_space<vmem_shared>> -> memref<128x64xf32, #tpu.memory_space<vmem_shared>>
      tpu.enqueue_dma source(%dma_start3A_441 : memref<128x64xf32, #tpu.memory_space<vmem_shared>>) target(%dma_start3A_439 : memref<128x64xf32, #tpu.memory_space<hbm>>) target_semaphore(%run_scoped3A_437 : memref<!tpu.dma_semaphore, #tpu.memory_space<semaphore_mem>>)
      %dma_wait3A = arith.constant 0 : i32
      %dma_wait3A_442 = tpu.memref_slice %arg5[%arg0, %run_scoped3A_35, %add3A_34, %dma_wait3A] : memref<2x8x10240x64xf32, #tpu.memory_space<hbm>> -> memref<1x1x128x64xf32, #tpu.memory_space<hbm>>
      %dma_wait3A_443 = tpu.memref_squeeze %dma_wait3A_442 : memref<1x1x128x64xf32, #tpu.memory_space<hbm>> -> memref<128x64xf32, #tpu.memory_space<hbm>>
      %dma_wait3A_444 = arith.constant 0 : i32
      %dma_wait3A_445 = tpu.memref_slice %arg9[%add3A_32, %dma_wait3A_444] : memref<10240x64xf32, #tpu.memory_space<vmem_shared>> -> memref<128x64xf32, #tpu.memory_space<vmem_shared>>
      tpu.wait_dma2 semaphore(%run_scoped3A_437 : memref<!tpu.dma_semaphore, #tpu.memory_space<semaphore_mem>>) src(%dma_wait3A_445 : memref<128x64xf32, #tpu.memory_space<vmem_shared>>) dst(%dma_wait3A_443 : memref<128x64xf32, #tpu.memory_space<hbm>>)
      tpu.yield
    }) : () -> ()
    %add3A_36 = arith.constant 256 : i32
    %add3A_37 = arith.addi %mul3A_0, %add3A_36 : i32
    %add3A_38 = arith.constant 256 : i32
    %add3A_39 = arith.addi %mul3A_0, %add3A_38 : i32
    %run_scoped3A_40 = arith.constant 0 : i32
    "tpu.region"() ({
      %run_scoped3A_437 = tpu.sem_alloc : memref<!tpu.dma_semaphore, #tpu.memory_space<semaphore_mem>>
      %dma_start3A = arith.constant 0 : i32
      %dma_start3A_438 = tpu.memref_slice %arg5[%arg0, %run_scoped3A_40, %add3A_39, %dma_start3A] : memref<2x8x10240x64xf32, #tpu.memory_space<hbm>> -> memref<1x1x128x64xf32, #tpu.memory_space<hbm>>
      %dma_start3A_439 = tpu.memref_squeeze %dma_start3A_438 : memref<1x1x128x64xf32, #tpu.memory_space<hbm>> -> memref<128x64xf32, #tpu.memory_space<hbm>>
      %dma_start3A_440 = arith.constant 0 : i32
      %dma_start3A_441 = tpu.memref_slice %arg9[%add3A_37, %dma_start3A_440] : memref<10240x64xf32, #tpu.memory_space<vmem_shared>> -> memref<128x64xf32, #tpu.memory_space<vmem_shared>>
      tpu.enqueue_dma source(%dma_start3A_441 : memref<128x64xf32, #tpu.memory_space<vmem_shared>>) target(%dma_start3A_439 : memref<128x64xf32, #tpu.memory_space<hbm>>) target_semaphore(%run_scoped3A_437 : memref<!tpu.dma_semaphore, #tpu.memory_space<semaphore_mem>>)
      %dma_wait3A = arith.constant 0 : i32
      %dma_wait3A_442 = tpu.memref_slice %arg5[%arg0, %run_scoped3A_40, %add3A_39, %dma_wait3A] : memref<2x8x10240x64xf32, #tpu.memory_space<hbm>> -> memref<1x1x128x64xf32, #tpu.memory_space<hbm>>
      %dma_wait3A_443 = tpu.memref_squeeze %dma_wait3A_442 : memref<1x1x128x64xf32, #tpu.memory_space<hbm>> -> memref<128x64xf32, #tpu.memory_space<hbm>>
      %dma_wait3A_444 = arith.constant 0 : i32
      %dma_wait3A_445 = tpu.memref_slice %arg9[%add3A_37, %dma_wait3A_444] : memref<10240x64xf32, #tpu.memory_space<vmem_shared>> -> memref<128x64xf32, #tpu.memory_space<vmem_shared>>
      tpu.wait_dma2 semaphore(%run_scoped3A_437 : memref<!tpu.dma_semaphore, #tpu.memory_space<semaphore_mem>>) src(%dma_wait3A_445 : memref<128x64xf32, #tpu.memory_space<vmem_shared>>) dst(%dma_wait3A_443 : memref<128x64xf32, #tpu.memory_space<hbm>>)
      tpu.yield
    }) : () -> ()
    %add3A_41 = arith.constant 384 : i32
    %add3A_42 = arith.addi %mul3A_0, %add3A_41 : i32
    %add3A_43 = arith.constant 384 : i32
    %add3A_44 = arith.addi %mul3A_0, %add3A_43 : i32
    %run_scoped3A_45 = arith.constant 0 : i32
    "tpu.region"() ({
      %run_scoped3A_437 = tpu.sem_alloc : memref<!tpu.dma_semaphore, #tpu.memory_space<semaphore_mem>>
      %dma_start3A = arith.constant 0 : i32
      %dma_start3A_438 = tpu.memref_slice %arg5[%arg0, %run_scoped3A_45, %add3A_44, %dma_start3A] : memref<2x8x10240x64xf32, #tpu.memory_space<hbm>> -> memref<1x1x128x64xf32, #tpu.memory_space<hbm>>
      %dma_start3A_439 = tpu.memref_squeeze %dma_start3A_438 : memref<1x1x128x64xf32, #tpu.memory_space<hbm>> -> memref<128x64xf32, #tpu.memory_space<hbm>>
      %dma_start3A_440 = arith.constant 0 : i32
      %dma_start3A_441 = tpu.memref_slice %arg9[%add3A_42, %dma_start3A_440] : memref<10240x64xf32, #tpu.memory_space<vmem_shared>> -> memref<128x64xf32, #tpu.memory_space<vmem_shared>>
      tpu.enqueue_dma source(%dma_start3A_441 : memref<128x64xf32, #tpu.memory_space<vmem_shared>>) target(%dma_start3A_439 : memref<128x64xf32, #tpu.memory_space<hbm>>) target_semaphore(%run_scoped3A_437 : memref<!tpu.dma_semaphore, #tpu.memory_space<semaphore_mem>>)
      %dma_wait3A = arith.constant 0 : i32
      %dma_wait3A_442 = tpu.memref_slice %arg5[%arg0, %run_scoped3A_45, %add3A_44, %dma_wait3A] : memref<2x8x10240x64xf32, #tpu.memory_space<hbm>> -> memref<1x1x128x64xf32, #tpu.memory_space<hbm>>
      %dma_wait3A_443 = tpu.memref_squeeze %dma_wait3A_442 : memref<1x1x128x64xf32, #tpu.memory_space<hbm>> -> memref<128x64xf32, #tpu.memory_space<hbm>>
      %dma_wait3A_444 = arith.constant 0 : i32
      %dma_wait3A_445 = tpu.memref_slice %arg9[%add3A_42, %dma_wait3A_444] : memref<10240x64xf32, #tpu.memory_space<vmem_shared>> -> memref<128x64xf32, #tpu.memory_space<vmem_shared>>
      tpu.wait_dma2 semaphore(%run_scoped3A_437 : memref<!tpu.dma_semaphore, #tpu.memory_space<semaphore_mem>>) src(%dma_wait3A_445 : memref<128x64xf32, #tpu.memory_space<vmem_shared>>) dst(%dma_wait3A_443 : memref<128x64xf32, #tpu.memory_space<hbm>>)
      tpu.yield
    }) : () -> ()
    %add3A_46 = arith.constant 512 : i32
    %add3A_47 = arith.addi %mul3A_0, %add3A_46 : i32
    %add3A_48 = arith.constant 512 : i32
    %add3A_49 = arith.addi %mul3A_0, %add3A_48 : i32
    %run_scoped3A_50 = arith.constant 0 : i32
    "tpu.region"() ({
      %run_scoped3A_437 = tpu.sem_alloc : memref<!tpu.dma_semaphore, #tpu.memory_space<semaphore_mem>>
      %dma_start3A = arith.constant 0 : i32
      %dma_start3A_438 = tpu.memref_slice %arg5[%arg0, %run_scoped3A_50, %add3A_49, %dma_start3A] : memref<2x8x10240x64xf32, #tpu.memory_space<hbm>> -> memref<1x1x128x64xf32, #tpu.memory_space<hbm>>
      %dma_start3A_439 = tpu.memref_squeeze %dma_start3A_438 : memref<1x1x128x64xf32, #tpu.memory_space<hbm>> -> memref<128x64xf32, #tpu.memory_space<hbm>>
      %dma_start3A_440 = arith.constant 0 : i32
      %dma_start3A_441 = tpu.memref_slice %arg9[%add3A_47, %dma_start3A_440] : memref<10240x64xf32, #tpu.memory_space<vmem_shared>> -> memref<128x64xf32, #tpu.memory_space<vmem_shared>>
      tpu.enqueue_dma source(%dma_start3A_441 : memref<128x64xf32, #tpu.memory_space<vmem_shared>>) target(%dma_start3A_439 : memref<128x64xf32, #tpu.memory_space<hbm>>) target_semaphore(%run_scoped3A_437 : memref<!tpu.dma_semaphore, #tpu.memory_space<semaphore_mem>>)
      %dma_wait3A = arith.constant 0 : i32
      %dma_wait3A_442 = tpu.memref_slice %arg5[%arg0, %run_scoped3A_50, %add3A_49, %dma_wait3A] : memref<2x8x10240x64xf32, #tpu.memory_space<hbm>> -> memref<1x1x128x64xf32, #tpu.memory_space<hbm>>
      %dma_wait3A_443 = tpu.memref_squeeze %dma_wait3A_442 : memref<1x1x128x64xf32, #tpu.memory_space<hbm>> -> memref<128x64xf32, #tpu.memory_space<hbm>>
      %dma_wait3A_444 = arith.constant 0 : i32
      %dma_wait3A_445 = tpu.memref_slice %arg9[%add3A_47, %dma_wait3A_444] : memref<10240x64xf32, #tpu.memory_space<vmem_shared>> -> memref<128x64xf32, #tpu.memory_space<vmem_shared>>
      tpu.wait_dma2 semaphore(%run_scoped3A_437 : memref<!tpu.dma_semaphore, #tpu.memory_space<semaphore_mem>>) src(%dma_wait3A_445 : memref<128x64xf32, #tpu.memory_space<vmem_shared>>) dst(%dma_wait3A_443 : memref<128x64xf32, #tpu.memory_space<hbm>>)
      tpu.yield
    }) : () -> ()
    %barrier3A_51 = arith.constant 0 : index
    tpu.barrier barrier_id(%barrier3A_51)
    %scan3A_52 = arith.constant 0 : i32
    %scan3A_53 = arith.constant 0 : i32
    %scan3A_54 = arith.constant 512 : i32
    %scan3A_55 = arith.addi %scan3A_53, %scan3A_54 : i32
    %scan3A_56 = arith.constant 1 : i32
    scf.for %scan3A_437 = %scan3A_53 to %scan3A_55 step %scan3A_56  : i32 {
      %jit3A = arith.constant 4 : i32
      %div3A = arith.divsi %scan3A_437, %jit3A : i32
      %sign3A = arith.constant 0 : i32
      %sign3A_438 = arith.cmpi sgt, %scan3A_437, %sign3A : i32
      %sign3A_439 = arith.extui %sign3A_438 : i1 to i32
      %sign3A_440 = arith.constant 0 : i32
      %sign3A_441 = arith.cmpi slt, %scan3A_437, %sign3A_440 : i32
      %sign3A_442 = arith.extui %sign3A_441 : i1 to i32
      %sign3A_443 = arith.subi %sign3A_439, %sign3A_442 : i32
      %sign3A_444 = arith.constant 0 : i32
      %sign3A_445 = arith.cmpi sgt, %jit3A, %sign3A_444 : i32
      %sign3A_446 = arith.extui %sign3A_445 : i1 to i32
      %sign3A_447 = arith.constant 0 : i32
      %sign3A_448 = arith.cmpi slt, %jit3A, %sign3A_447 : i32
      %sign3A_449 = arith.extui %sign3A_448 : i1 to i32
      %sign3A_450 = arith.subi %sign3A_446, %sign3A_449 : i32
      %ne3A = arith.cmpi ne, %sign3A_443, %sign3A_450 : i32
      %rem3A = arith.remsi %scan3A_437, %jit3A : i32
      %ne3A_451 = arith.constant 0 : i32
      %ne3A_452 = arith.cmpi ne, %rem3A, %ne3A_451 : i32
      %and3A = arith.andi %ne3A, %ne3A_452 : i1
      %sub3A = arith.constant 1 : i32
      %sub3A_453 = arith.subi %div3A, %sub3A : i32
      %select_n3A = arith.select %and3A, %sub3A_453, %div3A : i32
      %jit3A_454 = arith.constant 4 : i32
      %eq3A = arith.constant 0 : i32
      %eq3A_455 = arith.cmpi eq, %jit3A_454, %eq3A : i32
      %jit3A_456 = arith.constant 1 : i32
      %select_n3A_457 = arith.select %eq3A_455, %jit3A_456, %jit3A_454 : i32
      %rem3A_458 = arith.remsi %scan3A_437, %select_n3A_457 : i32
      %ne3A_459 = arith.constant 0 : i32
      %ne3A_460 = arith.cmpi ne, %rem3A_458, %ne3A_459 : i32
      %lt3A = arith.constant 0 : i32
      %lt3A_461 = arith.cmpi slt, %rem3A_458, %lt3A : i32
      %lt3A_462 = arith.constant 0 : i32
      %lt3A_463 = arith.cmpi slt, %select_n3A_457, %lt3A_462 : i32
      %ne3A_464 = arith.xori %lt3A_461, %lt3A_463 : i1
      %and3A_465 = arith.andi %ne3A_464, %ne3A_460 : i1
      %add3A_466 = arith.addi %rem3A_458, %select_n3A_457 : i32
      %select_n3A_467 = arith.select %and3A_465, %add3A_466, %rem3A_458 : i32
      %broadcast_in_dim3A = arith.constant 0.000000e+00 : f32
      %broadcast_in_dim3A_468 = vector.broadcast %broadcast_in_dim3A : f32 to vector<16xf32>
      %mul3A_469 = arith.constant 16 : i32
      %mul3A_470 = arith.muli %select_n3A_467, %mul3A_469 : i32
      %swap3A = arith.index_cast %select_n3A : i32 to index
      %swap3A_471 = arith.index_cast %mul3A_470 : i32 to index
      %swap3A_472 = tpu.vector_load %arg8[%swap3A, %swap3A_471] {strides = array<i32>} : memref<128x64xf32, #tpu.memory_space<vmem>>, vector<16xf32>,
      tpu.vector_store %arg8[%swap3A, %swap3A_471], %broadcast_in_dim3A_468 {strides = array<i32>} : memref<128x64xf32, #tpu.memory_space<vmem>>, vector<16xf32>,
    }
    %scan3A_57 = arith.constant 512 : i32
    %add3A_58 = arith.constant 0 : i32
    %add3A_59 = arith.addi %mul3A_0, %add3A_58 : i32
    "tpu.region"() ({
      %run_scoped3A_437 = tpu.sem_alloc : memref<!tpu.dma_semaphore, #tpu.memory_space<semaphore_mem>>
      %dma_start3A = arith.constant 0 : i32
      %dma_start3A_438 = tpu.memref_slice %arg9[%add3A_59, %dma_start3A] : memref<10240x64xf32, #tpu.memory_space<vmem_shared>> -> memref<128x64xf32, #tpu.memory_space<vmem_shared>>
      %dma_start3A_439 = arith.constant 0 : i32
      %dma_start3A_440 = tpu.memref_slice %arg9[%add3A_59, %dma_start3A_439] : memref<10240x64xf32, #tpu.memory_space<vmem_shared>> -> memref<128x64xf32, #tpu.memory_space<vmem_shared>>
      tpu.enqueue_dma source(%arg8 : memref<128x64xf32, #tpu.memory_space<vmem>>) target(%dma_start3A_440 : memref<128x64xf32, #tpu.memory_space<vmem_shared>>) target_semaphore(%run_scoped3A_437 : memref<!tpu.dma_semaphore, #tpu.memory_space<semaphore_mem>>)
      %dma_wait3A = arith.constant 0 : i32
      %dma_wait3A_441 = tpu.memref_slice %arg9[%add3A_59, %dma_wait3A] : memref<10240x64xf32, #tpu.memory_space<vmem_shared>> -> memref<128x64xf32, #tpu.memory_space<vmem_shared>>
      %dma_wait3A_442 = arith.constant 0 : i32
      %dma_wait3A_443 = tpu.memref_slice %arg9[%add3A_59, %dma_wait3A_442] : memref<10240x64xf32, #tpu.memory_space<vmem_shared>> -> memref<128x64xf32, #tpu.memory_space<vmem_shared>>
      tpu.wait_dma2 semaphore(%run_scoped3A_437 : memref<!tpu.dma_semaphore, #tpu.memory_space<semaphore_mem>>) src(%arg8 : memref<128x64xf32, #tpu.memory_space<vmem>>) dst(%dma_wait3A_443 : memref<128x64xf32, #tpu.memory_space<vmem_shared>>)
      tpu.yield
    }) : () -> ()
    %add3A_60 = arith.constant 128 : i32
    %add3A_61 = arith.addi %mul3A_0, %add3A_60 : i32
    "tpu.region"() ({
      %run_scoped3A_437 = tpu.sem_alloc : memref<!tpu.dma_semaphore, #tpu.memory_space<semaphore_mem>>
      %dma_start3A = arith.constant 0 : i32
      %dma_start3A_438 = tpu.memref_slice %arg9[%add3A_61, %dma_start3A] : memref<10240x64xf32, #tpu.memory_space<vmem_shared>> -> memref<128x64xf32, #tpu.memory_space<vmem_shared>>
      %dma_start3A_439 = arith.constant 0 : i32
      %dma_start3A_440 = tpu.memref_slice %arg9[%add3A_61, %dma_start3A_439] : memref<10240x64xf32, #tpu.memory_space<vmem_shared>> -> memref<128x64xf32, #tpu.memory_space<vmem_shared>>
      tpu.enqueue_dma source(%arg8 : memref<128x64xf32, #tpu.memory_space<vmem>>) target(%dma_start3A_440 : memref<128x64xf32, #tpu.memory_space<vmem_shared>>) target_semaphore(%run_scoped3A_437 : memref<!tpu.dma_semaphore, #tpu.memory_space<semaphore_mem>>)
      %dma_wait3A = arith.constant 0 : i32
      %dma_wait3A_441 = tpu.memref_slice %arg9[%add3A_61, %dma_wait3A] : memref<10240x64xf32, #tpu.memory_space<vmem_shared>> -> memref<128x64xf32, #tpu.memory_space<vmem_shared>>
      %dma_wait3A_442 = arith.constant 0 : i32
      %dma_wait3A_443 = tpu.memref_slice %arg9[%add3A_61, %dma_wait3A_442] : memref<10240x64xf32, #tpu.memory_space<vmem_shared>> -> memref<128x64xf32, #tpu.memory_space<vmem_shared>>
      tpu.wait_dma2 semaphore(%run_scoped3A_437 : memref<!tpu.dma_semaphore, #tpu.memory_space<semaphore_mem>>) src(%arg8 : memref<128x64xf32, #tpu.memory_space<vmem>>) dst(%dma_wait3A_443 : memref<128x64xf32, #tpu.memory_space<vmem_shared>>)
      tpu.yield
    }) : () -> ()
    %add3A_62 = arith.constant 256 : i32
    %add3A_63 = arith.addi %mul3A_0, %add3A_62 : i32
    "tpu.region"() ({
      %run_scoped3A_437 = tpu.sem_alloc : memref<!tpu.dma_semaphore, #tpu.memory_space<semaphore_mem>>
      %dma_start3A = arith.constant 0 : i32
      %dma_start3A_438 = tpu.memref_slice %arg9[%add3A_63, %dma_start3A] : memref<10240x64xf32, #tpu.memory_space<vmem_shared>> -> memref<128x64xf32, #tpu.memory_space<vmem_shared>>
      %dma_start3A_439 = arith.constant 0 : i32
      %dma_start3A_440 = tpu.memref_slice %arg9[%add3A_63, %dma_start3A_439] : memref<10240x64xf32, #tpu.memory_space<vmem_shared>> -> memref<128x64xf32, #tpu.memory_space<vmem_shared>>
      tpu.enqueue_dma source(%arg8 : memref<128x64xf32, #tpu.memory_space<vmem>>) target(%dma_start3A_440 : memref<128x64xf32, #tpu.memory_space<vmem_shared>>) target_semaphore(%run_scoped3A_437 : memref<!tpu.dma_semaphore, #tpu.memory_space<semaphore_mem>>)
      %dma_wait3A = arith.constant 0 : i32
      %dma_wait3A_441 = tpu.memref_slice %arg9[%add3A_63, %dma_wait3A] : memref<10240x64xf32, #tpu.memory_space<vmem_shared>> -> memref<128x64xf32, #tpu.memory_space<vmem_shared>>
      %dma_wait3A_442 = arith.constant 0 : i32
      %dma_wait3A_443 = tpu.memref_slice %arg9[%add3A_63, %dma_wait3A_442] : memref<10240x64xf32, #tpu.memory_space<vmem_shared>> -> memref<128x64xf32, #tpu.memory_space<vmem_shared>>
      tpu.wait_dma2 semaphore(%run_scoped3A_437 : memref<!tpu.dma_semaphore, #tpu.memory_space<semaphore_mem>>) src(%arg8 : memref<128x64xf32, #tpu.memory_space<vmem>>) dst(%dma_wait3A_443 : memref<128x64xf32, #tpu.memory_space<vmem_shared>>)
      tpu.yield
    }) : () -> ()
    %add3A_64 = arith.constant 384 : i32
    %add3A_65 = arith.addi %mul3A_0, %add3A_64 : i32
    "tpu.region"() ({
      %run_scoped3A_437 = tpu.sem_alloc : memref<!tpu.dma_semaphore, #tpu.memory_space<semaphore_mem>>
      %dma_start3A = arith.constant 0 : i32
      %dma_start3A_438 = tpu.memref_slice %arg9[%add3A_65, %dma_start3A] : memref<10240x64xf32, #tpu.memory_space<vmem_shared>> -> memref<128x64xf32, #tpu.memory_space<vmem_shared>>
      %dma_start3A_439 = arith.constant 0 : i32
      %dma_start3A_440 = tpu.memref_slice %arg9[%add3A_65, %dma_start3A_439] : memref<10240x64xf32, #tpu.memory_space<vmem_shared>> -> memref<128x64xf32, #tpu.memory_space<vmem_shared>>
      tpu.enqueue_dma source(%arg8 : memref<128x64xf32, #tpu.memory_space<vmem>>) target(%dma_start3A_440 : memref<128x64xf32, #tpu.memory_space<vmem_shared>>) target_semaphore(%run_scoped3A_437 : memref<!tpu.dma_semaphore, #tpu.memory_space<semaphore_mem>>)
      %dma_wait3A = arith.constant 0 : i32
      %dma_wait3A_441 = tpu.memref_slice %arg9[%add3A_65, %dma_wait3A] : memref<10240x64xf32, #tpu.memory_space<vmem_shared>> -> memref<128x64xf32, #tpu.memory_space<vmem_shared>>
      %dma_wait3A_442 = arith.constant 0 : i32
      %dma_wait3A_443 = tpu.memref_slice %arg9[%add3A_65, %dma_wait3A_442] : memref<10240x64xf32, #tpu.memory_space<vmem_shared>> -> memref<128x64xf32, #tpu.memory_space<vmem_shared>>
      tpu.wait_dma2 semaphore(%run_scoped3A_437 : memref<!tpu.dma_semaphore, #tpu.memory_space<semaphore_mem>>) src(%arg8 : memref<128x64xf32, #tpu.memory_space<vmem>>) dst(%dma_wait3A_443 : memref<128x64xf32, #tpu.memory_space<vmem_shared>>)
      tpu.yield
    }) : () -> ()
    %add3A_66 = arith.constant 512 : i32
    %add3A_67 = arith.addi %mul3A_0, %add3A_66 : i32
    "tpu.region"() ({
      %run_scoped3A_437 = tpu.sem_alloc : memref<!tpu.dma_semaphore, #tpu.memory_space<semaphore_mem>>
      %dma_start3A = arith.constant 0 : i32
      %dma_start3A_438 = tpu.memref_slice %arg9[%add3A_67, %dma_start3A] : memref<10240x64xf32, #tpu.memory_space<vmem_shared>> -> memref<128x64xf32, #tpu.memory_space<vmem_shared>>
      %dma_start3A_439 = arith.constant 0 : i32
      %dma_start3A_440 = tpu.memref_slice %arg9[%add3A_67, %dma_start3A_439] : memref<10240x64xf32, #tpu.memory_space<vmem_shared>> -> memref<128x64xf32, #tpu.memory_space<vmem_shared>>
      tpu.enqueue_dma source(%arg8 : memref<128x64xf32, #tpu.memory_space<vmem>>) target(%dma_start3A_440 : memref<128x64xf32, #tpu.memory_space<vmem_shared>>) target_semaphore(%run_scoped3A_437 : memref<!tpu.dma_semaphore, #tpu.memory_space<semaphore_mem>>)
      %dma_wait3A = arith.constant 0 : i32
      %dma_wait3A_441 = tpu.memref_slice %arg9[%add3A_67, %dma_wait3A] : memref<10240x64xf32, #tpu.memory_space<vmem_shared>> -> memref<128x64xf32, #tpu.memory_space<vmem_shared>>
      %dma_wait3A_442 = arith.constant 0 : i32
      %dma_wait3A_443 = tpu.memref_slice %arg9[%add3A_67, %dma_wait3A_442] : memref<10240x64xf32, #tpu.memory_space<vmem_shared>> -> memref<128x64xf32, #tpu.memory_space<vmem_shared>>
      tpu.wait_dma2 semaphore(%run_scoped3A_437 : memref<!tpu.dma_semaphore, #tpu.memory_space<semaphore_mem>>) src(%arg8 : memref<128x64xf32, #tpu.memory_space<vmem>>) dst(%dma_wait3A_443 : memref<128x64xf32, #tpu.memory_space<vmem_shared>>)
      tpu.yield
    }) : () -> ()
    %mul3A_68 = arith.constant 625 : i32
    %mul3A_69 = arith.muli %arg1, %mul3A_68 : i32
    %mul3A_70 = arith.constant 625 : i32
    %mul3A_71 = arith.muli %arg1, %mul3A_70 : i32
    %run_scoped3A_72 = arith.constant 1 : i32
    "tpu.region"() ({
      %run_scoped3A_437 = tpu.sem_alloc : memref<!tpu.dma_semaphore, #tpu.memory_space<semaphore_mem>>
      %dma_start3A = arith.constant 0 : i32
      %dma_start3A_438 = tpu.memref_slice %arg10[%mul3A_71, %dma_start3A] : memref<10000x64xf32, #tpu.memory_space<vmem_shared>> -> memref<625x64xf32, #tpu.memory_space<vmem_shared>>
      %dma_start3A_439 = arith.constant 0 : i32
      %dma_start3A_440 = tpu.memref_slice %arg2[%arg0, %run_scoped3A_72, %mul3A_69, %dma_start3A_439] : memref<2x8x10000x64xf32, #tpu.memory_space<hbm>> -> memref<1x1x625x64xf32, #tpu.memory_space<hbm>>
      %dma_start3A_441 = tpu.memref_squeeze %dma_start3A_440 : memref<1x1x625x64xf32, #tpu.memory_space<hbm>> -> memref<625x64xf32, #tpu.memory_space<hbm>>
      tpu.enqueue_dma source(%dma_start3A_441 : memref<625x64xf32, #tpu.memory_space<hbm>>) target(%dma_start3A_438 : memref<625x64xf32, #tpu.memory_space<vmem_shared>>) target_semaphore(%run_scoped3A_437 : memref<!tpu.dma_semaphore, #tpu.memory_space<semaphore_mem>>)
      %dma_wait3A = arith.constant 0 : i32
      %dma_wait3A_442 = tpu.memref_slice %arg10[%mul3A_71, %dma_wait3A] : memref<10000x64xf32, #tpu.memory_space<vmem_shared>> -> memref<625x64xf32, #tpu.memory_space<vmem_shared>>
      %dma_wait3A_443 = arith.constant 0 : i32
      %dma_wait3A_444 = tpu.memref_slice %arg2[%arg0, %run_scoped3A_72, %mul3A_69, %dma_wait3A_443] : memref<2x8x10000x64xf32, #tpu.memory_space<hbm>> -> memref<1x1x625x64xf32, #tpu.memory_space<hbm>>
      %dma_wait3A_445 = tpu.memref_squeeze %dma_wait3A_444 : memref<1x1x625x64xf32, #tpu.memory_space<hbm>> -> memref<625x64xf32, #tpu.memory_space<hbm>>
      tpu.wait_dma2 semaphore(%run_scoped3A_437 : memref<!tpu.dma_semaphore, #tpu.memory_space<semaphore_mem>>) src(%dma_wait3A_445 : memref<625x64xf32, #tpu.memory_space<hbm>>) dst(%dma_wait3A_442 : memref<625x64xf32, #tpu.memory_space<vmem_shared>>)
      tpu.yield
    }) : () -> ()
    %barrier3A_73 = arith.constant 0 : index
    tpu.barrier barrier_id(%barrier3A_73)
    %scan3A_74 = arith.constant 0 : i32
    %scan3A_75 = arith.constant 0 : i32
    %scan3A_76 = arith.constant 157 : i32
    %scan3A_77 = arith.addi %scan3A_75, %scan3A_76 : i32
    %scan3A_78 = arith.constant 1 : i32
    scf.for %scan3A_437 = %scan3A_75 to %scan3A_77 step %scan3A_78  : i32 {
      %dma_start3A = arith.constant 0 : i32
      %dma_start3A_438 = tpu.memref_slice %arg6[%scan3A_437, %dma_start3A] : memref<157x128xi32, #tpu.memory_space<vmem>> -> memref<1x128xi32, #tpu.memory_space<vmem>>
      %dma_start3A_439 = tpu.memref_squeeze %dma_start3A_438 : memref<1x128xi32, #tpu.memory_space<vmem>> -> memref<128xi32, #tpu.memory_space<vmem>>
      %dma_start3A_440 = arith.constant 0 : i32
      %dma_start3A_441 = arith.constant 0 : i32
      %dma_start3A_442 = tpu.memref_slice %arg10[%dma_start3A_440, %dma_start3A_441] : memref<10000x64xf32, #tpu.memory_space<vmem_shared>> -> memref<10000x64xf32, #tpu.memory_space<vmem_shared>>
      tpu.enqueue_indirect_dma source(%dma_start3A_442 : memref<10000x64xf32, #tpu.memory_space<vmem_shared>>) target(%arg8 : memref<128x64xf32, #tpu.memory_space<vmem>>) offsets(%dma_start3A_439 : memref<128xi32, #tpu.memory_space<vmem>>) semaphore(%arg11 : memref<!tpu.dma_semaphore, #tpu.memory_space<semaphore_mem>>)
      %dma_wait3A = arith.constant 0 : i32
      %dma_wait3A_443 = tpu.memref_slice %arg6[%scan3A_437, %dma_wait3A] : memref<157x128xi32, #tpu.memory_space<vmem>> -> memref<1x128xi32, #tpu.memory_space<vmem>>
      %dma_wait3A_444 = tpu.memref_squeeze %dma_wait3A_443 : memref<1x128xi32, #tpu.memory_space<vmem>> -> memref<128xi32, #tpu.memory_space<vmem>>
      %dma_wait3A_445 = arith.constant 0 : i32
      %dma_wait3A_446 = arith.constant 0 : i32
      %dma_wait3A_447 = tpu.memref_slice %arg10[%dma_wait3A_445, %dma_wait3A_446] : memref<10000x64xf32, #tpu.memory_space<vmem_shared>> -> memref<10000x64xf32, #tpu.memory_space<vmem_shared>>
      tpu.wait_indirect_dma semaphore(%arg11 : memref<!tpu.dma_semaphore, #tpu.memory_space<semaphore_mem>>) src(%dma_wait3A_447 : memref<10000x64xf32, #tpu.memory_space<vmem_shared>>) dst(%arg8 : memref<128x64xf32, #tpu.memory_space<vmem>>)
      "tpu.region"() ({
        %run_scoped3A_448 = tpu.sem_alloc : memref<!tpu.dma_semaphore, #tpu.memory_space<semaphore_mem>>
        %dma_start3A_449 = arith.constant 0 : i32
        %dma_start3A_450 = tpu.memref_slice %arg7[%scan3A_437, %dma_start3A_449] : memref<157x128xi32, #tpu.memory_space<vmem>> -> memref<1x128xi32, #tpu.memory_space<vmem>>
        %dma_start3A_451 = tpu.memref_squeeze %dma_start3A_450 : memref<1x128xi32, #tpu.memory_space<vmem>> -> memref<128xi32, #tpu.memory_space<vmem>>
        %dma_start3A_452 = arith.constant 0 : i32
        %dma_start3A_453 = arith.constant 0 : i32
        %dma_start3A_454 = tpu.memref_slice %arg9[%dma_start3A_452, %dma_start3A_453] : memref<10240x64xf32, #tpu.memory_space<vmem_shared>> -> memref<10240x64xf32, #tpu.memory_space<vmem_shared>>
        tpu.enqueue_indirect_dma source(%arg8 : memref<128x64xf32, #tpu.memory_space<vmem>>) target(%dma_start3A_454 : memref<10240x64xf32, #tpu.memory_space<vmem_shared>>) offsets(%dma_start3A_451 : memref<128xi32, #tpu.memory_space<vmem>>) semaphore(%run_scoped3A_448 : memref<!tpu.dma_semaphore, #tpu.memory_space<semaphore_mem>>) {add = true}
        %dma_wait3A_455 = arith.constant 0 : i32
        %dma_wait3A_456 = tpu.memref_slice %arg7[%scan3A_437, %dma_wait3A_455] : memref<157x128xi32, #tpu.memory_space<vmem>> -> memref<1x128xi32, #tpu.memory_space<vmem>>
        %dma_wait3A_457 = tpu.memref_squeeze %dma_wait3A_456 : memref<1x128xi32, #tpu.memory_space<vmem>> -> memref<128xi32, #tpu.memory_space<vmem>>
        %dma_wait3A_458 = arith.constant 0 : i32
        %dma_wait3A_459 = arith.constant 0 : i32
        %dma_wait3A_460 = tpu.memref_slice %arg9[%dma_wait3A_458, %dma_wait3A_459] : memref<10240x64xf32, #tpu.memory_space<vmem_shared>> -> memref<10240x64xf32, #tpu.memory_space<vmem_shared>>
        tpu.wait_indirect_dma semaphore(%run_scoped3A_448 : memref<!tpu.dma_semaphore, #tpu.memory_space<semaphore_mem>>) src(%arg8 : memref<128x64xf32, #tpu.memory_space<vmem>>) dst(%dma_wait3A_460 : memref<10240x64xf32, #tpu.memory_space<vmem_shared>>)
        tpu.yield
      }) : () -> ()
    }
    %scan3A_79 = arith.constant 157 : i32
    %barrier3A_80 = arith.constant 0 : index
    tpu.barrier barrier_id(%barrier3A_80)
    %add3A_81 = arith.constant 0 : i32
    %add3A_82 = arith.addi %mul3A_0, %add3A_81 : i32
    %add3A_83 = arith.constant 0 : i32
    %add3A_84 = arith.addi %mul3A_0, %add3A_83 : i32
    %run_scoped3A_85 = arith.constant 1 : i32
    "tpu.region"() ({
      %run_scoped3A_437 = tpu.sem_alloc : memref<!tpu.dma_semaphore, #tpu.memory_space<semaphore_mem>>
      %dma_start3A = arith.constant 0 : i32
      %dma_start3A_438 = tpu.memref_slice %arg5[%arg0, %run_scoped3A_85, %add3A_84, %dma_start3A] : memref<2x8x10240x64xf32, #tpu.memory_space<hbm>> -> memref<1x1x128x64xf32, #tpu.memory_space<hbm>>
      %dma_start3A_439 = tpu.memref_squeeze %dma_start3A_438 : memref<1x1x128x64xf32, #tpu.memory_space<hbm>> -> memref<128x64xf32, #tpu.memory_space<hbm>>
      %dma_start3A_440 = arith.constant 0 : i32
      %dma_start3A_441 = tpu.memref_slice %arg9[%add3A_82, %dma_start3A_440] : memref<10240x64xf32, #tpu.memory_space<vmem_shared>> -> memref<128x64xf32, #tpu.memory_space<vmem_shared>>
      tpu.enqueue_dma source(%dma_start3A_441 : memref<128x64xf32, #tpu.memory_space<vmem_shared>>) target(%dma_start3A_439 : memref<128x64xf32, #tpu.memory_space<hbm>>) target_semaphore(%run_scoped3A_437 : memref<!tpu.dma_semaphore, #tpu.memory_space<semaphore_mem>>)
      %dma_wait3A = arith.constant 0 : i32
      %dma_wait3A_442 = tpu.memref_slice %arg5[%arg0, %run_scoped3A_85, %add3A_84, %dma_wait3A] : memref<2x8x10240x64xf32, #tpu.memory_space<hbm>> -> memref<1x1x128x64xf32, #tpu.memory_space<hbm>>
      %dma_wait3A_443 = tpu.memref_squeeze %dma_wait3A_442 : memref<1x1x128x64xf32, #tpu.memory_space<hbm>> -> memref<128x64xf32, #tpu.memory_space<hbm>>
      %dma_wait3A_444 = arith.constant 0 : i32
      %dma_wait3A_445 = tpu.memref_slice %arg9[%add3A_82, %dma_wait3A_444] : memref<10240x64xf32, #tpu.memory_space<vmem_shared>> -> memref<128x64xf32, #tpu.memory_space<vmem_shared>>
      tpu.wait_dma2 semaphore(%run_scoped3A_437 : memref<!tpu.dma_semaphore, #tpu.memory_space<semaphore_mem>>) src(%dma_wait3A_445 : memref<128x64xf32, #tpu.memory_space<vmem_shared>>) dst(%dma_wait3A_443 : memref<128x64xf32, #tpu.memory_space<hbm>>)
      tpu.yield
    }) : () -> ()
    %add3A_86 = arith.constant 128 : i32
    %add3A_87 = arith.addi %mul3A_0, %add3A_86 : i32
    %add3A_88 = arith.constant 128 : i32
    %add3A_89 = arith.addi %mul3A_0, %add3A_88 : i32
    %run_scoped3A_90 = arith.constant 1 : i32
    "tpu.region"() ({
      %run_scoped3A_437 = tpu.sem_alloc : memref<!tpu.dma_semaphore, #tpu.memory_space<semaphore_mem>>
      %dma_start3A = arith.constant 0 : i32
      %dma_start3A_438 = tpu.memref_slice %arg5[%arg0, %run_scoped3A_90, %add3A_89, %dma_start3A] : memref<2x8x10240x64xf32, #tpu.memory_space<hbm>> -> memref<1x1x128x64xf32, #tpu.memory_space<hbm>>
      %dma_start3A_439 = tpu.memref_squeeze %dma_start3A_438 : memref<1x1x128x64xf32, #tpu.memory_space<hbm>> -> memref<128x64xf32, #tpu.memory_space<hbm>>
      %dma_start3A_440 = arith.constant 0 : i32
      %dma_start3A_441 = tpu.memref_slice %arg9[%add3A_87, %dma_start3A_440] : memref<10240x64xf32, #tpu.memory_space<vmem_shared>> -> memref<128x64xf32, #tpu.memory_space<vmem_shared>>
      tpu.enqueue_dma source(%dma_start3A_441 : memref<128x64xf32, #tpu.memory_space<vmem_shared>>) target(%dma_start3A_439 : memref<128x64xf32, #tpu.memory_space<hbm>>) target_semaphore(%run_scoped3A_437 : memref<!tpu.dma_semaphore, #tpu.memory_space<semaphore_mem>>)
      %dma_wait3A = arith.constant 0 : i32
      %dma_wait3A_442 = tpu.memref_slice %arg5[%arg0, %run_scoped3A_90, %add3A_89, %dma_wait3A] : memref<2x8x10240x64xf32, #tpu.memory_space<hbm>> -> memref<1x1x128x64xf32, #tpu.memory_space<hbm>>
      %dma_wait3A_443 = tpu.memref_squeeze %dma_wait3A_442 : memref<1x1x128x64xf32, #tpu.memory_space<hbm>> -> memref<128x64xf32, #tpu.memory_space<hbm>>
      %dma_wait3A_444 = arith.constant 0 : i32
      %dma_wait3A_445 = tpu.memref_slice %arg9[%add3A_87, %dma_wait3A_444] : memref<10240x64xf32, #tpu.memory_space<vmem_shared>> -> memref<128x64xf32, #tpu.memory_space<vmem_shared>>
      tpu.wait_dma2 semaphore(%run_scoped3A_437 : memref<!tpu.dma_semaphore, #tpu.memory_space<semaphore_mem>>) src(%dma_wait3A_445 : memref<128x64xf32, #tpu.memory_space<vmem_shared>>) dst(%dma_wait3A_443 : memref<128x64xf32, #tpu.memory_space<hbm>>)
      tpu.yield
    }) : () -> ()
    %add3A_91 = arith.constant 256 : i32
    %add3A_92 = arith.addi %mul3A_0, %add3A_91 : i32
    %add3A_93 = arith.constant 256 : i32
    %add3A_94 = arith.addi %mul3A_0, %add3A_93 : i32
    %run_scoped3A_95 = arith.constant 1 : i32
    "tpu.region"() ({
      %run_scoped3A_437 = tpu.sem_alloc : memref<!tpu.dma_semaphore, #tpu.memory_space<semaphore_mem>>
      %dma_start3A = arith.constant 0 : i32
      %dma_start3A_438 = tpu.memref_slice %arg5[%arg0, %run_scoped3A_95, %add3A_94, %dma_start3A] : memref<2x8x10240x64xf32, #tpu.memory_space<hbm>> -> memref<1x1x128x64xf32, #tpu.memory_space<hbm>>
      %dma_start3A_439 = tpu.memref_squeeze %dma_start3A_438 : memref<1x1x128x64xf32, #tpu.memory_space<hbm>> -> memref<128x64xf32, #tpu.memory_space<hbm>>
      %dma_start3A_440 = arith.constant 0 : i32
      %dma_start3A_441 = tpu.memref_slice %arg9[%add3A_92, %dma_start3A_440] : memref<10240x64xf32, #tpu.memory_space<vmem_shared>> -> memref<128x64xf32, #tpu.memory_space<vmem_shared>>
      tpu.enqueue_dma source(%dma_start3A_441 : memref<128x64xf32, #tpu.memory_space<vmem_shared>>) target(%dma_start3A_439 : memref<128x64xf32, #tpu.memory_space<hbm>>) target_semaphore(%run_scoped3A_437 : memref<!tpu.dma_semaphore, #tpu.memory_space<semaphore_mem>>)
      %dma_wait3A = arith.constant 0 : i32
      %dma_wait3A_442 = tpu.memref_slice %arg5[%arg0, %run_scoped3A_95, %add3A_94, %dma_wait3A] : memref<2x8x10240x64xf32, #tpu.memory_space<hbm>> -> memref<1x1x128x64xf32, #tpu.memory_space<hbm>>
      %dma_wait3A_443 = tpu.memref_squeeze %dma_wait3A_442 : memref<1x1x128x64xf32, #tpu.memory_space<hbm>> -> memref<128x64xf32, #tpu.memory_space<hbm>>
      %dma_wait3A_444 = arith.constant 0 : i32
      %dma_wait3A_445 = tpu.memref_slice %arg9[%add3A_92, %dma_wait3A_444] : memref<10240x64xf32, #tpu.memory_space<vmem_shared>> -> memref<128x64xf32, #tpu.memory_space<vmem_shared>>
      tpu.wait_dma2 semaphore(%run_scoped3A_437 : memref<!tpu.dma_semaphore, #tpu.memory_space<semaphore_mem>>) src(%dma_wait3A_445 : memref<128x64xf32, #tpu.memory_space<vmem_shared>>) dst(%dma_wait3A_443 : memref<128x64xf32, #tpu.memory_space<hbm>>)
      tpu.yield
    }) : () -> ()
    %add3A_96 = arith.constant 384 : i32
    %add3A_97 = arith.addi %mul3A_0, %add3A_96 : i32
    %add3A_98 = arith.constant 384 : i32
    %add3A_99 = arith.addi %mul3A_0, %add3A_98 : i32
    %run_scoped3A_100 = arith.constant 1 : i32
    "tpu.region"() ({
      %run_scoped3A_437 = tpu.sem_alloc : memref<!tpu.dma_semaphore, #tpu.memory_space<semaphore_mem>>
      %dma_start3A = arith.constant 0 : i32
      %dma_start3A_438 = tpu.memref_slice %arg5[%arg0, %run_scoped3A_100, %add3A_99, %dma_start3A] : memref<2x8x10240x64xf32, #tpu.memory_space<hbm>> -> memref<1x1x128x64xf32, #tpu.memory_space<hbm>>
      %dma_start3A_439 = tpu.memref_squeeze %dma_start3A_438 : memref<1x1x128x64xf32, #tpu.memory_space<hbm>> -> memref<128x64xf32, #tpu.memory_space<hbm>>
      %dma_start3A_440 = arith.constant 0 : i32
      %dma_start3A_441 = tpu.memref_slice %arg9[%add3A_97, %dma_start3A_440] : memref<10240x64xf32, #tpu.memory_space<vmem_shared>> -> memref<128x64xf32, #tpu.memory_space<vmem_shared>>
      tpu.enqueue_dma source(%dma_start3A_441 : memref<128x64xf32, #tpu.memory_space<vmem_shared>>) target(%dma_start3A_439 : memref<128x64xf32, #tpu.memory_space<hbm>>) target_semaphore(%run_scoped3A_437 : memref<!tpu.dma_semaphore, #tpu.memory_space<semaphore_mem>>)
      %dma_wait3A = arith.constant 0 : i32
      %dma_wait3A_442 = tpu.memref_slice %arg5[%arg0, %run_scoped3A_100, %add3A_99, %dma_wait3A] : memref<2x8x10240x64xf32, #tpu.memory_space<hbm>> -> memref<1x1x128x64xf32, #tpu.memory_space<hbm>>
      %dma_wait3A_443 = tpu.memref_squeeze %dma_wait3A_442 : memref<1x1x128x64xf32, #tpu.memory_space<hbm>> -> memref<128x64xf32, #tpu.memory_space<hbm>>
      %dma_wait3A_444 = arith.constant 0 : i32
      %dma_wait3A_445 = tpu.memref_slice %arg9[%add3A_97, %dma_wait3A_444] : memref<10240x64xf32, #tpu.memory_space<vmem_shared>> -> memref<128x64xf32, #tpu.memory_space<vmem_shared>>
      tpu.wait_dma2 semaphore(%run_scoped3A_437 : memref<!tpu.dma_semaphore, #tpu.memory_space<semaphore_mem>>) src(%dma_wait3A_445 : memref<128x64xf32, #tpu.memory_space<vmem_shared>>) dst(%dma_wait3A_443 : memref<128x64xf32, #tpu.memory_space<hbm>>)
      tpu.yield
    }) : () -> ()
    %add3A_101 = arith.constant 512 : i32
    %add3A_102 = arith.addi %mul3A_0, %add3A_101 : i32
    %add3A_103 = arith.constant 512 : i32
    %add3A_104 = arith.addi %mul3A_0, %add3A_103 : i32
    %run_scoped3A_105 = arith.constant 1 : i32
    "tpu.region"() ({
      %run_scoped3A_437 = tpu.sem_alloc : memref<!tpu.dma_semaphore, #tpu.memory_space<semaphore_mem>>
      %dma_start3A = arith.constant 0 : i32
      %dma_start3A_438 = tpu.memref_slice %arg5[%arg0, %run_scoped3A_105, %add3A_104, %dma_start3A] : memref<2x8x10240x64xf32, #tpu.memory_space<hbm>> -> memref<1x1x128x64xf32, #tpu.memory_space<hbm>>
      %dma_start3A_439 = tpu.memref_squeeze %dma_start3A_438 : memref<1x1x128x64xf32, #tpu.memory_space<hbm>> -> memref<128x64xf32, #tpu.memory_space<hbm>>
      %dma_start3A_440 = arith.constant 0 : i32
      %dma_start3A_441 = tpu.memref_slice %arg9[%add3A_102, %dma_start3A_440] : memref<10240x64xf32, #tpu.memory_space<vmem_shared>> -> memref<128x64xf32, #tpu.memory_space<vmem_shared>>
      tpu.enqueue_dma source(%dma_start3A_441 : memref<128x64xf32, #tpu.memory_space<vmem_shared>>) target(%dma_start3A_439 : memref<128x64xf32, #tpu.memory_space<hbm>>) target_semaphore(%run_scoped3A_437 : memref<!tpu.dma_semaphore, #tpu.memory_space<semaphore_mem>>)
      %dma_wait3A = arith.constant 0 : i32
      %dma_wait3A_442 = tpu.memref_slice %arg5[%arg0, %run_scoped3A_105, %add3A_104, %dma_wait3A] : memref<2x8x10240x64xf32, #tpu.memory_space<hbm>> -> memref<1x1x128x64xf32, #tpu.memory_space<hbm>>
      %dma_wait3A_443 = tpu.memref_squeeze %dma_wait3A_442 : memref<1x1x128x64xf32, #tpu.memory_space<hbm>> -> memref<128x64xf32, #tpu.memory_space<hbm>>
      %dma_wait3A_444 = arith.constant 0 : i32
      %dma_wait3A_445 = tpu.memref_slice %arg9[%add3A_102, %dma_wait3A_444] : memref<10240x64xf32, #tpu.memory_space<vmem_shared>> -> memref<128x64xf32, #tpu.memory_space<vmem_shared>>
      tpu.wait_dma2 semaphore(%run_scoped3A_437 : memref<!tpu.dma_semaphore, #tpu.memory_space<semaphore_mem>>) src(%dma_wait3A_445 : memref<128x64xf32, #tpu.memory_space<vmem_shared>>) dst(%dma_wait3A_443 : memref<128x64xf32, #tpu.memory_space<hbm>>)
      tpu.yield
    }) : () -> ()
    %barrier3A_106 = arith.constant 0 : index
    tpu.barrier barrier_id(%barrier3A_106)
    %scan3A_107 = arith.constant 0 : i32
    %scan3A_108 = arith.constant 0 : i32
    %scan3A_109 = arith.constant 512 : i32
    %scan3A_110 = arith.addi %scan3A_108, %scan3A_109 : i32
    %scan3A_111 = arith.constant 1 : i32
    scf.for %scan3A_437 = %scan3A_108 to %scan3A_110 step %scan3A_111  : i32 {
      %jit3A = arith.constant 4 : i32
      %div3A = arith.divsi %scan3A_437, %jit3A : i32
      %sign3A = arith.constant 0 : i32
      %sign3A_438 = arith.cmpi sgt, %scan3A_437, %sign3A : i32
      %sign3A_439 = arith.extui %sign3A_438 : i1 to i32
      %sign3A_440 = arith.constant 0 : i32
      %sign3A_441 = arith.cmpi slt, %scan3A_437, %sign3A_440 : i32
      %sign3A_442 = arith.extui %sign3A_441 : i1 to i32
      %sign3A_443 = arith.subi %sign3A_439, %sign3A_442 : i32
      %sign3A_444 = arith.constant 0 : i32
      %sign3A_445 = arith.cmpi sgt, %jit3A, %sign3A_444 : i32
      %sign3A_446 = arith.extui %sign3A_445 : i1 to i32
      %sign3A_447 = arith.constant 0 : i32
      %sign3A_448 = arith.cmpi slt, %jit3A, %sign3A_447 : i32
      %sign3A_449 = arith.extui %sign3A_448 : i1 to i32
      %sign3A_450 = arith.subi %sign3A_446, %sign3A_449 : i32
      %ne3A = arith.cmpi ne, %sign3A_443, %sign3A_450 : i32
      %rem3A = arith.remsi %scan3A_437, %jit3A : i32
      %ne3A_451 = arith.constant 0 : i32
      %ne3A_452 = arith.cmpi ne, %rem3A, %ne3A_451 : i32
      %and3A = arith.andi %ne3A, %ne3A_452 : i1
      %sub3A = arith.constant 1 : i32
      %sub3A_453 = arith.subi %div3A, %sub3A : i32
      %select_n3A = arith.select %and3A, %sub3A_453, %div3A : i32
      %jit3A_454 = arith.constant 4 : i32
      %eq3A = arith.constant 0 : i32
      %eq3A_455 = arith.cmpi eq, %jit3A_454, %eq3A : i32
      %jit3A_456 = arith.constant 1 : i32
      %select_n3A_457 = arith.select %eq3A_455, %jit3A_456, %jit3A_454 : i32
      %rem3A_458 = arith.remsi %scan3A_437, %select_n3A_457 : i32
      %ne3A_459 = arith.constant 0 : i32
      %ne3A_460 = arith.cmpi ne, %rem3A_458, %ne3A_459 : i32
      %lt3A = arith.constant 0 : i32
      %lt3A_461 = arith.cmpi slt, %rem3A_458, %lt3A : i32
      %lt3A_462 = arith.constant 0 : i32
      %lt3A_463 = arith.cmpi slt, %select_n3A_457, %lt3A_462 : i32
      %ne3A_464 = arith.xori %lt3A_461, %lt3A_463 : i1
      %and3A_465 = arith.andi %ne3A_464, %ne3A_460 : i1
      %add3A_466 = arith.addi %rem3A_458, %select_n3A_457 : i32
      %select_n3A_467 = arith.select %and3A_465, %add3A_466, %rem3A_458 : i32
      %broadcast_in_dim3A = arith.constant 0.000000e+00 : f32
      %broadcast_in_dim3A_468 = vector.broadcast %broadcast_in_dim3A : f32 to vector<16xf32>
      %mul3A_469 = arith.constant 16 : i32
      %mul3A_470 = arith.muli %select_n3A_467, %mul3A_469 : i32
      %swap3A = arith.index_cast %select_n3A : i32 to index
      %swap3A_471 = arith.index_cast %mul3A_470 : i32 to index
      %swap3A_472 = tpu.vector_load %arg8[%swap3A, %swap3A_471] {strides = array<i32>} : memref<128x64xf32, #tpu.memory_space<vmem>>, vector<16xf32>,
      tpu.vector_store %arg8[%swap3A, %swap3A_471], %broadcast_in_dim3A_468 {strides = array<i32>} : memref<128x64xf32, #tpu.memory_space<vmem>>, vector<16xf32>,
    }
    %scan3A_112 = arith.constant 512 : i32
    %add3A_113 = arith.constant 0 : i32
    %add3A_114 = arith.addi %mul3A_0, %add3A_113 : i32
    "tpu.region"() ({
      %run_scoped3A_437 = tpu.sem_alloc : memref<!tpu.dma_semaphore, #tpu.memory_space<semaphore_mem>>
      %dma_start3A = arith.constant 0 : i32
      %dma_start3A_438 = tpu.memref_slice %arg9[%add3A_114, %dma_start3A] : memref<10240x64xf32, #tpu.memory_space<vmem_shared>> -> memref<128x64xf32, #tpu.memory_space<vmem_shared>>
      %dma_start3A_439 = arith.constant 0 : i32
      %dma_start3A_440 = tpu.memref_slice %arg9[%add3A_114, %dma_start3A_439] : memref<10240x64xf32, #tpu.memory_space<vmem_shared>> -> memref<128x64xf32, #tpu.memory_space<vmem_shared>>
      tpu.enqueue_dma source(%arg8 : memref<128x64xf32, #tpu.memory_space<vmem>>) target(%dma_start3A_440 : memref<128x64xf32, #tpu.memory_space<vmem_shared>>) target_semaphore(%run_scoped3A_437 : memref<!tpu.dma_semaphore, #tpu.memory_space<semaphore_mem>>)
      %dma_wait3A = arith.constant 0 : i32
      %dma_wait3A_441 = tpu.memref_slice %arg9[%add3A_114, %dma_wait3A] : memref<10240x64xf32, #tpu.memory_space<vmem_shared>> -> memref<128x64xf32, #tpu.memory_space<vmem_shared>>
      %dma_wait3A_442 = arith.constant 0 : i32
      %dma_wait3A_443 = tpu.memref_slice %arg9[%add3A_114, %dma_wait3A_442] : memref<10240x64xf32, #tpu.memory_space<vmem_shared>> -> memref<128x64xf32, #tpu.memory_space<vmem_shared>>
      tpu.wait_dma2 semaphore(%run_scoped3A_437 : memref<!tpu.dma_semaphore, #tpu.memory_space<semaphore_mem>>) src(%arg8 : memref<128x64xf32, #tpu.memory_space<vmem>>) dst(%dma_wait3A_443 : memref<128x64xf32, #tpu.memory_space<vmem_shared>>)
      tpu.yield
    }) : () -> ()
    %add3A_115 = arith.constant 128 : i32
    %add3A_116 = arith.addi %mul3A_0, %add3A_115 : i32
    "tpu.region"() ({
      %run_scoped3A_437 = tpu.sem_alloc : memref<!tpu.dma_semaphore, #tpu.memory_space<semaphore_mem>>
      %dma_start3A = arith.constant 0 : i32
      %dma_start3A_438 = tpu.memref_slice %arg9[%add3A_116, %dma_start3A] : memref<10240x64xf32, #tpu.memory_space<vmem_shared>> -> memref<128x64xf32, #tpu.memory_space<vmem_shared>>
      %dma_start3A_439 = arith.constant 0 : i32
      %dma_start3A_440 = tpu.memref_slice %arg9[%add3A_116, %dma_start3A_439] : memref<10240x64xf32, #tpu.memory_space<vmem_shared>> -> memref<128x64xf32, #tpu.memory_space<vmem_shared>>
      tpu.enqueue_dma source(%arg8 : memref<128x64xf32, #tpu.memory_space<vmem>>) target(%dma_start3A_440 : memref<128x64xf32, #tpu.memory_space<vmem_shared>>) target_semaphore(%run_scoped3A_437 : memref<!tpu.dma_semaphore, #tpu.memory_space<semaphore_mem>>)
      %dma_wait3A = arith.constant 0 : i32
      %dma_wait3A_441 = tpu.memref_slice %arg9[%add3A_116, %dma_wait3A] : memref<10240x64xf32, #tpu.memory_space<vmem_shared>> -> memref<128x64xf32, #tpu.memory_space<vmem_shared>>
      %dma_wait3A_442 = arith.constant 0 : i32
      %dma_wait3A_443 = tpu.memref_slice %arg9[%add3A_116, %dma_wait3A_442] : memref<10240x64xf32, #tpu.memory_space<vmem_shared>> -> memref<128x64xf32, #tpu.memory_space<vmem_shared>>
      tpu.wait_dma2 semaphore(%run_scoped3A_437 : memref<!tpu.dma_semaphore, #tpu.memory_space<semaphore_mem>>) src(%arg8 : memref<128x64xf32, #tpu.memory_space<vmem>>) dst(%dma_wait3A_443 : memref<128x64xf32, #tpu.memory_space<vmem_shared>>)
      tpu.yield
    }) : () -> ()
    %add3A_117 = arith.constant 256 : i32
    %add3A_118 = arith.addi %mul3A_0, %add3A_117 : i32
    "tpu.region"() ({
      %run_scoped3A_437 = tpu.sem_alloc : memref<!tpu.dma_semaphore, #tpu.memory_space<semaphore_mem>>
      %dma_start3A = arith.constant 0 : i32
      %dma_start3A_438 = tpu.memref_slice %arg9[%add3A_118, %dma_start3A] : memref<10240x64xf32, #tpu.memory_space<vmem_shared>> -> memref<128x64xf32, #tpu.memory_space<vmem_shared>>
      %dma_start3A_439 = arith.constant 0 : i32
      %dma_start3A_440 = tpu.memref_slice %arg9[%add3A_118, %dma_start3A_439] : memref<10240x64xf32, #tpu.memory_space<vmem_shared>> -> memref<128x64xf32, #tpu.memory_space<vmem_shared>>
      tpu.enqueue_dma source(%arg8 : memref<128x64xf32, #tpu.memory_space<vmem>>) target(%dma_start3A_440 : memref<128x64xf32, #tpu.memory_space<vmem_shared>>) target_semaphore(%run_scoped3A_437 : memref<!tpu.dma_semaphore, #tpu.memory_space<semaphore_mem>>)
      %dma_wait3A = arith.constant 0 : i32
      %dma_wait3A_441 = tpu.memref_slice %arg9[%add3A_118, %dma_wait3A] : memref<10240x64xf32, #tpu.memory_space<vmem_shared>> -> memref<128x64xf32, #tpu.memory_space<vmem_shared>>
      %dma_wait3A_442 = arith.constant 0 : i32
      %dma_wait3A_443 = tpu.memref_slice %arg9[%add3A_118, %dma_wait3A_442] : memref<10240x64xf32, #tpu.memory_space<vmem_shared>> -> memref<128x64xf32, #tpu.memory_space<vmem_shared>>
      tpu.wait_dma2 semaphore(%run_scoped3A_437 : memref<!tpu.dma_semaphore, #tpu.memory_space<semaphore_mem>>) src(%arg8 : memref<128x64xf32, #tpu.memory_space<vmem>>) dst(%dma_wait3A_443 : memref<128x64xf32, #tpu.memory_space<vmem_shared>>)
      tpu.yield
    }) : () -> ()
    %add3A_119 = arith.constant 384 : i32
    %add3A_120 = arith.addi %mul3A_0, %add3A_119 : i32
    "tpu.region"() ({
      %run_scoped3A_437 = tpu.sem_alloc : memref<!tpu.dma_semaphore, #tpu.memory_space<semaphore_mem>>
      %dma_start3A = arith.constant 0 : i32
      %dma_start3A_438 = tpu.memref_slice %arg9[%add3A_120, %dma_start3A] : memref<10240x64xf32, #tpu.memory_space<vmem_shared>> -> memref<128x64xf32, #tpu.memory_space<vmem_shared>>
      %dma_start3A_439 = arith.constant 0 : i32
      %dma_start3A_440 = tpu.memref_slice %arg9[%add3A_120, %dma_start3A_439] : memref<10240x64xf32, #tpu.memory_space<vmem_shared>> -> memref<128x64xf32, #tpu.memory_space<vmem_shared>>
      tpu.enqueue_dma source(%arg8 : memref<128x64xf32, #tpu.memory_space<vmem>>) target(%dma_start3A_440 : memref<128x64xf32, #tpu.memory_space<vmem_shared>>) target_semaphore(%run_scoped3A_437 : memref<!tpu.dma_semaphore, #tpu.memory_space<semaphore_mem>>)
      %dma_wait3A = arith.constant 0 : i32
      %dma_wait3A_441 = tpu.memref_slice %arg9[%add3A_120, %dma_wait3A] : memref<10240x64xf32, #tpu.memory_space<vmem_shared>> -> memref<128x64xf32, #tpu.memory_space<vmem_shared>>
      %dma_wait3A_442 = arith.constant 0 : i32
      %dma_wait3A_443 = tpu.memref_slice %arg9[%add3A_120, %dma_wait3A_442] : memref<10240x64xf32, #tpu.memory_space<vmem_shared>> -> memref<128x64xf32, #tpu.memory_space<vmem_shared>>
      tpu.wait_dma2 semaphore(%run_scoped3A_437 : memref<!tpu.dma_semaphore, #tpu.memory_space<semaphore_mem>>) src(%arg8 : memref<128x64xf32, #tpu.memory_space<vmem>>) dst(%dma_wait3A_443 : memref<128x64xf32, #tpu.memory_space<vmem_shared>>)
      tpu.yield
    }) : () -> ()
    %add3A_121 = arith.constant 512 : i32
    %add3A_122 = arith.addi %mul3A_0, %add3A_121 : i32
    "tpu.region"() ({
      %run_scoped3A_437 = tpu.sem_alloc : memref<!tpu.dma_semaphore, #tpu.memory_space<semaphore_mem>>
      %dma_start3A = arith.constant 0 : i32
      %dma_start3A_438 = tpu.memref_slice %arg9[%add3A_122, %dma_start3A] : memref<10240x64xf32, #tpu.memory_space<vmem_shared>> -> memref<128x64xf32, #tpu.memory_space<vmem_shared>>
      %dma_start3A_439 = arith.constant 0 : i32
      %dma_start3A_440 = tpu.memref_slice %arg9[%add3A_122, %dma_start3A_439] : memref<10240x64xf32, #tpu.memory_space<vmem_shared>> -> memref<128x64xf32, #tpu.memory_space<vmem_shared>>
      tpu.enqueue_dma source(%arg8 : memref<128x64xf32, #tpu.memory_space<vmem>>) target(%dma_start3A_440 : memref<128x64xf32, #tpu.memory_space<vmem_shared>>) target_semaphore(%run_scoped3A_437 : memref<!tpu.dma_semaphore, #tpu.memory_space<semaphore_mem>>)
      %dma_wait3A = arith.constant 0 : i32
      %dma_wait3A_441 = tpu.memref_slice %arg9[%add3A_122, %dma_wait3A] : memref<10240x64xf32, #tpu.memory_space<vmem_shared>> -> memref<128x64xf32, #tpu.memory_space<vmem_shared>>
      %dma_wait3A_442 = arith.constant 0 : i32
      %dma_wait3A_443 = tpu.memref_slice %arg9[%add3A_122, %dma_wait3A_442] : memref<10240x64xf32, #tpu.memory_space<vmem_shared>> -> memref<128x64xf32, #tpu.memory_space<vmem_shared>>
      tpu.wait_dma2 semaphore(%run_scoped3A_437 : memref<!tpu.dma_semaphore, #tpu.memory_space<semaphore_mem>>) src(%arg8 : memref<128x64xf32, #tpu.memory_space<vmem>>) dst(%dma_wait3A_443 : memref<128x64xf32, #tpu.memory_space<vmem_shared>>)
      tpu.yield
    }) : () -> ()
    %mul3A_123 = arith.constant 625 : i32
    %mul3A_124 = arith.muli %arg1, %mul3A_123 : i32
    %mul3A_125 = arith.constant 625 : i32
    %mul3A_126 = arith.muli %arg1, %mul3A_125 : i32
    %run_scoped3A_127 = arith.constant 2 : i32
    "tpu.region"() ({
      %run_scoped3A_437 = tpu.sem_alloc : memref<!tpu.dma_semaphore, #tpu.memory_space<semaphore_mem>>
      %dma_start3A = arith.constant 0 : i32
      %dma_start3A_438 = tpu.memref_slice %arg10[%mul3A_126, %dma_start3A] : memref<10000x64xf32, #tpu.memory_space<vmem_shared>> -> memref<625x64xf32, #tpu.memory_space<vmem_shared>>
      %dma_start3A_439 = arith.constant 0 : i32
      %dma_start3A_440 = tpu.memref_slice %arg2[%arg0, %run_scoped3A_127, %mul3A_124, %dma_start3A_439] : memref<2x8x10000x64xf32, #tpu.memory_space<hbm>> -> memref<1x1x625x64xf32, #tpu.memory_space<hbm>>
      %dma_start3A_441 = tpu.memref_squeeze %dma_start3A_440 : memref<1x1x625x64xf32, #tpu.memory_space<hbm>> -> memref<625x64xf32, #tpu.memory_space<hbm>>
      tpu.enqueue_dma source(%dma_start3A_441 : memref<625x64xf32, #tpu.memory_space<hbm>>) target(%dma_start3A_438 : memref<625x64xf32, #tpu.memory_space<vmem_shared>>) target_semaphore(%run_scoped3A_437 : memref<!tpu.dma_semaphore, #tpu.memory_space<semaphore_mem>>)
      %dma_wait3A = arith.constant 0 : i32
      %dma_wait3A_442 = tpu.memref_slice %arg10[%mul3A_126, %dma_wait3A] : memref<10000x64xf32, #tpu.memory_space<vmem_shared>> -> memref<625x64xf32, #tpu.memory_space<vmem_shared>>
      %dma_wait3A_443 = arith.constant 0 : i32
      %dma_wait3A_444 = tpu.memref_slice %arg2[%arg0, %run_scoped3A_127, %mul3A_124, %dma_wait3A_443] : memref<2x8x10000x64xf32, #tpu.memory_space<hbm>> -> memref<1x1x625x64xf32, #tpu.memory_space<hbm>>
      %dma_wait3A_445 = tpu.memref_squeeze %dma_wait3A_444 : memref<1x1x625x64xf32, #tpu.memory_space<hbm>> -> memref<625x64xf32, #tpu.memory_space<hbm>>
      tpu.wait_dma2 semaphore(%run_scoped3A_437 : memref<!tpu.dma_semaphore, #tpu.memory_space<semaphore_mem>>) src(%dma_wait3A_445 : memref<625x64xf32, #tpu.memory_space<hbm>>) dst(%dma_wait3A_442 : memref<625x64xf32, #tpu.memory_space<vmem_shared>>)
      tpu.yield
    }) : () -> ()
    %barrier3A_128 = arith.constant 0 : index
    tpu.barrier barrier_id(%barrier3A_128)
    %scan3A_129 = arith.constant 0 : i32
    %scan3A_130 = arith.constant 0 : i32
    %scan3A_131 = arith.constant 157 : i32
    %scan3A_132 = arith.addi %scan3A_130, %scan3A_131 : i32
    %scan3A_133 = arith.constant 1 : i32
    scf.for %scan3A_437 = %scan3A_130 to %scan3A_132 step %scan3A_133  : i32 {
      %dma_start3A = arith.constant 0 : i32
      %dma_start3A_438 = tpu.memref_slice %arg6[%scan3A_437, %dma_start3A] : memref<157x128xi32, #tpu.memory_space<vmem>> -> memref<1x128xi32, #tpu.memory_space<vmem>>
      %dma_start3A_439 = tpu.memref_squeeze %dma_start3A_438 : memref<1x128xi32, #tpu.memory_space<vmem>> -> memref<128xi32, #tpu.memory_space<vmem>>
      %dma_start3A_440 = arith.constant 0 : i32
      %dma_start3A_441 = arith.constant 0 : i32
      %dma_start3A_442 = tpu.memref_slice %arg10[%dma_start3A_440, %dma_start3A_441] : memref<10000x64xf32, #tpu.memory_space<vmem_shared>> -> memref<10000x64xf32, #tpu.memory_space<vmem_shared>>
      tpu.enqueue_indirect_dma source(%dma_start3A_442 : memref<10000x64xf32, #tpu.memory_space<vmem_shared>>) target(%arg8 : memref<128x64xf32, #tpu.memory_space<vmem>>) offsets(%dma_start3A_439 : memref<128xi32, #tpu.memory_space<vmem>>) semaphore(%arg11 : memref<!tpu.dma_semaphore, #tpu.memory_space<semaphore_mem>>)
      %dma_wait3A = arith.constant 0 : i32
      %dma_wait3A_443 = tpu.memref_slice %arg6[%scan3A_437, %dma_wait3A] : memref<157x128xi32, #tpu.memory_space<vmem>> -> memref<1x128xi32, #tpu.memory_space<vmem>>
      %dma_wait3A_444 = tpu.memref_squeeze %dma_wait3A_443 : memref<1x128xi32, #tpu.memory_space<vmem>> -> memref<128xi32, #tpu.memory_space<vmem>>
      %dma_wait3A_445 = arith.constant 0 : i32
      %dma_wait3A_446 = arith.constant 0 : i32
      %dma_wait3A_447 = tpu.memref_slice %arg10[%dma_wait3A_445, %dma_wait3A_446] : memref<10000x64xf32, #tpu.memory_space<vmem_shared>> -> memref<10000x64xf32, #tpu.memory_space<vmem_shared>>
      tpu.wait_indirect_dma semaphore(%arg11 : memref<!tpu.dma_semaphore, #tpu.memory_space<semaphore_mem>>) src(%dma_wait3A_447 : memref<10000x64xf32, #tpu.memory_space<vmem_shared>>) dst(%arg8 : memref<128x64xf32, #tpu.memory_space<vmem>>)
      "tpu.region"() ({
        %run_scoped3A_448 = tpu.sem_alloc : memref<!tpu.dma_semaphore, #tpu.memory_space<semaphore_mem>>
        %dma_start3A_449 = arith.constant 0 : i32
        %dma_start3A_450 = tpu.memref_slice %arg7[%scan3A_437, %dma_start3A_449] : memref<157x128xi32, #tpu.memory_space<vmem>> -> memref<1x128xi32, #tpu.memory_space<vmem>>
        %dma_start3A_451 = tpu.memref_squeeze %dma_start3A_450 : memref<1x128xi32, #tpu.memory_space<vmem>> -> memref<128xi32, #tpu.memory_space<vmem>>
        %dma_start3A_452 = arith.constant 0 : i32
        %dma_start3A_453 = arith.constant 0 : i32
        %dma_start3A_454 = tpu.memref_slice %arg9[%dma_start3A_452, %dma_start3A_453] : memref<10240x64xf32, #tpu.memory_space<vmem_shared>> -> memref<10240x64xf32, #tpu.memory_space<vmem_shared>>
        tpu.enqueue_indirect_dma source(%arg8 : memref<128x64xf32, #tpu.memory_space<vmem>>) target(%dma_start3A_454 : memref<10240x64xf32, #tpu.memory_space<vmem_shared>>) offsets(%dma_start3A_451 : memref<128xi32, #tpu.memory_space<vmem>>) semaphore(%run_scoped3A_448 : memref<!tpu.dma_semaphore, #tpu.memory_space<semaphore_mem>>) {add = true}
        %dma_wait3A_455 = arith.constant 0 : i32
        %dma_wait3A_456 = tpu.memref_slice %arg7[%scan3A_437, %dma_wait3A_455] : memref<157x128xi32, #tpu.memory_space<vmem>> -> memref<1x128xi32, #tpu.memory_space<vmem>>
        %dma_wait3A_457 = tpu.memref_squeeze %dma_wait3A_456 : memref<1x128xi32, #tpu.memory_space<vmem>> -> memref<128xi32, #tpu.memory_space<vmem>>
        %dma_wait3A_458 = arith.constant 0 : i32
        %dma_wait3A_459 = arith.constant 0 : i32
        %dma_wait3A_460 = tpu.memref_slice %arg9[%dma_wait3A_458, %dma_wait3A_459] : memref<10240x64xf32, #tpu.memory_space<vmem_shared>> -> memref<10240x64xf32, #tpu.memory_space<vmem_shared>>
        tpu.wait_indirect_dma semaphore(%run_scoped3A_448 : memref<!tpu.dma_semaphore, #tpu.memory_space<semaphore_mem>>) src(%arg8 : memref<128x64xf32, #tpu.memory_space<vmem>>) dst(%dma_wait3A_460 : memref<10240x64xf32, #tpu.memory_space<vmem_shared>>)
        tpu.yield
      }) : () -> ()
    }
    %scan3A_134 = arith.constant 157 : i32
    %barrier3A_135 = arith.constant 0 : index
    tpu.barrier barrier_id(%barrier3A_135)
    %add3A_136 = arith.constant 0 : i32
    %add3A_137 = arith.addi %mul3A_0, %add3A_136 : i32
    %add3A_138 = arith.constant 0 : i32
    %add3A_139 = arith.addi %mul3A_0, %add3A_138 : i32
    %run_scoped3A_140 = arith.constant 2 : i32
    "tpu.region"() ({
      %run_scoped3A_437 = tpu.sem_alloc : memref<!tpu.dma_semaphore, #tpu.memory_space<semaphore_mem>>
      %dma_start3A = arith.constant 0 : i32
      %dma_start3A_438 = tpu.memref_slice %arg5[%arg0, %run_scoped3A_140, %add3A_139, %dma_start3A] : memref<2x8x10240x64xf32, #tpu.memory_space<hbm>> -> memref<1x1x128x64xf32, #tpu.memory_space<hbm>>
      %dma_start3A_439 = tpu.memref_squeeze %dma_start3A_438 : memref<1x1x128x64xf32, #tpu.memory_space<hbm>> -> memref<128x64xf32, #tpu.memory_space<hbm>>
      %dma_start3A_440 = arith.constant 0 : i32
      %dma_start3A_441 = tpu.memref_slice %arg9[%add3A_137, %dma_start3A_440] : memref<10240x64xf32, #tpu.memory_space<vmem_shared>> -> memref<128x64xf32, #tpu.memory_space<vmem_shared>>
      tpu.enqueue_dma source(%dma_start3A_441 : memref<128x64xf32, #tpu.memory_space<vmem_shared>>) target(%dma_start3A_439 : memref<128x64xf32, #tpu.memory_space<hbm>>) target_semaphore(%run_scoped3A_437 : memref<!tpu.dma_semaphore, #tpu.memory_space<semaphore_mem>>)
      %dma_wait3A = arith.constant 0 : i32
      %dma_wait3A_442 = tpu.memref_slice %arg5[%arg0, %run_scoped3A_140, %add3A_139, %dma_wait3A] : memref<2x8x10240x64xf32, #tpu.memory_space<hbm>> -> memref<1x1x128x64xf32, #tpu.memory_space<hbm>>
      %dma_wait3A_443 = tpu.memref_squeeze %dma_wait3A_442 : memref<1x1x128x64xf32, #tpu.memory_space<hbm>> -> memref<128x64xf32, #tpu.memory_space<hbm>>
      %dma_wait3A_444 = arith.constant 0 : i32
      %dma_wait3A_445 = tpu.memref_slice %arg9[%add3A_137, %dma_wait3A_444] : memref<10240x64xf32, #tpu.memory_space<vmem_shared>> -> memref<128x64xf32, #tpu.memory_space<vmem_shared>>
      tpu.wait_dma2 semaphore(%run_scoped3A_437 : memref<!tpu.dma_semaphore, #tpu.memory_space<semaphore_mem>>) src(%dma_wait3A_445 : memref<128x64xf32, #tpu.memory_space<vmem_shared>>) dst(%dma_wait3A_443 : memref<128x64xf32, #tpu.memory_space<hbm>>)
      tpu.yield
    }) : () -> ()
    %add3A_141 = arith.constant 128 : i32
    %add3A_142 = arith.addi %mul3A_0, %add3A_141 : i32
    %add3A_143 = arith.constant 128 : i32
    %add3A_144 = arith.addi %mul3A_0, %add3A_143 : i32
    %run_scoped3A_145 = arith.constant 2 : i32
    "tpu.region"() ({
      %run_scoped3A_437 = tpu.sem_alloc : memref<!tpu.dma_semaphore, #tpu.memory_space<semaphore_mem>>
      %dma_start3A = arith.constant 0 : i32
      %dma_start3A_438 = tpu.memref_slice %arg5[%arg0, %run_scoped3A_145, %add3A_144, %dma_start3A] : memref<2x8x10240x64xf32, #tpu.memory_space<hbm>> -> memref<1x1x128x64xf32, #tpu.memory_space<hbm>>
      %dma_start3A_439 = tpu.memref_squeeze %dma_start3A_438 : memref<1x1x128x64xf32, #tpu.memory_space<hbm>> -> memref<128x64xf32, #tpu.memory_space<hbm>>
      %dma_start3A_440 = arith.constant 0 : i32
      %dma_start3A_441 = tpu.memref_slice %arg9[%add3A_142, %dma_start3A_440] : memref<10240x64xf32, #tpu.memory_space<vmem_shared>> -> memref<128x64xf32, #tpu.memory_space<vmem_shared>>
      tpu.enqueue_dma source(%dma_start3A_441 : memref<128x64xf32, #tpu.memory_space<vmem_shared>>) target(%dma_start3A_439 : memref<128x64xf32, #tpu.memory_space<hbm>>) target_semaphore(%run_scoped3A_437 : memref<!tpu.dma_semaphore, #tpu.memory_space<semaphore_mem>>)
      %dma_wait3A = arith.constant 0 : i32
      %dma_wait3A_442 = tpu.memref_slice %arg5[%arg0, %run_scoped3A_145, %add3A_144, %dma_wait3A] : memref<2x8x10240x64xf32, #tpu.memory_space<hbm>> -> memref<1x1x128x64xf32, #tpu.memory_space<hbm>>
      %dma_wait3A_443 = tpu.memref_squeeze %dma_wait3A_442 : memref<1x1x128x64xf32, #tpu.memory_space<hbm>> -> memref<128x64xf32, #tpu.memory_space<hbm>>
      %dma_wait3A_444 = arith.constant 0 : i32
      %dma_wait3A_445 = tpu.memref_slice %arg9[%add3A_142, %dma_wait3A_444] : memref<10240x64xf32, #tpu.memory_space<vmem_shared>> -> memref<128x64xf32, #tpu.memory_space<vmem_shared>>
      tpu.wait_dma2 semaphore(%run_scoped3A_437 : memref<!tpu.dma_semaphore, #tpu.memory_space<semaphore_mem>>) src(%dma_wait3A_445 : memref<128x64xf32, #tpu.memory_space<vmem_shared>>) dst(%dma_wait3A_443 : memref<128x64xf32, #tpu.memory_space<hbm>>)
      tpu.yield
    }) : () -> ()
    %add3A_146 = arith.constant 256 : i32
    %add3A_147 = arith.addi %mul3A_0, %add3A_146 : i32
    %add3A_148 = arith.constant 256 : i32
    %add3A_149 = arith.addi %mul3A_0, %add3A_148 : i32
    %run_scoped3A_150 = arith.constant 2 : i32
    "tpu.region"() ({
      %run_scoped3A_437 = tpu.sem_alloc : memref<!tpu.dma_semaphore, #tpu.memory_space<semaphore_mem>>
      %dma_start3A = arith.constant 0 : i32
      %dma_start3A_438 = tpu.memref_slice %arg5[%arg0, %run_scoped3A_150, %add3A_149, %dma_start3A] : memref<2x8x10240x64xf32, #tpu.memory_space<hbm>> -> memref<1x1x128x64xf32, #tpu.memory_space<hbm>>
      %dma_start3A_439 = tpu.memref_squeeze %dma_start3A_438 : memref<1x1x128x64xf32, #tpu.memory_space<hbm>> -> memref<128x64xf32, #tpu.memory_space<hbm>>
      %dma_start3A_440 = arith.constant 0 : i32
      %dma_start3A_441 = tpu.memref_slice %arg9[%add3A_147, %dma_start3A_440] : memref<10240x64xf32, #tpu.memory_space<vmem_shared>> -> memref<128x64xf32, #tpu.memory_space<vmem_shared>>
      tpu.enqueue_dma source(%dma_start3A_441 : memref<128x64xf32, #tpu.memory_space<vmem_shared>>) target(%dma_start3A_439 : memref<128x64xf32, #tpu.memory_space<hbm>>) target_semaphore(%run_scoped3A_437 : memref<!tpu.dma_semaphore, #tpu.memory_space<semaphore_mem>>)
      %dma_wait3A = arith.constant 0 : i32
      %dma_wait3A_442 = tpu.memref_slice %arg5[%arg0, %run_scoped3A_150, %add3A_149, %dma_wait3A] : memref<2x8x10240x64xf32, #tpu.memory_space<hbm>> -> memref<1x1x128x64xf32, #tpu.memory_space<hbm>>
      %dma_wait3A_443 = tpu.memref_squeeze %dma_wait3A_442 : memref<1x1x128x64xf32, #tpu.memory_space<hbm>> -> memref<128x64xf32, #tpu.memory_space<hbm>>
      %dma_wait3A_444 = arith.constant 0 : i32
      %dma_wait3A_445 = tpu.memref_slice %arg9[%add3A_147, %dma_wait3A_444] : memref<10240x64xf32, #tpu.memory_space<vmem_shared>> -> memref<128x64xf32, #tpu.memory_space<vmem_shared>>
      tpu.wait_dma2 semaphore(%run_scoped3A_437 : memref<!tpu.dma_semaphore, #tpu.memory_space<semaphore_mem>>) src(%dma_wait3A_445 : memref<128x64xf32, #tpu.memory_space<vmem_shared>>) dst(%dma_wait3A_443 : memref<128x64xf32, #tpu.memory_space<hbm>>)
      tpu.yield
    }) : () -> ()
    %add3A_151 = arith.constant 384 : i32
    %add3A_152 = arith.addi %mul3A_0, %add3A_151 : i32
    %add3A_153 = arith.constant 384 : i32
    %add3A_154 = arith.addi %mul3A_0, %add3A_153 : i32
    %run_scoped3A_155 = arith.constant 2 : i32
    "tpu.region"() ({
      %run_scoped3A_437 = tpu.sem_alloc : memref<!tpu.dma_semaphore, #tpu.memory_space<semaphore_mem>>
      %dma_start3A = arith.constant 0 : i32
      %dma_start3A_438 = tpu.memref_slice %arg5[%arg0, %run_scoped3A_155, %add3A_154, %dma_start3A] : memref<2x8x10240x64xf32, #tpu.memory_space<hbm>> -> memref<1x1x128x64xf32, #tpu.memory_space<hbm>>
      %dma_start3A_439 = tpu.memref_squeeze %dma_start3A_438 : memref<1x1x128x64xf32, #tpu.memory_space<hbm>> -> memref<128x64xf32, #tpu.memory_space<hbm>>
      %dma_start3A_440 = arith.constant 0 : i32
      %dma_start3A_441 = tpu.memref_slice %arg9[%add3A_152, %dma_start3A_440] : memref<10240x64xf32, #tpu.memory_space<vmem_shared>> -> memref<128x64xf32, #tpu.memory_space<vmem_shared>>
      tpu.enqueue_dma source(%dma_start3A_441 : memref<128x64xf32, #tpu.memory_space<vmem_shared>>) target(%dma_start3A_439 : memref<128x64xf32, #tpu.memory_space<hbm>>) target_semaphore(%run_scoped3A_437 : memref<!tpu.dma_semaphore, #tpu.memory_space<semaphore_mem>>)
      %dma_wait3A = arith.constant 0 : i32
      %dma_wait3A_442 = tpu.memref_slice %arg5[%arg0, %run_scoped3A_155, %add3A_154, %dma_wait3A] : memref<2x8x10240x64xf32, #tpu.memory_space<hbm>> -> memref<1x1x128x64xf32, #tpu.memory_space<hbm>>
      %dma_wait3A_443 = tpu.memref_squeeze %dma_wait3A_442 : memref<1x1x128x64xf32, #tpu.memory_space<hbm>> -> memref<128x64xf32, #tpu.memory_space<hbm>>
      %dma_wait3A_444 = arith.constant 0 : i32
      %dma_wait3A_445 = tpu.memref_slice %arg9[%add3A_152, %dma_wait3A_444] : memref<10240x64xf32, #tpu.memory_space<vmem_shared>> -> memref<128x64xf32, #tpu.memory_space<vmem_shared>>
      tpu.wait_dma2 semaphore(%run_scoped3A_437 : memref<!tpu.dma_semaphore, #tpu.memory_space<semaphore_mem>>) src(%dma_wait3A_445 : memref<128x64xf32, #tpu.memory_space<vmem_shared>>) dst(%dma_wait3A_443 : memref<128x64xf32, #tpu.memory_space<hbm>>)
      tpu.yield
    }) : () -> ()
    %add3A_156 = arith.constant 512 : i32
    %add3A_157 = arith.addi %mul3A_0, %add3A_156 : i32
    %add3A_158 = arith.constant 512 : i32
    %add3A_159 = arith.addi %mul3A_0, %add3A_158 : i32
    %run_scoped3A_160 = arith.constant 2 : i32
    "tpu.region"() ({
      %run_scoped3A_437 = tpu.sem_alloc : memref<!tpu.dma_semaphore, #tpu.memory_space<semaphore_mem>>
      %dma_start3A = arith.constant 0 : i32
      %dma_start3A_438 = tpu.memref_slice %arg5[%arg0, %run_scoped3A_160, %add3A_159, %dma_start3A] : memref<2x8x10240x64xf32, #tpu.memory_space<hbm>> -> memref<1x1x128x64xf32, #tpu.memory_space<hbm>>
      %dma_start3A_439 = tpu.memref_squeeze %dma_start3A_438 : memref<1x1x128x64xf32, #tpu.memory_space<hbm>> -> memref<128x64xf32, #tpu.memory_space<hbm>>
      %dma_start3A_440 = arith.constant 0 : i32
      %dma_start3A_441 = tpu.memref_slice %arg9[%add3A_157, %dma_start3A_440] : memref<10240x64xf32, #tpu.memory_space<vmem_shared>> -> memref<128x64xf32, #tpu.memory_space<vmem_shared>>
      tpu.enqueue_dma source(%dma_start3A_441 : memref<128x64xf32, #tpu.memory_space<vmem_shared>>) target(%dma_start3A_439 : memref<128x64xf32, #tpu.memory_space<hbm>>) target_semaphore(%run_scoped3A_437 : memref<!tpu.dma_semaphore, #tpu.memory_space<semaphore_mem>>)
      %dma_wait3A = arith.constant 0 : i32
      %dma_wait3A_442 = tpu.memref_slice %arg5[%arg0, %run_scoped3A_160, %add3A_159, %dma_wait3A] : memref<2x8x10240x64xf32, #tpu.memory_space<hbm>> -> memref<1x1x128x64xf32, #tpu.memory_space<hbm>>
      %dma_wait3A_443 = tpu.memref_squeeze %dma_wait3A_442 : memref<1x1x128x64xf32, #tpu.memory_space<hbm>> -> memref<128x64xf32, #tpu.memory_space<hbm>>
      %dma_wait3A_444 = arith.constant 0 : i32
      %dma_wait3A_445 = tpu.memref_slice %arg9[%add3A_157, %dma_wait3A_444] : memref<10240x64xf32, #tpu.memory_space<vmem_shared>> -> memref<128x64xf32, #tpu.memory_space<vmem_shared>>
      tpu.wait_dma2 semaphore(%run_scoped3A_437 : memref<!tpu.dma_semaphore, #tpu.memory_space<semaphore_mem>>) src(%dma_wait3A_445 : memref<128x64xf32, #tpu.memory_space<vmem_shared>>) dst(%dma_wait3A_443 : memref<128x64xf32, #tpu.memory_space<hbm>>)
      tpu.yield
    }) : () -> ()
    %barrier3A_161 = arith.constant 0 : index
    tpu.barrier barrier_id(%barrier3A_161)
    %scan3A_162 = arith.constant 0 : i32
    %scan3A_163 = arith.constant 0 : i32
    %scan3A_164 = arith.constant 512 : i32
    %scan3A_165 = arith.addi %scan3A_163, %scan3A_164 : i32
    %scan3A_166 = arith.constant 1 : i32
    scf.for %scan3A_437 = %scan3A_163 to %scan3A_165 step %scan3A_166  : i32 {
      %jit3A = arith.constant 4 : i32
      %div3A = arith.divsi %scan3A_437, %jit3A : i32
      %sign3A = arith.constant 0 : i32
      %sign3A_438 = arith.cmpi sgt, %scan3A_437, %sign3A : i32
      %sign3A_439 = arith.extui %sign3A_438 : i1 to i32
      %sign3A_440 = arith.constant 0 : i32
      %sign3A_441 = arith.cmpi slt, %scan3A_437, %sign3A_440 : i32
      %sign3A_442 = arith.extui %sign3A_441 : i1 to i32
      %sign3A_443 = arith.subi %sign3A_439, %sign3A_442 : i32
      %sign3A_444 = arith.constant 0 : i32
      %sign3A_445 = arith.cmpi sgt, %jit3A, %sign3A_444 : i32
      %sign3A_446 = arith.extui %sign3A_445 : i1 to i32
      %sign3A_447 = arith.constant 0 : i32
      %sign3A_448 = arith.cmpi slt, %jit3A, %sign3A_447 : i32
      %sign3A_449 = arith.extui %sign3A_448 : i1 to i32
      %sign3A_450 = arith.subi %sign3A_446, %sign3A_449 : i32
      %ne3A = arith.cmpi ne, %sign3A_443, %sign3A_450 : i32
      %rem3A = arith.remsi %scan3A_437, %jit3A : i32
      %ne3A_451 = arith.constant 0 : i32
      %ne3A_452 = arith.cmpi ne, %rem3A, %ne3A_451 : i32
      %and3A = arith.andi %ne3A, %ne3A_452 : i1
      %sub3A = arith.constant 1 : i32
      %sub3A_453 = arith.subi %div3A, %sub3A : i32
      %select_n3A = arith.select %and3A, %sub3A_453, %div3A : i32
      %jit3A_454 = arith.constant 4 : i32
      %eq3A = arith.constant 0 : i32
      %eq3A_455 = arith.cmpi eq, %jit3A_454, %eq3A : i32
      %jit3A_456 = arith.constant 1 : i32
      %select_n3A_457 = arith.select %eq3A_455, %jit3A_456, %jit3A_454 : i32
      %rem3A_458 = arith.remsi %scan3A_437, %select_n3A_457 : i32
      %ne3A_459 = arith.constant 0 : i32
      %ne3A_460 = arith.cmpi ne, %rem3A_458, %ne3A_459 : i32
      %lt3A = arith.constant 0 : i32
      %lt3A_461 = arith.cmpi slt, %rem3A_458, %lt3A : i32
      %lt3A_462 = arith.constant 0 : i32
      %lt3A_463 = arith.cmpi slt, %select_n3A_457, %lt3A_462 : i32
      %ne3A_464 = arith.xori %lt3A_461, %lt3A_463 : i1
      %and3A_465 = arith.andi %ne3A_464, %ne3A_460 : i1
      %add3A_466 = arith.addi %rem3A_458, %select_n3A_457 : i32
      %select_n3A_467 = arith.select %and3A_465, %add3A_466, %rem3A_458 : i32
      %broadcast_in_dim3A = arith.constant 0.000000e+00 : f32
      %broadcast_in_dim3A_468 = vector.broadcast %broadcast_in_dim3A : f32 to vector<16xf32>
      %mul3A_469 = arith.constant 16 : i32
      %mul3A_470 = arith.muli %select_n3A_467, %mul3A_469 : i32
      %swap3A = arith.index_cast %select_n3A : i32 to index
      %swap3A_471 = arith.index_cast %mul3A_470 : i32 to index
      %swap3A_472 = tpu.vector_load %arg8[%swap3A, %swap3A_471] {strides = array<i32>} : memref<128x64xf32, #tpu.memory_space<vmem>>, vector<16xf32>,
      tpu.vector_store %arg8[%swap3A, %swap3A_471], %broadcast_in_dim3A_468 {strides = array<i32>} : memref<128x64xf32, #tpu.memory_space<vmem>>, vector<16xf32>,
    }
    %scan3A_167 = arith.constant 512 : i32
    %add3A_168 = arith.constant 0 : i32
    %add3A_169 = arith.addi %mul3A_0, %add3A_168 : i32
    "tpu.region"() ({
      %run_scoped3A_437 = tpu.sem_alloc : memref<!tpu.dma_semaphore, #tpu.memory_space<semaphore_mem>>
      %dma_start3A = arith.constant 0 : i32
      %dma_start3A_438 = tpu.memref_slice %arg9[%add3A_169, %dma_start3A] : memref<10240x64xf32, #tpu.memory_space<vmem_shared>> -> memref<128x64xf32, #tpu.memory_space<vmem_shared>>
      %dma_start3A_439 = arith.constant 0 : i32
      %dma_start3A_440 = tpu.memref_slice %arg9[%add3A_169, %dma_start3A_439] : memref<10240x64xf32, #tpu.memory_space<vmem_shared>> -> memref<128x64xf32, #tpu.memory_space<vmem_shared>>
      tpu.enqueue_dma source(%arg8 : memref<128x64xf32, #tpu.memory_space<vmem>>) target(%dma_start3A_440 : memref<128x64xf32, #tpu.memory_space<vmem_shared>>) target_semaphore(%run_scoped3A_437 : memref<!tpu.dma_semaphore, #tpu.memory_space<semaphore_mem>>)
      %dma_wait3A = arith.constant 0 : i32
      %dma_wait3A_441 = tpu.memref_slice %arg9[%add3A_169, %dma_wait3A] : memref<10240x64xf32, #tpu.memory_space<vmem_shared>> -> memref<128x64xf32, #tpu.memory_space<vmem_shared>>
      %dma_wait3A_442 = arith.constant 0 : i32
      %dma_wait3A_443 = tpu.memref_slice %arg9[%add3A_169, %dma_wait3A_442] : memref<10240x64xf32, #tpu.memory_space<vmem_shared>> -> memref<128x64xf32, #tpu.memory_space<vmem_shared>>
      tpu.wait_dma2 semaphore(%run_scoped3A_437 : memref<!tpu.dma_semaphore, #tpu.memory_space<semaphore_mem>>) src(%arg8 : memref<128x64xf32, #tpu.memory_space<vmem>>) dst(%dma_wait3A_443 : memref<128x64xf32, #tpu.memory_space<vmem_shared>>)
      tpu.yield
    }) : () -> ()
    %add3A_170 = arith.constant 128 : i32
    %add3A_171 = arith.addi %mul3A_0, %add3A_170 : i32
    "tpu.region"() ({
      %run_scoped3A_437 = tpu.sem_alloc : memref<!tpu.dma_semaphore, #tpu.memory_space<semaphore_mem>>
      %dma_start3A = arith.constant 0 : i32
      %dma_start3A_438 = tpu.memref_slice %arg9[%add3A_171, %dma_start3A] : memref<10240x64xf32, #tpu.memory_space<vmem_shared>> -> memref<128x64xf32, #tpu.memory_space<vmem_shared>>
      %dma_start3A_439 = arith.constant 0 : i32
      %dma_start3A_440 = tpu.memref_slice %arg9[%add3A_171, %dma_start3A_439] : memref<10240x64xf32, #tpu.memory_space<vmem_shared>> -> memref<128x64xf32, #tpu.memory_space<vmem_shared>>
      tpu.enqueue_dma source(%arg8 : memref<128x64xf32, #tpu.memory_space<vmem>>) target(%dma_start3A_440 : memref<128x64xf32, #tpu.memory_space<vmem_shared>>) target_semaphore(%run_scoped3A_437 : memref<!tpu.dma_semaphore, #tpu.memory_space<semaphore_mem>>)
      %dma_wait3A = arith.constant 0 : i32
      %dma_wait3A_441 = tpu.memref_slice %arg9[%add3A_171, %dma_wait3A] : memref<10240x64xf32, #tpu.memory_space<vmem_shared>> -> memref<128x64xf32, #tpu.memory_space<vmem_shared>>
      %dma_wait3A_442 = arith.constant 0 : i32
      %dma_wait3A_443 = tpu.memref_slice %arg9[%add3A_171, %dma_wait3A_442] : memref<10240x64xf32, #tpu.memory_space<vmem_shared>> -> memref<128x64xf32, #tpu.memory_space<vmem_shared>>
      tpu.wait_dma2 semaphore(%run_scoped3A_437 : memref<!tpu.dma_semaphore, #tpu.memory_space<semaphore_mem>>) src(%arg8 : memref<128x64xf32, #tpu.memory_space<vmem>>) dst(%dma_wait3A_443 : memref<128x64xf32, #tpu.memory_space<vmem_shared>>)
      tpu.yield
    }) : () -> ()
    %add3A_172 = arith.constant 256 : i32
    %add3A_173 = arith.addi %mul3A_0, %add3A_172 : i32
    "tpu.region"() ({
      %run_scoped3A_437 = tpu.sem_alloc : memref<!tpu.dma_semaphore, #tpu.memory_space<semaphore_mem>>
      %dma_start3A = arith.constant 0 : i32
      %dma_start3A_438 = tpu.memref_slice %arg9[%add3A_173, %dma_start3A] : memref<10240x64xf32, #tpu.memory_space<vmem_shared>> -> memref<128x64xf32, #tpu.memory_space<vmem_shared>>
      %dma_start3A_439 = arith.constant 0 : i32
      %dma_start3A_440 = tpu.memref_slice %arg9[%add3A_173, %dma_start3A_439] : memref<10240x64xf32, #tpu.memory_space<vmem_shared>> -> memref<128x64xf32, #tpu.memory_space<vmem_shared>>
      tpu.enqueue_dma source(%arg8 : memref<128x64xf32, #tpu.memory_space<vmem>>) target(%dma_start3A_440 : memref<128x64xf32, #tpu.memory_space<vmem_shared>>) target_semaphore(%run_scoped3A_437 : memref<!tpu.dma_semaphore, #tpu.memory_space<semaphore_mem>>)
      %dma_wait3A = arith.constant 0 : i32
      %dma_wait3A_441 = tpu.memref_slice %arg9[%add3A_173, %dma_wait3A] : memref<10240x64xf32, #tpu.memory_space<vmem_shared>> -> memref<128x64xf32, #tpu.memory_space<vmem_shared>>
      %dma_wait3A_442 = arith.constant 0 : i32
      %dma_wait3A_443 = tpu.memref_slice %arg9[%add3A_173, %dma_wait3A_442] : memref<10240x64xf32, #tpu.memory_space<vmem_shared>> -> memref<128x64xf32, #tpu.memory_space<vmem_shared>>
      tpu.wait_dma2 semaphore(%run_scoped3A_437 : memref<!tpu.dma_semaphore, #tpu.memory_space<semaphore_mem>>) src(%arg8 : memref<128x64xf32, #tpu.memory_space<vmem>>) dst(%dma_wait3A_443 : memref<128x64xf32, #tpu.memory_space<vmem_shared>>)
      tpu.yield
    }) : () -> ()
    %add3A_174 = arith.constant 384 : i32
    %add3A_175 = arith.addi %mul3A_0, %add3A_174 : i32
    "tpu.region"() ({
      %run_scoped3A_437 = tpu.sem_alloc : memref<!tpu.dma_semaphore, #tpu.memory_space<semaphore_mem>>
      %dma_start3A = arith.constant 0 : i32
      %dma_start3A_438 = tpu.memref_slice %arg9[%add3A_175, %dma_start3A] : memref<10240x64xf32, #tpu.memory_space<vmem_shared>> -> memref<128x64xf32, #tpu.memory_space<vmem_shared>>
      %dma_start3A_439 = arith.constant 0 : i32
      %dma_start3A_440 = tpu.memref_slice %arg9[%add3A_175, %dma_start3A_439] : memref<10240x64xf32, #tpu.memory_space<vmem_shared>> -> memref<128x64xf32, #tpu.memory_space<vmem_shared>>
      tpu.enqueue_dma source(%arg8 : memref<128x64xf32, #tpu.memory_space<vmem>>) target(%dma_start3A_440 : memref<128x64xf32, #tpu.memory_space<vmem_shared>>) target_semaphore(%run_scoped3A_437 : memref<!tpu.dma_semaphore, #tpu.memory_space<semaphore_mem>>)
      %dma_wait3A = arith.constant 0 : i32
      %dma_wait3A_441 = tpu.memref_slice %arg9[%add3A_175, %dma_wait3A] : memref<10240x64xf32, #tpu.memory_space<vmem_shared>> -> memref<128x64xf32, #tpu.memory_space<vmem_shared>>
      %dma_wait3A_442 = arith.constant 0 : i32
      %dma_wait3A_443 = tpu.memref_slice %arg9[%add3A_175, %dma_wait3A_442] : memref<10240x64xf32, #tpu.memory_space<vmem_shared>> -> memref<128x64xf32, #tpu.memory_space<vmem_shared>>
      tpu.wait_dma2 semaphore(%run_scoped3A_437 : memref<!tpu.dma_semaphore, #tpu.memory_space<semaphore_mem>>) src(%arg8 : memref<128x64xf32, #tpu.memory_space<vmem>>) dst(%dma_wait3A_443 : memref<128x64xf32, #tpu.memory_space<vmem_shared>>)
      tpu.yield
    }) : () -> ()
    %add3A_176 = arith.constant 512 : i32
    %add3A_177 = arith.addi %mul3A_0, %add3A_176 : i32
    "tpu.region"() ({
      %run_scoped3A_437 = tpu.sem_alloc : memref<!tpu.dma_semaphore, #tpu.memory_space<semaphore_mem>>
      %dma_start3A = arith.constant 0 : i32
      %dma_start3A_438 = tpu.memref_slice %arg9[%add3A_177, %dma_start3A] : memref<10240x64xf32, #tpu.memory_space<vmem_shared>> -> memref<128x64xf32, #tpu.memory_space<vmem_shared>>
      %dma_start3A_439 = arith.constant 0 : i32
      %dma_start3A_440 = tpu.memref_slice %arg9[%add3A_177, %dma_start3A_439] : memref<10240x64xf32, #tpu.memory_space<vmem_shared>> -> memref<128x64xf32, #tpu.memory_space<vmem_shared>>
      tpu.enqueue_dma source(%arg8 : memref<128x64xf32, #tpu.memory_space<vmem>>) target(%dma_start3A_440 : memref<128x64xf32, #tpu.memory_space<vmem_shared>>) target_semaphore(%run_scoped3A_437 : memref<!tpu.dma_semaphore, #tpu.memory_space<semaphore_mem>>)
      %dma_wait3A = arith.constant 0 : i32
      %dma_wait3A_441 = tpu.memref_slice %arg9[%add3A_177, %dma_wait3A] : memref<10240x64xf32, #tpu.memory_space<vmem_shared>> -> memref<128x64xf32, #tpu.memory_space<vmem_shared>>
      %dma_wait3A_442 = arith.constant 0 : i32
      %dma_wait3A_443 = tpu.memref_slice %arg9[%add3A_177, %dma_wait3A_442] : memref<10240x64xf32, #tpu.memory_space<vmem_shared>> -> memref<128x64xf32, #tpu.memory_space<vmem_shared>>
      tpu.wait_dma2 semaphore(%run_scoped3A_437 : memref<!tpu.dma_semaphore, #tpu.memory_space<semaphore_mem>>) src(%arg8 : memref<128x64xf32, #tpu.memory_space<vmem>>) dst(%dma_wait3A_443 : memref<128x64xf32, #tpu.memory_space<vmem_shared>>)
      tpu.yield
    }) : () -> ()
    %mul3A_178 = arith.constant 625 : i32
    %mul3A_179 = arith.muli %arg1, %mul3A_178 : i32
    %mul3A_180 = arith.constant 625 : i32
    %mul3A_181 = arith.muli %arg1, %mul3A_180 : i32
    %run_scoped3A_182 = arith.constant 3 : i32
    "tpu.region"() ({
      %run_scoped3A_437 = tpu.sem_alloc : memref<!tpu.dma_semaphore, #tpu.memory_space<semaphore_mem>>
      %dma_start3A = arith.constant 0 : i32
      %dma_start3A_438 = tpu.memref_slice %arg10[%mul3A_181, %dma_start3A] : memref<10000x64xf32, #tpu.memory_space<vmem_shared>> -> memref<625x64xf32, #tpu.memory_space<vmem_shared>>
      %dma_start3A_439 = arith.constant 0 : i32
      %dma_start3A_440 = tpu.memref_slice %arg2[%arg0, %run_scoped3A_182, %mul3A_179, %dma_start3A_439] : memref<2x8x10000x64xf32, #tpu.memory_space<hbm>> -> memref<1x1x625x64xf32, #tpu.memory_space<hbm>>
      %dma_start3A_441 = tpu.memref_squeeze %dma_start3A_440 : memref<1x1x625x64xf32, #tpu.memory_space<hbm>> -> memref<625x64xf32, #tpu.memory_space<hbm>>
      tpu.enqueue_dma source(%dma_start3A_441 : memref<625x64xf32, #tpu.memory_space<hbm>>) target(%dma_start3A_438 : memref<625x64xf32, #tpu.memory_space<vmem_shared>>) target_semaphore(%run_scoped3A_437 : memref<!tpu.dma_semaphore, #tpu.memory_space<semaphore_mem>>)
      %dma_wait3A = arith.constant 0 : i32
      %dma_wait3A_442 = tpu.memref_slice %arg10[%mul3A_181, %dma_wait3A] : memref<10000x64xf32, #tpu.memory_space<vmem_shared>> -> memref<625x64xf32, #tpu.memory_space<vmem_shared>>
      %dma_wait3A_443 = arith.constant 0 : i32
      %dma_wait3A_444 = tpu.memref_slice %arg2[%arg0, %run_scoped3A_182, %mul3A_179, %dma_wait3A_443] : memref<2x8x10000x64xf32, #tpu.memory_space<hbm>> -> memref<1x1x625x64xf32, #tpu.memory_space<hbm>>
      %dma_wait3A_445 = tpu.memref_squeeze %dma_wait3A_444 : memref<1x1x625x64xf32, #tpu.memory_space<hbm>> -> memref<625x64xf32, #tpu.memory_space<hbm>>
      tpu.wait_dma2 semaphore(%run_scoped3A_437 : memref<!tpu.dma_semaphore, #tpu.memory_space<semaphore_mem>>) src(%dma_wait3A_445 : memref<625x64xf32, #tpu.memory_space<hbm>>) dst(%dma_wait3A_442 : memref<625x64xf32, #tpu.memory_space<vmem_shared>>)
      tpu.yield
    }) : () -> ()
    %barrier3A_183 = arith.constant 0 : index
    tpu.barrier barrier_id(%barrier3A_183)
    %scan3A_184 = arith.constant 0 : i32
    %scan3A_185 = arith.constant 0 : i32
    %scan3A_186 = arith.constant 157 : i32
    %scan3A_187 = arith.addi %scan3A_185, %scan3A_186 : i32
    %scan3A_188 = arith.constant 1 : i32
    scf.for %scan3A_437 = %scan3A_185 to %scan3A_187 step %scan3A_188  : i32 {
      %dma_start3A = arith.constant 0 : i32
      %dma_start3A_438 = tpu.memref_slice %arg6[%scan3A_437, %dma_start3A] : memref<157x128xi32, #tpu.memory_space<vmem>> -> memref<1x128xi32, #tpu.memory_space<vmem>>
      %dma_start3A_439 = tpu.memref_squeeze %dma_start3A_438 : memref<1x128xi32, #tpu.memory_space<vmem>> -> memref<128xi32, #tpu.memory_space<vmem>>
      %dma_start3A_440 = arith.constant 0 : i32
      %dma_start3A_441 = arith.constant 0 : i32
      %dma_start3A_442 = tpu.memref_slice %arg10[%dma_start3A_440, %dma_start3A_441] : memref<10000x64xf32, #tpu.memory_space<vmem_shared>> -> memref<10000x64xf32, #tpu.memory_space<vmem_shared>>
      tpu.enqueue_indirect_dma source(%dma_start3A_442 : memref<10000x64xf32, #tpu.memory_space<vmem_shared>>) target(%arg8 : memref<128x64xf32, #tpu.memory_space<vmem>>) offsets(%dma_start3A_439 : memref<128xi32, #tpu.memory_space<vmem>>) semaphore(%arg11 : memref<!tpu.dma_semaphore, #tpu.memory_space<semaphore_mem>>)
      %dma_wait3A = arith.constant 0 : i32
      %dma_wait3A_443 = tpu.memref_slice %arg6[%scan3A_437, %dma_wait3A] : memref<157x128xi32, #tpu.memory_space<vmem>> -> memref<1x128xi32, #tpu.memory_space<vmem>>
      %dma_wait3A_444 = tpu.memref_squeeze %dma_wait3A_443 : memref<1x128xi32, #tpu.memory_space<vmem>> -> memref<128xi32, #tpu.memory_space<vmem>>
      %dma_wait3A_445 = arith.constant 0 : i32
      %dma_wait3A_446 = arith.constant 0 : i32
      %dma_wait3A_447 = tpu.memref_slice %arg10[%dma_wait3A_445, %dma_wait3A_446] : memref<10000x64xf32, #tpu.memory_space<vmem_shared>> -> memref<10000x64xf32, #tpu.memory_space<vmem_shared>>
      tpu.wait_indirect_dma semaphore(%arg11 : memref<!tpu.dma_semaphore, #tpu.memory_space<semaphore_mem>>) src(%dma_wait3A_447 : memref<10000x64xf32, #tpu.memory_space<vmem_shared>>) dst(%arg8 : memref<128x64xf32, #tpu.memory_space<vmem>>)
      "tpu.region"() ({
        %run_scoped3A_448 = tpu.sem_alloc : memref<!tpu.dma_semaphore, #tpu.memory_space<semaphore_mem>>
        %dma_start3A_449 = arith.constant 0 : i32
        %dma_start3A_450 = tpu.memref_slice %arg7[%scan3A_437, %dma_start3A_449] : memref<157x128xi32, #tpu.memory_space<vmem>> -> memref<1x128xi32, #tpu.memory_space<vmem>>
        %dma_start3A_451 = tpu.memref_squeeze %dma_start3A_450 : memref<1x128xi32, #tpu.memory_space<vmem>> -> memref<128xi32, #tpu.memory_space<vmem>>
        %dma_start3A_452 = arith.constant 0 : i32
        %dma_start3A_453 = arith.constant 0 : i32
        %dma_start3A_454 = tpu.memref_slice %arg9[%dma_start3A_452, %dma_start3A_453] : memref<10240x64xf32, #tpu.memory_space<vmem_shared>> -> memref<10240x64xf32, #tpu.memory_space<vmem_shared>>
        tpu.enqueue_indirect_dma source(%arg8 : memref<128x64xf32, #tpu.memory_space<vmem>>) target(%dma_start3A_454 : memref<10240x64xf32, #tpu.memory_space<vmem_shared>>) offsets(%dma_start3A_451 : memref<128xi32, #tpu.memory_space<vmem>>) semaphore(%run_scoped3A_448 : memref<!tpu.dma_semaphore, #tpu.memory_space<semaphore_mem>>) {add = true}
        %dma_wait3A_455 = arith.constant 0 : i32
        %dma_wait3A_456 = tpu.memref_slice %arg7[%scan3A_437, %dma_wait3A_455] : memref<157x128xi32, #tpu.memory_space<vmem>> -> memref<1x128xi32, #tpu.memory_space<vmem>>
        %dma_wait3A_457 = tpu.memref_squeeze %dma_wait3A_456 : memref<1x128xi32, #tpu.memory_space<vmem>> -> memref<128xi32, #tpu.memory_space<vmem>>
        %dma_wait3A_458 = arith.constant 0 : i32
        %dma_wait3A_459 = arith.constant 0 : i32
        %dma_wait3A_460 = tpu.memref_slice %arg9[%dma_wait3A_458, %dma_wait3A_459] : memref<10240x64xf32, #tpu.memory_space<vmem_shared>> -> memref<10240x64xf32, #tpu.memory_space<vmem_shared>>
        tpu.wait_indirect_dma semaphore(%run_scoped3A_448 : memref<!tpu.dma_semaphore, #tpu.memory_space<semaphore_mem>>) src(%arg8 : memref<128x64xf32, #tpu.memory_space<vmem>>) dst(%dma_wait3A_460 : memref<10240x64xf32, #tpu.memory_space<vmem_shared>>)
        tpu.yield
      }) : () -> ()
    }
    %scan3A_189 = arith.constant 157 : i32
    %barrier3A_190 = arith.constant 0 : index
    tpu.barrier barrier_id(%barrier3A_190)
    %add3A_191 = arith.constant 0 : i32
    %add3A_192 = arith.addi %mul3A_0, %add3A_191 : i32
    %add3A_193 = arith.constant 0 : i32
    %add3A_194 = arith.addi %mul3A_0, %add3A_193 : i32
    %run_scoped3A_195 = arith.constant 3 : i32
    "tpu.region"() ({
      %run_scoped3A_437 = tpu.sem_alloc : memref<!tpu.dma_semaphore, #tpu.memory_space<semaphore_mem>>
      %dma_start3A = arith.constant 0 : i32
      %dma_start3A_438 = tpu.memref_slice %arg5[%arg0, %run_scoped3A_195, %add3A_194, %dma_start3A] : memref<2x8x10240x64xf32, #tpu.memory_space<hbm>> -> memref<1x1x128x64xf32, #tpu.memory_space<hbm>>
      %dma_start3A_439 = tpu.memref_squeeze %dma_start3A_438 : memref<1x1x128x64xf32, #tpu.memory_space<hbm>> -> memref<128x64xf32, #tpu.memory_space<hbm>>
      %dma_start3A_440 = arith.constant 0 : i32
      %dma_start3A_441 = tpu.memref_slice %arg9[%add3A_192, %dma_start3A_440] : memref<10240x64xf32, #tpu.memory_space<vmem_shared>> -> memref<128x64xf32, #tpu.memory_space<vmem_shared>>
      tpu.enqueue_dma source(%dma_start3A_441 : memref<128x64xf32, #tpu.memory_space<vmem_shared>>) target(%dma_start3A_439 : memref<128x64xf32, #tpu.memory_space<hbm>>) target_semaphore(%run_scoped3A_437 : memref<!tpu.dma_semaphore, #tpu.memory_space<semaphore_mem>>)
      %dma_wait3A = arith.constant 0 : i32
      %dma_wait3A_442 = tpu.memref_slice %arg5[%arg0, %run_scoped3A_195, %add3A_194, %dma_wait3A] : memref<2x8x10240x64xf32, #tpu.memory_space<hbm>> -> memref<1x1x128x64xf32, #tpu.memory_space<hbm>>
      %dma_wait3A_443 = tpu.memref_squeeze %dma_wait3A_442 : memref<1x1x128x64xf32, #tpu.memory_space<hbm>> -> memref<128x64xf32, #tpu.memory_space<hbm>>
      %dma_wait3A_444 = arith.constant 0 : i32
      %dma_wait3A_445 = tpu.memref_slice %arg9[%add3A_192, %dma_wait3A_444] : memref<10240x64xf32, #tpu.memory_space<vmem_shared>> -> memref<128x64xf32, #tpu.memory_space<vmem_shared>>
      tpu.wait_dma2 semaphore(%run_scoped3A_437 : memref<!tpu.dma_semaphore, #tpu.memory_space<semaphore_mem>>) src(%dma_wait3A_445 : memref<128x64xf32, #tpu.memory_space<vmem_shared>>) dst(%dma_wait3A_443 : memref<128x64xf32, #tpu.memory_space<hbm>>)
      tpu.yield
    }) : () -> ()
    %add3A_196 = arith.constant 128 : i32
    %add3A_197 = arith.addi %mul3A_0, %add3A_196 : i32
    %add3A_198 = arith.constant 128 : i32
    %add3A_199 = arith.addi %mul3A_0, %add3A_198 : i32
    %run_scoped3A_200 = arith.constant 3 : i32
    "tpu.region"() ({
      %run_scoped3A_437 = tpu.sem_alloc : memref<!tpu.dma_semaphore, #tpu.memory_space<semaphore_mem>>
      %dma_start3A = arith.constant 0 : i32
      %dma_start3A_438 = tpu.memref_slice %arg5[%arg0, %run_scoped3A_200, %add3A_199, %dma_start3A] : memref<2x8x10240x64xf32, #tpu.memory_space<hbm>> -> memref<1x1x128x64xf32, #tpu.memory_space<hbm>>
      %dma_start3A_439 = tpu.memref_squeeze %dma_start3A_438 : memref<1x1x128x64xf32, #tpu.memory_space<hbm>> -> memref<128x64xf32, #tpu.memory_space<hbm>>
      %dma_start3A_440 = arith.constant 0 : i32
      %dma_start3A_441 = tpu.memref_slice %arg9[%add3A_197, %dma_start3A_440] : memref<10240x64xf32, #tpu.memory_space<vmem_shared>> -> memref<128x64xf32, #tpu.memory_space<vmem_shared>>
      tpu.enqueue_dma source(%dma_start3A_441 : memref<128x64xf32, #tpu.memory_space<vmem_shared>>) target(%dma_start3A_439 : memref<128x64xf32, #tpu.memory_space<hbm>>) target_semaphore(%run_scoped3A_437 : memref<!tpu.dma_semaphore, #tpu.memory_space<semaphore_mem>>)
      %dma_wait3A = arith.constant 0 : i32
      %dma_wait3A_442 = tpu.memref_slice %arg5[%arg0, %run_scoped3A_200, %add3A_199, %dma_wait3A] : memref<2x8x10240x64xf32, #tpu.memory_space<hbm>> -> memref<1x1x128x64xf32, #tpu.memory_space<hbm>>
      %dma_wait3A_443 = tpu.memref_squeeze %dma_wait3A_442 : memref<1x1x128x64xf32, #tpu.memory_space<hbm>> -> memref<128x64xf32, #tpu.memory_space<hbm>>
      %dma_wait3A_444 = arith.constant 0 : i32
      %dma_wait3A_445 = tpu.memref_slice %arg9[%add3A_197, %dma_wait3A_444] : memref<10240x64xf32, #tpu.memory_space<vmem_shared>> -> memref<128x64xf32, #tpu.memory_space<vmem_shared>>
      tpu.wait_dma2 semaphore(%run_scoped3A_437 : memref<!tpu.dma_semaphore, #tpu.memory_space<semaphore_mem>>) src(%dma_wait3A_445 : memref<128x64xf32, #tpu.memory_space<vmem_shared>>) dst(%dma_wait3A_443 : memref<128x64xf32, #tpu.memory_space<hbm>>)
      tpu.yield
    }) : () -> ()
    %add3A_201 = arith.constant 256 : i32
    %add3A_202 = arith.addi %mul3A_0, %add3A_201 : i32
    %add3A_203 = arith.constant 256 : i32
    %add3A_204 = arith.addi %mul3A_0, %add3A_203 : i32
    %run_scoped3A_205 = arith.constant 3 : i32
    "tpu.region"() ({
      %run_scoped3A_437 = tpu.sem_alloc : memref<!tpu.dma_semaphore, #tpu.memory_space<semaphore_mem>>
      %dma_start3A = arith.constant 0 : i32
      %dma_start3A_438 = tpu.memref_slice %arg5[%arg0, %run_scoped3A_205, %add3A_204, %dma_start3A] : memref<2x8x10240x64xf32, #tpu.memory_space<hbm>> -> memref<1x1x128x64xf32, #tpu.memory_space<hbm>>
      %dma_start3A_439 = tpu.memref_squeeze %dma_start3A_438 : memref<1x1x128x64xf32, #tpu.memory_space<hbm>> -> memref<128x64xf32, #tpu.memory_space<hbm>>
      %dma_start3A_440 = arith.constant 0 : i32
      %dma_start3A_441 = tpu.memref_slice %arg9[%add3A_202, %dma_start3A_440] : memref<10240x64xf32, #tpu.memory_space<vmem_shared>> -> memref<128x64xf32, #tpu.memory_space<vmem_shared>>
      tpu.enqueue_dma source(%dma_start3A_441 : memref<128x64xf32, #tpu.memory_space<vmem_shared>>) target(%dma_start3A_439 : memref<128x64xf32, #tpu.memory_space<hbm>>) target_semaphore(%run_scoped3A_437 : memref<!tpu.dma_semaphore, #tpu.memory_space<semaphore_mem>>)
      %dma_wait3A = arith.constant 0 : i32
      %dma_wait3A_442 = tpu.memref_slice %arg5[%arg0, %run_scoped3A_205, %add3A_204, %dma_wait3A] : memref<2x8x10240x64xf32, #tpu.memory_space<hbm>> -> memref<1x1x128x64xf32, #tpu.memory_space<hbm>>
      %dma_wait3A_443 = tpu.memref_squeeze %dma_wait3A_442 : memref<1x1x128x64xf32, #tpu.memory_space<hbm>> -> memref<128x64xf32, #tpu.memory_space<hbm>>
      %dma_wait3A_444 = arith.constant 0 : i32
      %dma_wait3A_445 = tpu.memref_slice %arg9[%add3A_202, %dma_wait3A_444] : memref<10240x64xf32, #tpu.memory_space<vmem_shared>> -> memref<128x64xf32, #tpu.memory_space<vmem_shared>>
      tpu.wait_dma2 semaphore(%run_scoped3A_437 : memref<!tpu.dma_semaphore, #tpu.memory_space<semaphore_mem>>) src(%dma_wait3A_445 : memref<128x64xf32, #tpu.memory_space<vmem_shared>>) dst(%dma_wait3A_443 : memref<128x64xf32, #tpu.memory_space<hbm>>)
      tpu.yield
    }) : () -> ()
    %add3A_206 = arith.constant 384 : i32
    %add3A_207 = arith.addi %mul3A_0, %add3A_206 : i32
    %add3A_208 = arith.constant 384 : i32
    %add3A_209 = arith.addi %mul3A_0, %add3A_208 : i32
    %run_scoped3A_210 = arith.constant 3 : i32
    "tpu.region"() ({
      %run_scoped3A_437 = tpu.sem_alloc : memref<!tpu.dma_semaphore, #tpu.memory_space<semaphore_mem>>
      %dma_start3A = arith.constant 0 : i32
      %dma_start3A_438 = tpu.memref_slice %arg5[%arg0, %run_scoped3A_210, %add3A_209, %dma_start3A] : memref<2x8x10240x64xf32, #tpu.memory_space<hbm>> -> memref<1x1x128x64xf32, #tpu.memory_space<hbm>>
      %dma_start3A_439 = tpu.memref_squeeze %dma_start3A_438 : memref<1x1x128x64xf32, #tpu.memory_space<hbm>> -> memref<128x64xf32, #tpu.memory_space<hbm>>
      %dma_start3A_440 = arith.constant 0 : i32
      %dma_start3A_441 = tpu.memref_slice %arg9[%add3A_207, %dma_start3A_440] : memref<10240x64xf32, #tpu.memory_space<vmem_shared>> -> memref<128x64xf32, #tpu.memory_space<vmem_shared>>
      tpu.enqueue_dma source(%dma_start3A_441 : memref<128x64xf32, #tpu.memory_space<vmem_shared>>) target(%dma_start3A_439 : memref<128x64xf32, #tpu.memory_space<hbm>>) target_semaphore(%run_scoped3A_437 : memref<!tpu.dma_semaphore, #tpu.memory_space<semaphore_mem>>)
      %dma_wait3A = arith.constant 0 : i32
      %dma_wait3A_442 = tpu.memref_slice %arg5[%arg0, %run_scoped3A_210, %add3A_209, %dma_wait3A] : memref<2x8x10240x64xf32, #tpu.memory_space<hbm>> -> memref<1x1x128x64xf32, #tpu.memory_space<hbm>>
      %dma_wait3A_443 = tpu.memref_squeeze %dma_wait3A_442 : memref<1x1x128x64xf32, #tpu.memory_space<hbm>> -> memref<128x64xf32, #tpu.memory_space<hbm>>
      %dma_wait3A_444 = arith.constant 0 : i32
      %dma_wait3A_445 = tpu.memref_slice %arg9[%add3A_207, %dma_wait3A_444] : memref<10240x64xf32, #tpu.memory_space<vmem_shared>> -> memref<128x64xf32, #tpu.memory_space<vmem_shared>>
      tpu.wait_dma2 semaphore(%run_scoped3A_437 : memref<!tpu.dma_semaphore, #tpu.memory_space<semaphore_mem>>) src(%dma_wait3A_445 : memref<128x64xf32, #tpu.memory_space<vmem_shared>>) dst(%dma_wait3A_443 : memref<128x64xf32, #tpu.memory_space<hbm>>)
      tpu.yield
    }) : () -> ()
    %add3A_211 = arith.constant 512 : i32
    %add3A_212 = arith.addi %mul3A_0, %add3A_211 : i32
    %add3A_213 = arith.constant 512 : i32
    %add3A_214 = arith.addi %mul3A_0, %add3A_213 : i32
    %run_scoped3A_215 = arith.constant 3 : i32
    "tpu.region"() ({
      %run_scoped3A_437 = tpu.sem_alloc : memref<!tpu.dma_semaphore, #tpu.memory_space<semaphore_mem>>
      %dma_start3A = arith.constant 0 : i32
      %dma_start3A_438 = tpu.memref_slice %arg5[%arg0, %run_scoped3A_215, %add3A_214, %dma_start3A] : memref<2x8x10240x64xf32, #tpu.memory_space<hbm>> -> memref<1x1x128x64xf32, #tpu.memory_space<hbm>>
      %dma_start3A_439 = tpu.memref_squeeze %dma_start3A_438 : memref<1x1x128x64xf32, #tpu.memory_space<hbm>> -> memref<128x64xf32, #tpu.memory_space<hbm>>
      %dma_start3A_440 = arith.constant 0 : i32
      %dma_start3A_441 = tpu.memref_slice %arg9[%add3A_212, %dma_start3A_440] : memref<10240x64xf32, #tpu.memory_space<vmem_shared>> -> memref<128x64xf32, #tpu.memory_space<vmem_shared>>
      tpu.enqueue_dma source(%dma_start3A_441 : memref<128x64xf32, #tpu.memory_space<vmem_shared>>) target(%dma_start3A_439 : memref<128x64xf32, #tpu.memory_space<hbm>>) target_semaphore(%run_scoped3A_437 : memref<!tpu.dma_semaphore, #tpu.memory_space<semaphore_mem>>)
      %dma_wait3A = arith.constant 0 : i32
      %dma_wait3A_442 = tpu.memref_slice %arg5[%arg0, %run_scoped3A_215, %add3A_214, %dma_wait3A] : memref<2x8x10240x64xf32, #tpu.memory_space<hbm>> -> memref<1x1x128x64xf32, #tpu.memory_space<hbm>>
      %dma_wait3A_443 = tpu.memref_squeeze %dma_wait3A_442 : memref<1x1x128x64xf32, #tpu.memory_space<hbm>> -> memref<128x64xf32, #tpu.memory_space<hbm>>
      %dma_wait3A_444 = arith.constant 0 : i32
      %dma_wait3A_445 = tpu.memref_slice %arg9[%add3A_212, %dma_wait3A_444] : memref<10240x64xf32, #tpu.memory_space<vmem_shared>> -> memref<128x64xf32, #tpu.memory_space<vmem_shared>>
      tpu.wait_dma2 semaphore(%run_scoped3A_437 : memref<!tpu.dma_semaphore, #tpu.memory_space<semaphore_mem>>) src(%dma_wait3A_445 : memref<128x64xf32, #tpu.memory_space<vmem_shared>>) dst(%dma_wait3A_443 : memref<128x64xf32, #tpu.memory_space<hbm>>)
      tpu.yield
    }) : () -> ()
    %barrier3A_216 = arith.constant 0 : index
    tpu.barrier barrier_id(%barrier3A_216)
    %scan3A_217 = arith.constant 0 : i32
    %scan3A_218 = arith.constant 0 : i32
    %scan3A_219 = arith.constant 512 : i32
    %scan3A_220 = arith.addi %scan3A_218, %scan3A_219 : i32
    %scan3A_221 = arith.constant 1 : i32
    scf.for %scan3A_437 = %scan3A_218 to %scan3A_220 step %scan3A_221  : i32 {
      %jit3A = arith.constant 4 : i32
      %div3A = arith.divsi %scan3A_437, %jit3A : i32
      %sign3A = arith.constant 0 : i32
      %sign3A_438 = arith.cmpi sgt, %scan3A_437, %sign3A : i32
      %sign3A_439 = arith.extui %sign3A_438 : i1 to i32
      %sign3A_440 = arith.constant 0 : i32
      %sign3A_441 = arith.cmpi slt, %scan3A_437, %sign3A_440 : i32
      %sign3A_442 = arith.extui %sign3A_441 : i1 to i32
      %sign3A_443 = arith.subi %sign3A_439, %sign3A_442 : i32
      %sign3A_444 = arith.constant 0 : i32
      %sign3A_445 = arith.cmpi sgt, %jit3A, %sign3A_444 : i32
      %sign3A_446 = arith.extui %sign3A_445 : i1 to i32
      %sign3A_447 = arith.constant 0 : i32
      %sign3A_448 = arith.cmpi slt, %jit3A, %sign3A_447 : i32
      %sign3A_449 = arith.extui %sign3A_448 : i1 to i32
      %sign3A_450 = arith.subi %sign3A_446, %sign3A_449 : i32
      %ne3A = arith.cmpi ne, %sign3A_443, %sign3A_450 : i32
      %rem3A = arith.remsi %scan3A_437, %jit3A : i32
      %ne3A_451 = arith.constant 0 : i32
      %ne3A_452 = arith.cmpi ne, %rem3A, %ne3A_451 : i32
      %and3A = arith.andi %ne3A, %ne3A_452 : i1
      %sub3A = arith.constant 1 : i32
      %sub3A_453 = arith.subi %div3A, %sub3A : i32
      %select_n3A = arith.select %and3A, %sub3A_453, %div3A : i32
      %jit3A_454 = arith.constant 4 : i32
      %eq3A = arith.constant 0 : i32
      %eq3A_455 = arith.cmpi eq, %jit3A_454, %eq3A : i32
      %jit3A_456 = arith.constant 1 : i32
      %select_n3A_457 = arith.select %eq3A_455, %jit3A_456, %jit3A_454 : i32
      %rem3A_458 = arith.remsi %scan3A_437, %select_n3A_457 : i32
      %ne3A_459 = arith.constant 0 : i32
      %ne3A_460 = arith.cmpi ne, %rem3A_458, %ne3A_459 : i32
      %lt3A = arith.constant 0 : i32
      %lt3A_461 = arith.cmpi slt, %rem3A_458, %lt3A : i32
      %lt3A_462 = arith.constant 0 : i32
      %lt3A_463 = arith.cmpi slt, %select_n3A_457, %lt3A_462 : i32
      %ne3A_464 = arith.xori %lt3A_461, %lt3A_463 : i1
      %and3A_465 = arith.andi %ne3A_464, %ne3A_460 : i1
      %add3A_466 = arith.addi %rem3A_458, %select_n3A_457 : i32
      %select_n3A_467 = arith.select %and3A_465, %add3A_466, %rem3A_458 : i32
      %broadcast_in_dim3A = arith.constant 0.000000e+00 : f32
      %broadcast_in_dim3A_468 = vector.broadcast %broadcast_in_dim3A : f32 to vector<16xf32>
      %mul3A_469 = arith.constant 16 : i32
      %mul3A_470 = arith.muli %select_n3A_467, %mul3A_469 : i32
      %swap3A = arith.index_cast %select_n3A : i32 to index
      %swap3A_471 = arith.index_cast %mul3A_470 : i32 to index
      %swap3A_472 = tpu.vector_load %arg8[%swap3A, %swap3A_471] {strides = array<i32>} : memref<128x64xf32, #tpu.memory_space<vmem>>, vector<16xf32>,
      tpu.vector_store %arg8[%swap3A, %swap3A_471], %broadcast_in_dim3A_468 {strides = array<i32>} : memref<128x64xf32, #tpu.memory_space<vmem>>, vector<16xf32>,
    }
    %scan3A_222 = arith.constant 512 : i32
    %add3A_223 = arith.constant 0 : i32
    %add3A_224 = arith.addi %mul3A_0, %add3A_223 : i32
    "tpu.region"() ({
      %run_scoped3A_437 = tpu.sem_alloc : memref<!tpu.dma_semaphore, #tpu.memory_space<semaphore_mem>>
      %dma_start3A = arith.constant 0 : i32
      %dma_start3A_438 = tpu.memref_slice %arg9[%add3A_224, %dma_start3A] : memref<10240x64xf32, #tpu.memory_space<vmem_shared>> -> memref<128x64xf32, #tpu.memory_space<vmem_shared>>
      %dma_start3A_439 = arith.constant 0 : i32
      %dma_start3A_440 = tpu.memref_slice %arg9[%add3A_224, %dma_start3A_439] : memref<10240x64xf32, #tpu.memory_space<vmem_shared>> -> memref<128x64xf32, #tpu.memory_space<vmem_shared>>
      tpu.enqueue_dma source(%arg8 : memref<128x64xf32, #tpu.memory_space<vmem>>) target(%dma_start3A_440 : memref<128x64xf32, #tpu.memory_space<vmem_shared>>) target_semaphore(%run_scoped3A_437 : memref<!tpu.dma_semaphore, #tpu.memory_space<semaphore_mem>>)
      %dma_wait3A = arith.constant 0 : i32
      %dma_wait3A_441 = tpu.memref_slice %arg9[%add3A_224, %dma_wait3A] : memref<10240x64xf32, #tpu.memory_space<vmem_shared>> -> memref<128x64xf32, #tpu.memory_space<vmem_shared>>
      %dma_wait3A_442 = arith.constant 0 : i32
      %dma_wait3A_443 = tpu.memref_slice %arg9[%add3A_224, %dma_wait3A_442] : memref<10240x64xf32, #tpu.memory_space<vmem_shared>> -> memref<128x64xf32, #tpu.memory_space<vmem_shared>>
      tpu.wait_dma2 semaphore(%run_scoped3A_437 : memref<!tpu.dma_semaphore, #tpu.memory_space<semaphore_mem>>) src(%arg8 : memref<128x64xf32, #tpu.memory_space<vmem>>) dst(%dma_wait3A_443 : memref<128x64xf32, #tpu.memory_space<vmem_shared>>)
      tpu.yield
    }) : () -> ()
    %add3A_225 = arith.constant 128 : i32
    %add3A_226 = arith.addi %mul3A_0, %add3A_225 : i32
    "tpu.region"() ({
      %run_scoped3A_437 = tpu.sem_alloc : memref<!tpu.dma_semaphore, #tpu.memory_space<semaphore_mem>>
      %dma_start3A = arith.constant 0 : i32
      %dma_start3A_438 = tpu.memref_slice %arg9[%add3A_226, %dma_start3A] : memref<10240x64xf32, #tpu.memory_space<vmem_shared>> -> memref<128x64xf32, #tpu.memory_space<vmem_shared>>
      %dma_start3A_439 = arith.constant 0 : i32
      %dma_start3A_440 = tpu.memref_slice %arg9[%add3A_226, %dma_start3A_439] : memref<10240x64xf32, #tpu.memory_space<vmem_shared>> -> memref<128x64xf32, #tpu.memory_space<vmem_shared>>
      tpu.enqueue_dma source(%arg8 : memref<128x64xf32, #tpu.memory_space<vmem>>) target(%dma_start3A_440 : memref<128x64xf32, #tpu.memory_space<vmem_shared>>) target_semaphore(%run_scoped3A_437 : memref<!tpu.dma_semaphore, #tpu.memory_space<semaphore_mem>>)
      %dma_wait3A = arith.constant 0 : i32
      %dma_wait3A_441 = tpu.memref_slice %arg9[%add3A_226, %dma_wait3A] : memref<10240x64xf32, #tpu.memory_space<vmem_shared>> -> memref<128x64xf32, #tpu.memory_space<vmem_shared>>
      %dma_wait3A_442 = arith.constant 0 : i32
      %dma_wait3A_443 = tpu.memref_slice %arg9[%add3A_226, %dma_wait3A_442] : memref<10240x64xf32, #tpu.memory_space<vmem_shared>> -> memref<128x64xf32, #tpu.memory_space<vmem_shared>>
      tpu.wait_dma2 semaphore(%run_scoped3A_437 : memref<!tpu.dma_semaphore, #tpu.memory_space<semaphore_mem>>) src(%arg8 : memref<128x64xf32, #tpu.memory_space<vmem>>) dst(%dma_wait3A_443 : memref<128x64xf32, #tpu.memory_space<vmem_shared>>)
      tpu.yield
    }) : () -> ()
    %add3A_227 = arith.constant 256 : i32
    %add3A_228 = arith.addi %mul3A_0, %add3A_227 : i32
    "tpu.region"() ({
      %run_scoped3A_437 = tpu.sem_alloc : memref<!tpu.dma_semaphore, #tpu.memory_space<semaphore_mem>>
      %dma_start3A = arith.constant 0 : i32
      %dma_start3A_438 = tpu.memref_slice %arg9[%add3A_228, %dma_start3A] : memref<10240x64xf32, #tpu.memory_space<vmem_shared>> -> memref<128x64xf32, #tpu.memory_space<vmem_shared>>
      %dma_start3A_439 = arith.constant 0 : i32
      %dma_start3A_440 = tpu.memref_slice %arg9[%add3A_228, %dma_start3A_439] : memref<10240x64xf32, #tpu.memory_space<vmem_shared>> -> memref<128x64xf32, #tpu.memory_space<vmem_shared>>
      tpu.enqueue_dma source(%arg8 : memref<128x64xf32, #tpu.memory_space<vmem>>) target(%dma_start3A_440 : memref<128x64xf32, #tpu.memory_space<vmem_shared>>) target_semaphore(%run_scoped3A_437 : memref<!tpu.dma_semaphore, #tpu.memory_space<semaphore_mem>>)
      %dma_wait3A = arith.constant 0 : i32
      %dma_wait3A_441 = tpu.memref_slice %arg9[%add3A_228, %dma_wait3A] : memref<10240x64xf32, #tpu.memory_space<vmem_shared>> -> memref<128x64xf32, #tpu.memory_space<vmem_shared>>
      %dma_wait3A_442 = arith.constant 0 : i32
      %dma_wait3A_443 = tpu.memref_slice %arg9[%add3A_228, %dma_wait3A_442] : memref<10240x64xf32, #tpu.memory_space<vmem_shared>> -> memref<128x64xf32, #tpu.memory_space<vmem_shared>>
      tpu.wait_dma2 semaphore(%run_scoped3A_437 : memref<!tpu.dma_semaphore, #tpu.memory_space<semaphore_mem>>) src(%arg8 : memref<128x64xf32, #tpu.memory_space<vmem>>) dst(%dma_wait3A_443 : memref<128x64xf32, #tpu.memory_space<vmem_shared>>)
      tpu.yield
    }) : () -> ()
    %add3A_229 = arith.constant 384 : i32
    %add3A_230 = arith.addi %mul3A_0, %add3A_229 : i32
    "tpu.region"() ({
      %run_scoped3A_437 = tpu.sem_alloc : memref<!tpu.dma_semaphore, #tpu.memory_space<semaphore_mem>>
      %dma_start3A = arith.constant 0 : i32
      %dma_start3A_438 = tpu.memref_slice %arg9[%add3A_230, %dma_start3A] : memref<10240x64xf32, #tpu.memory_space<vmem_shared>> -> memref<128x64xf32, #tpu.memory_space<vmem_shared>>
      %dma_start3A_439 = arith.constant 0 : i32
      %dma_start3A_440 = tpu.memref_slice %arg9[%add3A_230, %dma_start3A_439] : memref<10240x64xf32, #tpu.memory_space<vmem_shared>> -> memref<128x64xf32, #tpu.memory_space<vmem_shared>>
      tpu.enqueue_dma source(%arg8 : memref<128x64xf32, #tpu.memory_space<vmem>>) target(%dma_start3A_440 : memref<128x64xf32, #tpu.memory_space<vmem_shared>>) target_semaphore(%run_scoped3A_437 : memref<!tpu.dma_semaphore, #tpu.memory_space<semaphore_mem>>)
      %dma_wait3A = arith.constant 0 : i32
      %dma_wait3A_441 = tpu.memref_slice %arg9[%add3A_230, %dma_wait3A] : memref<10240x64xf32, #tpu.memory_space<vmem_shared>> -> memref<128x64xf32, #tpu.memory_space<vmem_shared>>
      %dma_wait3A_442 = arith.constant 0 : i32
      %dma_wait3A_443 = tpu.memref_slice %arg9[%add3A_230, %dma_wait3A_442] : memref<10240x64xf32, #tpu.memory_space<vmem_shared>> -> memref<128x64xf32, #tpu.memory_space<vmem_shared>>
      tpu.wait_dma2 semaphore(%run_scoped3A_437 : memref<!tpu.dma_semaphore, #tpu.memory_space<semaphore_mem>>) src(%arg8 : memref<128x64xf32, #tpu.memory_space<vmem>>) dst(%dma_wait3A_443 : memref<128x64xf32, #tpu.memory_space<vmem_shared>>)
      tpu.yield
    }) : () -> ()
    %add3A_231 = arith.constant 512 : i32
    %add3A_232 = arith.addi %mul3A_0, %add3A_231 : i32
    "tpu.region"() ({
      %run_scoped3A_437 = tpu.sem_alloc : memref<!tpu.dma_semaphore, #tpu.memory_space<semaphore_mem>>
      %dma_start3A = arith.constant 0 : i32
      %dma_start3A_438 = tpu.memref_slice %arg9[%add3A_232, %dma_start3A] : memref<10240x64xf32, #tpu.memory_space<vmem_shared>> -> memref<128x64xf32, #tpu.memory_space<vmem_shared>>
      %dma_start3A_439 = arith.constant 0 : i32
      %dma_start3A_440 = tpu.memref_slice %arg9[%add3A_232, %dma_start3A_439] : memref<10240x64xf32, #tpu.memory_space<vmem_shared>> -> memref<128x64xf32, #tpu.memory_space<vmem_shared>>
      tpu.enqueue_dma source(%arg8 : memref<128x64xf32, #tpu.memory_space<vmem>>) target(%dma_start3A_440 : memref<128x64xf32, #tpu.memory_space<vmem_shared>>) target_semaphore(%run_scoped3A_437 : memref<!tpu.dma_semaphore, #tpu.memory_space<semaphore_mem>>)
      %dma_wait3A = arith.constant 0 : i32
      %dma_wait3A_441 = tpu.memref_slice %arg9[%add3A_232, %dma_wait3A] : memref<10240x64xf32, #tpu.memory_space<vmem_shared>> -> memref<128x64xf32, #tpu.memory_space<vmem_shared>>
      %dma_wait3A_442 = arith.constant 0 : i32
      %dma_wait3A_443 = tpu.memref_slice %arg9[%add3A_232, %dma_wait3A_442] : memref<10240x64xf32, #tpu.memory_space<vmem_shared>> -> memref<128x64xf32, #tpu.memory_space<vmem_shared>>
      tpu.wait_dma2 semaphore(%run_scoped3A_437 : memref<!tpu.dma_semaphore, #tpu.memory_space<semaphore_mem>>) src(%arg8 : memref<128x64xf32, #tpu.memory_space<vmem>>) dst(%dma_wait3A_443 : memref<128x64xf32, #tpu.memory_space<vmem_shared>>)
      tpu.yield
    }) : () -> ()
    %mul3A_233 = arith.constant 625 : i32
    %mul3A_234 = arith.muli %arg1, %mul3A_233 : i32
    %mul3A_235 = arith.constant 625 : i32
    %mul3A_236 = arith.muli %arg1, %mul3A_235 : i32
    %run_scoped3A_237 = arith.constant 4 : i32
    "tpu.region"() ({
      %run_scoped3A_437 = tpu.sem_alloc : memref<!tpu.dma_semaphore, #tpu.memory_space<semaphore_mem>>
      %dma_start3A = arith.constant 0 : i32
      %dma_start3A_438 = tpu.memref_slice %arg10[%mul3A_236, %dma_start3A] : memref<10000x64xf32, #tpu.memory_space<vmem_shared>> -> memref<625x64xf32, #tpu.memory_space<vmem_shared>>
      %dma_start3A_439 = arith.constant 0 : i32
      %dma_start3A_440 = tpu.memref_slice %arg2[%arg0, %run_scoped3A_237, %mul3A_234, %dma_start3A_439] : memref<2x8x10000x64xf32, #tpu.memory_space<hbm>> -> memref<1x1x625x64xf32, #tpu.memory_space<hbm>>
      %dma_start3A_441 = tpu.memref_squeeze %dma_start3A_440 : memref<1x1x625x64xf32, #tpu.memory_space<hbm>> -> memref<625x64xf32, #tpu.memory_space<hbm>>
      tpu.enqueue_dma source(%dma_start3A_441 : memref<625x64xf32, #tpu.memory_space<hbm>>) target(%dma_start3A_438 : memref<625x64xf32, #tpu.memory_space<vmem_shared>>) target_semaphore(%run_scoped3A_437 : memref<!tpu.dma_semaphore, #tpu.memory_space<semaphore_mem>>)
      %dma_wait3A = arith.constant 0 : i32
      %dma_wait3A_442 = tpu.memref_slice %arg10[%mul3A_236, %dma_wait3A] : memref<10000x64xf32, #tpu.memory_space<vmem_shared>> -> memref<625x64xf32, #tpu.memory_space<vmem_shared>>
      %dma_wait3A_443 = arith.constant 0 : i32
      %dma_wait3A_444 = tpu.memref_slice %arg2[%arg0, %run_scoped3A_237, %mul3A_234, %dma_wait3A_443] : memref<2x8x10000x64xf32, #tpu.memory_space<hbm>> -> memref<1x1x625x64xf32, #tpu.memory_space<hbm>>
      %dma_wait3A_445 = tpu.memref_squeeze %dma_wait3A_444 : memref<1x1x625x64xf32, #tpu.memory_space<hbm>> -> memref<625x64xf32, #tpu.memory_space<hbm>>
      tpu.wait_dma2 semaphore(%run_scoped3A_437 : memref<!tpu.dma_semaphore, #tpu.memory_space<semaphore_mem>>) src(%dma_wait3A_445 : memref<625x64xf32, #tpu.memory_space<hbm>>) dst(%dma_wait3A_442 : memref<625x64xf32, #tpu.memory_space<vmem_shared>>)
      tpu.yield
    }) : () -> ()
    %barrier3A_238 = arith.constant 0 : index
    tpu.barrier barrier_id(%barrier3A_238)
    %scan3A_239 = arith.constant 0 : i32
    %scan3A_240 = arith.constant 0 : i32
    %scan3A_241 = arith.constant 157 : i32
    %scan3A_242 = arith.addi %scan3A_240, %scan3A_241 : i32
    %scan3A_243 = arith.constant 1 : i32
    scf.for %scan3A_437 = %scan3A_240 to %scan3A_242 step %scan3A_243  : i32 {
      %dma_start3A = arith.constant 0 : i32
      %dma_start3A_438 = tpu.memref_slice %arg6[%scan3A_437, %dma_start3A] : memref<157x128xi32, #tpu.memory_space<vmem>> -> memref<1x128xi32, #tpu.memory_space<vmem>>
      %dma_start3A_439 = tpu.memref_squeeze %dma_start3A_438 : memref<1x128xi32, #tpu.memory_space<vmem>> -> memref<128xi32, #tpu.memory_space<vmem>>
      %dma_start3A_440 = arith.constant 0 : i32
      %dma_start3A_441 = arith.constant 0 : i32
      %dma_start3A_442 = tpu.memref_slice %arg10[%dma_start3A_440, %dma_start3A_441] : memref<10000x64xf32, #tpu.memory_space<vmem_shared>> -> memref<10000x64xf32, #tpu.memory_space<vmem_shared>>
      tpu.enqueue_indirect_dma source(%dma_start3A_442 : memref<10000x64xf32, #tpu.memory_space<vmem_shared>>) target(%arg8 : memref<128x64xf32, #tpu.memory_space<vmem>>) offsets(%dma_start3A_439 : memref<128xi32, #tpu.memory_space<vmem>>) semaphore(%arg11 : memref<!tpu.dma_semaphore, #tpu.memory_space<semaphore_mem>>)
      %dma_wait3A = arith.constant 0 : i32
      %dma_wait3A_443 = tpu.memref_slice %arg6[%scan3A_437, %dma_wait3A] : memref<157x128xi32, #tpu.memory_space<vmem>> -> memref<1x128xi32, #tpu.memory_space<vmem>>
      %dma_wait3A_444 = tpu.memref_squeeze %dma_wait3A_443 : memref<1x128xi32, #tpu.memory_space<vmem>> -> memref<128xi32, #tpu.memory_space<vmem>>
      %dma_wait3A_445 = arith.constant 0 : i32
      %dma_wait3A_446 = arith.constant 0 : i32
      %dma_wait3A_447 = tpu.memref_slice %arg10[%dma_wait3A_445, %dma_wait3A_446] : memref<10000x64xf32, #tpu.memory_space<vmem_shared>> -> memref<10000x64xf32, #tpu.memory_space<vmem_shared>>
      tpu.wait_indirect_dma semaphore(%arg11 : memref<!tpu.dma_semaphore, #tpu.memory_space<semaphore_mem>>) src(%dma_wait3A_447 : memref<10000x64xf32, #tpu.memory_space<vmem_shared>>) dst(%arg8 : memref<128x64xf32, #tpu.memory_space<vmem>>)
      "tpu.region"() ({
        %run_scoped3A_448 = tpu.sem_alloc : memref<!tpu.dma_semaphore, #tpu.memory_space<semaphore_mem>>
        %dma_start3A_449 = arith.constant 0 : i32
        %dma_start3A_450 = tpu.memref_slice %arg7[%scan3A_437, %dma_start3A_449] : memref<157x128xi32, #tpu.memory_space<vmem>> -> memref<1x128xi32, #tpu.memory_space<vmem>>
        %dma_start3A_451 = tpu.memref_squeeze %dma_start3A_450 : memref<1x128xi32, #tpu.memory_space<vmem>> -> memref<128xi32, #tpu.memory_space<vmem>>
        %dma_start3A_452 = arith.constant 0 : i32
        %dma_start3A_453 = arith.constant 0 : i32
        %dma_start3A_454 = tpu.memref_slice %arg9[%dma_start3A_452, %dma_start3A_453] : memref<10240x64xf32, #tpu.memory_space<vmem_shared>> -> memref<10240x64xf32, #tpu.memory_space<vmem_shared>>
        tpu.enqueue_indirect_dma source(%arg8 : memref<128x64xf32, #tpu.memory_space<vmem>>) target(%dma_start3A_454 : memref<10240x64xf32, #tpu.memory_space<vmem_shared>>) offsets(%dma_start3A_451 : memref<128xi32, #tpu.memory_space<vmem>>) semaphore(%run_scoped3A_448 : memref<!tpu.dma_semaphore, #tpu.memory_space<semaphore_mem>>) {add = true}
        %dma_wait3A_455 = arith.constant 0 : i32
        %dma_wait3A_456 = tpu.memref_slice %arg7[%scan3A_437, %dma_wait3A_455] : memref<157x128xi32, #tpu.memory_space<vmem>> -> memref<1x128xi32, #tpu.memory_space<vmem>>
        %dma_wait3A_457 = tpu.memref_squeeze %dma_wait3A_456 : memref<1x128xi32, #tpu.memory_space<vmem>> -> memref<128xi32, #tpu.memory_space<vmem>>
        %dma_wait3A_458 = arith.constant 0 : i32
        %dma_wait3A_459 = arith.constant 0 : i32
        %dma_wait3A_460 = tpu.memref_slice %arg9[%dma_wait3A_458, %dma_wait3A_459] : memref<10240x64xf32, #tpu.memory_space<vmem_shared>> -> memref<10240x64xf32, #tpu.memory_space<vmem_shared>>
        tpu.wait_indirect_dma semaphore(%run_scoped3A_448 : memref<!tpu.dma_semaphore, #tpu.memory_space<semaphore_mem>>) src(%arg8 : memref<128x64xf32, #tpu.memory_space<vmem>>) dst(%dma_wait3A_460 : memref<10240x64xf32, #tpu.memory_space<vmem_shared>>)
        tpu.yield
      }) : () -> ()
    }
    %scan3A_244 = arith.constant 157 : i32
    %barrier3A_245 = arith.constant 0 : index
    tpu.barrier barrier_id(%barrier3A_245)
    %add3A_246 = arith.constant 0 : i32
    %add3A_247 = arith.addi %mul3A_0, %add3A_246 : i32
    %add3A_248 = arith.constant 0 : i32
    %add3A_249 = arith.addi %mul3A_0, %add3A_248 : i32
    %run_scoped3A_250 = arith.constant 4 : i32
    "tpu.region"() ({
      %run_scoped3A_437 = tpu.sem_alloc : memref<!tpu.dma_semaphore, #tpu.memory_space<semaphore_mem>>
      %dma_start3A = arith.constant 0 : i32
      %dma_start3A_438 = tpu.memref_slice %arg5[%arg0, %run_scoped3A_250, %add3A_249, %dma_start3A] : memref<2x8x10240x64xf32, #tpu.memory_space<hbm>> -> memref<1x1x128x64xf32, #tpu.memory_space<hbm>>
      %dma_start3A_439 = tpu.memref_squeeze %dma_start3A_438 : memref<1x1x128x64xf32, #tpu.memory_space<hbm>> -> memref<128x64xf32, #tpu.memory_space<hbm>>
      %dma_start3A_440 = arith.constant 0 : i32
      %dma_start3A_441 = tpu.memref_slice %arg9[%add3A_247, %dma_start3A_440] : memref<10240x64xf32, #tpu.memory_space<vmem_shared>> -> memref<128x64xf32, #tpu.memory_space<vmem_shared>>
      tpu.enqueue_dma source(%dma_start3A_441 : memref<128x64xf32, #tpu.memory_space<vmem_shared>>) target(%dma_start3A_439 : memref<128x64xf32, #tpu.memory_space<hbm>>) target_semaphore(%run_scoped3A_437 : memref<!tpu.dma_semaphore, #tpu.memory_space<semaphore_mem>>)
      %dma_wait3A = arith.constant 0 : i32
      %dma_wait3A_442 = tpu.memref_slice %arg5[%arg0, %run_scoped3A_250, %add3A_249, %dma_wait3A] : memref<2x8x10240x64xf32, #tpu.memory_space<hbm>> -> memref<1x1x128x64xf32, #tpu.memory_space<hbm>>
      %dma_wait3A_443 = tpu.memref_squeeze %dma_wait3A_442 : memref<1x1x128x64xf32, #tpu.memory_space<hbm>> -> memref<128x64xf32, #tpu.memory_space<hbm>>
      %dma_wait3A_444 = arith.constant 0 : i32
      %dma_wait3A_445 = tpu.memref_slice %arg9[%add3A_247, %dma_wait3A_444] : memref<10240x64xf32, #tpu.memory_space<vmem_shared>> -> memref<128x64xf32, #tpu.memory_space<vmem_shared>>
      tpu.wait_dma2 semaphore(%run_scoped3A_437 : memref<!tpu.dma_semaphore, #tpu.memory_space<semaphore_mem>>) src(%dma_wait3A_445 : memref<128x64xf32, #tpu.memory_space<vmem_shared>>) dst(%dma_wait3A_443 : memref<128x64xf32, #tpu.memory_space<hbm>>)
      tpu.yield
    }) : () -> ()
    %add3A_251 = arith.constant 128 : i32
    %add3A_252 = arith.addi %mul3A_0, %add3A_251 : i32
    %add3A_253 = arith.constant 128 : i32
    %add3A_254 = arith.addi %mul3A_0, %add3A_253 : i32
    %run_scoped3A_255 = arith.constant 4 : i32
    "tpu.region"() ({
      %run_scoped3A_437 = tpu.sem_alloc : memref<!tpu.dma_semaphore, #tpu.memory_space<semaphore_mem>>
      %dma_start3A = arith.constant 0 : i32
      %dma_start3A_438 = tpu.memref_slice %arg5[%arg0, %run_scoped3A_255, %add3A_254, %dma_start3A] : memref<2x8x10240x64xf32, #tpu.memory_space<hbm>> -> memref<1x1x128x64xf32, #tpu.memory_space<hbm>>
      %dma_start3A_439 = tpu.memref_squeeze %dma_start3A_438 : memref<1x1x128x64xf32, #tpu.memory_space<hbm>> -> memref<128x64xf32, #tpu.memory_space<hbm>>
      %dma_start3A_440 = arith.constant 0 : i32
      %dma_start3A_441 = tpu.memref_slice %arg9[%add3A_252, %dma_start3A_440] : memref<10240x64xf32, #tpu.memory_space<vmem_shared>> -> memref<128x64xf32, #tpu.memory_space<vmem_shared>>
      tpu.enqueue_dma source(%dma_start3A_441 : memref<128x64xf32, #tpu.memory_space<vmem_shared>>) target(%dma_start3A_439 : memref<128x64xf32, #tpu.memory_space<hbm>>) target_semaphore(%run_scoped3A_437 : memref<!tpu.dma_semaphore, #tpu.memory_space<semaphore_mem>>)
      %dma_wait3A = arith.constant 0 : i32
      %dma_wait3A_442 = tpu.memref_slice %arg5[%arg0, %run_scoped3A_255, %add3A_254, %dma_wait3A] : memref<2x8x10240x64xf32, #tpu.memory_space<hbm>> -> memref<1x1x128x64xf32, #tpu.memory_space<hbm>>
      %dma_wait3A_443 = tpu.memref_squeeze %dma_wait3A_442 : memref<1x1x128x64xf32, #tpu.memory_space<hbm>> -> memref<128x64xf32, #tpu.memory_space<hbm>>
      %dma_wait3A_444 = arith.constant 0 : i32
      %dma_wait3A_445 = tpu.memref_slice %arg9[%add3A_252, %dma_wait3A_444] : memref<10240x64xf32, #tpu.memory_space<vmem_shared>> -> memref<128x64xf32, #tpu.memory_space<vmem_shared>>
      tpu.wait_dma2 semaphore(%run_scoped3A_437 : memref<!tpu.dma_semaphore, #tpu.memory_space<semaphore_mem>>) src(%dma_wait3A_445 : memref<128x64xf32, #tpu.memory_space<vmem_shared>>) dst(%dma_wait3A_443 : memref<128x64xf32, #tpu.memory_space<hbm>>)
      tpu.yield
    }) : () -> ()
    %add3A_256 = arith.constant 256 : i32
    %add3A_257 = arith.addi %mul3A_0, %add3A_256 : i32
    %add3A_258 = arith.constant 256 : i32
    %add3A_259 = arith.addi %mul3A_0, %add3A_258 : i32
    %run_scoped3A_260 = arith.constant 4 : i32
    "tpu.region"() ({
      %run_scoped3A_437 = tpu.sem_alloc : memref<!tpu.dma_semaphore, #tpu.memory_space<semaphore_mem>>
      %dma_start3A = arith.constant 0 : i32
      %dma_start3A_438 = tpu.memref_slice %arg5[%arg0, %run_scoped3A_260, %add3A_259, %dma_start3A] : memref<2x8x10240x64xf32, #tpu.memory_space<hbm>> -> memref<1x1x128x64xf32, #tpu.memory_space<hbm>>
      %dma_start3A_439 = tpu.memref_squeeze %dma_start3A_438 : memref<1x1x128x64xf32, #tpu.memory_space<hbm>> -> memref<128x64xf32, #tpu.memory_space<hbm>>
      %dma_start3A_440 = arith.constant 0 : i32
      %dma_start3A_441 = tpu.memref_slice %arg9[%add3A_257, %dma_start3A_440] : memref<10240x64xf32, #tpu.memory_space<vmem_shared>> -> memref<128x64xf32, #tpu.memory_space<vmem_shared>>
      tpu.enqueue_dma source(%dma_start3A_441 : memref<128x64xf32, #tpu.memory_space<vmem_shared>>) target(%dma_start3A_439 : memref<128x64xf32, #tpu.memory_space<hbm>>) target_semaphore(%run_scoped3A_437 : memref<!tpu.dma_semaphore, #tpu.memory_space<semaphore_mem>>)
      %dma_wait3A = arith.constant 0 : i32
      %dma_wait3A_442 = tpu.memref_slice %arg5[%arg0, %run_scoped3A_260, %add3A_259, %dma_wait3A] : memref<2x8x10240x64xf32, #tpu.memory_space<hbm>> -> memref<1x1x128x64xf32, #tpu.memory_space<hbm>>
      %dma_wait3A_443 = tpu.memref_squeeze %dma_wait3A_442 : memref<1x1x128x64xf32, #tpu.memory_space<hbm>> -> memref<128x64xf32, #tpu.memory_space<hbm>>
      %dma_wait3A_444 = arith.constant 0 : i32
      %dma_wait3A_445 = tpu.memref_slice %arg9[%add3A_257, %dma_wait3A_444] : memref<10240x64xf32, #tpu.memory_space<vmem_shared>> -> memref<128x64xf32, #tpu.memory_space<vmem_shared>>
      tpu.wait_dma2 semaphore(%run_scoped3A_437 : memref<!tpu.dma_semaphore, #tpu.memory_space<semaphore_mem>>) src(%dma_wait3A_445 : memref<128x64xf32, #tpu.memory_space<vmem_shared>>) dst(%dma_wait3A_443 : memref<128x64xf32, #tpu.memory_space<hbm>>)
      tpu.yield
    }) : () -> ()
    %add3A_261 = arith.constant 384 : i32
    %add3A_262 = arith.addi %mul3A_0, %add3A_261 : i32
    %add3A_263 = arith.constant 384 : i32
    %add3A_264 = arith.addi %mul3A_0, %add3A_263 : i32
    %run_scoped3A_265 = arith.constant 4 : i32
    "tpu.region"() ({
      %run_scoped3A_437 = tpu.sem_alloc : memref<!tpu.dma_semaphore, #tpu.memory_space<semaphore_mem>>
      %dma_start3A = arith.constant 0 : i32
      %dma_start3A_438 = tpu.memref_slice %arg5[%arg0, %run_scoped3A_265, %add3A_264, %dma_start3A] : memref<2x8x10240x64xf32, #tpu.memory_space<hbm>> -> memref<1x1x128x64xf32, #tpu.memory_space<hbm>>
      %dma_start3A_439 = tpu.memref_squeeze %dma_start3A_438 : memref<1x1x128x64xf32, #tpu.memory_space<hbm>> -> memref<128x64xf32, #tpu.memory_space<hbm>>
      %dma_start3A_440 = arith.constant 0 : i32
      %dma_start3A_441 = tpu.memref_slice %arg9[%add3A_262, %dma_start3A_440] : memref<10240x64xf32, #tpu.memory_space<vmem_shared>> -> memref<128x64xf32, #tpu.memory_space<vmem_shared>>
      tpu.enqueue_dma source(%dma_start3A_441 : memref<128x64xf32, #tpu.memory_space<vmem_shared>>) target(%dma_start3A_439 : memref<128x64xf32, #tpu.memory_space<hbm>>) target_semaphore(%run_scoped3A_437 : memref<!tpu.dma_semaphore, #tpu.memory_space<semaphore_mem>>)
      %dma_wait3A = arith.constant 0 : i32
      %dma_wait3A_442 = tpu.memref_slice %arg5[%arg0, %run_scoped3A_265, %add3A_264, %dma_wait3A] : memref<2x8x10240x64xf32, #tpu.memory_space<hbm>> -> memref<1x1x128x64xf32, #tpu.memory_space<hbm>>
      %dma_wait3A_443 = tpu.memref_squeeze %dma_wait3A_442 : memref<1x1x128x64xf32, #tpu.memory_space<hbm>> -> memref<128x64xf32, #tpu.memory_space<hbm>>
      %dma_wait3A_444 = arith.constant 0 : i32
      %dma_wait3A_445 = tpu.memref_slice %arg9[%add3A_262, %dma_wait3A_444] : memref<10240x64xf32, #tpu.memory_space<vmem_shared>> -> memref<128x64xf32, #tpu.memory_space<vmem_shared>>
      tpu.wait_dma2 semaphore(%run_scoped3A_437 : memref<!tpu.dma_semaphore, #tpu.memory_space<semaphore_mem>>) src(%dma_wait3A_445 : memref<128x64xf32, #tpu.memory_space<vmem_shared>>) dst(%dma_wait3A_443 : memref<128x64xf32, #tpu.memory_space<hbm>>)
      tpu.yield
    }) : () -> ()
    %add3A_266 = arith.constant 512 : i32
    %add3A_267 = arith.addi %mul3A_0, %add3A_266 : i32
    %add3A_268 = arith.constant 512 : i32
    %add3A_269 = arith.addi %mul3A_0, %add3A_268 : i32
    %run_scoped3A_270 = arith.constant 4 : i32
    "tpu.region"() ({
      %run_scoped3A_437 = tpu.sem_alloc : memref<!tpu.dma_semaphore, #tpu.memory_space<semaphore_mem>>
      %dma_start3A = arith.constant 0 : i32
      %dma_start3A_438 = tpu.memref_slice %arg5[%arg0, %run_scoped3A_270, %add3A_269, %dma_start3A] : memref<2x8x10240x64xf32, #tpu.memory_space<hbm>> -> memref<1x1x128x64xf32, #tpu.memory_space<hbm>>
      %dma_start3A_439 = tpu.memref_squeeze %dma_start3A_438 : memref<1x1x128x64xf32, #tpu.memory_space<hbm>> -> memref<128x64xf32, #tpu.memory_space<hbm>>
      %dma_start3A_440 = arith.constant 0 : i32
      %dma_start3A_441 = tpu.memref_slice %arg9[%add3A_267, %dma_start3A_440] : memref<10240x64xf32, #tpu.memory_space<vmem_shared>> -> memref<128x64xf32, #tpu.memory_space<vmem_shared>>
      tpu.enqueue_dma source(%dma_start3A_441 : memref<128x64xf32, #tpu.memory_space<vmem_shared>>) target(%dma_start3A_439 : memref<128x64xf32, #tpu.memory_space<hbm>>) target_semaphore(%run_scoped3A_437 : memref<!tpu.dma_semaphore, #tpu.memory_space<semaphore_mem>>)
      %dma_wait3A = arith.constant 0 : i32
      %dma_wait3A_442 = tpu.memref_slice %arg5[%arg0, %run_scoped3A_270, %add3A_269, %dma_wait3A] : memref<2x8x10240x64xf32, #tpu.memory_space<hbm>> -> memref<1x1x128x64xf32, #tpu.memory_space<hbm>>
      %dma_wait3A_443 = tpu.memref_squeeze %dma_wait3A_442 : memref<1x1x128x64xf32, #tpu.memory_space<hbm>> -> memref<128x64xf32, #tpu.memory_space<hbm>>
      %dma_wait3A_444 = arith.constant 0 : i32
      %dma_wait3A_445 = tpu.memref_slice %arg9[%add3A_267, %dma_wait3A_444] : memref<10240x64xf32, #tpu.memory_space<vmem_shared>> -> memref<128x64xf32, #tpu.memory_space<vmem_shared>>
      tpu.wait_dma2 semaphore(%run_scoped3A_437 : memref<!tpu.dma_semaphore, #tpu.memory_space<semaphore_mem>>) src(%dma_wait3A_445 : memref<128x64xf32, #tpu.memory_space<vmem_shared>>) dst(%dma_wait3A_443 : memref<128x64xf32, #tpu.memory_space<hbm>>)
      tpu.yield
    }) : () -> ()
    %barrier3A_271 = arith.constant 0 : index
    tpu.barrier barrier_id(%barrier3A_271)
    %scan3A_272 = arith.constant 0 : i32
    %scan3A_273 = arith.constant 0 : i32
    %scan3A_274 = arith.constant 512 : i32
    %scan3A_275 = arith.addi %scan3A_273, %scan3A_274 : i32
    %scan3A_276 = arith.constant 1 : i32
    scf.for %scan3A_437 = %scan3A_273 to %scan3A_275 step %scan3A_276  : i32 {
      %jit3A = arith.constant 4 : i32
      %div3A = arith.divsi %scan3A_437, %jit3A : i32
      %sign3A = arith.constant 0 : i32
      %sign3A_438 = arith.cmpi sgt, %scan3A_437, %sign3A : i32
      %sign3A_439 = arith.extui %sign3A_438 : i1 to i32
      %sign3A_440 = arith.constant 0 : i32
      %sign3A_441 = arith.cmpi slt, %scan3A_437, %sign3A_440 : i32
      %sign3A_442 = arith.extui %sign3A_441 : i1 to i32
      %sign3A_443 = arith.subi %sign3A_439, %sign3A_442 : i32
      %sign3A_444 = arith.constant 0 : i32
      %sign3A_445 = arith.cmpi sgt, %jit3A, %sign3A_444 : i32
      %sign3A_446 = arith.extui %sign3A_445 : i1 to i32
      %sign3A_447 = arith.constant 0 : i32
      %sign3A_448 = arith.cmpi slt, %jit3A, %sign3A_447 : i32
      %sign3A_449 = arith.extui %sign3A_448 : i1 to i32
      %sign3A_450 = arith.subi %sign3A_446, %sign3A_449 : i32
      %ne3A = arith.cmpi ne, %sign3A_443, %sign3A_450 : i32
      %rem3A = arith.remsi %scan3A_437, %jit3A : i32
      %ne3A_451 = arith.constant 0 : i32
      %ne3A_452 = arith.cmpi ne, %rem3A, %ne3A_451 : i32
      %and3A = arith.andi %ne3A, %ne3A_452 : i1
      %sub3A = arith.constant 1 : i32
      %sub3A_453 = arith.subi %div3A, %sub3A : i32
      %select_n3A = arith.select %and3A, %sub3A_453, %div3A : i32
      %jit3A_454 = arith.constant 4 : i32
      %eq3A = arith.constant 0 : i32
      %eq3A_455 = arith.cmpi eq, %jit3A_454, %eq3A : i32
      %jit3A_456 = arith.constant 1 : i32
      %select_n3A_457 = arith.select %eq3A_455, %jit3A_456, %jit3A_454 : i32
      %rem3A_458 = arith.remsi %scan3A_437, %select_n3A_457 : i32
      %ne3A_459 = arith.constant 0 : i32
      %ne3A_460 = arith.cmpi ne, %rem3A_458, %ne3A_459 : i32
      %lt3A = arith.constant 0 : i32
      %lt3A_461 = arith.cmpi slt, %rem3A_458, %lt3A : i32
      %lt3A_462 = arith.constant 0 : i32
      %lt3A_463 = arith.cmpi slt, %select_n3A_457, %lt3A_462 : i32
      %ne3A_464 = arith.xori %lt3A_461, %lt3A_463 : i1
      %and3A_465 = arith.andi %ne3A_464, %ne3A_460 : i1
      %add3A_466 = arith.addi %rem3A_458, %select_n3A_457 : i32
      %select_n3A_467 = arith.select %and3A_465, %add3A_466, %rem3A_458 : i32
      %broadcast_in_dim3A = arith.constant 0.000000e+00 : f32
      %broadcast_in_dim3A_468 = vector.broadcast %broadcast_in_dim3A : f32 to vector<16xf32>
      %mul3A_469 = arith.constant 16 : i32
      %mul3A_470 = arith.muli %select_n3A_467, %mul3A_469 : i32
      %swap3A = arith.index_cast %select_n3A : i32 to index
      %swap3A_471 = arith.index_cast %mul3A_470 : i32 to index
      %swap3A_472 = tpu.vector_load %arg8[%swap3A, %swap3A_471] {strides = array<i32>} : memref<128x64xf32, #tpu.memory_space<vmem>>, vector<16xf32>,
      tpu.vector_store %arg8[%swap3A, %swap3A_471], %broadcast_in_dim3A_468 {strides = array<i32>} : memref<128x64xf32, #tpu.memory_space<vmem>>, vector<16xf32>,
    }
    %scan3A_277 = arith.constant 512 : i32
    %add3A_278 = arith.constant 0 : i32
    %add3A_279 = arith.addi %mul3A_0, %add3A_278 : i32
    "tpu.region"() ({
      %run_scoped3A_437 = tpu.sem_alloc : memref<!tpu.dma_semaphore, #tpu.memory_space<semaphore_mem>>
      %dma_start3A = arith.constant 0 : i32
      %dma_start3A_438 = tpu.memref_slice %arg9[%add3A_279, %dma_start3A] : memref<10240x64xf32, #tpu.memory_space<vmem_shared>> -> memref<128x64xf32, #tpu.memory_space<vmem_shared>>
      %dma_start3A_439 = arith.constant 0 : i32
      %dma_start3A_440 = tpu.memref_slice %arg9[%add3A_279, %dma_start3A_439] : memref<10240x64xf32, #tpu.memory_space<vmem_shared>> -> memref<128x64xf32, #tpu.memory_space<vmem_shared>>
      tpu.enqueue_dma source(%arg8 : memref<128x64xf32, #tpu.memory_space<vmem>>) target(%dma_start3A_440 : memref<128x64xf32, #tpu.memory_space<vmem_shared>>) target_semaphore(%run_scoped3A_437 : memref<!tpu.dma_semaphore, #tpu.memory_space<semaphore_mem>>)
      %dma_wait3A = arith.constant 0 : i32
      %dma_wait3A_441 = tpu.memref_slice %arg9[%add3A_279, %dma_wait3A] : memref<10240x64xf32, #tpu.memory_space<vmem_shared>> -> memref<128x64xf32, #tpu.memory_space<vmem_shared>>
      %dma_wait3A_442 = arith.constant 0 : i32
      %dma_wait3A_443 = tpu.memref_slice %arg9[%add3A_279, %dma_wait3A_442] : memref<10240x64xf32, #tpu.memory_space<vmem_shared>> -> memref<128x64xf32, #tpu.memory_space<vmem_shared>>
      tpu.wait_dma2 semaphore(%run_scoped3A_437 : memref<!tpu.dma_semaphore, #tpu.memory_space<semaphore_mem>>) src(%arg8 : memref<128x64xf32, #tpu.memory_space<vmem>>) dst(%dma_wait3A_443 : memref<128x64xf32, #tpu.memory_space<vmem_shared>>)
      tpu.yield
    }) : () -> ()
    %add3A_280 = arith.constant 128 : i32
    %add3A_281 = arith.addi %mul3A_0, %add3A_280 : i32
    "tpu.region"() ({
      %run_scoped3A_437 = tpu.sem_alloc : memref<!tpu.dma_semaphore, #tpu.memory_space<semaphore_mem>>
      %dma_start3A = arith.constant 0 : i32
      %dma_start3A_438 = tpu.memref_slice %arg9[%add3A_281, %dma_start3A] : memref<10240x64xf32, #tpu.memory_space<vmem_shared>> -> memref<128x64xf32, #tpu.memory_space<vmem_shared>>
      %dma_start3A_439 = arith.constant 0 : i32
      %dma_start3A_440 = tpu.memref_slice %arg9[%add3A_281, %dma_start3A_439] : memref<10240x64xf32, #tpu.memory_space<vmem_shared>> -> memref<128x64xf32, #tpu.memory_space<vmem_shared>>
      tpu.enqueue_dma source(%arg8 : memref<128x64xf32, #tpu.memory_space<vmem>>) target(%dma_start3A_440 : memref<128x64xf32, #tpu.memory_space<vmem_shared>>) target_semaphore(%run_scoped3A_437 : memref<!tpu.dma_semaphore, #tpu.memory_space<semaphore_mem>>)
      %dma_wait3A = arith.constant 0 : i32
      %dma_wait3A_441 = tpu.memref_slice %arg9[%add3A_281, %dma_wait3A] : memref<10240x64xf32, #tpu.memory_space<vmem_shared>> -> memref<128x64xf32, #tpu.memory_space<vmem_shared>>
      %dma_wait3A_442 = arith.constant 0 : i32
      %dma_wait3A_443 = tpu.memref_slice %arg9[%add3A_281, %dma_wait3A_442] : memref<10240x64xf32, #tpu.memory_space<vmem_shared>> -> memref<128x64xf32, #tpu.memory_space<vmem_shared>>
      tpu.wait_dma2 semaphore(%run_scoped3A_437 : memref<!tpu.dma_semaphore, #tpu.memory_space<semaphore_mem>>) src(%arg8 : memref<128x64xf32, #tpu.memory_space<vmem>>) dst(%dma_wait3A_443 : memref<128x64xf32, #tpu.memory_space<vmem_shared>>)
      tpu.yield
    }) : () -> ()
    %add3A_282 = arith.constant 256 : i32
    %add3A_283 = arith.addi %mul3A_0, %add3A_282 : i32
    "tpu.region"() ({
      %run_scoped3A_437 = tpu.sem_alloc : memref<!tpu.dma_semaphore, #tpu.memory_space<semaphore_mem>>
      %dma_start3A = arith.constant 0 : i32
      %dma_start3A_438 = tpu.memref_slice %arg9[%add3A_283, %dma_start3A] : memref<10240x64xf32, #tpu.memory_space<vmem_shared>> -> memref<128x64xf32, #tpu.memory_space<vmem_shared>>
      %dma_start3A_439 = arith.constant 0 : i32
      %dma_start3A_440 = tpu.memref_slice %arg9[%add3A_283, %dma_start3A_439] : memref<10240x64xf32, #tpu.memory_space<vmem_shared>> -> memref<128x64xf32, #tpu.memory_space<vmem_shared>>
      tpu.enqueue_dma source(%arg8 : memref<128x64xf32, #tpu.memory_space<vmem>>) target(%dma_start3A_440 : memref<128x64xf32, #tpu.memory_space<vmem_shared>>) target_semaphore(%run_scoped3A_437 : memref<!tpu.dma_semaphore, #tpu.memory_space<semaphore_mem>>)
      %dma_wait3A = arith.constant 0 : i32
      %dma_wait3A_441 = tpu.memref_slice %arg9[%add3A_283, %dma_wait3A] : memref<10240x64xf32, #tpu.memory_space<vmem_shared>> -> memref<128x64xf32, #tpu.memory_space<vmem_shared>>
      %dma_wait3A_442 = arith.constant 0 : i32
      %dma_wait3A_443 = tpu.memref_slice %arg9[%add3A_283, %dma_wait3A_442] : memref<10240x64xf32, #tpu.memory_space<vmem_shared>> -> memref<128x64xf32, #tpu.memory_space<vmem_shared>>
      tpu.wait_dma2 semaphore(%run_scoped3A_437 : memref<!tpu.dma_semaphore, #tpu.memory_space<semaphore_mem>>) src(%arg8 : memref<128x64xf32, #tpu.memory_space<vmem>>) dst(%dma_wait3A_443 : memref<128x64xf32, #tpu.memory_space<vmem_shared>>)
      tpu.yield
    }) : () -> ()
    %add3A_284 = arith.constant 384 : i32
    %add3A_285 = arith.addi %mul3A_0, %add3A_284 : i32
    "tpu.region"() ({
      %run_scoped3A_437 = tpu.sem_alloc : memref<!tpu.dma_semaphore, #tpu.memory_space<semaphore_mem>>
      %dma_start3A = arith.constant 0 : i32
      %dma_start3A_438 = tpu.memref_slice %arg9[%add3A_285, %dma_start3A] : memref<10240x64xf32, #tpu.memory_space<vmem_shared>> -> memref<128x64xf32, #tpu.memory_space<vmem_shared>>
      %dma_start3A_439 = arith.constant 0 : i32
      %dma_start3A_440 = tpu.memref_slice %arg9[%add3A_285, %dma_start3A_439] : memref<10240x64xf32, #tpu.memory_space<vmem_shared>> -> memref<128x64xf32, #tpu.memory_space<vmem_shared>>
      tpu.enqueue_dma source(%arg8 : memref<128x64xf32, #tpu.memory_space<vmem>>) target(%dma_start3A_440 : memref<128x64xf32, #tpu.memory_space<vmem_shared>>) target_semaphore(%run_scoped3A_437 : memref<!tpu.dma_semaphore, #tpu.memory_space<semaphore_mem>>)
      %dma_wait3A = arith.constant 0 : i32
      %dma_wait3A_441 = tpu.memref_slice %arg9[%add3A_285, %dma_wait3A] : memref<10240x64xf32, #tpu.memory_space<vmem_shared>> -> memref<128x64xf32, #tpu.memory_space<vmem_shared>>
      %dma_wait3A_442 = arith.constant 0 : i32
      %dma_wait3A_443 = tpu.memref_slice %arg9[%add3A_285, %dma_wait3A_442] : memref<10240x64xf32, #tpu.memory_space<vmem_shared>> -> memref<128x64xf32, #tpu.memory_space<vmem_shared>>
      tpu.wait_dma2 semaphore(%run_scoped3A_437 : memref<!tpu.dma_semaphore, #tpu.memory_space<semaphore_mem>>) src(%arg8 : memref<128x64xf32, #tpu.memory_space<vmem>>) dst(%dma_wait3A_443 : memref<128x64xf32, #tpu.memory_space<vmem_shared>>)
      tpu.yield
    }) : () -> ()
    %add3A_286 = arith.constant 512 : i32
    %add3A_287 = arith.addi %mul3A_0, %add3A_286 : i32
    "tpu.region"() ({
      %run_scoped3A_437 = tpu.sem_alloc : memref<!tpu.dma_semaphore, #tpu.memory_space<semaphore_mem>>
      %dma_start3A = arith.constant 0 : i32
      %dma_start3A_438 = tpu.memref_slice %arg9[%add3A_287, %dma_start3A] : memref<10240x64xf32, #tpu.memory_space<vmem_shared>> -> memref<128x64xf32, #tpu.memory_space<vmem_shared>>
      %dma_start3A_439 = arith.constant 0 : i32
      %dma_start3A_440 = tpu.memref_slice %arg9[%add3A_287, %dma_start3A_439] : memref<10240x64xf32, #tpu.memory_space<vmem_shared>> -> memref<128x64xf32, #tpu.memory_space<vmem_shared>>
      tpu.enqueue_dma source(%arg8 : memref<128x64xf32, #tpu.memory_space<vmem>>) target(%dma_start3A_440 : memref<128x64xf32, #tpu.memory_space<vmem_shared>>) target_semaphore(%run_scoped3A_437 : memref<!tpu.dma_semaphore, #tpu.memory_space<semaphore_mem>>)
      %dma_wait3A = arith.constant 0 : i32
      %dma_wait3A_441 = tpu.memref_slice %arg9[%add3A_287, %dma_wait3A] : memref<10240x64xf32, #tpu.memory_space<vmem_shared>> -> memref<128x64xf32, #tpu.memory_space<vmem_shared>>
      %dma_wait3A_442 = arith.constant 0 : i32
      %dma_wait3A_443 = tpu.memref_slice %arg9[%add3A_287, %dma_wait3A_442] : memref<10240x64xf32, #tpu.memory_space<vmem_shared>> -> memref<128x64xf32, #tpu.memory_space<vmem_shared>>
      tpu.wait_dma2 semaphore(%run_scoped3A_437 : memref<!tpu.dma_semaphore, #tpu.memory_space<semaphore_mem>>) src(%arg8 : memref<128x64xf32, #tpu.memory_space<vmem>>) dst(%dma_wait3A_443 : memref<128x64xf32, #tpu.memory_space<vmem_shared>>)
      tpu.yield
    }) : () -> ()
    %mul3A_288 = arith.constant 625 : i32
    %mul3A_289 = arith.muli %arg1, %mul3A_288 : i32
    %mul3A_290 = arith.constant 625 : i32
    %mul3A_291 = arith.muli %arg1, %mul3A_290 : i32
    %run_scoped3A_292 = arith.constant 5 : i32
    "tpu.region"() ({
      %run_scoped3A_437 = tpu.sem_alloc : memref<!tpu.dma_semaphore, #tpu.memory_space<semaphore_mem>>
      %dma_start3A = arith.constant 0 : i32
      %dma_start3A_438 = tpu.memref_slice %arg10[%mul3A_291, %dma_start3A] : memref<10000x64xf32, #tpu.memory_space<vmem_shared>> -> memref<625x64xf32, #tpu.memory_space<vmem_shared>>
      %dma_start3A_439 = arith.constant 0 : i32
      %dma_start3A_440 = tpu.memref_slice %arg2[%arg0, %run_scoped3A_292, %mul3A_289, %dma_start3A_439] : memref<2x8x10000x64xf32, #tpu.memory_space<hbm>> -> memref<1x1x625x64xf32, #tpu.memory_space<hbm>>
      %dma_start3A_441 = tpu.memref_squeeze %dma_start3A_440 : memref<1x1x625x64xf32, #tpu.memory_space<hbm>> -> memref<625x64xf32, #tpu.memory_space<hbm>>
      tpu.enqueue_dma source(%dma_start3A_441 : memref<625x64xf32, #tpu.memory_space<hbm>>) target(%dma_start3A_438 : memref<625x64xf32, #tpu.memory_space<vmem_shared>>) target_semaphore(%run_scoped3A_437 : memref<!tpu.dma_semaphore, #tpu.memory_space<semaphore_mem>>)
      %dma_wait3A = arith.constant 0 : i32
      %dma_wait3A_442 = tpu.memref_slice %arg10[%mul3A_291, %dma_wait3A] : memref<10000x64xf32, #tpu.memory_space<vmem_shared>> -> memref<625x64xf32, #tpu.memory_space<vmem_shared>>
      %dma_wait3A_443 = arith.constant 0 : i32
      %dma_wait3A_444 = tpu.memref_slice %arg2[%arg0, %run_scoped3A_292, %mul3A_289, %dma_wait3A_443] : memref<2x8x10000x64xf32, #tpu.memory_space<hbm>> -> memref<1x1x625x64xf32, #tpu.memory_space<hbm>>
      %dma_wait3A_445 = tpu.memref_squeeze %dma_wait3A_444 : memref<1x1x625x64xf32, #tpu.memory_space<hbm>> -> memref<625x64xf32, #tpu.memory_space<hbm>>
      tpu.wait_dma2 semaphore(%run_scoped3A_437 : memref<!tpu.dma_semaphore, #tpu.memory_space<semaphore_mem>>) src(%dma_wait3A_445 : memref<625x64xf32, #tpu.memory_space<hbm>>) dst(%dma_wait3A_442 : memref<625x64xf32, #tpu.memory_space<vmem_shared>>)
      tpu.yield
    }) : () -> ()
    %barrier3A_293 = arith.constant 0 : index
    tpu.barrier barrier_id(%barrier3A_293)
    %scan3A_294 = arith.constant 0 : i32
    %scan3A_295 = arith.constant 0 : i32
    %scan3A_296 = arith.constant 157 : i32
    %scan3A_297 = arith.addi %scan3A_295, %scan3A_296 : i32
    %scan3A_298 = arith.constant 1 : i32
    scf.for %scan3A_437 = %scan3A_295 to %scan3A_297 step %scan3A_298  : i32 {
      %dma_start3A = arith.constant 0 : i32
      %dma_start3A_438 = tpu.memref_slice %arg6[%scan3A_437, %dma_start3A] : memref<157x128xi32, #tpu.memory_space<vmem>> -> memref<1x128xi32, #tpu.memory_space<vmem>>
      %dma_start3A_439 = tpu.memref_squeeze %dma_start3A_438 : memref<1x128xi32, #tpu.memory_space<vmem>> -> memref<128xi32, #tpu.memory_space<vmem>>
      %dma_start3A_440 = arith.constant 0 : i32
      %dma_start3A_441 = arith.constant 0 : i32
      %dma_start3A_442 = tpu.memref_slice %arg10[%dma_start3A_440, %dma_start3A_441] : memref<10000x64xf32, #tpu.memory_space<vmem_shared>> -> memref<10000x64xf32, #tpu.memory_space<vmem_shared>>
      tpu.enqueue_indirect_dma source(%dma_start3A_442 : memref<10000x64xf32, #tpu.memory_space<vmem_shared>>) target(%arg8 : memref<128x64xf32, #tpu.memory_space<vmem>>) offsets(%dma_start3A_439 : memref<128xi32, #tpu.memory_space<vmem>>) semaphore(%arg11 : memref<!tpu.dma_semaphore, #tpu.memory_space<semaphore_mem>>)
      %dma_wait3A = arith.constant 0 : i32
      %dma_wait3A_443 = tpu.memref_slice %arg6[%scan3A_437, %dma_wait3A] : memref<157x128xi32, #tpu.memory_space<vmem>> -> memref<1x128xi32, #tpu.memory_space<vmem>>
      %dma_wait3A_444 = tpu.memref_squeeze %dma_wait3A_443 : memref<1x128xi32, #tpu.memory_space<vmem>> -> memref<128xi32, #tpu.memory_space<vmem>>
      %dma_wait3A_445 = arith.constant 0 : i32
      %dma_wait3A_446 = arith.constant 0 : i32
      %dma_wait3A_447 = tpu.memref_slice %arg10[%dma_wait3A_445, %dma_wait3A_446] : memref<10000x64xf32, #tpu.memory_space<vmem_shared>> -> memref<10000x64xf32, #tpu.memory_space<vmem_shared>>
      tpu.wait_indirect_dma semaphore(%arg11 : memref<!tpu.dma_semaphore, #tpu.memory_space<semaphore_mem>>) src(%dma_wait3A_447 : memref<10000x64xf32, #tpu.memory_space<vmem_shared>>) dst(%arg8 : memref<128x64xf32, #tpu.memory_space<vmem>>)
      "tpu.region"() ({
        %run_scoped3A_448 = tpu.sem_alloc : memref<!tpu.dma_semaphore, #tpu.memory_space<semaphore_mem>>
        %dma_start3A_449 = arith.constant 0 : i32
        %dma_start3A_450 = tpu.memref_slice %arg7[%scan3A_437, %dma_start3A_449] : memref<157x128xi32, #tpu.memory_space<vmem>> -> memref<1x128xi32, #tpu.memory_space<vmem>>
        %dma_start3A_451 = tpu.memref_squeeze %dma_start3A_450 : memref<1x128xi32, #tpu.memory_space<vmem>> -> memref<128xi32, #tpu.memory_space<vmem>>
        %dma_start3A_452 = arith.constant 0 : i32
        %dma_start3A_453 = arith.constant 0 : i32
        %dma_start3A_454 = tpu.memref_slice %arg9[%dma_start3A_452, %dma_start3A_453] : memref<10240x64xf32, #tpu.memory_space<vmem_shared>> -> memref<10240x64xf32, #tpu.memory_space<vmem_shared>>
        tpu.enqueue_indirect_dma source(%arg8 : memref<128x64xf32, #tpu.memory_space<vmem>>) target(%dma_start3A_454 : memref<10240x64xf32, #tpu.memory_space<vmem_shared>>) offsets(%dma_start3A_451 : memref<128xi32, #tpu.memory_space<vmem>>) semaphore(%run_scoped3A_448 : memref<!tpu.dma_semaphore, #tpu.memory_space<semaphore_mem>>) {add = true}
        %dma_wait3A_455 = arith.constant 0 : i32
        %dma_wait3A_456 = tpu.memref_slice %arg7[%scan3A_437, %dma_wait3A_455] : memref<157x128xi32, #tpu.memory_space<vmem>> -> memref<1x128xi32, #tpu.memory_space<vmem>>
        %dma_wait3A_457 = tpu.memref_squeeze %dma_wait3A_456 : memref<1x128xi32, #tpu.memory_space<vmem>> -> memref<128xi32, #tpu.memory_space<vmem>>
        %dma_wait3A_458 = arith.constant 0 : i32
        %dma_wait3A_459 = arith.constant 0 : i32
        %dma_wait3A_460 = tpu.memref_slice %arg9[%dma_wait3A_458, %dma_wait3A_459] : memref<10240x64xf32, #tpu.memory_space<vmem_shared>> -> memref<10240x64xf32, #tpu.memory_space<vmem_shared>>
        tpu.wait_indirect_dma semaphore(%run_scoped3A_448 : memref<!tpu.dma_semaphore, #tpu.memory_space<semaphore_mem>>) src(%arg8 : memref<128x64xf32, #tpu.memory_space<vmem>>) dst(%dma_wait3A_460 : memref<10240x64xf32, #tpu.memory_space<vmem_shared>>)
        tpu.yield
      }) : () -> ()
    }
    %scan3A_299 = arith.constant 157 : i32
    %barrier3A_300 = arith.constant 0 : index
    tpu.barrier barrier_id(%barrier3A_300)
    %add3A_301 = arith.constant 0 : i32
    %add3A_302 = arith.addi %mul3A_0, %add3A_301 : i32
    %add3A_303 = arith.constant 0 : i32
    %add3A_304 = arith.addi %mul3A_0, %add3A_303 : i32
    %run_scoped3A_305 = arith.constant 5 : i32
    "tpu.region"() ({
      %run_scoped3A_437 = tpu.sem_alloc : memref<!tpu.dma_semaphore, #tpu.memory_space<semaphore_mem>>
      %dma_start3A = arith.constant 0 : i32
      %dma_start3A_438 = tpu.memref_slice %arg5[%arg0, %run_scoped3A_305, %add3A_304, %dma_start3A] : memref<2x8x10240x64xf32, #tpu.memory_space<hbm>> -> memref<1x1x128x64xf32, #tpu.memory_space<hbm>>
      %dma_start3A_439 = tpu.memref_squeeze %dma_start3A_438 : memref<1x1x128x64xf32, #tpu.memory_space<hbm>> -> memref<128x64xf32, #tpu.memory_space<hbm>>
      %dma_start3A_440 = arith.constant 0 : i32
      %dma_start3A_441 = tpu.memref_slice %arg9[%add3A_302, %dma_start3A_440] : memref<10240x64xf32, #tpu.memory_space<vmem_shared>> -> memref<128x64xf32, #tpu.memory_space<vmem_shared>>
      tpu.enqueue_dma source(%dma_start3A_441 : memref<128x64xf32, #tpu.memory_space<vmem_shared>>) target(%dma_start3A_439 : memref<128x64xf32, #tpu.memory_space<hbm>>) target_semaphore(%run_scoped3A_437 : memref<!tpu.dma_semaphore, #tpu.memory_space<semaphore_mem>>)
      %dma_wait3A = arith.constant 0 : i32
      %dma_wait3A_442 = tpu.memref_slice %arg5[%arg0, %run_scoped3A_305, %add3A_304, %dma_wait3A] : memref<2x8x10240x64xf32, #tpu.memory_space<hbm>> -> memref<1x1x128x64xf32, #tpu.memory_space<hbm>>
      %dma_wait3A_443 = tpu.memref_squeeze %dma_wait3A_442 : memref<1x1x128x64xf32, #tpu.memory_space<hbm>> -> memref<128x64xf32, #tpu.memory_space<hbm>>
      %dma_wait3A_444 = arith.constant 0 : i32
      %dma_wait3A_445 = tpu.memref_slice %arg9[%add3A_302, %dma_wait3A_444] : memref<10240x64xf32, #tpu.memory_space<vmem_shared>> -> memref<128x64xf32, #tpu.memory_space<vmem_shared>>
      tpu.wait_dma2 semaphore(%run_scoped3A_437 : memref<!tpu.dma_semaphore, #tpu.memory_space<semaphore_mem>>) src(%dma_wait3A_445 : memref<128x64xf32, #tpu.memory_space<vmem_shared>>) dst(%dma_wait3A_443 : memref<128x64xf32, #tpu.memory_space<hbm>>)
      tpu.yield
    }) : () -> ()
    %add3A_306 = arith.constant 128 : i32
    %add3A_307 = arith.addi %mul3A_0, %add3A_306 : i32
    %add3A_308 = arith.constant 128 : i32
    %add3A_309 = arith.addi %mul3A_0, %add3A_308 : i32
    %run_scoped3A_310 = arith.constant 5 : i32
    "tpu.region"() ({
      %run_scoped3A_437 = tpu.sem_alloc : memref<!tpu.dma_semaphore, #tpu.memory_space<semaphore_mem>>
      %dma_start3A = arith.constant 0 : i32
      %dma_start3A_438 = tpu.memref_slice %arg5[%arg0, %run_scoped3A_310, %add3A_309, %dma_start3A] : memref<2x8x10240x64xf32, #tpu.memory_space<hbm>> -> memref<1x1x128x64xf32, #tpu.memory_space<hbm>>
      %dma_start3A_439 = tpu.memref_squeeze %dma_start3A_438 : memref<1x1x128x64xf32, #tpu.memory_space<hbm>> -> memref<128x64xf32, #tpu.memory_space<hbm>>
      %dma_start3A_440 = arith.constant 0 : i32
      %dma_start3A_441 = tpu.memref_slice %arg9[%add3A_307, %dma_start3A_440] : memref<10240x64xf32, #tpu.memory_space<vmem_shared>> -> memref<128x64xf32, #tpu.memory_space<vmem_shared>>
      tpu.enqueue_dma source(%dma_start3A_441 : memref<128x64xf32, #tpu.memory_space<vmem_shared>>) target(%dma_start3A_439 : memref<128x64xf32, #tpu.memory_space<hbm>>) target_semaphore(%run_scoped3A_437 : memref<!tpu.dma_semaphore, #tpu.memory_space<semaphore_mem>>)
      %dma_wait3A = arith.constant 0 : i32
      %dma_wait3A_442 = tpu.memref_slice %arg5[%arg0, %run_scoped3A_310, %add3A_309, %dma_wait3A] : memref<2x8x10240x64xf32, #tpu.memory_space<hbm>> -> memref<1x1x128x64xf32, #tpu.memory_space<hbm>>
      %dma_wait3A_443 = tpu.memref_squeeze %dma_wait3A_442 : memref<1x1x128x64xf32, #tpu.memory_space<hbm>> -> memref<128x64xf32, #tpu.memory_space<hbm>>
      %dma_wait3A_444 = arith.constant 0 : i32
      %dma_wait3A_445 = tpu.memref_slice %arg9[%add3A_307, %dma_wait3A_444] : memref<10240x64xf32, #tpu.memory_space<vmem_shared>> -> memref<128x64xf32, #tpu.memory_space<vmem_shared>>
      tpu.wait_dma2 semaphore(%run_scoped3A_437 : memref<!tpu.dma_semaphore, #tpu.memory_space<semaphore_mem>>) src(%dma_wait3A_445 : memref<128x64xf32, #tpu.memory_space<vmem_shared>>) dst(%dma_wait3A_443 : memref<128x64xf32, #tpu.memory_space<hbm>>)
      tpu.yield
    }) : () -> ()
    %add3A_311 = arith.constant 256 : i32
    %add3A_312 = arith.addi %mul3A_0, %add3A_311 : i32
    %add3A_313 = arith.constant 256 : i32
    %add3A_314 = arith.addi %mul3A_0, %add3A_313 : i32
    %run_scoped3A_315 = arith.constant 5 : i32
    "tpu.region"() ({
      %run_scoped3A_437 = tpu.sem_alloc : memref<!tpu.dma_semaphore, #tpu.memory_space<semaphore_mem>>
      %dma_start3A = arith.constant 0 : i32
      %dma_start3A_438 = tpu.memref_slice %arg5[%arg0, %run_scoped3A_315, %add3A_314, %dma_start3A] : memref<2x8x10240x64xf32, #tpu.memory_space<hbm>> -> memref<1x1x128x64xf32, #tpu.memory_space<hbm>>
      %dma_start3A_439 = tpu.memref_squeeze %dma_start3A_438 : memref<1x1x128x64xf32, #tpu.memory_space<hbm>> -> memref<128x64xf32, #tpu.memory_space<hbm>>
      %dma_start3A_440 = arith.constant 0 : i32
      %dma_start3A_441 = tpu.memref_slice %arg9[%add3A_312, %dma_start3A_440] : memref<10240x64xf32, #tpu.memory_space<vmem_shared>> -> memref<128x64xf32, #tpu.memory_space<vmem_shared>>
      tpu.enqueue_dma source(%dma_start3A_441 : memref<128x64xf32, #tpu.memory_space<vmem_shared>>) target(%dma_start3A_439 : memref<128x64xf32, #tpu.memory_space<hbm>>) target_semaphore(%run_scoped3A_437 : memref<!tpu.dma_semaphore, #tpu.memory_space<semaphore_mem>>)
      %dma_wait3A = arith.constant 0 : i32
      %dma_wait3A_442 = tpu.memref_slice %arg5[%arg0, %run_scoped3A_315, %add3A_314, %dma_wait3A] : memref<2x8x10240x64xf32, #tpu.memory_space<hbm>> -> memref<1x1x128x64xf32, #tpu.memory_space<hbm>>
      %dma_wait3A_443 = tpu.memref_squeeze %dma_wait3A_442 : memref<1x1x128x64xf32, #tpu.memory_space<hbm>> -> memref<128x64xf32, #tpu.memory_space<hbm>>
      %dma_wait3A_444 = arith.constant 0 : i32
      %dma_wait3A_445 = tpu.memref_slice %arg9[%add3A_312, %dma_wait3A_444] : memref<10240x64xf32, #tpu.memory_space<vmem_shared>> -> memref<128x64xf32, #tpu.memory_space<vmem_shared>>
      tpu.wait_dma2 semaphore(%run_scoped3A_437 : memref<!tpu.dma_semaphore, #tpu.memory_space<semaphore_mem>>) src(%dma_wait3A_445 : memref<128x64xf32, #tpu.memory_space<vmem_shared>>) dst(%dma_wait3A_443 : memref<128x64xf32, #tpu.memory_space<hbm>>)
      tpu.yield
    }) : () -> ()
    %add3A_316 = arith.constant 384 : i32
    %add3A_317 = arith.addi %mul3A_0, %add3A_316 : i32
    %add3A_318 = arith.constant 384 : i32
    %add3A_319 = arith.addi %mul3A_0, %add3A_318 : i32
    %run_scoped3A_320 = arith.constant 5 : i32
    "tpu.region"() ({
      %run_scoped3A_437 = tpu.sem_alloc : memref<!tpu.dma_semaphore, #tpu.memory_space<semaphore_mem>>
      %dma_start3A = arith.constant 0 : i32
      %dma_start3A_438 = tpu.memref_slice %arg5[%arg0, %run_scoped3A_320, %add3A_319, %dma_start3A] : memref<2x8x10240x64xf32, #tpu.memory_space<hbm>> -> memref<1x1x128x64xf32, #tpu.memory_space<hbm>>
      %dma_start3A_439 = tpu.memref_squeeze %dma_start3A_438 : memref<1x1x128x64xf32, #tpu.memory_space<hbm>> -> memref<128x64xf32, #tpu.memory_space<hbm>>
      %dma_start3A_440 = arith.constant 0 : i32
      %dma_start3A_441 = tpu.memref_slice %arg9[%add3A_317, %dma_start3A_440] : memref<10240x64xf32, #tpu.memory_space<vmem_shared>> -> memref<128x64xf32, #tpu.memory_space<vmem_shared>>
      tpu.enqueue_dma source(%dma_start3A_441 : memref<128x64xf32, #tpu.memory_space<vmem_shared>>) target(%dma_start3A_439 : memref<128x64xf32, #tpu.memory_space<hbm>>) target_semaphore(%run_scoped3A_437 : memref<!tpu.dma_semaphore, #tpu.memory_space<semaphore_mem>>)
      %dma_wait3A = arith.constant 0 : i32
      %dma_wait3A_442 = tpu.memref_slice %arg5[%arg0, %run_scoped3A_320, %add3A_319, %dma_wait3A] : memref<2x8x10240x64xf32, #tpu.memory_space<hbm>> -> memref<1x1x128x64xf32, #tpu.memory_space<hbm>>
      %dma_wait3A_443 = tpu.memref_squeeze %dma_wait3A_442 : memref<1x1x128x64xf32, #tpu.memory_space<hbm>> -> memref<128x64xf32, #tpu.memory_space<hbm>>
      %dma_wait3A_444 = arith.constant 0 : i32
      %dma_wait3A_445 = tpu.memref_slice %arg9[%add3A_317, %dma_wait3A_444] : memref<10240x64xf32, #tpu.memory_space<vmem_shared>> -> memref<128x64xf32, #tpu.memory_space<vmem_shared>>
      tpu.wait_dma2 semaphore(%run_scoped3A_437 : memref<!tpu.dma_semaphore, #tpu.memory_space<semaphore_mem>>) src(%dma_wait3A_445 : memref<128x64xf32, #tpu.memory_space<vmem_shared>>) dst(%dma_wait3A_443 : memref<128x64xf32, #tpu.memory_space<hbm>>)
      tpu.yield
    }) : () -> ()
    %add3A_321 = arith.constant 512 : i32
    %add3A_322 = arith.addi %mul3A_0, %add3A_321 : i32
    %add3A_323 = arith.constant 512 : i32
    %add3A_324 = arith.addi %mul3A_0, %add3A_323 : i32
    %run_scoped3A_325 = arith.constant 5 : i32
    "tpu.region"() ({
      %run_scoped3A_437 = tpu.sem_alloc : memref<!tpu.dma_semaphore, #tpu.memory_space<semaphore_mem>>
      %dma_start3A = arith.constant 0 : i32
      %dma_start3A_438 = tpu.memref_slice %arg5[%arg0, %run_scoped3A_325, %add3A_324, %dma_start3A] : memref<2x8x10240x64xf32, #tpu.memory_space<hbm>> -> memref<1x1x128x64xf32, #tpu.memory_space<hbm>>
      %dma_start3A_439 = tpu.memref_squeeze %dma_start3A_438 : memref<1x1x128x64xf32, #tpu.memory_space<hbm>> -> memref<128x64xf32, #tpu.memory_space<hbm>>
      %dma_start3A_440 = arith.constant 0 : i32
      %dma_start3A_441 = tpu.memref_slice %arg9[%add3A_322, %dma_start3A_440] : memref<10240x64xf32, #tpu.memory_space<vmem_shared>> -> memref<128x64xf32, #tpu.memory_space<vmem_shared>>
      tpu.enqueue_dma source(%dma_start3A_441 : memref<128x64xf32, #tpu.memory_space<vmem_shared>>) target(%dma_start3A_439 : memref<128x64xf32, #tpu.memory_space<hbm>>) target_semaphore(%run_scoped3A_437 : memref<!tpu.dma_semaphore, #tpu.memory_space<semaphore_mem>>)
      %dma_wait3A = arith.constant 0 : i32
      %dma_wait3A_442 = tpu.memref_slice %arg5[%arg0, %run_scoped3A_325, %add3A_324, %dma_wait3A] : memref<2x8x10240x64xf32, #tpu.memory_space<hbm>> -> memref<1x1x128x64xf32, #tpu.memory_space<hbm>>
      %dma_wait3A_443 = tpu.memref_squeeze %dma_wait3A_442 : memref<1x1x128x64xf32, #tpu.memory_space<hbm>> -> memref<128x64xf32, #tpu.memory_space<hbm>>
      %dma_wait3A_444 = arith.constant 0 : i32
      %dma_wait3A_445 = tpu.memref_slice %arg9[%add3A_322, %dma_wait3A_444] : memref<10240x64xf32, #tpu.memory_space<vmem_shared>> -> memref<128x64xf32, #tpu.memory_space<vmem_shared>>
      tpu.wait_dma2 semaphore(%run_scoped3A_437 : memref<!tpu.dma_semaphore, #tpu.memory_space<semaphore_mem>>) src(%dma_wait3A_445 : memref<128x64xf32, #tpu.memory_space<vmem_shared>>) dst(%dma_wait3A_443 : memref<128x64xf32, #tpu.memory_space<hbm>>)
      tpu.yield
    }) : () -> ()
    %barrier3A_326 = arith.constant 0 : index
    tpu.barrier barrier_id(%barrier3A_326)
    %scan3A_327 = arith.constant 0 : i32
    %scan3A_328 = arith.constant 0 : i32
    %scan3A_329 = arith.constant 512 : i32
    %scan3A_330 = arith.addi %scan3A_328, %scan3A_329 : i32
    %scan3A_331 = arith.constant 1 : i32
    scf.for %scan3A_437 = %scan3A_328 to %scan3A_330 step %scan3A_331  : i32 {
      %jit3A = arith.constant 4 : i32
      %div3A = arith.divsi %scan3A_437, %jit3A : i32
      %sign3A = arith.constant 0 : i32
      %sign3A_438 = arith.cmpi sgt, %scan3A_437, %sign3A : i32
      %sign3A_439 = arith.extui %sign3A_438 : i1 to i32
      %sign3A_440 = arith.constant 0 : i32
      %sign3A_441 = arith.cmpi slt, %scan3A_437, %sign3A_440 : i32
      %sign3A_442 = arith.extui %sign3A_441 : i1 to i32
      %sign3A_443 = arith.subi %sign3A_439, %sign3A_442 : i32
      %sign3A_444 = arith.constant 0 : i32
      %sign3A_445 = arith.cmpi sgt, %jit3A, %sign3A_444 : i32
      %sign3A_446 = arith.extui %sign3A_445 : i1 to i32
      %sign3A_447 = arith.constant 0 : i32
      %sign3A_448 = arith.cmpi slt, %jit3A, %sign3A_447 : i32
      %sign3A_449 = arith.extui %sign3A_448 : i1 to i32
      %sign3A_450 = arith.subi %sign3A_446, %sign3A_449 : i32
      %ne3A = arith.cmpi ne, %sign3A_443, %sign3A_450 : i32
      %rem3A = arith.remsi %scan3A_437, %jit3A : i32
      %ne3A_451 = arith.constant 0 : i32
      %ne3A_452 = arith.cmpi ne, %rem3A, %ne3A_451 : i32
      %and3A = arith.andi %ne3A, %ne3A_452 : i1
      %sub3A = arith.constant 1 : i32
      %sub3A_453 = arith.subi %div3A, %sub3A : i32
      %select_n3A = arith.select %and3A, %sub3A_453, %div3A : i32
      %jit3A_454 = arith.constant 4 : i32
      %eq3A = arith.constant 0 : i32
      %eq3A_455 = arith.cmpi eq, %jit3A_454, %eq3A : i32
      %jit3A_456 = arith.constant 1 : i32
      %select_n3A_457 = arith.select %eq3A_455, %jit3A_456, %jit3A_454 : i32
      %rem3A_458 = arith.remsi %scan3A_437, %select_n3A_457 : i32
      %ne3A_459 = arith.constant 0 : i32
      %ne3A_460 = arith.cmpi ne, %rem3A_458, %ne3A_459 : i32
      %lt3A = arith.constant 0 : i32
      %lt3A_461 = arith.cmpi slt, %rem3A_458, %lt3A : i32
      %lt3A_462 = arith.constant 0 : i32
      %lt3A_463 = arith.cmpi slt, %select_n3A_457, %lt3A_462 : i32
      %ne3A_464 = arith.xori %lt3A_461, %lt3A_463 : i1
      %and3A_465 = arith.andi %ne3A_464, %ne3A_460 : i1
      %add3A_466 = arith.addi %rem3A_458, %select_n3A_457 : i32
      %select_n3A_467 = arith.select %and3A_465, %add3A_466, %rem3A_458 : i32
      %broadcast_in_dim3A = arith.constant 0.000000e+00 : f32
      %broadcast_in_dim3A_468 = vector.broadcast %broadcast_in_dim3A : f32 to vector<16xf32>
      %mul3A_469 = arith.constant 16 : i32
      %mul3A_470 = arith.muli %select_n3A_467, %mul3A_469 : i32
      %swap3A = arith.index_cast %select_n3A : i32 to index
      %swap3A_471 = arith.index_cast %mul3A_470 : i32 to index
      %swap3A_472 = tpu.vector_load %arg8[%swap3A, %swap3A_471] {strides = array<i32>} : memref<128x64xf32, #tpu.memory_space<vmem>>, vector<16xf32>,
      tpu.vector_store %arg8[%swap3A, %swap3A_471], %broadcast_in_dim3A_468 {strides = array<i32>} : memref<128x64xf32, #tpu.memory_space<vmem>>, vector<16xf32>,
    }
    %scan3A_332 = arith.constant 512 : i32
    %add3A_333 = arith.constant 0 : i32
    %add3A_334 = arith.addi %mul3A_0, %add3A_333 : i32
    "tpu.region"() ({
      %run_scoped3A_437 = tpu.sem_alloc : memref<!tpu.dma_semaphore, #tpu.memory_space<semaphore_mem>>
      %dma_start3A = arith.constant 0 : i32
      %dma_start3A_438 = tpu.memref_slice %arg9[%add3A_334, %dma_start3A] : memref<10240x64xf32, #tpu.memory_space<vmem_shared>> -> memref<128x64xf32, #tpu.memory_space<vmem_shared>>
      %dma_start3A_439 = arith.constant 0 : i32
      %dma_start3A_440 = tpu.memref_slice %arg9[%add3A_334, %dma_start3A_439] : memref<10240x64xf32, #tpu.memory_space<vmem_shared>> -> memref<128x64xf32, #tpu.memory_space<vmem_shared>>
      tpu.enqueue_dma source(%arg8 : memref<128x64xf32, #tpu.memory_space<vmem>>) target(%dma_start3A_440 : memref<128x64xf32, #tpu.memory_space<vmem_shared>>) target_semaphore(%run_scoped3A_437 : memref<!tpu.dma_semaphore, #tpu.memory_space<semaphore_mem>>)
      %dma_wait3A = arith.constant 0 : i32
      %dma_wait3A_441 = tpu.memref_slice %arg9[%add3A_334, %dma_wait3A] : memref<10240x64xf32, #tpu.memory_space<vmem_shared>> -> memref<128x64xf32, #tpu.memory_space<vmem_shared>>
      %dma_wait3A_442 = arith.constant 0 : i32
      %dma_wait3A_443 = tpu.memref_slice %arg9[%add3A_334, %dma_wait3A_442] : memref<10240x64xf32, #tpu.memory_space<vmem_shared>> -> memref<128x64xf32, #tpu.memory_space<vmem_shared>>
      tpu.wait_dma2 semaphore(%run_scoped3A_437 : memref<!tpu.dma_semaphore, #tpu.memory_space<semaphore_mem>>) src(%arg8 : memref<128x64xf32, #tpu.memory_space<vmem>>) dst(%dma_wait3A_443 : memref<128x64xf32, #tpu.memory_space<vmem_shared>>)
      tpu.yield
    }) : () -> ()
    %add3A_335 = arith.constant 128 : i32
    %add3A_336 = arith.addi %mul3A_0, %add3A_335 : i32
    "tpu.region"() ({
      %run_scoped3A_437 = tpu.sem_alloc : memref<!tpu.dma_semaphore, #tpu.memory_space<semaphore_mem>>
      %dma_start3A = arith.constant 0 : i32
      %dma_start3A_438 = tpu.memref_slice %arg9[%add3A_336, %dma_start3A] : memref<10240x64xf32, #tpu.memory_space<vmem_shared>> -> memref<128x64xf32, #tpu.memory_space<vmem_shared>>
      %dma_start3A_439 = arith.constant 0 : i32
      %dma_start3A_440 = tpu.memref_slice %arg9[%add3A_336, %dma_start3A_439] : memref<10240x64xf32, #tpu.memory_space<vmem_shared>> -> memref<128x64xf32, #tpu.memory_space<vmem_shared>>
      tpu.enqueue_dma source(%arg8 : memref<128x64xf32, #tpu.memory_space<vmem>>) target(%dma_start3A_440 : memref<128x64xf32, #tpu.memory_space<vmem_shared>>) target_semaphore(%run_scoped3A_437 : memref<!tpu.dma_semaphore, #tpu.memory_space<semaphore_mem>>)
      %dma_wait3A = arith.constant 0 : i32
      %dma_wait3A_441 = tpu.memref_slice %arg9[%add3A_336, %dma_wait3A] : memref<10240x64xf32, #tpu.memory_space<vmem_shared>> -> memref<128x64xf32, #tpu.memory_space<vmem_shared>>
      %dma_wait3A_442 = arith.constant 0 : i32
      %dma_wait3A_443 = tpu.memref_slice %arg9[%add3A_336, %dma_wait3A_442] : memref<10240x64xf32, #tpu.memory_space<vmem_shared>> -> memref<128x64xf32, #tpu.memory_space<vmem_shared>>
      tpu.wait_dma2 semaphore(%run_scoped3A_437 : memref<!tpu.dma_semaphore, #tpu.memory_space<semaphore_mem>>) src(%arg8 : memref<128x64xf32, #tpu.memory_space<vmem>>) dst(%dma_wait3A_443 : memref<128x64xf32, #tpu.memory_space<vmem_shared>>)
      tpu.yield
    }) : () -> ()
    %add3A_337 = arith.constant 256 : i32
    %add3A_338 = arith.addi %mul3A_0, %add3A_337 : i32
    "tpu.region"() ({
      %run_scoped3A_437 = tpu.sem_alloc : memref<!tpu.dma_semaphore, #tpu.memory_space<semaphore_mem>>
      %dma_start3A = arith.constant 0 : i32
      %dma_start3A_438 = tpu.memref_slice %arg9[%add3A_338, %dma_start3A] : memref<10240x64xf32, #tpu.memory_space<vmem_shared>> -> memref<128x64xf32, #tpu.memory_space<vmem_shared>>
      %dma_start3A_439 = arith.constant 0 : i32
      %dma_start3A_440 = tpu.memref_slice %arg9[%add3A_338, %dma_start3A_439] : memref<10240x64xf32, #tpu.memory_space<vmem_shared>> -> memref<128x64xf32, #tpu.memory_space<vmem_shared>>
      tpu.enqueue_dma source(%arg8 : memref<128x64xf32, #tpu.memory_space<vmem>>) target(%dma_start3A_440 : memref<128x64xf32, #tpu.memory_space<vmem_shared>>) target_semaphore(%run_scoped3A_437 : memref<!tpu.dma_semaphore, #tpu.memory_space<semaphore_mem>>)
      %dma_wait3A = arith.constant 0 : i32
      %dma_wait3A_441 = tpu.memref_slice %arg9[%add3A_338, %dma_wait3A] : memref<10240x64xf32, #tpu.memory_space<vmem_shared>> -> memref<128x64xf32, #tpu.memory_space<vmem_shared>>
      %dma_wait3A_442 = arith.constant 0 : i32
      %dma_wait3A_443 = tpu.memref_slice %arg9[%add3A_338, %dma_wait3A_442] : memref<10240x64xf32, #tpu.memory_space<vmem_shared>> -> memref<128x64xf32, #tpu.memory_space<vmem_shared>>
      tpu.wait_dma2 semaphore(%run_scoped3A_437 : memref<!tpu.dma_semaphore, #tpu.memory_space<semaphore_mem>>) src(%arg8 : memref<128x64xf32, #tpu.memory_space<vmem>>) dst(%dma_wait3A_443 : memref<128x64xf32, #tpu.memory_space<vmem_shared>>)
      tpu.yield
    }) : () -> ()
    %add3A_339 = arith.constant 384 : i32
    %add3A_340 = arith.addi %mul3A_0, %add3A_339 : i32
    "tpu.region"() ({
      %run_scoped3A_437 = tpu.sem_alloc : memref<!tpu.dma_semaphore, #tpu.memory_space<semaphore_mem>>
      %dma_start3A = arith.constant 0 : i32
      %dma_start3A_438 = tpu.memref_slice %arg9[%add3A_340, %dma_start3A] : memref<10240x64xf32, #tpu.memory_space<vmem_shared>> -> memref<128x64xf32, #tpu.memory_space<vmem_shared>>
      %dma_start3A_439 = arith.constant 0 : i32
      %dma_start3A_440 = tpu.memref_slice %arg9[%add3A_340, %dma_start3A_439] : memref<10240x64xf32, #tpu.memory_space<vmem_shared>> -> memref<128x64xf32, #tpu.memory_space<vmem_shared>>
      tpu.enqueue_dma source(%arg8 : memref<128x64xf32, #tpu.memory_space<vmem>>) target(%dma_start3A_440 : memref<128x64xf32, #tpu.memory_space<vmem_shared>>) target_semaphore(%run_scoped3A_437 : memref<!tpu.dma_semaphore, #tpu.memory_space<semaphore_mem>>)
      %dma_wait3A = arith.constant 0 : i32
      %dma_wait3A_441 = tpu.memref_slice %arg9[%add3A_340, %dma_wait3A] : memref<10240x64xf32, #tpu.memory_space<vmem_shared>> -> memref<128x64xf32, #tpu.memory_space<vmem_shared>>
      %dma_wait3A_442 = arith.constant 0 : i32
      %dma_wait3A_443 = tpu.memref_slice %arg9[%add3A_340, %dma_wait3A_442] : memref<10240x64xf32, #tpu.memory_space<vmem_shared>> -> memref<128x64xf32, #tpu.memory_space<vmem_shared>>
      tpu.wait_dma2 semaphore(%run_scoped3A_437 : memref<!tpu.dma_semaphore, #tpu.memory_space<semaphore_mem>>) src(%arg8 : memref<128x64xf32, #tpu.memory_space<vmem>>) dst(%dma_wait3A_443 : memref<128x64xf32, #tpu.memory_space<vmem_shared>>)
      tpu.yield
    }) : () -> ()
    %add3A_341 = arith.constant 512 : i32
    %add3A_342 = arith.addi %mul3A_0, %add3A_341 : i32
    "tpu.region"() ({
      %run_scoped3A_437 = tpu.sem_alloc : memref<!tpu.dma_semaphore, #tpu.memory_space<semaphore_mem>>
      %dma_start3A = arith.constant 0 : i32
      %dma_start3A_438 = tpu.memref_slice %arg9[%add3A_342, %dma_start3A] : memref<10240x64xf32, #tpu.memory_space<vmem_shared>> -> memref<128x64xf32, #tpu.memory_space<vmem_shared>>
      %dma_start3A_439 = arith.constant 0 : i32
      %dma_start3A_440 = tpu.memref_slice %arg9[%add3A_342, %dma_start3A_439] : memref<10240x64xf32, #tpu.memory_space<vmem_shared>> -> memref<128x64xf32, #tpu.memory_space<vmem_shared>>
      tpu.enqueue_dma source(%arg8 : memref<128x64xf32, #tpu.memory_space<vmem>>) target(%dma_start3A_440 : memref<128x64xf32, #tpu.memory_space<vmem_shared>>) target_semaphore(%run_scoped3A_437 : memref<!tpu.dma_semaphore, #tpu.memory_space<semaphore_mem>>)
      %dma_wait3A = arith.constant 0 : i32
      %dma_wait3A_441 = tpu.memref_slice %arg9[%add3A_342, %dma_wait3A] : memref<10240x64xf32, #tpu.memory_space<vmem_shared>> -> memref<128x64xf32, #tpu.memory_space<vmem_shared>>
      %dma_wait3A_442 = arith.constant 0 : i32
      %dma_wait3A_443 = tpu.memref_slice %arg9[%add3A_342, %dma_wait3A_442] : memref<10240x64xf32, #tpu.memory_space<vmem_shared>> -> memref<128x64xf32, #tpu.memory_space<vmem_shared>>
      tpu.wait_dma2 semaphore(%run_scoped3A_437 : memref<!tpu.dma_semaphore, #tpu.memory_space<semaphore_mem>>) src(%arg8 : memref<128x64xf32, #tpu.memory_space<vmem>>) dst(%dma_wait3A_443 : memref<128x64xf32, #tpu.memory_space<vmem_shared>>)
      tpu.yield
    }) : () -> ()
    %mul3A_343 = arith.constant 625 : i32
    %mul3A_344 = arith.muli %arg1, %mul3A_343 : i32
    %mul3A_345 = arith.constant 625 : i32
    %mul3A_346 = arith.muli %arg1, %mul3A_345 : i32
    %run_scoped3A_347 = arith.constant 6 : i32
    "tpu.region"() ({
      %run_scoped3A_437 = tpu.sem_alloc : memref<!tpu.dma_semaphore, #tpu.memory_space<semaphore_mem>>
      %dma_start3A = arith.constant 0 : i32
      %dma_start3A_438 = tpu.memref_slice %arg10[%mul3A_346, %dma_start3A] : memref<10000x64xf32, #tpu.memory_space<vmem_shared>> -> memref<625x64xf32, #tpu.memory_space<vmem_shared>>
      %dma_start3A_439 = arith.constant 0 : i32
      %dma_start3A_440 = tpu.memref_slice %arg2[%arg0, %run_scoped3A_347, %mul3A_344, %dma_start3A_439] : memref<2x8x10000x64xf32, #tpu.memory_space<hbm>> -> memref<1x1x625x64xf32, #tpu.memory_space<hbm>>
      %dma_start3A_441 = tpu.memref_squeeze %dma_start3A_440 : memref<1x1x625x64xf32, #tpu.memory_space<hbm>> -> memref<625x64xf32, #tpu.memory_space<hbm>>
      tpu.enqueue_dma source(%dma_start3A_441 : memref<625x64xf32, #tpu.memory_space<hbm>>) target(%dma_start3A_438 : memref<625x64xf32, #tpu.memory_space<vmem_shared>>) target_semaphore(%run_scoped3A_437 : memref<!tpu.dma_semaphore, #tpu.memory_space<semaphore_mem>>)
      %dma_wait3A = arith.constant 0 : i32
      %dma_wait3A_442 = tpu.memref_slice %arg10[%mul3A_346, %dma_wait3A] : memref<10000x64xf32, #tpu.memory_space<vmem_shared>> -> memref<625x64xf32, #tpu.memory_space<vmem_shared>>
      %dma_wait3A_443 = arith.constant 0 : i32
      %dma_wait3A_444 = tpu.memref_slice %arg2[%arg0, %run_scoped3A_347, %mul3A_344, %dma_wait3A_443] : memref<2x8x10000x64xf32, #tpu.memory_space<hbm>> -> memref<1x1x625x64xf32, #tpu.memory_space<hbm>>
      %dma_wait3A_445 = tpu.memref_squeeze %dma_wait3A_444 : memref<1x1x625x64xf32, #tpu.memory_space<hbm>> -> memref<625x64xf32, #tpu.memory_space<hbm>>
      tpu.wait_dma2 semaphore(%run_scoped3A_437 : memref<!tpu.dma_semaphore, #tpu.memory_space<semaphore_mem>>) src(%dma_wait3A_445 : memref<625x64xf32, #tpu.memory_space<hbm>>) dst(%dma_wait3A_442 : memref<625x64xf32, #tpu.memory_space<vmem_shared>>)
      tpu.yield
    }) : () -> ()
    %barrier3A_348 = arith.constant 0 : index
    tpu.barrier barrier_id(%barrier3A_348)
    %scan3A_349 = arith.constant 0 : i32
    %scan3A_350 = arith.constant 0 : i32
    %scan3A_351 = arith.constant 157 : i32
    %scan3A_352 = arith.addi %scan3A_350, %scan3A_351 : i32
    %scan3A_353 = arith.constant 1 : i32
    scf.for %scan3A_437 = %scan3A_350 to %scan3A_352 step %scan3A_353  : i32 {
      %dma_start3A = arith.constant 0 : i32
      %dma_start3A_438 = tpu.memref_slice %arg6[%scan3A_437, %dma_start3A] : memref<157x128xi32, #tpu.memory_space<vmem>> -> memref<1x128xi32, #tpu.memory_space<vmem>>
      %dma_start3A_439 = tpu.memref_squeeze %dma_start3A_438 : memref<1x128xi32, #tpu.memory_space<vmem>> -> memref<128xi32, #tpu.memory_space<vmem>>
      %dma_start3A_440 = arith.constant 0 : i32
      %dma_start3A_441 = arith.constant 0 : i32
      %dma_start3A_442 = tpu.memref_slice %arg10[%dma_start3A_440, %dma_start3A_441] : memref<10000x64xf32, #tpu.memory_space<vmem_shared>> -> memref<10000x64xf32, #tpu.memory_space<vmem_shared>>
      tpu.enqueue_indirect_dma source(%dma_start3A_442 : memref<10000x64xf32, #tpu.memory_space<vmem_shared>>) target(%arg8 : memref<128x64xf32, #tpu.memory_space<vmem>>) offsets(%dma_start3A_439 : memref<128xi32, #tpu.memory_space<vmem>>) semaphore(%arg11 : memref<!tpu.dma_semaphore, #tpu.memory_space<semaphore_mem>>)
      %dma_wait3A = arith.constant 0 : i32
      %dma_wait3A_443 = tpu.memref_slice %arg6[%scan3A_437, %dma_wait3A] : memref<157x128xi32, #tpu.memory_space<vmem>> -> memref<1x128xi32, #tpu.memory_space<vmem>>
      %dma_wait3A_444 = tpu.memref_squeeze %dma_wait3A_443 : memref<1x128xi32, #tpu.memory_space<vmem>> -> memref<128xi32, #tpu.memory_space<vmem>>
      %dma_wait3A_445 = arith.constant 0 : i32
      %dma_wait3A_446 = arith.constant 0 : i32
      %dma_wait3A_447 = tpu.memref_slice %arg10[%dma_wait3A_445, %dma_wait3A_446] : memref<10000x64xf32, #tpu.memory_space<vmem_shared>> -> memref<10000x64xf32, #tpu.memory_space<vmem_shared>>
      tpu.wait_indirect_dma semaphore(%arg11 : memref<!tpu.dma_semaphore, #tpu.memory_space<semaphore_mem>>) src(%dma_wait3A_447 : memref<10000x64xf32, #tpu.memory_space<vmem_shared>>) dst(%arg8 : memref<128x64xf32, #tpu.memory_space<vmem>>)
      "tpu.region"() ({
        %run_scoped3A_448 = tpu.sem_alloc : memref<!tpu.dma_semaphore, #tpu.memory_space<semaphore_mem>>
        %dma_start3A_449 = arith.constant 0 : i32
        %dma_start3A_450 = tpu.memref_slice %arg7[%scan3A_437, %dma_start3A_449] : memref<157x128xi32, #tpu.memory_space<vmem>> -> memref<1x128xi32, #tpu.memory_space<vmem>>
        %dma_start3A_451 = tpu.memref_squeeze %dma_start3A_450 : memref<1x128xi32, #tpu.memory_space<vmem>> -> memref<128xi32, #tpu.memory_space<vmem>>
        %dma_start3A_452 = arith.constant 0 : i32
        %dma_start3A_453 = arith.constant 0 : i32
        %dma_start3A_454 = tpu.memref_slice %arg9[%dma_start3A_452, %dma_start3A_453] : memref<10240x64xf32, #tpu.memory_space<vmem_shared>> -> memref<10240x64xf32, #tpu.memory_space<vmem_shared>>
        tpu.enqueue_indirect_dma source(%arg8 : memref<128x64xf32, #tpu.memory_space<vmem>>) target(%dma_start3A_454 : memref<10240x64xf32, #tpu.memory_space<vmem_shared>>) offsets(%dma_start3A_451 : memref<128xi32, #tpu.memory_space<vmem>>) semaphore(%run_scoped3A_448 : memref<!tpu.dma_semaphore, #tpu.memory_space<semaphore_mem>>) {add = true}
        %dma_wait3A_455 = arith.constant 0 : i32
        %dma_wait3A_456 = tpu.memref_slice %arg7[%scan3A_437, %dma_wait3A_455] : memref<157x128xi32, #tpu.memory_space<vmem>> -> memref<1x128xi32, #tpu.memory_space<vmem>>
        %dma_wait3A_457 = tpu.memref_squeeze %dma_wait3A_456 : memref<1x128xi32, #tpu.memory_space<vmem>> -> memref<128xi32, #tpu.memory_space<vmem>>
        %dma_wait3A_458 = arith.constant 0 : i32
        %dma_wait3A_459 = arith.constant 0 : i32
        %dma_wait3A_460 = tpu.memref_slice %arg9[%dma_wait3A_458, %dma_wait3A_459] : memref<10240x64xf32, #tpu.memory_space<vmem_shared>> -> memref<10240x64xf32, #tpu.memory_space<vmem_shared>>
        tpu.wait_indirect_dma semaphore(%run_scoped3A_448 : memref<!tpu.dma_semaphore, #tpu.memory_space<semaphore_mem>>) src(%arg8 : memref<128x64xf32, #tpu.memory_space<vmem>>) dst(%dma_wait3A_460 : memref<10240x64xf32, #tpu.memory_space<vmem_shared>>)
        tpu.yield
      }) : () -> ()
    }
    %scan3A_354 = arith.constant 157 : i32
    %barrier3A_355 = arith.constant 0 : index
    tpu.barrier barrier_id(%barrier3A_355)
    %add3A_356 = arith.constant 0 : i32
    %add3A_357 = arith.addi %mul3A_0, %add3A_356 : i32
    %add3A_358 = arith.constant 0 : i32
    %add3A_359 = arith.addi %mul3A_0, %add3A_358 : i32
    %run_scoped3A_360 = arith.constant 6 : i32
    "tpu.region"() ({
      %run_scoped3A_437 = tpu.sem_alloc : memref<!tpu.dma_semaphore, #tpu.memory_space<semaphore_mem>>
      %dma_start3A = arith.constant 0 : i32
      %dma_start3A_438 = tpu.memref_slice %arg5[%arg0, %run_scoped3A_360, %add3A_359, %dma_start3A] : memref<2x8x10240x64xf32, #tpu.memory_space<hbm>> -> memref<1x1x128x64xf32, #tpu.memory_space<hbm>>
      %dma_start3A_439 = tpu.memref_squeeze %dma_start3A_438 : memref<1x1x128x64xf32, #tpu.memory_space<hbm>> -> memref<128x64xf32, #tpu.memory_space<hbm>>
      %dma_start3A_440 = arith.constant 0 : i32
      %dma_start3A_441 = tpu.memref_slice %arg9[%add3A_357, %dma_start3A_440] : memref<10240x64xf32, #tpu.memory_space<vmem_shared>> -> memref<128x64xf32, #tpu.memory_space<vmem_shared>>
      tpu.enqueue_dma source(%dma_start3A_441 : memref<128x64xf32, #tpu.memory_space<vmem_shared>>) target(%dma_start3A_439 : memref<128x64xf32, #tpu.memory_space<hbm>>) target_semaphore(%run_scoped3A_437 : memref<!tpu.dma_semaphore, #tpu.memory_space<semaphore_mem>>)
      %dma_wait3A = arith.constant 0 : i32
      %dma_wait3A_442 = tpu.memref_slice %arg5[%arg0, %run_scoped3A_360, %add3A_359, %dma_wait3A] : memref<2x8x10240x64xf32, #tpu.memory_space<hbm>> -> memref<1x1x128x64xf32, #tpu.memory_space<hbm>>
      %dma_wait3A_443 = tpu.memref_squeeze %dma_wait3A_442 : memref<1x1x128x64xf32, #tpu.memory_space<hbm>> -> memref<128x64xf32, #tpu.memory_space<hbm>>
      %dma_wait3A_444 = arith.constant 0 : i32
      %dma_wait3A_445 = tpu.memref_slice %arg9[%add3A_357, %dma_wait3A_444] : memref<10240x64xf32, #tpu.memory_space<vmem_shared>> -> memref<128x64xf32, #tpu.memory_space<vmem_shared>>
      tpu.wait_dma2 semaphore(%run_scoped3A_437 : memref<!tpu.dma_semaphore, #tpu.memory_space<semaphore_mem>>) src(%dma_wait3A_445 : memref<128x64xf32, #tpu.memory_space<vmem_shared>>) dst(%dma_wait3A_443 : memref<128x64xf32, #tpu.memory_space<hbm>>)
      tpu.yield
    }) : () -> ()
    %add3A_361 = arith.constant 128 : i32
    %add3A_362 = arith.addi %mul3A_0, %add3A_361 : i32
    %add3A_363 = arith.constant 128 : i32
    %add3A_364 = arith.addi %mul3A_0, %add3A_363 : i32
    %run_scoped3A_365 = arith.constant 6 : i32
    "tpu.region"() ({
      %run_scoped3A_437 = tpu.sem_alloc : memref<!tpu.dma_semaphore, #tpu.memory_space<semaphore_mem>>
      %dma_start3A = arith.constant 0 : i32
      %dma_start3A_438 = tpu.memref_slice %arg5[%arg0, %run_scoped3A_365, %add3A_364, %dma_start3A] : memref<2x8x10240x64xf32, #tpu.memory_space<hbm>> -> memref<1x1x128x64xf32, #tpu.memory_space<hbm>>
      %dma_start3A_439 = tpu.memref_squeeze %dma_start3A_438 : memref<1x1x128x64xf32, #tpu.memory_space<hbm>> -> memref<128x64xf32, #tpu.memory_space<hbm>>
      %dma_start3A_440 = arith.constant 0 : i32
      %dma_start3A_441 = tpu.memref_slice %arg9[%add3A_362, %dma_start3A_440] : memref<10240x64xf32, #tpu.memory_space<vmem_shared>> -> memref<128x64xf32, #tpu.memory_space<vmem_shared>>
      tpu.enqueue_dma source(%dma_start3A_441 : memref<128x64xf32, #tpu.memory_space<vmem_shared>>) target(%dma_start3A_439 : memref<128x64xf32, #tpu.memory_space<hbm>>) target_semaphore(%run_scoped3A_437 : memref<!tpu.dma_semaphore, #tpu.memory_space<semaphore_mem>>)
      %dma_wait3A = arith.constant 0 : i32
      %dma_wait3A_442 = tpu.memref_slice %arg5[%arg0, %run_scoped3A_365, %add3A_364, %dma_wait3A] : memref<2x8x10240x64xf32, #tpu.memory_space<hbm>> -> memref<1x1x128x64xf32, #tpu.memory_space<hbm>>
      %dma_wait3A_443 = tpu.memref_squeeze %dma_wait3A_442 : memref<1x1x128x64xf32, #tpu.memory_space<hbm>> -> memref<128x64xf32, #tpu.memory_space<hbm>>
      %dma_wait3A_444 = arith.constant 0 : i32
      %dma_wait3A_445 = tpu.memref_slice %arg9[%add3A_362, %dma_wait3A_444] : memref<10240x64xf32, #tpu.memory_space<vmem_shared>> -> memref<128x64xf32, #tpu.memory_space<vmem_shared>>
      tpu.wait_dma2 semaphore(%run_scoped3A_437 : memref<!tpu.dma_semaphore, #tpu.memory_space<semaphore_mem>>) src(%dma_wait3A_445 : memref<128x64xf32, #tpu.memory_space<vmem_shared>>) dst(%dma_wait3A_443 : memref<128x64xf32, #tpu.memory_space<hbm>>)
      tpu.yield
    }) : () -> ()
    %add3A_366 = arith.constant 256 : i32
    %add3A_367 = arith.addi %mul3A_0, %add3A_366 : i32
    %add3A_368 = arith.constant 256 : i32
    %add3A_369 = arith.addi %mul3A_0, %add3A_368 : i32
    %run_scoped3A_370 = arith.constant 6 : i32
    "tpu.region"() ({
      %run_scoped3A_437 = tpu.sem_alloc : memref<!tpu.dma_semaphore, #tpu.memory_space<semaphore_mem>>
      %dma_start3A = arith.constant 0 : i32
      %dma_start3A_438 = tpu.memref_slice %arg5[%arg0, %run_scoped3A_370, %add3A_369, %dma_start3A] : memref<2x8x10240x64xf32, #tpu.memory_space<hbm>> -> memref<1x1x128x64xf32, #tpu.memory_space<hbm>>
      %dma_start3A_439 = tpu.memref_squeeze %dma_start3A_438 : memref<1x1x128x64xf32, #tpu.memory_space<hbm>> -> memref<128x64xf32, #tpu.memory_space<hbm>>
      %dma_start3A_440 = arith.constant 0 : i32
      %dma_start3A_441 = tpu.memref_slice %arg9[%add3A_367, %dma_start3A_440] : memref<10240x64xf32, #tpu.memory_space<vmem_shared>> -> memref<128x64xf32, #tpu.memory_space<vmem_shared>>
      tpu.enqueue_dma source(%dma_start3A_441 : memref<128x64xf32, #tpu.memory_space<vmem_shared>>) target(%dma_start3A_439 : memref<128x64xf32, #tpu.memory_space<hbm>>) target_semaphore(%run_scoped3A_437 : memref<!tpu.dma_semaphore, #tpu.memory_space<semaphore_mem>>)
      %dma_wait3A = arith.constant 0 : i32
      %dma_wait3A_442 = tpu.memref_slice %arg5[%arg0, %run_scoped3A_370, %add3A_369, %dma_wait3A] : memref<2x8x10240x64xf32, #tpu.memory_space<hbm>> -> memref<1x1x128x64xf32, #tpu.memory_space<hbm>>
      %dma_wait3A_443 = tpu.memref_squeeze %dma_wait3A_442 : memref<1x1x128x64xf32, #tpu.memory_space<hbm>> -> memref<128x64xf32, #tpu.memory_space<hbm>>
      %dma_wait3A_444 = arith.constant 0 : i32
      %dma_wait3A_445 = tpu.memref_slice %arg9[%add3A_367, %dma_wait3A_444] : memref<10240x64xf32, #tpu.memory_space<vmem_shared>> -> memref<128x64xf32, #tpu.memory_space<vmem_shared>>
      tpu.wait_dma2 semaphore(%run_scoped3A_437 : memref<!tpu.dma_semaphore, #tpu.memory_space<semaphore_mem>>) src(%dma_wait3A_445 : memref<128x64xf32, #tpu.memory_space<vmem_shared>>) dst(%dma_wait3A_443 : memref<128x64xf32, #tpu.memory_space<hbm>>)
      tpu.yield
    }) : () -> ()
    %add3A_371 = arith.constant 384 : i32
    %add3A_372 = arith.addi %mul3A_0, %add3A_371 : i32
    %add3A_373 = arith.constant 384 : i32
    %add3A_374 = arith.addi %mul3A_0, %add3A_373 : i32
    %run_scoped3A_375 = arith.constant 6 : i32
    "tpu.region"() ({
      %run_scoped3A_437 = tpu.sem_alloc : memref<!tpu.dma_semaphore, #tpu.memory_space<semaphore_mem>>
      %dma_start3A = arith.constant 0 : i32
      %dma_start3A_438 = tpu.memref_slice %arg5[%arg0, %run_scoped3A_375, %add3A_374, %dma_start3A] : memref<2x8x10240x64xf32, #tpu.memory_space<hbm>> -> memref<1x1x128x64xf32, #tpu.memory_space<hbm>>
      %dma_start3A_439 = tpu.memref_squeeze %dma_start3A_438 : memref<1x1x128x64xf32, #tpu.memory_space<hbm>> -> memref<128x64xf32, #tpu.memory_space<hbm>>
      %dma_start3A_440 = arith.constant 0 : i32
      %dma_start3A_441 = tpu.memref_slice %arg9[%add3A_372, %dma_start3A_440] : memref<10240x64xf32, #tpu.memory_space<vmem_shared>> -> memref<128x64xf32, #tpu.memory_space<vmem_shared>>
      tpu.enqueue_dma source(%dma_start3A_441 : memref<128x64xf32, #tpu.memory_space<vmem_shared>>) target(%dma_start3A_439 : memref<128x64xf32, #tpu.memory_space<hbm>>) target_semaphore(%run_scoped3A_437 : memref<!tpu.dma_semaphore, #tpu.memory_space<semaphore_mem>>)
      %dma_wait3A = arith.constant 0 : i32
      %dma_wait3A_442 = tpu.memref_slice %arg5[%arg0, %run_scoped3A_375, %add3A_374, %dma_wait3A] : memref<2x8x10240x64xf32, #tpu.memory_space<hbm>> -> memref<1x1x128x64xf32, #tpu.memory_space<hbm>>
      %dma_wait3A_443 = tpu.memref_squeeze %dma_wait3A_442 : memref<1x1x128x64xf32, #tpu.memory_space<hbm>> -> memref<128x64xf32, #tpu.memory_space<hbm>>
      %dma_wait3A_444 = arith.constant 0 : i32
      %dma_wait3A_445 = tpu.memref_slice %arg9[%add3A_372, %dma_wait3A_444] : memref<10240x64xf32, #tpu.memory_space<vmem_shared>> -> memref<128x64xf32, #tpu.memory_space<vmem_shared>>
      tpu.wait_dma2 semaphore(%run_scoped3A_437 : memref<!tpu.dma_semaphore, #tpu.memory_space<semaphore_mem>>) src(%dma_wait3A_445 : memref<128x64xf32, #tpu.memory_space<vmem_shared>>) dst(%dma_wait3A_443 : memref<128x64xf32, #tpu.memory_space<hbm>>)
      tpu.yield
    }) : () -> ()
    %add3A_376 = arith.constant 512 : i32
    %add3A_377 = arith.addi %mul3A_0, %add3A_376 : i32
    %add3A_378 = arith.constant 512 : i32
    %add3A_379 = arith.addi %mul3A_0, %add3A_378 : i32
    %run_scoped3A_380 = arith.constant 6 : i32
    "tpu.region"() ({
      %run_scoped3A_437 = tpu.sem_alloc : memref<!tpu.dma_semaphore, #tpu.memory_space<semaphore_mem>>
      %dma_start3A = arith.constant 0 : i32
      %dma_start3A_438 = tpu.memref_slice %arg5[%arg0, %run_scoped3A_380, %add3A_379, %dma_start3A] : memref<2x8x10240x64xf32, #tpu.memory_space<hbm>> -> memref<1x1x128x64xf32, #tpu.memory_space<hbm>>
      %dma_start3A_439 = tpu.memref_squeeze %dma_start3A_438 : memref<1x1x128x64xf32, #tpu.memory_space<hbm>> -> memref<128x64xf32, #tpu.memory_space<hbm>>
      %dma_start3A_440 = arith.constant 0 : i32
      %dma_start3A_441 = tpu.memref_slice %arg9[%add3A_377, %dma_start3A_440] : memref<10240x64xf32, #tpu.memory_space<vmem_shared>> -> memref<128x64xf32, #tpu.memory_space<vmem_shared>>
      tpu.enqueue_dma source(%dma_start3A_441 : memref<128x64xf32, #tpu.memory_space<vmem_shared>>) target(%dma_start3A_439 : memref<128x64xf32, #tpu.memory_space<hbm>>) target_semaphore(%run_scoped3A_437 : memref<!tpu.dma_semaphore, #tpu.memory_space<semaphore_mem>>)
      %dma_wait3A = arith.constant 0 : i32
      %dma_wait3A_442 = tpu.memref_slice %arg5[%arg0, %run_scoped3A_380, %add3A_379, %dma_wait3A] : memref<2x8x10240x64xf32, #tpu.memory_space<hbm>> -> memref<1x1x128x64xf32, #tpu.memory_space<hbm>>
      %dma_wait3A_443 = tpu.memref_squeeze %dma_wait3A_442 : memref<1x1x128x64xf32, #tpu.memory_space<hbm>> -> memref<128x64xf32, #tpu.memory_space<hbm>>
      %dma_wait3A_444 = arith.constant 0 : i32
      %dma_wait3A_445 = tpu.memref_slice %arg9[%add3A_377, %dma_wait3A_444] : memref<10240x64xf32, #tpu.memory_space<vmem_shared>> -> memref<128x64xf32, #tpu.memory_space<vmem_shared>>
      tpu.wait_dma2 semaphore(%run_scoped3A_437 : memref<!tpu.dma_semaphore, #tpu.memory_space<semaphore_mem>>) src(%dma_wait3A_445 : memref<128x64xf32, #tpu.memory_space<vmem_shared>>) dst(%dma_wait3A_443 : memref<128x64xf32, #tpu.memory_space<hbm>>)
      tpu.yield
    }) : () -> ()
    %barrier3A_381 = arith.constant 0 : index
    tpu.barrier barrier_id(%barrier3A_381)
    %scan3A_382 = arith.constant 0 : i32
    %scan3A_383 = arith.constant 0 : i32
    %scan3A_384 = arith.constant 512 : i32
    %scan3A_385 = arith.addi %scan3A_383, %scan3A_384 : i32
    %scan3A_386 = arith.constant 1 : i32
    scf.for %scan3A_437 = %scan3A_383 to %scan3A_385 step %scan3A_386  : i32 {
      %jit3A = arith.constant 4 : i32
      %div3A = arith.divsi %scan3A_437, %jit3A : i32
      %sign3A = arith.constant 0 : i32
      %sign3A_438 = arith.cmpi sgt, %scan3A_437, %sign3A : i32
      %sign3A_439 = arith.extui %sign3A_438 : i1 to i32
      %sign3A_440 = arith.constant 0 : i32
      %sign3A_441 = arith.cmpi slt, %scan3A_437, %sign3A_440 : i32
      %sign3A_442 = arith.extui %sign3A_441 : i1 to i32
      %sign3A_443 = arith.subi %sign3A_439, %sign3A_442 : i32
      %sign3A_444 = arith.constant 0 : i32
      %sign3A_445 = arith.cmpi sgt, %jit3A, %sign3A_444 : i32
      %sign3A_446 = arith.extui %sign3A_445 : i1 to i32
      %sign3A_447 = arith.constant 0 : i32
      %sign3A_448 = arith.cmpi slt, %jit3A, %sign3A_447 : i32
      %sign3A_449 = arith.extui %sign3A_448 : i1 to i32
      %sign3A_450 = arith.subi %sign3A_446, %sign3A_449 : i32
      %ne3A = arith.cmpi ne, %sign3A_443, %sign3A_450 : i32
      %rem3A = arith.remsi %scan3A_437, %jit3A : i32
      %ne3A_451 = arith.constant 0 : i32
      %ne3A_452 = arith.cmpi ne, %rem3A, %ne3A_451 : i32
      %and3A = arith.andi %ne3A, %ne3A_452 : i1
      %sub3A = arith.constant 1 : i32
      %sub3A_453 = arith.subi %div3A, %sub3A : i32
      %select_n3A = arith.select %and3A, %sub3A_453, %div3A : i32
      %jit3A_454 = arith.constant 4 : i32
      %eq3A = arith.constant 0 : i32
      %eq3A_455 = arith.cmpi eq, %jit3A_454, %eq3A : i32
      %jit3A_456 = arith.constant 1 : i32
      %select_n3A_457 = arith.select %eq3A_455, %jit3A_456, %jit3A_454 : i32
      %rem3A_458 = arith.remsi %scan3A_437, %select_n3A_457 : i32
      %ne3A_459 = arith.constant 0 : i32
      %ne3A_460 = arith.cmpi ne, %rem3A_458, %ne3A_459 : i32
      %lt3A = arith.constant 0 : i32
      %lt3A_461 = arith.cmpi slt, %rem3A_458, %lt3A : i32
      %lt3A_462 = arith.constant 0 : i32
      %lt3A_463 = arith.cmpi slt, %select_n3A_457, %lt3A_462 : i32
      %ne3A_464 = arith.xori %lt3A_461, %lt3A_463 : i1
      %and3A_465 = arith.andi %ne3A_464, %ne3A_460 : i1
      %add3A_466 = arith.addi %rem3A_458, %select_n3A_457 : i32
      %select_n3A_467 = arith.select %and3A_465, %add3A_466, %rem3A_458 : i32
      %broadcast_in_dim3A = arith.constant 0.000000e+00 : f32
      %broadcast_in_dim3A_468 = vector.broadcast %broadcast_in_dim3A : f32 to vector<16xf32>
      %mul3A_469 = arith.constant 16 : i32
      %mul3A_470 = arith.muli %select_n3A_467, %mul3A_469 : i32
      %swap3A = arith.index_cast %select_n3A : i32 to index
      %swap3A_471 = arith.index_cast %mul3A_470 : i32 to index
      %swap3A_472 = tpu.vector_load %arg8[%swap3A, %swap3A_471] {strides = array<i32>} : memref<128x64xf32, #tpu.memory_space<vmem>>, vector<16xf32>,
      tpu.vector_store %arg8[%swap3A, %swap3A_471], %broadcast_in_dim3A_468 {strides = array<i32>} : memref<128x64xf32, #tpu.memory_space<vmem>>, vector<16xf32>,
    }
    %scan3A_387 = arith.constant 512 : i32
    %add3A_388 = arith.constant 0 : i32
    %add3A_389 = arith.addi %mul3A_0, %add3A_388 : i32
    "tpu.region"() ({
      %run_scoped3A_437 = tpu.sem_alloc : memref<!tpu.dma_semaphore, #tpu.memory_space<semaphore_mem>>
      %dma_start3A = arith.constant 0 : i32
      %dma_start3A_438 = tpu.memref_slice %arg9[%add3A_389, %dma_start3A] : memref<10240x64xf32, #tpu.memory_space<vmem_shared>> -> memref<128x64xf32, #tpu.memory_space<vmem_shared>>
      %dma_start3A_439 = arith.constant 0 : i32
      %dma_start3A_440 = tpu.memref_slice %arg9[%add3A_389, %dma_start3A_439] : memref<10240x64xf32, #tpu.memory_space<vmem_shared>> -> memref<128x64xf32, #tpu.memory_space<vmem_shared>>
      tpu.enqueue_dma source(%arg8 : memref<128x64xf32, #tpu.memory_space<vmem>>) target(%dma_start3A_440 : memref<128x64xf32, #tpu.memory_space<vmem_shared>>) target_semaphore(%run_scoped3A_437 : memref<!tpu.dma_semaphore, #tpu.memory_space<semaphore_mem>>)
      %dma_wait3A = arith.constant 0 : i32
      %dma_wait3A_441 = tpu.memref_slice %arg9[%add3A_389, %dma_wait3A] : memref<10240x64xf32, #tpu.memory_space<vmem_shared>> -> memref<128x64xf32, #tpu.memory_space<vmem_shared>>
      %dma_wait3A_442 = arith.constant 0 : i32
      %dma_wait3A_443 = tpu.memref_slice %arg9[%add3A_389, %dma_wait3A_442] : memref<10240x64xf32, #tpu.memory_space<vmem_shared>> -> memref<128x64xf32, #tpu.memory_space<vmem_shared>>
      tpu.wait_dma2 semaphore(%run_scoped3A_437 : memref<!tpu.dma_semaphore, #tpu.memory_space<semaphore_mem>>) src(%arg8 : memref<128x64xf32, #tpu.memory_space<vmem>>) dst(%dma_wait3A_443 : memref<128x64xf32, #tpu.memory_space<vmem_shared>>)
      tpu.yield
    }) : () -> ()
    %add3A_390 = arith.constant 128 : i32
    %add3A_391 = arith.addi %mul3A_0, %add3A_390 : i32
    "tpu.region"() ({
      %run_scoped3A_437 = tpu.sem_alloc : memref<!tpu.dma_semaphore, #tpu.memory_space<semaphore_mem>>
      %dma_start3A = arith.constant 0 : i32
      %dma_start3A_438 = tpu.memref_slice %arg9[%add3A_391, %dma_start3A] : memref<10240x64xf32, #tpu.memory_space<vmem_shared>> -> memref<128x64xf32, #tpu.memory_space<vmem_shared>>
      %dma_start3A_439 = arith.constant 0 : i32
      %dma_start3A_440 = tpu.memref_slice %arg9[%add3A_391, %dma_start3A_439] : memref<10240x64xf32, #tpu.memory_space<vmem_shared>> -> memref<128x64xf32, #tpu.memory_space<vmem_shared>>
      tpu.enqueue_dma source(%arg8 : memref<128x64xf32, #tpu.memory_space<vmem>>) target(%dma_start3A_440 : memref<128x64xf32, #tpu.memory_space<vmem_shared>>) target_semaphore(%run_scoped3A_437 : memref<!tpu.dma_semaphore, #tpu.memory_space<semaphore_mem>>)
      %dma_wait3A = arith.constant 0 : i32
      %dma_wait3A_441 = tpu.memref_slice %arg9[%add3A_391, %dma_wait3A] : memref<10240x64xf32, #tpu.memory_space<vmem_shared>> -> memref<128x64xf32, #tpu.memory_space<vmem_shared>>
      %dma_wait3A_442 = arith.constant 0 : i32
      %dma_wait3A_443 = tpu.memref_slice %arg9[%add3A_391, %dma_wait3A_442] : memref<10240x64xf32, #tpu.memory_space<vmem_shared>> -> memref<128x64xf32, #tpu.memory_space<vmem_shared>>
      tpu.wait_dma2 semaphore(%run_scoped3A_437 : memref<!tpu.dma_semaphore, #tpu.memory_space<semaphore_mem>>) src(%arg8 : memref<128x64xf32, #tpu.memory_space<vmem>>) dst(%dma_wait3A_443 : memref<128x64xf32, #tpu.memory_space<vmem_shared>>)
      tpu.yield
    }) : () -> ()
    %add3A_392 = arith.constant 256 : i32
    %add3A_393 = arith.addi %mul3A_0, %add3A_392 : i32
    "tpu.region"() ({
      %run_scoped3A_437 = tpu.sem_alloc : memref<!tpu.dma_semaphore, #tpu.memory_space<semaphore_mem>>
      %dma_start3A = arith.constant 0 : i32
      %dma_start3A_438 = tpu.memref_slice %arg9[%add3A_393, %dma_start3A] : memref<10240x64xf32, #tpu.memory_space<vmem_shared>> -> memref<128x64xf32, #tpu.memory_space<vmem_shared>>
      %dma_start3A_439 = arith.constant 0 : i32
      %dma_start3A_440 = tpu.memref_slice %arg9[%add3A_393, %dma_start3A_439] : memref<10240x64xf32, #tpu.memory_space<vmem_shared>> -> memref<128x64xf32, #tpu.memory_space<vmem_shared>>
      tpu.enqueue_dma source(%arg8 : memref<128x64xf32, #tpu.memory_space<vmem>>) target(%dma_start3A_440 : memref<128x64xf32, #tpu.memory_space<vmem_shared>>) target_semaphore(%run_scoped3A_437 : memref<!tpu.dma_semaphore, #tpu.memory_space<semaphore_mem>>)
      %dma_wait3A = arith.constant 0 : i32
      %dma_wait3A_441 = tpu.memref_slice %arg9[%add3A_393, %dma_wait3A] : memref<10240x64xf32, #tpu.memory_space<vmem_shared>> -> memref<128x64xf32, #tpu.memory_space<vmem_shared>>
      %dma_wait3A_442 = arith.constant 0 : i32
      %dma_wait3A_443 = tpu.memref_slice %arg9[%add3A_393, %dma_wait3A_442] : memref<10240x64xf32, #tpu.memory_space<vmem_shared>> -> memref<128x64xf32, #tpu.memory_space<vmem_shared>>
      tpu.wait_dma2 semaphore(%run_scoped3A_437 : memref<!tpu.dma_semaphore, #tpu.memory_space<semaphore_mem>>) src(%arg8 : memref<128x64xf32, #tpu.memory_space<vmem>>) dst(%dma_wait3A_443 : memref<128x64xf32, #tpu.memory_space<vmem_shared>>)
      tpu.yield
    }) : () -> ()
    %add3A_394 = arith.constant 384 : i32
    %add3A_395 = arith.addi %mul3A_0, %add3A_394 : i32
    "tpu.region"() ({
      %run_scoped3A_437 = tpu.sem_alloc : memref<!tpu.dma_semaphore, #tpu.memory_space<semaphore_mem>>
      %dma_start3A = arith.constant 0 : i32
      %dma_start3A_438 = tpu.memref_slice %arg9[%add3A_395, %dma_start3A] : memref<10240x64xf32, #tpu.memory_space<vmem_shared>> -> memref<128x64xf32, #tpu.memory_space<vmem_shared>>
      %dma_start3A_439 = arith.constant 0 : i32
      %dma_start3A_440 = tpu.memref_slice %arg9[%add3A_395, %dma_start3A_439] : memref<10240x64xf32, #tpu.memory_space<vmem_shared>> -> memref<128x64xf32, #tpu.memory_space<vmem_shared>>
      tpu.enqueue_dma source(%arg8 : memref<128x64xf32, #tpu.memory_space<vmem>>) target(%dma_start3A_440 : memref<128x64xf32, #tpu.memory_space<vmem_shared>>) target_semaphore(%run_scoped3A_437 : memref<!tpu.dma_semaphore, #tpu.memory_space<semaphore_mem>>)
      %dma_wait3A = arith.constant 0 : i32
      %dma_wait3A_441 = tpu.memref_slice %arg9[%add3A_395, %dma_wait3A] : memref<10240x64xf32, #tpu.memory_space<vmem_shared>> -> memref<128x64xf32, #tpu.memory_space<vmem_shared>>
      %dma_wait3A_442 = arith.constant 0 : i32
      %dma_wait3A_443 = tpu.memref_slice %arg9[%add3A_395, %dma_wait3A_442] : memref<10240x64xf32, #tpu.memory_space<vmem_shared>> -> memref<128x64xf32, #tpu.memory_space<vmem_shared>>
      tpu.wait_dma2 semaphore(%run_scoped3A_437 : memref<!tpu.dma_semaphore, #tpu.memory_space<semaphore_mem>>) src(%arg8 : memref<128x64xf32, #tpu.memory_space<vmem>>) dst(%dma_wait3A_443 : memref<128x64xf32, #tpu.memory_space<vmem_shared>>)
      tpu.yield
    }) : () -> ()
    %add3A_396 = arith.constant 512 : i32
    %add3A_397 = arith.addi %mul3A_0, %add3A_396 : i32
    "tpu.region"() ({
      %run_scoped3A_437 = tpu.sem_alloc : memref<!tpu.dma_semaphore, #tpu.memory_space<semaphore_mem>>
      %dma_start3A = arith.constant 0 : i32
      %dma_start3A_438 = tpu.memref_slice %arg9[%add3A_397, %dma_start3A] : memref<10240x64xf32, #tpu.memory_space<vmem_shared>> -> memref<128x64xf32, #tpu.memory_space<vmem_shared>>
      %dma_start3A_439 = arith.constant 0 : i32
      %dma_start3A_440 = tpu.memref_slice %arg9[%add3A_397, %dma_start3A_439] : memref<10240x64xf32, #tpu.memory_space<vmem_shared>> -> memref<128x64xf32, #tpu.memory_space<vmem_shared>>
      tpu.enqueue_dma source(%arg8 : memref<128x64xf32, #tpu.memory_space<vmem>>) target(%dma_start3A_440 : memref<128x64xf32, #tpu.memory_space<vmem_shared>>) target_semaphore(%run_scoped3A_437 : memref<!tpu.dma_semaphore, #tpu.memory_space<semaphore_mem>>)
      %dma_wait3A = arith.constant 0 : i32
      %dma_wait3A_441 = tpu.memref_slice %arg9[%add3A_397, %dma_wait3A] : memref<10240x64xf32, #tpu.memory_space<vmem_shared>> -> memref<128x64xf32, #tpu.memory_space<vmem_shared>>
      %dma_wait3A_442 = arith.constant 0 : i32
      %dma_wait3A_443 = tpu.memref_slice %arg9[%add3A_397, %dma_wait3A_442] : memref<10240x64xf32, #tpu.memory_space<vmem_shared>> -> memref<128x64xf32, #tpu.memory_space<vmem_shared>>
      tpu.wait_dma2 semaphore(%run_scoped3A_437 : memref<!tpu.dma_semaphore, #tpu.memory_space<semaphore_mem>>) src(%arg8 : memref<128x64xf32, #tpu.memory_space<vmem>>) dst(%dma_wait3A_443 : memref<128x64xf32, #tpu.memory_space<vmem_shared>>)
      tpu.yield
    }) : () -> ()
    %mul3A_398 = arith.constant 625 : i32
    %mul3A_399 = arith.muli %arg1, %mul3A_398 : i32
    %mul3A_400 = arith.constant 625 : i32
    %mul3A_401 = arith.muli %arg1, %mul3A_400 : i32
    %run_scoped3A_402 = arith.constant 7 : i32
    "tpu.region"() ({
      %run_scoped3A_437 = tpu.sem_alloc : memref<!tpu.dma_semaphore, #tpu.memory_space<semaphore_mem>>
      %dma_start3A = arith.constant 0 : i32
      %dma_start3A_438 = tpu.memref_slice %arg10[%mul3A_401, %dma_start3A] : memref<10000x64xf32, #tpu.memory_space<vmem_shared>> -> memref<625x64xf32, #tpu.memory_space<vmem_shared>>
      %dma_start3A_439 = arith.constant 0 : i32
      %dma_start3A_440 = tpu.memref_slice %arg2[%arg0, %run_scoped3A_402, %mul3A_399, %dma_start3A_439] : memref<2x8x10000x64xf32, #tpu.memory_space<hbm>> -> memref<1x1x625x64xf32, #tpu.memory_space<hbm>>
      %dma_start3A_441 = tpu.memref_squeeze %dma_start3A_440 : memref<1x1x625x64xf32, #tpu.memory_space<hbm>> -> memref<625x64xf32, #tpu.memory_space<hbm>>
      tpu.enqueue_dma source(%dma_start3A_441 : memref<625x64xf32, #tpu.memory_space<hbm>>) target(%dma_start3A_438 : memref<625x64xf32, #tpu.memory_space<vmem_shared>>) target_semaphore(%run_scoped3A_437 : memref<!tpu.dma_semaphore, #tpu.memory_space<semaphore_mem>>)
      %dma_wait3A = arith.constant 0 : i32
      %dma_wait3A_442 = tpu.memref_slice %arg10[%mul3A_401, %dma_wait3A] : memref<10000x64xf32, #tpu.memory_space<vmem_shared>> -> memref<625x64xf32, #tpu.memory_space<vmem_shared>>
      %dma_wait3A_443 = arith.constant 0 : i32
      %dma_wait3A_444 = tpu.memref_slice %arg2[%arg0, %run_scoped3A_402, %mul3A_399, %dma_wait3A_443] : memref<2x8x10000x64xf32, #tpu.memory_space<hbm>> -> memref<1x1x625x64xf32, #tpu.memory_space<hbm>>
      %dma_wait3A_445 = tpu.memref_squeeze %dma_wait3A_444 : memref<1x1x625x64xf32, #tpu.memory_space<hbm>> -> memref<625x64xf32, #tpu.memory_space<hbm>>
      tpu.wait_dma2 semaphore(%run_scoped3A_437 : memref<!tpu.dma_semaphore, #tpu.memory_space<semaphore_mem>>) src(%dma_wait3A_445 : memref<625x64xf32, #tpu.memory_space<hbm>>) dst(%dma_wait3A_442 : memref<625x64xf32, #tpu.memory_space<vmem_shared>>)
      tpu.yield
    }) : () -> ()
    %barrier3A_403 = arith.constant 0 : index
    tpu.barrier barrier_id(%barrier3A_403)
    %scan3A_404 = arith.constant 0 : i32
    %scan3A_405 = arith.constant 0 : i32
    %scan3A_406 = arith.constant 157 : i32
    %scan3A_407 = arith.addi %scan3A_405, %scan3A_406 : i32
    %scan3A_408 = arith.constant 1 : i32
    scf.for %scan3A_437 = %scan3A_405 to %scan3A_407 step %scan3A_408  : i32 {
      %dma_start3A = arith.constant 0 : i32
      %dma_start3A_438 = tpu.memref_slice %arg6[%scan3A_437, %dma_start3A] : memref<157x128xi32, #tpu.memory_space<vmem>> -> memref<1x128xi32, #tpu.memory_space<vmem>>
      %dma_start3A_439 = tpu.memref_squeeze %dma_start3A_438 : memref<1x128xi32, #tpu.memory_space<vmem>> -> memref<128xi32, #tpu.memory_space<vmem>>
      %dma_start3A_440 = arith.constant 0 : i32
      %dma_start3A_441 = arith.constant 0 : i32
      %dma_start3A_442 = tpu.memref_slice %arg10[%dma_start3A_440, %dma_start3A_441] : memref<10000x64xf32, #tpu.memory_space<vmem_shared>> -> memref<10000x64xf32, #tpu.memory_space<vmem_shared>>
      tpu.enqueue_indirect_dma source(%dma_start3A_442 : memref<10000x64xf32, #tpu.memory_space<vmem_shared>>) target(%arg8 : memref<128x64xf32, #tpu.memory_space<vmem>>) offsets(%dma_start3A_439 : memref<128xi32, #tpu.memory_space<vmem>>) semaphore(%arg11 : memref<!tpu.dma_semaphore, #tpu.memory_space<semaphore_mem>>)
      %dma_wait3A = arith.constant 0 : i32
      %dma_wait3A_443 = tpu.memref_slice %arg6[%scan3A_437, %dma_wait3A] : memref<157x128xi32, #tpu.memory_space<vmem>> -> memref<1x128xi32, #tpu.memory_space<vmem>>
      %dma_wait3A_444 = tpu.memref_squeeze %dma_wait3A_443 : memref<1x128xi32, #tpu.memory_space<vmem>> -> memref<128xi32, #tpu.memory_space<vmem>>
      %dma_wait3A_445 = arith.constant 0 : i32
      %dma_wait3A_446 = arith.constant 0 : i32
      %dma_wait3A_447 = tpu.memref_slice %arg10[%dma_wait3A_445, %dma_wait3A_446] : memref<10000x64xf32, #tpu.memory_space<vmem_shared>> -> memref<10000x64xf32, #tpu.memory_space<vmem_shared>>
      tpu.wait_indirect_dma semaphore(%arg11 : memref<!tpu.dma_semaphore, #tpu.memory_space<semaphore_mem>>) src(%dma_wait3A_447 : memref<10000x64xf32, #tpu.memory_space<vmem_shared>>) dst(%arg8 : memref<128x64xf32, #tpu.memory_space<vmem>>)
      "tpu.region"() ({
        %run_scoped3A_448 = tpu.sem_alloc : memref<!tpu.dma_semaphore, #tpu.memory_space<semaphore_mem>>
        %dma_start3A_449 = arith.constant 0 : i32
        %dma_start3A_450 = tpu.memref_slice %arg7[%scan3A_437, %dma_start3A_449] : memref<157x128xi32, #tpu.memory_space<vmem>> -> memref<1x128xi32, #tpu.memory_space<vmem>>
        %dma_start3A_451 = tpu.memref_squeeze %dma_start3A_450 : memref<1x128xi32, #tpu.memory_space<vmem>> -> memref<128xi32, #tpu.memory_space<vmem>>
        %dma_start3A_452 = arith.constant 0 : i32
        %dma_start3A_453 = arith.constant 0 : i32
        %dma_start3A_454 = tpu.memref_slice %arg9[%dma_start3A_452, %dma_start3A_453] : memref<10240x64xf32, #tpu.memory_space<vmem_shared>> -> memref<10240x64xf32, #tpu.memory_space<vmem_shared>>
        tpu.enqueue_indirect_dma source(%arg8 : memref<128x64xf32, #tpu.memory_space<vmem>>) target(%dma_start3A_454 : memref<10240x64xf32, #tpu.memory_space<vmem_shared>>) offsets(%dma_start3A_451 : memref<128xi32, #tpu.memory_space<vmem>>) semaphore(%run_scoped3A_448 : memref<!tpu.dma_semaphore, #tpu.memory_space<semaphore_mem>>) {add = true}
        %dma_wait3A_455 = arith.constant 0 : i32
        %dma_wait3A_456 = tpu.memref_slice %arg7[%scan3A_437, %dma_wait3A_455] : memref<157x128xi32, #tpu.memory_space<vmem>> -> memref<1x128xi32, #tpu.memory_space<vmem>>
        %dma_wait3A_457 = tpu.memref_squeeze %dma_wait3A_456 : memref<1x128xi32, #tpu.memory_space<vmem>> -> memref<128xi32, #tpu.memory_space<vmem>>
        %dma_wait3A_458 = arith.constant 0 : i32
        %dma_wait3A_459 = arith.constant 0 : i32
        %dma_wait3A_460 = tpu.memref_slice %arg9[%dma_wait3A_458, %dma_wait3A_459] : memref<10240x64xf32, #tpu.memory_space<vmem_shared>> -> memref<10240x64xf32, #tpu.memory_space<vmem_shared>>
        tpu.wait_indirect_dma semaphore(%run_scoped3A_448 : memref<!tpu.dma_semaphore, #tpu.memory_space<semaphore_mem>>) src(%arg8 : memref<128x64xf32, #tpu.memory_space<vmem>>) dst(%dma_wait3A_460 : memref<10240x64xf32, #tpu.memory_space<vmem_shared>>)
        tpu.yield
      }) : () -> ()
    }
    %scan3A_409 = arith.constant 157 : i32
    %barrier3A_410 = arith.constant 0 : index
    tpu.barrier barrier_id(%barrier3A_410)
    %add3A_411 = arith.constant 0 : i32
    %add3A_412 = arith.addi %mul3A_0, %add3A_411 : i32
    %add3A_413 = arith.constant 0 : i32
    %add3A_414 = arith.addi %mul3A_0, %add3A_413 : i32
    %run_scoped3A_415 = arith.constant 7 : i32
    "tpu.region"() ({
      %run_scoped3A_437 = tpu.sem_alloc : memref<!tpu.dma_semaphore, #tpu.memory_space<semaphore_mem>>
      %dma_start3A = arith.constant 0 : i32
      %dma_start3A_438 = tpu.memref_slice %arg5[%arg0, %run_scoped3A_415, %add3A_414, %dma_start3A] : memref<2x8x10240x64xf32, #tpu.memory_space<hbm>> -> memref<1x1x128x64xf32, #tpu.memory_space<hbm>>
      %dma_start3A_439 = tpu.memref_squeeze %dma_start3A_438 : memref<1x1x128x64xf32, #tpu.memory_space<hbm>> -> memref<128x64xf32, #tpu.memory_space<hbm>>
      %dma_start3A_440 = arith.constant 0 : i32
      %dma_start3A_441 = tpu.memref_slice %arg9[%add3A_412, %dma_start3A_440] : memref<10240x64xf32, #tpu.memory_space<vmem_shared>> -> memref<128x64xf32, #tpu.memory_space<vmem_shared>>
      tpu.enqueue_dma source(%dma_start3A_441 : memref<128x64xf32, #tpu.memory_space<vmem_shared>>) target(%dma_start3A_439 : memref<128x64xf32, #tpu.memory_space<hbm>>) target_semaphore(%run_scoped3A_437 : memref<!tpu.dma_semaphore, #tpu.memory_space<semaphore_mem>>)
      %dma_wait3A = arith.constant 0 : i32
      %dma_wait3A_442 = tpu.memref_slice %arg5[%arg0, %run_scoped3A_415, %add3A_414, %dma_wait3A] : memref<2x8x10240x64xf32, #tpu.memory_space<hbm>> -> memref<1x1x128x64xf32, #tpu.memory_space<hbm>>
      %dma_wait3A_443 = tpu.memref_squeeze %dma_wait3A_442 : memref<1x1x128x64xf32, #tpu.memory_space<hbm>> -> memref<128x64xf32, #tpu.memory_space<hbm>>
      %dma_wait3A_444 = arith.constant 0 : i32
      %dma_wait3A_445 = tpu.memref_slice %arg9[%add3A_412, %dma_wait3A_444] : memref<10240x64xf32, #tpu.memory_space<vmem_shared>> -> memref<128x64xf32, #tpu.memory_space<vmem_shared>>
      tpu.wait_dma2 semaphore(%run_scoped3A_437 : memref<!tpu.dma_semaphore, #tpu.memory_space<semaphore_mem>>) src(%dma_wait3A_445 : memref<128x64xf32, #tpu.memory_space<vmem_shared>>) dst(%dma_wait3A_443 : memref<128x64xf32, #tpu.memory_space<hbm>>)
      tpu.yield
    }) : () -> ()
    %add3A_416 = arith.constant 128 : i32
    %add3A_417 = arith.addi %mul3A_0, %add3A_416 : i32
    %add3A_418 = arith.constant 128 : i32
    %add3A_419 = arith.addi %mul3A_0, %add3A_418 : i32
    %run_scoped3A_420 = arith.constant 7 : i32
    "tpu.region"() ({
      %run_scoped3A_437 = tpu.sem_alloc : memref<!tpu.dma_semaphore, #tpu.memory_space<semaphore_mem>>
      %dma_start3A = arith.constant 0 : i32
      %dma_start3A_438 = tpu.memref_slice %arg5[%arg0, %run_scoped3A_420, %add3A_419, %dma_start3A] : memref<2x8x10240x64xf32, #tpu.memory_space<hbm>> -> memref<1x1x128x64xf32, #tpu.memory_space<hbm>>
      %dma_start3A_439 = tpu.memref_squeeze %dma_start3A_438 : memref<1x1x128x64xf32, #tpu.memory_space<hbm>> -> memref<128x64xf32, #tpu.memory_space<hbm>>
      %dma_start3A_440 = arith.constant 0 : i32
      %dma_start3A_441 = tpu.memref_slice %arg9[%add3A_417, %dma_start3A_440] : memref<10240x64xf32, #tpu.memory_space<vmem_shared>> -> memref<128x64xf32, #tpu.memory_space<vmem_shared>>
      tpu.enqueue_dma source(%dma_start3A_441 : memref<128x64xf32, #tpu.memory_space<vmem_shared>>) target(%dma_start3A_439 : memref<128x64xf32, #tpu.memory_space<hbm>>) target_semaphore(%run_scoped3A_437 : memref<!tpu.dma_semaphore, #tpu.memory_space<semaphore_mem>>)
      %dma_wait3A = arith.constant 0 : i32
      %dma_wait3A_442 = tpu.memref_slice %arg5[%arg0, %run_scoped3A_420, %add3A_419, %dma_wait3A] : memref<2x8x10240x64xf32, #tpu.memory_space<hbm>> -> memref<1x1x128x64xf32, #tpu.memory_space<hbm>>
      %dma_wait3A_443 = tpu.memref_squeeze %dma_wait3A_442 : memref<1x1x128x64xf32, #tpu.memory_space<hbm>> -> memref<128x64xf32, #tpu.memory_space<hbm>>
      %dma_wait3A_444 = arith.constant 0 : i32
      %dma_wait3A_445 = tpu.memref_slice %arg9[%add3A_417, %dma_wait3A_444] : memref<10240x64xf32, #tpu.memory_space<vmem_shared>> -> memref<128x64xf32, #tpu.memory_space<vmem_shared>>
      tpu.wait_dma2 semaphore(%run_scoped3A_437 : memref<!tpu.dma_semaphore, #tpu.memory_space<semaphore_mem>>) src(%dma_wait3A_445 : memref<128x64xf32, #tpu.memory_space<vmem_shared>>) dst(%dma_wait3A_443 : memref<128x64xf32, #tpu.memory_space<hbm>>)
      tpu.yield
    }) : () -> ()
    %add3A_421 = arith.constant 256 : i32
    %add3A_422 = arith.addi %mul3A_0, %add3A_421 : i32
    %add3A_423 = arith.constant 256 : i32
    %add3A_424 = arith.addi %mul3A_0, %add3A_423 : i32
    %run_scoped3A_425 = arith.constant 7 : i32
    "tpu.region"() ({
      %run_scoped3A_437 = tpu.sem_alloc : memref<!tpu.dma_semaphore, #tpu.memory_space<semaphore_mem>>
      %dma_start3A = arith.constant 0 : i32
      %dma_start3A_438 = tpu.memref_slice %arg5[%arg0, %run_scoped3A_425, %add3A_424, %dma_start3A] : memref<2x8x10240x64xf32, #tpu.memory_space<hbm>> -> memref<1x1x128x64xf32, #tpu.memory_space<hbm>>
      %dma_start3A_439 = tpu.memref_squeeze %dma_start3A_438 : memref<1x1x128x64xf32, #tpu.memory_space<hbm>> -> memref<128x64xf32, #tpu.memory_space<hbm>>
      %dma_start3A_440 = arith.constant 0 : i32
      %dma_start3A_441 = tpu.memref_slice %arg9[%add3A_422, %dma_start3A_440] : memref<10240x64xf32, #tpu.memory_space<vmem_shared>> -> memref<128x64xf32, #tpu.memory_space<vmem_shared>>
      tpu.enqueue_dma source(%dma_start3A_441 : memref<128x64xf32, #tpu.memory_space<vmem_shared>>) target(%dma_start3A_439 : memref<128x64xf32, #tpu.memory_space<hbm>>) target_semaphore(%run_scoped3A_437 : memref<!tpu.dma_semaphore, #tpu.memory_space<semaphore_mem>>)
      %dma_wait3A = arith.constant 0 : i32
      %dma_wait3A_442 = tpu.memref_slice %arg5[%arg0, %run_scoped3A_425, %add3A_424, %dma_wait3A] : memref<2x8x10240x64xf32, #tpu.memory_space<hbm>> -> memref<1x1x128x64xf32, #tpu.memory_space<hbm>>
      %dma_wait3A_443 = tpu.memref_squeeze %dma_wait3A_442 : memref<1x1x128x64xf32, #tpu.memory_space<hbm>> -> memref<128x64xf32, #tpu.memory_space<hbm>>
      %dma_wait3A_444 = arith.constant 0 : i32
      %dma_wait3A_445 = tpu.memref_slice %arg9[%add3A_422, %dma_wait3A_444] : memref<10240x64xf32, #tpu.memory_space<vmem_shared>> -> memref<128x64xf32, #tpu.memory_space<vmem_shared>>
      tpu.wait_dma2 semaphore(%run_scoped3A_437 : memref<!tpu.dma_semaphore, #tpu.memory_space<semaphore_mem>>) src(%dma_wait3A_445 : memref<128x64xf32, #tpu.memory_space<vmem_shared>>) dst(%dma_wait3A_443 : memref<128x64xf32, #tpu.memory_space<hbm>>)
      tpu.yield
    }) : () -> ()
    %add3A_426 = arith.constant 384 : i32
    %add3A_427 = arith.addi %mul3A_0, %add3A_426 : i32
    %add3A_428 = arith.constant 384 : i32
    %add3A_429 = arith.addi %mul3A_0, %add3A_428 : i32
    %run_scoped3A_430 = arith.constant 7 : i32
    "tpu.region"() ({
      %run_scoped3A_437 = tpu.sem_alloc : memref<!tpu.dma_semaphore, #tpu.memory_space<semaphore_mem>>
      %dma_start3A = arith.constant 0 : i32
      %dma_start3A_438 = tpu.memref_slice %arg5[%arg0, %run_scoped3A_430, %add3A_429, %dma_start3A] : memref<2x8x10240x64xf32, #tpu.memory_space<hbm>> -> memref<1x1x128x64xf32, #tpu.memory_space<hbm>>
      %dma_start3A_439 = tpu.memref_squeeze %dma_start3A_438 : memref<1x1x128x64xf32, #tpu.memory_space<hbm>> -> memref<128x64xf32, #tpu.memory_space<hbm>>
      %dma_start3A_440 = arith.constant 0 : i32
      %dma_start3A_441 = tpu.memref_slice %arg9[%add3A_427, %dma_start3A_440] : memref<10240x64xf32, #tpu.memory_space<vmem_shared>> -> memref<128x64xf32, #tpu.memory_space<vmem_shared>>
      tpu.enqueue_dma source(%dma_start3A_441 : memref<128x64xf32, #tpu.memory_space<vmem_shared>>) target(%dma_start3A_439 : memref<128x64xf32, #tpu.memory_space<hbm>>) target_semaphore(%run_scoped3A_437 : memref<!tpu.dma_semaphore, #tpu.memory_space<semaphore_mem>>)
      %dma_wait3A = arith.constant 0 : i32
      %dma_wait3A_442 = tpu.memref_slice %arg5[%arg0, %run_scoped3A_430, %add3A_429, %dma_wait3A] : memref<2x8x10240x64xf32, #tpu.memory_space<hbm>> -> memref<1x1x128x64xf32, #tpu.memory_space<hbm>>
      %dma_wait3A_443 = tpu.memref_squeeze %dma_wait3A_442 : memref<1x1x128x64xf32, #tpu.memory_space<hbm>> -> memref<128x64xf32, #tpu.memory_space<hbm>>
      %dma_wait3A_444 = arith.constant 0 : i32
      %dma_wait3A_445 = tpu.memref_slice %arg9[%add3A_427, %dma_wait3A_444] : memref<10240x64xf32, #tpu.memory_space<vmem_shared>> -> memref<128x64xf32, #tpu.memory_space<vmem_shared>>
      tpu.wait_dma2 semaphore(%run_scoped3A_437 : memref<!tpu.dma_semaphore, #tpu.memory_space<semaphore_mem>>) src(%dma_wait3A_445 : memref<128x64xf32, #tpu.memory_space<vmem_shared>>) dst(%dma_wait3A_443 : memref<128x64xf32, #tpu.memory_space<hbm>>)
      tpu.yield
    }) : () -> ()
    %add3A_431 = arith.constant 512 : i32
    %add3A_432 = arith.addi %mul3A_0, %add3A_431 : i32
    %add3A_433 = arith.constant 512 : i32
    %add3A_434 = arith.addi %mul3A_0, %add3A_433 : i32
    %run_scoped3A_435 = arith.constant 7 : i32
    "tpu.region"() ({
      %run_scoped3A_437 = tpu.sem_alloc : memref<!tpu.dma_semaphore, #tpu.memory_space<semaphore_mem>>
      %dma_start3A = arith.constant 0 : i32
      %dma_start3A_438 = tpu.memref_slice %arg5[%arg0, %run_scoped3A_435, %add3A_434, %dma_start3A] : memref<2x8x10240x64xf32, #tpu.memory_space<hbm>> -> memref<1x1x128x64xf32, #tpu.memory_space<hbm>>
      %dma_start3A_439 = tpu.memref_squeeze %dma_start3A_438 : memref<1x1x128x64xf32, #tpu.memory_space<hbm>> -> memref<128x64xf32, #tpu.memory_space<hbm>>
      %dma_start3A_440 = arith.constant 0 : i32
      %dma_start3A_441 = tpu.memref_slice %arg9[%add3A_432, %dma_start3A_440] : memref<10240x64xf32, #tpu.memory_space<vmem_shared>> -> memref<128x64xf32, #tpu.memory_space<vmem_shared>>
      tpu.enqueue_dma source(%dma_start3A_441 : memref<128x64xf32, #tpu.memory_space<vmem_shared>>) target(%dma_start3A_439 : memref<128x64xf32, #tpu.memory_space<hbm>>) target_semaphore(%run_scoped3A_437 : memref<!tpu.dma_semaphore, #tpu.memory_space<semaphore_mem>>)
      %dma_wait3A = arith.constant 0 : i32
      %dma_wait3A_442 = tpu.memref_slice %arg5[%arg0, %run_scoped3A_435, %add3A_434, %dma_wait3A] : memref<2x8x10240x64xf32, #tpu.memory_space<hbm>> -> memref<1x1x128x64xf32, #tpu.memory_space<hbm>>
      %dma_wait3A_443 = tpu.memref_squeeze %dma_wait3A_442 : memref<1x1x128x64xf32, #tpu.memory_space<hbm>> -> memref<128x64xf32, #tpu.memory_space<hbm>>
      %dma_wait3A_444 = arith.constant 0 : i32
      %dma_wait3A_445 = tpu.memref_slice %arg9[%add3A_432, %dma_wait3A_444] : memref<10240x64xf32, #tpu.memory_space<vmem_shared>> -> memref<128x64xf32, #tpu.memory_space<vmem_shared>>
      tpu.wait_dma2 semaphore(%run_scoped3A_437 : memref<!tpu.dma_semaphore, #tpu.memory_space<semaphore_mem>>) src(%dma_wait3A_445 : memref<128x64xf32, #tpu.memory_space<vmem_shared>>) dst(%dma_wait3A_443 : memref<128x64xf32, #tpu.memory_space<hbm>>)
      tpu.yield
    }) : () -> ()
    %barrier3A_436 = arith.constant 0 : index
    tpu.barrier barrier_id(%barrier3A_436)
    return
  }
}

module attributes {stable_mosaic.version = 14 : i64} {
  func.func @_xw_body(%arg0: i32, %arg1: i32, %arg2: i32, %arg3: memref<1x2000x128xf32, #tpu.memory_space<vmem>>, %arg4: memref<1x128x64xf32, #tpu.memory_space<vmem>>, %arg5: memref<2000x1xf32, #tpu.memory_space<vmem>>, %arg6: memref<1x1x2000x64xf32, #tpu.memory_space<vmem>>) attributes {dimension_semantics = [#tpu.dimension_semantics<arbitrary>, #tpu.dimension_semantics<arbitrary>, #tpu.dimension_semantics<arbitrary>], iteration_bounds = array<i64: 2, 8, 5>, scalar_prefetch = 0 : i64, scratch_operands = 0 : i64, tpu.core_type = #tpu.core_type<tc>, window_params = [{transform_indices = @transform_0, window_bounds = array<i64: 1, 2000, 128>}, {transform_indices = @transform_1, window_bounds = array<i64: 1, 128, 64>}, {transform_indices = @transform_2, window_bounds = array<i64: 2000, 1>}, {transform_indices = @transform_3, window_bounds = array<i64: 1, 1, 2000, 64>}]} {
    %get3A = arith.constant 0 : index
    %get3A_0 = arith.constant 0 : index
    %get3A_1 = arith.constant 0 : index
    %get3A_2 = vector.load %arg3[%get3A, %get3A_0, %get3A_1] : memref<1x2000x128xf32, #tpu.memory_space<vmem>>, vector<1x2000x128xf32>
    %get3A_3 = vector.shape_cast %get3A_2 : vector<1x2000x128xf32> to vector<2000x128xf32>
    %get3A_4 = arith.constant 0 : index
    %get3A_5 = arith.constant 0 : index
    %get3A_6 = arith.constant 0 : index
    %get3A_7 = vector.load %arg4[%get3A_4, %get3A_5, %get3A_6] : memref<1x128x64xf32, #tpu.memory_space<vmem>>, vector<1x128x64xf32>
    %get3A_8 = vector.shape_cast %get3A_7 : vector<1x128x64xf32> to vector<128x64xf32>
    %dot_general3A = arith.constant dense<0.000000e+00> : vector<2000x64xf32>
    %dot_general3A_9 = tpu.matmul %get3A_3, %get3A_8, %dot_general3A {dimension_numbers = #tpu.dot_dimension_numbers<[1], [0], [0], [1], [0, 0, 1, 1], [], []>, transpose_lhs_hint = false} : vector<2000x128xf32>, vector<128x64xf32>, vector<2000x64xf32> -> vector<2000x64xf32>
    %get3A_10 = arith.constant 0 : index
    %get3A_11 = arith.constant 0 : index
    %get3A_12 = vector.load %arg5[%get3A_10, %get3A_11] : memref<2000x1xf32, #tpu.memory_space<vmem>>, vector<2000x1xf32>
    %mul3A = vector.broadcast %get3A_12 : vector<2000x1xf32> to vector<2000x64xf32>
    %mul3A_13 = arith.mulf %dot_general3A_9, %mul3A : vector<2000x64xf32>
    %swap3A = arith.constant 0 : index
    %swap3A_14 = arith.constant 0 : index
    %swap3A_15 = arith.constant 0 : index
    %swap3A_16 = arith.constant 0 : index
    %swap3A_17 = vector.load %arg6[%swap3A, %swap3A_14, %swap3A_15, %swap3A_16] : memref<1x1x2000x64xf32, #tpu.memory_space<vmem>>, vector<1x1x2000x64xf32>
    %swap3A_18 = vector.shape_cast %swap3A_17 : vector<1x1x2000x64xf32> to vector<2000x64xf32>
    %swap3A_19 = vector.shape_cast %mul3A_13 : vector<2000x64xf32> to vector<1x1x2000x64xf32>
    tpu.vector_store %arg6[%swap3A, %swap3A_14, %swap3A_15, %swap3A_16], %swap3A_19 {strides = array<i32>} : memref<1x1x2000x64xf32, #tpu.memory_space<vmem>>, vector<1x1x2000x64xf32>,
    return
  }
  func.func @transform_0(%arg0: i32, %arg1: i32, %arg2: i32) -> (i32, i32, i32) {
    %c0_i32 = arith.constant 0 : i32
    %c0_i32_0 = arith.constant 0 : i32
    return %arg1, %arg2, %c0_i32 : i32, i32, i32
  }
  func.func @transform_1(%arg0: i32, %arg1: i32, %arg2: i32) -> (i32, i32, i32) {
    %c0_i32 = arith.constant 0 : i32
    %c0_i32_0 = arith.constant 0 : i32
    %c0_i32_1 = arith.constant 0 : i32
    return %arg0, %c0_i32, %c0_i32_0 : i32, i32, i32
  }
  func.func @transform_2(%arg0: i32, %arg1: i32, %arg2: i32) -> (i32, i32) {
    %c0_i32 = arith.constant 0 : i32
    %c0_i32_0 = arith.constant 0 : i32
    return %arg2, %c0_i32 : i32, i32
  }
  func.func @transform_3(%arg0: i32, %arg1: i32, %arg2: i32) -> (i32, i32, i32, i32) {
    %c0_i32 = arith.constant 0 : i32
    %c0_i32_0 = arith.constant 0 : i32
    return %arg0, %arg1, %arg2, %c0_i32 : i32, i32, i32, i32
  }
}

module attributes {stable_mosaic.version = 14 : i64} {
  func.func @_dinv_body(%arg0: memref<32x10240xf32, #tpu.memory_space<vmem>>, %arg1: memref<10240x1xf32, #tpu.memory_space<vmem>>) attributes {dimension_semantics = [], scalar_prefetch = 0 : i64, scratch_operands = 0 : i64, tpu.core_type = #tpu.core_type<tc>} {
    %get3A = arith.constant 0 : index
    %get3A_0 = arith.constant 0 : index
    %get3A_1 = vector.load %arg0[%get3A, %get3A_0] : memref<32x10240xf32, #tpu.memory_space<vmem>>, vector<32x10240xf32>
    %reduce_sum3A = arith.constant dense<0.000000e+00> : vector<10240xf32>
    %reduce_sum3A_2 = vector.multi_reduction <add>, %get3A_1, %reduce_sum3A [0] : vector<32x10240xf32> to vector<10240xf32>
    %add3A = arith.constant 1.000000e+00 : f32
    %add3A_3 = vector.broadcast %add3A : f32 to vector<10240xf32>
    %add3A_4 = arith.addf %reduce_sum3A_2, %add3A_3 : vector<10240xf32>
    %rsqrt3A = math.rsqrt %add3A_4 : vector<10240xf32>
    %broadcast_in_dim3A = vector.shape_cast %rsqrt3A : vector<10240xf32> to vector<10240x1xf32>
    %swap3A = arith.constant 0 : index
    %swap3A_5 = arith.constant 0 : index
    %swap3A_6 = vector.load %arg1[%swap3A, %swap3A_5] : memref<10240x1xf32, #tpu.memory_space<vmem>>, vector<10240x1xf32>
    tpu.vector_store %arg1[%swap3A, %swap3A_5], %broadcast_in_dim3A {strides = array<i32>} : memref<10240x1xf32, #tpu.memory_space<vmem>>, vector<10240x1xf32>,
    return
  }
}

module attributes {stable_mosaic.version = 14 : i64} {
  func.func @_out_body(%arg0: i32, %arg1: i32, %arg2: memref<1x1x2000x64xf32, #tpu.memory_space<vmem>>, %arg3: memref<1x1x2000x64xf32, #tpu.memory_space<vmem>>, %arg4: memref<1x1x2000x64xf32, #tpu.memory_space<vmem>>, %arg5: memref<1x1x2000x64xf32, #tpu.memory_space<vmem>>, %arg6: memref<2000x1xf32, #tpu.memory_space<vmem>>, %arg7: memref<1x128xf32, #tpu.memory_space<vmem>>, %arg8: memref<1x2000x128xf32, #tpu.memory_space<vmem>>) attributes {dimension_semantics = [#tpu.dimension_semantics<arbitrary>, #tpu.dimension_semantics<arbitrary>], iteration_bounds = array<i64: 8, 5>, scalar_prefetch = 0 : i64, scratch_operands = 0 : i64, tpu.core_type = #tpu.core_type<tc>, window_params = [{transform_indices = @transform_0, window_bounds = array<i64: 1, 1, 2000, 64>}, {transform_indices = @transform_1, window_bounds = array<i64: 1, 1, 2000, 64>}, {transform_indices = @transform_2, window_bounds = array<i64: 1, 1, 2000, 64>}, {transform_indices = @transform_3, window_bounds = array<i64: 1, 1, 2000, 64>}, {transform_indices = @transform_4, window_bounds = array<i64: 2000, 1>}, {pipeline_mode = #tpu.pipeline_mode<synchronous>, transform_indices = @transform_5, window_bounds = array<i64: 1, 128>}, {transform_indices = @transform_6, window_bounds = array<i64: 1, 2000, 128>}]} {
    %get3A = arith.constant 0 : index
    %get3A_0 = arith.constant 0 : index
    %get3A_1 = arith.constant 0 : index
    %get3A_2 = arith.constant 0 : index
    %get3A_3 = vector.load %arg2[%get3A, %get3A_0, %get3A_1, %get3A_2] : memref<1x1x2000x64xf32, #tpu.memory_space<vmem>>, vector<1x1x2000x64xf32>
    %get3A_4 = vector.shape_cast %get3A_3 : vector<1x1x2000x64xf32> to vector<2000x64xf32>
    %get3A_5 = arith.constant 0 : index
    %get3A_6 = arith.constant 0 : index
    %get3A_7 = arith.constant 0 : index
    %get3A_8 = arith.constant 0 : index
    %get3A_9 = vector.load %arg3[%get3A_5, %get3A_6, %get3A_7, %get3A_8] : memref<1x1x2000x64xf32, #tpu.memory_space<vmem>>, vector<1x1x2000x64xf32>
    %get3A_10 = vector.shape_cast %get3A_9 : vector<1x1x2000x64xf32> to vector<2000x64xf32>
    %concatenate3A = tpu.concatenate %get3A_4, %get3A_10 in 1 : vector<2000x64xf32>, vector<2000x64xf32> -> vector<2000x128xf32>
    %get3A_11 = arith.constant 0 : index
    %get3A_12 = arith.constant 0 : index
    %get3A_13 = arith.constant 0 : index
    %get3A_14 = arith.constant 0 : index
    %get3A_15 = vector.load %arg4[%get3A_11, %get3A_12, %get3A_13, %get3A_14] : memref<1x1x2000x64xf32, #tpu.memory_space<vmem>>, vector<1x1x2000x64xf32>
    %get3A_16 = vector.shape_cast %get3A_15 : vector<1x1x2000x64xf32> to vector<2000x64xf32>
    %get3A_17 = arith.constant 0 : index
    %get3A_18 = arith.constant 0 : index
    %get3A_19 = arith.constant 0 : index
    %get3A_20 = arith.constant 0 : index
    %get3A_21 = vector.load %arg5[%get3A_17, %get3A_18, %get3A_19, %get3A_20] : memref<1x1x2000x64xf32, #tpu.memory_space<vmem>>, vector<1x1x2000x64xf32>
    %get3A_22 = vector.shape_cast %get3A_21 : vector<1x1x2000x64xf32> to vector<2000x64xf32>
    %concatenate3A_23 = tpu.concatenate %get3A_16, %get3A_22 in 1 : vector<2000x64xf32>, vector<2000x64xf32> -> vector<2000x128xf32>
    %get3A_24 = arith.constant 0 : index
    %get3A_25 = arith.constant 0 : index
    %get3A_26 = vector.load %arg6[%get3A_24, %get3A_25] : memref<2000x1xf32, #tpu.memory_space<vmem>>, vector<2000x1xf32>
    %add3A = arith.addf %concatenate3A, %concatenate3A_23 : vector<2000x128xf32>
    %mul3A = vector.broadcast %get3A_26 : vector<2000x1xf32> to vector<2000x128xf32>
    %mul3A_27 = arith.mulf %mul3A, %add3A : vector<2000x128xf32>
    %get3A_28 = arith.constant 0 : index
    %get3A_29 = arith.constant 0 : index
    %get3A_30 = vector.load %arg7[%get3A_28, %get3A_29] : memref<1x128xf32, #tpu.memory_space<vmem>>, vector<1x128xf32>
    %add3A_31 = vector.broadcast %get3A_30 : vector<1x128xf32> to vector<2000x128xf32>
    %add3A_32 = arith.addf %mul3A_27, %add3A_31 : vector<2000x128xf32>
    %swap3A = arith.constant 0 : index
    %swap3A_33 = arith.constant 0 : index
    %swap3A_34 = arith.constant 0 : index
    %swap3A_35 = vector.load %arg8[%swap3A, %swap3A_33, %swap3A_34] : memref<1x2000x128xf32, #tpu.memory_space<vmem>>, vector<1x2000x128xf32>
    %swap3A_36 = vector.shape_cast %swap3A_35 : vector<1x2000x128xf32> to vector<2000x128xf32>
    %swap3A_37 = vector.shape_cast %add3A_32 : vector<2000x128xf32> to vector<1x2000x128xf32>
    tpu.vector_store %arg8[%swap3A, %swap3A_33, %swap3A_34], %swap3A_37 {strides = array<i32>} : memref<1x2000x128xf32, #tpu.memory_space<vmem>>, vector<1x2000x128xf32>,
    return
  }
  func.func @transform_0(%arg0: i32, %arg1: i32) -> (i32, i32, i32, i32) {
    %c0_i32 = arith.constant 0 : i32
    %c0_i32_0 = arith.constant 0 : i32
    %c0_i32_1 = arith.constant 0 : i32
    return %c0_i32, %arg0, %arg1, %c0_i32_0 : i32, i32, i32, i32
  }
  func.func @transform_1(%arg0: i32, %arg1: i32) -> (i32, i32, i32, i32) {
    %c1_i32 = arith.constant 1 : i32
    %c0_i32 = arith.constant 0 : i32
    %c0_i32_0 = arith.constant 0 : i32
    return %c1_i32, %arg0, %arg1, %c0_i32 : i32, i32, i32, i32
  }
  func.func @transform_2(%arg0: i32, %arg1: i32) -> (i32, i32, i32, i32) {
    %c0_i32 = arith.constant 0 : i32
    %c0_i32_0 = arith.constant 0 : i32
    %c0_i32_1 = arith.constant 0 : i32
    return %c0_i32, %arg0, %arg1, %c0_i32_0 : i32, i32, i32, i32
  }
  func.func @transform_3(%arg0: i32, %arg1: i32) -> (i32, i32, i32, i32) {
    %c1_i32 = arith.constant 1 : i32
    %c0_i32 = arith.constant 0 : i32
    %c0_i32_0 = arith.constant 0 : i32
    return %c1_i32, %arg0, %arg1, %c0_i32 : i32, i32, i32, i32
  }
  func.func @transform_4(%arg0: i32, %arg1: i32) -> (i32, i32) {
    %c0_i32 = arith.constant 0 : i32
    %c0_i32_0 = arith.constant 0 : i32
    return %arg1, %c0_i32 : i32, i32
  }
  func.func @transform_5(%arg0: i32, %arg1: i32) -> (i32, i32) {
    %c0_i32 = arith.constant 0 : i32
    %c0_i32_0 = arith.constant 0 : i32
    %c0_i32_1 = arith.constant 0 : i32
    return %c0_i32, %c0_i32_0 : i32, i32
  }
  func.func @transform_6(%arg0: i32, %arg1: i32) -> (i32, i32, i32) {
    %c0_i32 = arith.constant 0 : i32
    %c0_i32_0 = arith.constant 0 : i32
    return %arg0, %arg1, %c0_i32 : i32, i32, i32
  }
}

</mosaic_0001>

<sc_bundles>
// kernel: kernel.10.cloned.1.call-start
scs
__scs_entry_jumppad:
0x0: {  	(pc) =	sbr.rel $0x88, $3  }
0x1: {  	(tag) =	ssettag $0x0;
	lr =	simm.s32 $0x1  }
0x2: {  	[smem:$0x3F9D] =	sst lr;
	_ =	strace $0xD0000000  }
0x3: {  	_ = 	snop  }
0x4: {  	_ = 	snop  }
0x5: {  	_ = 	snop  }
0x6: {  	_ = 	snop  }
0x7: {  	_ = 	snop  }
__scs_overlays_trampoline_lowered:
0x8: {  	[smem:$0x3FAC] =	sst s0  }
0x9: {  	[smem:$0x3FAD] =	sst s1  }
0xa: {  	[smem:$0x3FAE] =	sst s2  }
0xb: {  	[smem:$0x3FAF] =	sst s3  }
0xc: {  	[smem:$0x3FB0] =	sst s4  }
0xd: {  	[smem:$0x3FB1] =	sst s5  }
0xe: {  	[smem:$0x3FB2] =	sst s6  }
0xf: {  	[smem:$0x3FB3] =	sst s7  }
0x10: {  	[smem:$0x3FB4] =	sst s8  }
0x11: {  	[smem:$0x3FB5] =	sst s9;
	s0 =	simm.s32 @!p0 $0x0  }
0x12: {  	s1 =	sld [smem:$0x3F9B];
	s0 =	simm.s32 @p0 $0x1  }
0x13: {  	[smem:$0x3FB6] =	sst s0;
	s0 =	simm.s32 @!p1 $0x0  }
0x14: {  	s2 =	sld [smem:$0x3F9A];
	s0 =	simm.s32 @p1 $0x1  }
0x15: {  	[smem:$0x3FB7] =	sst s0;
	s0 =	simm.s32 @!p2 $0x0  }
0x16: {  	s3 =	sld [smem:$0x3FDB];
	s0 =	simm.s32 @p2 $0x1  }
0x17: {  	s4 =	simm.s32 $0x1BF5;
	[smem:$0x3FB9] =	sst s0  }
0x18: {  	s0 =	sld [smem:$0x3F9C];
	_ =	swait.ge [sflag:s4], $0x0  }
0x19: {  	s7 =	sld [smem:$0x3F9D]  }
0x1a: {  	s8 =	sadd.s32 $0xFFFFE003, lr  }
0x1b: {  	s9 =	sadd.s32 $0xFFFFFEF7, lr;
	s5 =	simm.s32 $0xFFFFFFFF;
	p2 =	slt.u32 s8, $0xFFFFF086  }
0x1c: {  	p1 =	slt.u32 s9, $0xF7A;
	s5 =	simm.s32 @!p2 $0x0  }
0x1d: {  	s5 =	simm.s32 @p1 $0x1;
	p0 =	seq.s32 s7, s2  }
0x1e: {  	s7 =	smul.u32 @!p0 $0xF7A, s2;
	p2 =	seq.s32 @!p0 s5, $0x0  }
0x1f: {  	s9 =	smul.u32 $0xF7A, s1;
	s8 =	simm.s32 @!p0 $0x1BF5;
	p2 =	por !p2, p0  }
0x20: {  	[sflag:s8] =	ssyncset.s32 @!p0 $0xFFFFF086;
	s6 =	sadd.s32 @!p0 s3, s7;
	s7 =	simm.s32 @!p0 $0x108  }
0x21: {  	s3 =	sadd.s32 s3, s9;
	s6 =	sadd.s32 @!p0 $0x88, s6;
	s7 =	simm.s32 @p2 $0x1082  }
0x22: {  	[simem:s7], [sflag:s8] =	dma.local @!p0 [hbm:s6], $0xF7A  }
0x23: {  	s9 =	sor.u32 $0xD0000000, s2;
	s6 =	simm.s32 $0x108;
	_ =	swait.ge @!p0 [sflag:s8], $0x0  }
0x24: {  	s3 =	sadd.s32 $0x88, s3;
	s6 =	simm.s32 @!p1 $0x1082;
	[sflag:s4] =	ssyncset.s32 $0xFFFFF086  }
0x25: {  	[simem:s6], [sflag:s4] =	dma.local [hbm:s3], $0xF7A  }
0x26: {  	[smem:$0x3F9D] =	sst s1;
	(tag) =	ssettag s2;
	_ =	strace s9  }
0x27: {  	s1 =	sld [smem:$0x3FAD]  }
0x28: {  	s2 =	sld [smem:$0x3FAE]  }
0x29: {  	s4 =	sld [smem:$0x3FB0]  }
0x2a: {  	p0 =	seq.s32 s5, $0x0;
	s5 =	sld [smem:$0x3FB1]  }
0x2b: {  	s6 =	sld [smem:$0x3FB2]  }
0x2c: {  	s7 =	sld [smem:$0x3FB3]  }
0x2d: {  	s3 =	simm.s32 $0x108;
	s8 =	sld [smem:$0x3FB4]  }
0x2e: {  	s3 =	simm.s32 @!p0 $0x1082;
	s9 =	sld [smem:$0x3FB5]  }
0x2f: {  	lr =	sadd.s32 s0, s3;
	s0 =	sld [smem:$0x3FAC]  }
0x30: {  	s3 =	sld [smem:$0x3FAF]  }
0x31: {  	[smem:$0x3FB8] =	sst s10  }
0x32: {  	s10 =	sld [smem:$0x3FB6];
	_ =	sdelay $0x3  }
0x33: {  	p0 =	seq.s32 s10, $0x1;
	s10 =	sld [smem:$0x3FB8];
	_ =	sdelay $0x3  }
0x34: {  	[smem:$0x3FB8] =	sst s10  }
0x35: {  	s10 =	sld [smem:$0x3FB7];
	_ =	sdelay $0x3  }
0x36: {  	p1 =	seq.s32 s10, $0x1;
	s10 =	sld [smem:$0x3FB8];
	_ =	sdelay $0x3  }
0x37: {  	[smem:$0x3FB8] =	sst s10  }
0x38: {  	s10 =	sld [smem:$0x3FB9]  }
0x39: {  	_ = 	snop;
	(pc) =	sbr.ind lr, $3  }
0x3a: {  	_ = 	snop  }
0x3b: {  	_ = 	snop  }
0x3c: {  	p2 =	seq.s32 s10, $0x1;
	s10 =	sld [smem:$0x3FB8]  }
0x3d: {  	_ =	shalt  }
0x3e: {  	_ =	shalt  }
0x3f: {  	_ =	shalt  }
0x40: {  	_ =	shalt  }
0x41: {  	_ =	shalt  }
0x42: {  	_ =	shalt  }
0x43: {  	_ =	shalt  }
0x44: {  	_ =	shalt  }
0x45: {  	_ =	shalt  }
0x46: {  	_ =	shalt  }
0x47: {  	_ =	shalt  }
0x48: {  	_ =	shalt  }
0x49: {  	_ =	shalt  }
0x4a: {  	_ =	shalt  }
0x4b: {  	_ =	shalt  }
0x4c: {  	_ =	shalt  }
0x4d: {  	_ =	shalt  }
0x4e: {  	_ =	shalt  }
0x4f: {  	_ =	shalt  }
0x50: {  	_ =	shalt  }
0x51: {  	_ =	shalt  }
0x52: {  	_ =	shalt  }
0x53: {  	_ =	shalt  }
0x54: {  	_ =	shalt  }
0x55: {  	_ =	shalt  }
0x56: {  	_ =	shalt  }
0x57: {  	_ =	shalt  }
0x58: {  	_ =	shalt  }
0x59: {  	_ =	shalt  }
0x5a: {  	_ =	shalt  }
0x5b: {  	_ =	shalt  }
0x5c: {  	_ =	shalt  }
0x5d: {  	_ =	shalt  }
0x5e: {  	_ =	shalt  }
0x5f: {  	_ =	shalt  }
0x60: {  	_ =	shalt  }
0x61: {  	_ =	shalt  }
0x62: {  	_ =	shalt  }
0x63: {  	_ =	shalt  }
0x64: {  	_ =	shalt  }
0x65: {  	_ =	shalt  }
0x66: {  	_ =	shalt  }
0x67: {  	_ =	shalt  }
0x68: {  	_ =	shalt  }
0x69: {  	_ =	shalt  }
0x6a: {  	_ =	shalt  }
0x6b: {  	_ =	shalt  }
0x6c: {  	_ =	shalt  }
0x6d: {  	_ =	shalt  }
0x6e: {  	_ =	shalt  }
0x6f: {  	_ =	shalt  }
0x70: {  	_ =	shalt  }
0x71: {  	_ =	shalt  }
0x72: {  	_ =	shalt  }
0x73: {  	_ =	shalt  }
0x74: {  	_ =	shalt  }
0x75: {  	_ =	shalt  }
0x76: {  	_ =	shalt  }
0x77: {  	_ =	shalt  }
0x78: {  	_ =	shalt  }
0x79: {  	_ =	shalt  }
0x7a: {  	_ =	shalt  }
0x7b: {  	_ =	shalt  }
0x7c: {  	_ =	shalt  }
0x7d: {  	_ =	shalt  }
0x7e: {  	_ =	shalt  }
0x7f: {  	_ =	shalt  }
0x80: {  	_ =	shalt  }
0x81: {  	_ =	shalt  }
0x82: {  	_ =	shalt  }
0x83: {  	_ =	shalt  }
0x84: {  	_ =	shalt  }
0x85: {  	_ =	shalt  }
0x86: {  	_ =	shalt  }
0x87: {  	_ =	shalt  }
.Lfunc_end0:
.L_simem_size_0:
called_computation.1_lowered:
.L_overlay_start_0:
0x88: {  	s2 =	sld [smem:$0x3FD9]  }
0x89: {  	s3 =	sld [smem:$0x3FFE];
	_ =	sdelay $0x1  }
0x8a: {  	s1 =	srdreg.scid  }
0x8b: {  	s0 =	sand.u32 $0x1, s1  }
0x8c: {  	s17 =	sshll.u32 s0, $0xA;
	s2 =	sadd.s32 s3, s2  }
0x8d: {  	s2 =	sadd.s32 s2, s17  }
0x8e: {  	[smem:$0x3FC4] =	sst s2  }
0x8f: {  	_ = 	snop  }
0x90: {  	s2 =	sld [smem:$0x3FD0];
	(tm) =	ssettm $0x1  }
0x91: {  	s18 =	sld [smem:$0x3FFB];
	_ =	sdelay $0x3  }
0x92: {  	_ =	strace s18  }
0x93: {  	s3 =	sld [smem:$0x3FFC];
	_ =	sdelay $0x3  }
0x94: {  	_ =	strace s3  }
0x95: {  	s3 =	sld [smem:$0x3FFD];
	_ =	sdelay $0x3  }
0x96: {  	_ =	strace s3  }
0x97: {  	_ =	strace $0x8FFFFFFF  }
0x98: {  	s19 =	sld [smem:$0x3FDB];
	_ =	sdelay $0x1  }
0x99: {  	s4 =	simm.s32 $_scs_section_size  }
0x9a: {  	s5 =	simm.s32 $_size__tile_overlayer_lowered;
	s6 =	simm.s32 $_tile_overlayer_lowered  }
0x9b: {  	s22 =	simm.s32 $0x1BFF;
	s21 =	sshll.u32 s6, $0x1;
	s3 =	sadd.s32 s4, s19  }
0x9c: {  	s7 =	simm.s32 $0x0;
	s20 =	sshll.u32 s5, $0x1;
	s5 =	sadd.s32 s21, s3  }
0x9d: {  	[timem:s7], [sflag:s22] =	dma.local [hbm:s5], s20  }
0x9e: {  	_ =	swait.ge [sflag:s22], s20  }
0x9f: {  	s4 =	ssub.s32 $0x0, s20;
	[sflag:s22] =	ssyncset.done $0x0  }
0xa0: {  	[sflag:s22] =	ssyncadd.s32 s4;
	_ =	sdelay $0x1  }
0xa1: {  	s23 =	simm.s32 $0x1B8B  }
0xa2: {  	_ =	swait.ge [sflag:s23], $0x1  }
0xa3: {  	[sflag:s23] =	ssyncset.done $0x0  }
0xa4: {  	s25 =	simm.s32 $0x1B8E;
	s24 =	sld [smem:$0x3FFE];
	[sflag:s23] =	ssyncadd.s32 $0xFFFFFFFF  }
0xa5: {  	s26 =	simm.s32 $execute0_lowered;
	[smem:$0x3FD2] =	sst s25  }
0xa6: {  	s5 =	sshll.u32 s26, $0x1;
	_ =	strace $0x80000049;
	[dreg:$0x1] =	wrdreg $0xFFFFFFFF  }
0xa7: {  	s28 =	simm.s32 $_size_execute0_lowered;
	s3 =	sadd.s32 s3, s5;
	[dreg:$0x0] =	wrdreg $0x0  }
0xa8: {  	s5 =	sshll.u32 s28, $0x1;
	[dreg:$0x2] =	wrdreg s3  }
0xa9: {  	[dreg:$0x3] =	wrdreg s5  }
0xaa: {  	[dreg:$0x4] =	wrdreg $0xC0  }
0xab: {  	_ =	task [dreg:s7], $0x5FFFF  }
0xac: {  	[dreg:$0x1] =	wrdreg $0xFFFFFFFF  }
0xad: {  	[dreg:$0x0] =	wrdreg $0x60  }
0xae: {  	[dreg:$0x2] =	wrdreg s2  }
0xaf: {  	[dreg:$0x3] =	wrdreg s24  }
0xb0: {  	[dreg:$0x4] =	wrdreg $0xBD000  }
0xb1: {  	[dreg:$0x5] =	wrdreg $0x15D000  }
0xb2: {  	[dreg:$0x6] =	wrdreg $0x9  }
0xb3: {  	_ =	task.clear_ibuf [dreg:s7], $0x7FFFF;
	_ =	strace $0x90000049  }
0xb4: {  	s29 =	simm.s32 $0x9;
	_ =	strace $0x8000004B  }
0xb5: {  	_ =	swait.ge [sflag:s29], $0x1  }
0xb6: {  	[sflag:s29] =	ssyncadd.s32 $0xFFFFFFFF  }
0xb7: {  	_ =	strace $0x9000004B  }
0xb8: {  	_ =	sfence  }
0xb9: {  	s30 =	sld [smem:$0x0];
	_ =	sdelay $0x2  }
0xba: {  	s31 =	sshll.u32 s1, $0xD;
	s1 =	sshrl.u32 s1, $0x2  }
0xbb: {  	s3 =	sand.u32 $0x4000, s31;
	s1 =	sadd.s32 s1, s30  }
0xbc: {  	s0 =	sor.u32 s3, s0;
	s1 =	sshll.u32 s1, $0x11  }
0xbd: {  	s0 =	sor.u32 s1, s0  }
0xbe: {  	s0 =	sadd.s32 $0x8F2B, s0  }
0xbf: {  	[sflag:s0] =	ssyncadd.remote.s32 $0x1  }
0xc0: {  	_ =	sfence.sel $0xFFFF  }
0xc1: {  	[dreg:$0x0] =	wrdreg $0xFFFFFFFF;
	(pc) =	sbr.abs _section_cstart, $3  }
0xc2: {  	[dreg:$0x1] =	wrdreg $0xFFFFFFFF  }
0xc3: {  	_ =	task.clear_ibuf [dreg:s7], $0x2FFFF;
	_ =	strace $0x9FFFFFFF  }
0xc4: {  	(tm) =	ssettm $0x7FFFFFFF  }
0xc5: {  	_ =	shalt  }
tec
execute0_lowered:
.L_overlay_start_1:
0x0: {  	(tag) =	ssettag $0x1  }
0x1: {  	s0 =	rddreg [dreg:$0x0]  }
0x2: {  	s1 =	rddreg [dreg:$0x1];
	s9 =	stileid.u32  }
0x3: {  	s2 =	rddreg [dreg:$0x2];
	s6 =	smul.u32 $0x9D0, s9  }
0x4: {  	s4 =	simm.s32 $0x0;
	s5 =	srdreg.scid;
	s12 =	smul.u32 $0xA000, s9  }
0x5: {  	[smem:$0x7FF] =	sst s4;
	s5 =	sand.u32 $0x1, s5;
	s13 =	smul.u32 $0x9C40, s9  }
0x6: {  	s3 =	rddreg [dreg:$0x3];
	_ =	strace $0x8000004A;
	s14 =	smul.u32 $0x4E2000, s5  }
0x7: {  	s7 =	ssub.s32 $0x2, s5;
	s5 =	smul.u32 $0x500000, s5;
	s6 =	sadd.s32 s6, s1  }
0x8: {  	s8 =	sshrl.u32 s7, $0x1;
	s1 =	sadd.s32 $0x2B7800, s1;
	s26 =	sadd.s32 $0x2000, s12  }
0x9: {  	s16 =	sadd.s32 $0x4000, s12;
	s17 =	sadd.s32 $0x6000, s12;
	s18 =	sadd.s32 $0x8000, s12  }
0xa: {  	s15 =	sadd.s32 s13, s3;
	s19 =	ssub.s32 s7, s8;
	s25 =	sadd.s32 $0x14A00, s6  }
0xb: {  	s6 =	sadd.s32 $0xE00, s6;
	s7 =	sadd.s32 s12, s2;
	s9 =	sadd.s32 s16, s2  }
0xc: {  	s10 =	sadd.s32 s17, s2;
	s11 =	sadd.s32 s18, s2;
	[dreg:$0x7] =	wrdreg s15  }
0xd: {  	s13 =	sadd.s32 s13, s14;
	s12 =	sor.u32 s12, s5;
	[dreg:$0x5] =	wrdreg s25  }
0xe: {  	s16 =	sadd.s32 s5, s16;
	s17 =	sadd.s32 s5, s17;
	[dreg:$0x6] =	wrdreg s6  }
0xf: {  	s13 =	sshrl.u32 s13, $0x3;
	s6 =	sadd.s32 s5, s26;
	s15 =	sshrl.u32 s12, $0x3  }
0x10: {  	s5 =	sadd.s32 s5, s18;
	s20 =	sshrl.u32 s17, $0x3;
	s13 =	sadd.s32 s0, s13  }
0x11: {  	s6 =	sshrl.u32 s6, $0x3;
	s14 =	sadd.s32 s1, s15;
	s0 =	sshrl.u32 s16, $0x3  }
0x12: {  	s5 =	sshrl.u32 s5, $0x3;
	s17 =	sadd.s32 s1, s20;
	s21 =	sadd.s32 $0x13880, s13  }
0x13: {  	s15 =	sadd.s32 s1, s6;
	s22 =	sadd.s32 $0x14000, s14;
	[dreg:$0x8] =	wrdreg s21  }
0x14: {  	s16 =	sadd.s32 s1, s0;
	s25 =	sadd.s32 $0x14000, s17;
	[dreg:$0x9] =	wrdreg s22  }
0x15: {  	s18 =	sadd.s32 s1, s5;
	s1 =	smax.u32 s19, $0x1;
	[dreg:$0xc] =	wrdreg s25  }
0x16: {  	s5 =	sadd.s32 $0x27100, s13;
	[dreg:$0xe] =	wrdreg s1  }
0x17: {  	s6 =	sadd.s32 $0x28000, s14;
	[dreg:$0xf] =	wrdreg s5  }
0x18: {  	s20 =	sadd.s32 $0x28000, s17;
	[dreg:$0x10] =	wrdreg s6  }
0x19: {  	s23 =	sadd.s32 $0x14000, s15;
	[dreg:$0x13] =	wrdreg s20  }
0x1a: {  	s24 =	sadd.s32 $0x14000, s16;
	[dreg:$0xa] =	wrdreg s23  }
0x1b: {  	s8 =	sadd.s32 s26, s2;
	s26 =	sadd.s32 $0x14000, s18;
	[dreg:$0xb] =	wrdreg s24  }
0x1c: {  	s12 =	sadd.s32 $0x28000, s15;
	[dreg:$0xd] =	wrdreg s26  }
0x1d: {  	s19 =	sadd.s32 $0x28000, s16;
	[dreg:$0x11] =	wrdreg s12  }
0x1e: {  	s21 =	sadd.s32 $0x28000, s18;
	[dreg:$0x12] =	wrdreg s19  }
0x1f: {  	s22 =	sadd.s32 $0x3A980, s13;
	[dreg:$0x14] =	wrdreg s21  }
0x20: {  	s25 =	sadd.s32 $0x3C000, s16;
	[dreg:$0x15] =	wrdreg s22  }
0x21: {  	s1 =	sadd.s32 $0x3C000, s18;
	[dreg:$0x18] =	wrdreg s25  }
0x22: {  	s5 =	sadd.s32 $0x4E200, s13;
	[dreg:$0x1a] =	wrdreg s1  }
0x23: {  	s6 =	sadd.s32 $0x50000, s14;
	[dreg:$0x1b] =	wrdreg s5  }
0x24: {  	s20 =	sadd.s32 $0x50000, s17;
	[dreg:$0x1c] =	wrdreg s6  }
0x25: {  	s23 =	sadd.s32 $0x3C000, s14;
	[dreg:$0x1f] =	wrdreg s20  }
0x26: {  	s24 =	sadd.s32 $0x3C000, s15;
	[dreg:$0x16] =	wrdreg s23  }
0x27: {  	s26 =	sadd.s32 $0x3C000, s17;
	[dreg:$0x17] =	wrdreg s24  }
0x28: {  	s12 =	sadd.s32 $0x50000, s15;
	[dreg:$0x19] =	wrdreg s26  }
0x29: {  	s19 =	sadd.s32 $0x50000, s16;
	[dreg:$0x1d] =	wrdreg s12  }
0x2a: {  	s21 =	sadd.s32 $0x50000, s18;
	[dreg:$0x1e] =	wrdreg s19  }
0x2b: {  	s22 =	sadd.s32 $0x61A80, s13;
	[smem:$0x7EC] =	sst s21  }
0x2c: {  	s25 =	sadd.s32 $0x64000, s16;
	[smem:$0x7ED] =	sst s22  }
0x2d: {  	s1 =	sadd.s32 $0x64000, s18;
	[smem:$0x7F0] =	sst s25  }
0x2e: {  	s5 =	sadd.s32 $0x75300, s13;
	[smem:$0x7F2] =	sst s1  }
0x2f: {  	s6 =	sadd.s32 $0x78000, s14;
	[smem:$0x7F3] =	sst s5  }
0x30: {  	s20 =	sadd.s32 $0x78000, s17;
	[smem:$0x7F4] =	sst s6  }
0x31: {  	s23 =	sadd.s32 $0x64000, s14;
	[smem:$0x7F7] =	sst s20  }
0x32: {  	s24 =	sadd.s32 $0x64000, s15;
	[smem:$0x7EE] =	sst s23  }
0x33: {  	s26 =	sadd.s32 $0x64000, s17;
	[smem:$0x7EF] =	sst s24  }
0x34: {  	s12 =	sadd.s32 $0x78000, s15;
	[smem:$0x7F1] =	sst s26  }
0x35: {  	s19 =	sadd.s32 $0x78000, s16;
	[smem:$0x7F5] =	sst s12  }
0x36: {  	s21 =	sadd.s32 $0x78000, s18;
	[smem:$0x7F6] =	sst s19  }
0x37: {  	s22 =	sadd.s32 $0x88B80, s13;
	[smem:$0x7F8] =	sst s21  }
0x38: {  	s29 =	simm.s32 $0x2;
	s25 =	sadd.s32 $0x8C000, s16;
	[smem:$0x7F9] =	sst s22  }
0x39: {  	s30 =	simm.s32 $0x9D00;
	s23 =	sadd.s32 $0x8C000, s14;
	[smem:$0x7FC] =	sst s25  }
0x3a: {  	s31 =	simm.s32 $0x80;
	s24 =	sadd.s32 $0x8C000, s15;
	[smem:$0x7FA] =	sst s23  }
0x3b: {  	s0 =	simm.s32 $0x1;
	s26 =	sadd.s32 $0x8C000, s17;
	[smem:$0x7FB] =	sst s24  }
0x3c: {  	v0 =	vimm.f32 $0.0e+00;
	s28 =	sadd.s32 $0x8C000, s18;
	s1 =	simm.s32 $0x0;
	[smem:$0x7FD] =	sst s26  }
.LBB2_1:
0x3d: {  	s5 =	rddreg [dreg:$0x5]  }
0x3e: {  	[tilespmem:s4], [sflag:$0x2] =	stream.linear.gather [hbm4b:s5+s4], $0x4E80, $0x38;
	[tilespmem:$0x1F940] =	vst v63  }
0x3f: {  	_ =	swait.ge [sflag:s29], $0x4E80  }
0x40: {  	[sflag:s29] =	ssyncset.done $0x0  }
0x41: {  	s6 =	simm.s32 $0x4E80;
	s24 =	rddreg [dreg:$0x6];
	[sflag:s29] =	ssyncadd.s32 $0xFFFFB180  }
0x42: {  	[tilespmem:s6], [sflag:$0x2] =	stream.linear.gather [hbm4b:s24+s4], $0x4E80, $0x38;
	[tilespmem:$0x1F940] =	vst v63  }
0x43: {  	s25 =	sand.u32 $0x7F00, s4;
	s26 =	sand.u32 $0x30, s4;
	_ =	swait.ge [sflag:s29], $0x4E80  }
0x44: {  	s12 =	sshrl.u32 s25, $0x2;
	s5 =	simm.s32 $0x40;
	[sflag:s29] =	ssyncset.done $0x0  }
0x45: {  	s12 =	sor.u32 s26, s12;
	s6 =	simm.s32 $0x0;
	[sflag:s29] =	ssyncadd.s32 $0xFFFFB180  }
.LBB2_2:
0x46: {  	p0 =	sne.s32 s5, $0x7FC0  }
0x47: {  	[tilespmem:s12+$0x9D00] =	vst v0;
	s6 =	sadd.s32 $0x10, s6;
	s12 =	smov.u32 s5;
	s5 =	sadd.s32 $0x40, s5  }
.Ltmp0:
0x48: {  	(pc) =	sbr.rel @p0 .LBB2_2-.Ltmp0, $4  }
0x49: {  	_ = 	snop  }
0x4a: {  	s12 =	sand.u32 $0x7F00, s12  }
0x4b: {  	s19 =	sand.u32 $0x30, s6;
	s12 =	sshrl.u32 s12, $0x2  }
0x4c: {  	s12 =	sor.u32 s19, s12  }
0x4d: {  	[tilespmem:s12+$0x9D00] =	vst v0  }
0x4e: {  	[spmem:s7] =	stream.linear.scatter [tilespmem:s30], [sflag:$0x2], $0x2000, $0x38;
	[tilespmem:$0x1F940] =	vst v63  }
0x4f: {  	_ =	swait.ge [sflag:s29], $0x2000  }
0x50: {  	[sflag:s29] =	ssyncset.done $0x0  }
0x51: {  	[sflag:s29] =	ssyncadd.s32 $0xFFFFE000  }
0x52: {  	[spmem:s8] =	stream.linear.scatter [tilespmem:s30], [sflag:$0x2], $0x2000, $0x38;
	[tilespmem:$0x1F940] =	vst v63  }
0x53: {  	_ =	swait.ge [sflag:s29], $0x2000  }
0x54: {  	[sflag:s29] =	ssyncset.done $0x0  }
0x55: {  	[sflag:s29] =	ssyncadd.s32 $0xFFFFE000  }
0x56: {  	[spmem:s9] =	stream.linear.scatter [tilespmem:s30], [sflag:$0x2], $0x2000, $0x38;
	[tilespmem:$0x1F940] =	vst v63  }
0x57: {  	_ =	swait.ge [sflag:s29], $0x2000  }
0x58: {  	[sflag:s29] =	ssyncset.done $0x0  }
0x59: {  	[sflag:s29] =	ssyncadd.s32 $0xFFFFE000  }
0x5a: {  	[spmem:s10] =	stream.linear.scatter [tilespmem:s30], [sflag:$0x2], $0x2000, $0x38;
	[tilespmem:$0x1F940] =	vst v63  }
0x5b: {  	_ =	swait.ge [sflag:s29], $0x2000  }
0x5c: {  	[sflag:s29] =	ssyncset.done $0x0  }
0x5d: {  	[sflag:s29] =	ssyncadd.s32 $0xFFFFE000  }
0x5e: {  	[spmem:s11] =	stream.linear.scatter [tilespmem:s30], [sflag:$0x2], $0x2000, $0x38;
	[tilespmem:$0x1F940] =	vst v63  }
0x5f: {  	s5 =	stileid.u32;
	_ =	swait.ge [sflag:s29], $0x2000  }
0x60: {  	s5 =	sshll.u32 s5, $0x6;
	[sflag:s29] =	ssyncset.done $0x0;
	s6 =	rddreg [dreg:$0x7]  }
0x61: {  	s5 =	sor.u32 $0x1C02, s5;
	[sflag:s29] =	ssyncadd.s32 $0xFFFFE000;
	s6 =	sshrl.u32 s6, $0x3  }
0x62: {  	[spmem:s6], [sflag:s5] =	dma.local [hbm:s13], $0x1388  }
0x63: {  	_ =	swait.ge [sflag:s29], $0x1388  }
0x64: {  	[sflag:s29] =	ssyncset.done $0x0  }
0x65: {  	[sflag:s29] =	ssyncadd.s32 $0xFFFFEC78  }
0x66: {  	s25 =	simm.s32 $0x0;
	[bflag:$0x0] =	sbarrier.arrive $0xFFFF  }
0x67: {  	[tilespmem:s30], [sflag:$0x1] =	stream.indirect.gather [spmem:s3], $0x40, s25, s31, $0xb8;
	[tilespmem:$0x1F940] =	vst v63  }
0x68: {  	_ =	swait.ge [sflag:s0], $0x2000  }
0x69: {  	[sflag:s0] =	ssyncset.done $0x0  }
0x6a: {  	s26 =	simm.s32 $0x4E80;
	[sflag:s0] =	ssyncadd.s32 $0xFFFFE000  }
0x6b: {  	[spmem:s2] =	stream.indirect.scatter.add.f32 [tilespmem:s30], [sflag:$0x2], $0x40, s26, s31, $0xb8;
	[tilespmem:$0x1F940] =	vst v63  }
0x6c: {  	_ =	swait.ge [sflag:s29], $0x2000  }
0x6d: {  	s12 =	simm.s32 $0x200;
	s19 =	simm.s32 $0x400;
	[sflag:s29] =	ssyncset.done $0x0  }
.LBB2_4:
0x6e: {  	s20 =	sshra.s32 s12, $0x2  }
0x6f: {  	[sflag:s29] =	ssyncadd.s32 $0xFFFFE000;
	s12 =	smov.u32 s19;
	s21 =	sadd.s32 $0x200, s19  }
0x70: {  	[tilespmem:s30], [sflag:$0x1] =	stream.indirect.gather [spmem:s3], $0x40, s20, s31, $0xb8;
	[tilespmem:$0x1F940] =	vst v63  }
0x71: {  	p0 =	sne.s32 s19, $0x13800;
	_ =	swait.ge [sflag:s0], $0x2000  }
.Ltmp1:
0x72: {  	[sflag:s0] =	ssyncset.done $0x0;
	(pc) =	sbr.rel @p0 .LBB2_4-.Ltmp1, $4  }
0x73: {  	s19 =	sadd.s32 $0x4E80, s20;
	[sflag:s0] =	ssyncadd.s32 $0xFFFFE000  }
0x74: {  	[spmem:s2] =	stream.indirect.scatter.add.f32 [tilespmem:s30], [sflag:$0x2], $0x40, s19, s31, $0xb8;
	[tilespmem:$0x1F940] =	vst v63  }
0x75: {  	_ =	swait.ge [sflag:s29], $0x2000  }
0x76: {  	s19 =	smov.u32 s21;
	[sflag:s29] =	ssyncset.done $0x0  }
0x77: {  	s12 =	sshra.s32 s12, $0x2;
	[sflag:s29] =	ssyncadd.s32 $0xFFFFE000  }
0x78: {  	[tilespmem:s30], [sflag:$0x1] =	stream.indirect.gather [spmem:s3], $0x40, s12, s31, $0xb8;
	[tilespmem:$0x1F940] =	vst v63  }
0x79: {  	_ =	swait.ge [sflag:s0], $0x2000  }
0x7a: {  	[sflag:s0] =	ssyncset.done $0x0  }
0x7b: {  	s12 =	sadd.s32 $0x4E80, s12;
	[sflag:s0] =	ssyncadd.s32 $0xFFFFE000  }
0x7c: {  	[spmem:s2] =	stream.indirect.scatter.add.f32 [tilespmem:s30], [sflag:$0x2], $0x40, s12, s31, $0xb8;
	[tilespmem:$0x1F940] =	vst v63  }
0x7d: {  	_ =	swait.ge [sflag:s29], $0x2000  }
0x7e: {  	[sflag:s29] =	ssyncset.done $0x0  }
0x7f: {  	[sflag:s29] =	ssyncadd.s32 $0xFFFFE000  }
0x80: {  	s12 =	sshrl.u32 s7, $0x3;
	[bflag:$0x0] =	sbarrier.arrive $0xFFFF  }
0x81: {  	[hbm:s14], [sflag:s5] =	dma.local [spmem:s12], $0x400  }
0x82: {  	_ =	swait.ge [sflag:s29], $0x400  }
0x83: {  	[sflag:s29] =	ssyncset.done $0x0  }
0x84: {  	s19 =	sshrl.u32 s8, $0x3;
	[sflag:s29] =	ssyncadd.s32 $0xFFFFFC00  }
0x85: {  	[hbm:s15], [sflag:s5] =	dma.local [spmem:s19], $0x400  }
0x86: {  	_ =	swait.ge [sflag:s29], $0x400  }
0x87: {  	[sflag:s29] =	ssyncset.done $0x0  }
0x88: {  	s20 =	sshrl.u32 s9, $0x3;
	[sflag:s29] =	ssyncadd.s32 $0xFFFFFC00  }
0x89: {  	[hbm:s16], [sflag:s5] =	dma.local [spmem:s20], $0x400  }
0x8a: {  	_ =	swait.ge [sflag:s29], $0x400  }
0x8b: {  	[sflag:s29] =	ssyncset.done $0x0  }
0x8c: {  	s21 =	sshrl.u32 s10, $0x3;
	[sflag:s29] =	ssyncadd.s32 $0xFFFFFC00  }
0x8d: {  	[hbm:s17], [sflag:s5] =	dma.local [spmem:s21], $0x400  }
0x8e: {  	_ =	swait.ge [sflag:s29], $0x400  }
0x8f: {  	[sflag:s29] =	ssyncset.done $0x0  }
0x90: {  	s22 =	sshrl.u32 s11, $0x3;
	[sflag:s29] =	ssyncadd.s32 $0xFFFFFC00  }
0x91: {  	[hbm:s18], [sflag:s5] =	dma.local [spmem:s22], $0x400  }
0x92: {  	s23 =	simm.s32 $0x0;
	_ =	swait.ge [sflag:s29], $0x400  }
0x93: {  	s24 =	sand.u32 $0x7F00, s23;
	[sflag:s29] =	ssyncset.done $0x0  }
0x94: {  	s25 =	sand.u32 $0x30, s23;
	s26 =	sshrl.u32 s24, $0x2;
	[sflag:s29] =	ssyncadd.s32 $0xFFFFFC00  }
0x95: {  	s24 =	simm.s32 $0x40;
	s25 =	sor.u32 s25, s26;
	[bflag:$0x0] =	sbarrier.arrive $0xFFFF  }
.LBB2_6:
0x96: {  	p0 =	sne.s32 s24, $0x7FC0  }
0x97: {  	[tilespmem:s25+$0x9D00] =	vst v0;
	s23 =	sadd.s32 $0x10, s23;
	s25 =	smov.u32 s24;
	s24 =	sadd.s32 $0x40, s24  }
.Ltmp2:
0x98: {  	(pc) =	sbr.rel @p0 .LBB2_6-.Ltmp2, $4  }
0x99: {  	_ = 	snop  }
0x9a: {  	s25 =	sand.u32 $0x7F00, s25  }
0x9b: {  	s26 =	sand.u32 $0x30, s23;
	s25 =	sshrl.u32 s25, $0x2  }
0x9c: {  	s25 =	sor.u32 s26, s25  }
0x9d: {  	[tilespmem:s25+$0x9D00] =	vst v0  }
0x9e: {  	[spmem:s7] =	stream.linear.scatter [tilespmem:s30], [sflag:$0x2], $0x2000, $0x38;
	[tilespmem:$0x1F940] =	vst v63  }
0x9f: {  	_ =	swait.ge [sflag:s29], $0x2000  }
0xa0: {  	[sflag:s29] =	ssyncset.done $0x0  }
0xa1: {  	[sflag:s29] =	ssyncadd.s32 $0xFFFFE000  }
0xa2: {  	[spmem:s8] =	stream.linear.scatter [tilespmem:s30], [sflag:$0x2], $0x2000, $0x38;
	[tilespmem:$0x1F940] =	vst v63  }
0xa3: {  	_ =	swait.ge [sflag:s29], $0x2000  }
0xa4: {  	[sflag:s29] =	ssyncset.done $0x0  }
0xa5: {  	[sflag:s29] =	ssyncadd.s32 $0xFFFFE000  }
0xa6: {  	[spmem:s9] =	stream.linear.scatter [tilespmem:s30], [sflag:$0x2], $0x2000, $0x38;
	[tilespmem:$0x1F940] =	vst v63  }
0xa7: {  	_ =	swait.ge [sflag:s29], $0x2000  }
0xa8: {  	[sflag:s29] =	ssyncset.done $0x0  }
0xa9: {  	[sflag:s29] =	ssyncadd.s32 $0xFFFFE000  }
0xaa: {  	[spmem:s10] =	stream.linear.scatter [tilespmem:s30], [sflag:$0x2], $0x2000, $0x38;
	[tilespmem:$0x1F940] =	vst v63  }
0xab: {  	_ =	swait.ge [sflag:s29], $0x2000  }
0xac: {  	[sflag:s29] =	ssyncset.done $0x0  }
0xad: {  	[sflag:s29] =	ssyncadd.s32 $0xFFFFE000  }
0xae: {  	[spmem:s11] =	stream.linear.scatter [tilespmem:s30], [sflag:$0x2], $0x2000, $0x38;
	[tilespmem:$0x1F940] =	vst v63  }
0xaf: {  	_ =	swait.ge [sflag:s29], $0x2000  }
0xb0: {  	[sflag:s29] =	ssyncset.done $0x0  }
0xb1: {  	s23 =	rddreg [dreg:$0x8];
	[sflag:s29] =	ssyncadd.s32 $0xFFFFE000  }
0xb2: {  	[spmem:s6], [sflag:s5] =	dma.local [hbm:s23], $0x1388  }
0xb3: {  	_ =	swait.ge [sflag:s29], $0x1388  }
0xb4: {  	[sflag:s29] =	ssyncset.done $0x0  }
0xb5: {  	[sflag:s29] =	ssyncadd.s32 $0xFFFFEC78  }
0xb6: {  	s25 =	simm.s32 $0x0;
	[bflag:$0x0] =	sbarrier.arrive $0xFFFF  }
0xb7: {  	[tilespmem:s30], [sflag:$0x1] =	stream.indirect.gather [spmem:s3], $0x40, s25, s31, $0xb8;
	[tilespmem:$0x1F940] =	vst v63  }
0xb8: {  	_ =	swait.ge [sflag:s0], $0x2000  }
0xb9: {  	[sflag:s0] =	ssyncset.done $0x0  }
0xba: {  	s26 =	simm.s32 $0x4E80;
	[sflag:s0] =	ssyncadd.s32 $0xFFFFE000  }
0xbb: {  	[spmem:s2] =	stream.indirect.scatter.add.f32 [tilespmem:s30], [sflag:$0x2], $0x40, s26, s31, $0xb8;
	[tilespmem:$0x1F940] =	vst v63  }
0xbc: {  	_ =	swait.ge [sflag:s29], $0x2000  }
0xbd: {  	s24 =	simm.s32 $0x400;
	s23 =	simm.s32 $0x200;
	[sflag:s29] =	ssyncset.done $0x0  }
.LBB2_8:
0xbe: {  	s25 =	sshra.s32 s23, $0x2  }
0xbf: {  	[sflag:s29] =	ssyncadd.s32 $0xFFFFE000;
	s23 =	smov.u32 s24;
	s26 =	sadd.s32 $0x200, s24  }
0xc0: {  	[tilespmem:s30], [sflag:$0x1] =	stream.indirect.gather [spmem:s3], $0x40, s25, s31, $0xb8;
	[tilespmem:$0x1F940] =	vst v63  }
0xc1: {  	p0 =	sne.s32 s24, $0x13800;
	_ =	swait.ge [sflag:s0], $0x2000  }
.Ltmp3:
0xc2: {  	[sflag:s0] =	ssyncset.done $0x0;
	(pc) =	sbr.rel @p0 .LBB2_8-.Ltmp3, $4  }
0xc3: {  	s24 =	sadd.s32 $0x4E80, s25;
	[sflag:s0] =	ssyncadd.s32 $0xFFFFE000  }
0xc4: {  	[spmem:s2] =	stream.indirect.scatter.add.f32 [tilespmem:s30], [sflag:$0x2], $0x40, s24, s31, $0xb8;
	[tilespmem:$0x1F940] =	vst v63  }
0xc5: {  	_ =	swait.ge [sflag:s29], $0x2000  }
0xc6: {  	s24 =	smov.u32 s26;
	[sflag:s29] =	ssyncset.done $0x0  }
0xc7: {  	s23 =	sshra.s32 s23, $0x2;
	[sflag:s29] =	ssyncadd.s32 $0xFFFFE000  }
0xc8: {  	[tilespmem:s30], [sflag:$0x1] =	stream.indirect.gather [spmem:s3], $0x40, s23, s31, $0xb8;
	[tilespmem:$0x1F940] =	vst v63  }
0xc9: {  	_ =	swait.ge [sflag:s0], $0x2000  }
0xca: {  	[sflag:s0] =	ssyncset.done $0x0  }
0xcb: {  	s23 =	sadd.s32 $0x4E80, s23;
	[sflag:s0] =	ssyncadd.s32 $0xFFFFE000  }
0xcc: {  	[spmem:s2] =	stream.indirect.scatter.add.f32 [tilespmem:s30], [sflag:$0x2], $0x40, s23, s31, $0xb8;
	[tilespmem:$0x1F940] =	vst v63  }
0xcd: {  	_ =	swait.ge [sflag:s29], $0x2000  }
0xce: {  	[sflag:s29] =	ssyncset.done $0x0  }
0xcf: {  	[sflag:s29] =	ssyncadd.s32 $0xFFFFE000  }
0xd0: {  	[bflag:$0x0] =	sbarrier.arrive $0xFFFF  }
0xd1: {  	s25 =	rddreg [dreg:$0x9]  }
0xd2: {  	[hbm:s25], [sflag:s5] =	dma.local [spmem:s12], $0x400  }
0xd3: {  	_ =	swait.ge [sflag:s29], $0x400  }
0xd4: {  	[sflag:s29] =	ssyncset.done $0x0  }
0xd5: {  	s26 =	rddreg [dreg:$0xa];
	[sflag:s29] =	ssyncadd.s32 $0xFFFFFC00  }
0xd6: {  	[hbm:s26], [sflag:s5] =	dma.local [spmem:s19], $0x400  }
0xd7: {  	_ =	swait.ge [sflag:s29], $0x400  }
0xd8: {  	[sflag:s29] =	ssyncset.done $0x0  }
0xd9: {  	s24 =	rddreg [dreg:$0xb];
	[sflag:s29] =	ssyncadd.s32 $0xFFFFFC00  }
0xda: {  	[hbm:s24], [sflag:s5] =	dma.local [spmem:s20], $0x400  }
0xdb: {  	_ =	swait.ge [sflag:s29], $0x400  }
0xdc: {  	[sflag:s29] =	ssyncset.done $0x0  }
0xdd: {  	s25 =	rddreg [dreg:$0xc];
	[sflag:s29] =	ssyncadd.s32 $0xFFFFFC00  }
0xde: {  	[hbm:s25], [sflag:s5] =	dma.local [spmem:s21], $0x400  }
0xdf: {  	_ =	swait.ge [sflag:s29], $0x400  }
0xe0: {  	[sflag:s29] =	ssyncset.done $0x0  }
0xe1: {  	s26 =	rddreg [dreg:$0xd];
	[sflag:s29] =	ssyncadd.s32 $0xFFFFFC00  }
0xe2: {  	[hbm:s26], [sflag:s5] =	dma.local [spmem:s22], $0x400  }
0xe3: {  	s23 =	simm.s32 $0x0;
	_ =	swait.ge [sflag:s29], $0x400  }
0xe4: {  	s24 =	sand.u32 $0x7F00, s23;
	[sflag:s29] =	ssyncset.done $0x0  }
0xe5: {  	s25 =	sand.u32 $0x30, s23;
	s26 =	sshrl.u32 s24, $0x2;
	[sflag:s29] =	ssyncadd.s32 $0xFFFFFC00  }
0xe6: {  	s24 =	simm.s32 $0x40;
	s25 =	sor.u32 s25, s26;
	[bflag:$0x0] =	sbarrier.arrive $0xFFFF  }
.LBB2_10:
0xe7: {  	p0 =	sne.s32 s24, $0x7FC0  }
0xe8: {  	[tilespmem:s25+$0x9D00] =	vst v0;
	s23 =	sadd.s32 $0x10, s23;
	s25 =	smov.u32 s24;
	s24 =	sadd.s32 $0x40, s24  }
.Ltmp4:
0xe9: {  	(pc) =	sbr.rel @p0 .LBB2_10-.Ltmp4, $4  }
0xea: {  	_ = 	snop  }
0xeb: {  	s25 =	sand.u32 $0x7F00, s25  }
0xec: {  	s26 =	sand.u32 $0x30, s23;
	s25 =	sshrl.u32 s25, $0x2  }
0xed: {  	s25 =	sor.u32 s26, s25  }
0xee: {  	[tilespmem:s25+$0x9D00] =	vst v0  }
0xef: {  	[spmem:s7] =	stream.linear.scatter [tilespmem:s30], [sflag:$0x2], $0x2000, $0x38;
	[tilespmem:$0x1F940] =	vst v63  }
0xf0: {  	_ =	swait.ge [sflag:s29], $0x2000  }
0xf1: {  	[sflag:s29] =	ssyncset.done $0x0  }
0xf2: {  	[sflag:s29] =	ssyncadd.s32 $0xFFFFE000  }
0xf3: {  	[spmem:s8] =	stream.linear.scatter [tilespmem:s30], [sflag:$0x2], $0x2000, $0x38;
	[tilespmem:$0x1F940] =	vst v63  }
0xf4: {  	_ =	swait.ge [sflag:s29], $0x2000  }
0xf5: {  	[sflag:s29] =	ssyncset.done $0x0  }
0xf6: {  	[sflag:s29] =	ssyncadd.s32 $0xFFFFE000  }
0xf7: {  	[spmem:s9] =	stream.linear.scatter [tilespmem:s30], [sflag:$0x2], $0x2000, $0x38;
	[tilespmem:$0x1F940] =	vst v63  }
0xf8: {  	_ =	swait.ge [sflag:s29], $0x2000  }
0xf9: {  	[sflag:s29] =	ssyncset.done $0x0  }
0xfa: {  	[sflag:s29] =	ssyncadd.s32 $0xFFFFE000  }
0xfb: {  	[spmem:s10] =	stream.linear.scatter [tilespmem:s30], [sflag:$0x2], $0x2000, $0x38;
	[tilespmem:$0x1F940] =	vst v63  }
0xfc: {  	_ =	swait.ge [sflag:s29], $0x2000  }
0xfd: {  	[sflag:s29] =	ssyncset.done $0x0  }
0xfe: {  	[sflag:s29] =	ssyncadd.s32 $0xFFFFE000  }
0xff: {  	[spmem:s11] =	stream.linear.scatter [tilespmem:s30], [sflag:$0x2], $0x2000, $0x38;
	[tilespmem:$0x1F940] =	vst v63  }
0x100: {  	_ =	swait.ge [sflag:s29], $0x2000  }
0x101: {  	[sflag:s29] =	ssyncset.done $0x0  }
0x102: {  	s23 =	rddreg [dreg:$0xf];
	[sflag:s29] =	ssyncadd.s32 $0xFFFFE000  }
0x103: {  	[spmem:s6], [sflag:s5] =	dma.local [hbm:s23], $0x1388  }
0x104: {  	_ =	swait.ge [sflag:s29], $0x1388  }
0x105: {  	[sflag:s29] =	ssyncset.done $0x0  }
0x106: {  	[sflag:s29] =	ssyncadd.s32 $0xFFFFEC78  }
0x107: {  	s25 =	simm.s32 $0x0;
	[bflag:$0x0] =	sbarrier.arrive $0xFFFF  }
0x108: {  	[tilespmem:s30], [sflag:$0x1] =	stream.indirect.gather [spmem:s3], $0x40, s25, s31, $0xb8;
	[tilespmem:$0x1F940] =	vst v63  }
0x109: {  	_ =	swait.ge [sflag:s0], $0x2000  }
0x10a: {  	[sflag:s0] =	ssyncset.done $0x0  }
0x10b: {  	s26 =	simm.s32 $0x4E80;
	[sflag:s0] =	ssyncadd.s32 $0xFFFFE000  }
0x10c: {  	[spmem:s2] =	stream.indirect.scatter.add.f32 [tilespmem:s30], [sflag:$0x2], $0x40, s26, s31, $0xb8;
	[tilespmem:$0x1F940] =	vst v63  }
0x10d: {  	_ =	swait.ge [sflag:s29], $0x2000  }
0x10e: {  	s24 =	simm.s32 $0x400;
	s23 =	simm.s32 $0x200;
	[sflag:s29] =	ssyncset.done $0x0  }
.LBB2_12:
0x10f: {  	s25 =	sshra.s32 s23, $0x2  }
0x110: {  	[sflag:s29] =	ssyncadd.s32 $0xFFFFE000;
	s23 =	smov.u32 s24;
	s26 =	sadd.s32 $0x200, s24  }
0x111: {  	[tilespmem:s30], [sflag:$0x1] =	stream.indirect.gather [spmem:s3], $0x40, s25, s31, $0xb8;
	[tilespmem:$0x1F940] =	vst v63  }
0x112: {  	p0 =	sne.s32 s24, $0x13800;
	_ =	swait.ge [sflag:s0], $0x2000  }
.Ltmp5:
0x113: {  	[sflag:s0] =	ssyncset.done $0x0;
	(pc) =	sbr.rel @p0 .LBB2_12-.Ltmp5, $4  }
0x114: {  	s24 =	sadd.s32 $0x4E80, s25;
	[sflag:s0] =	ssyncadd.s32 $0xFFFFE000  }
0x115: {  	[spmem:s2] =	stream.indirect.scatter.add.f32 [tilespmem:s30], [sflag:$0x2], $0x40, s24, s31, $0xb8;
	[tilespmem:$0x1F940] =	vst v63  }
0x116: {  	_ =	swait.ge [sflag:s29], $0x2000  }
0x117: {  	s24 =	smov.u32 s26;
	[sflag:s29] =	ssyncset.done $0x0  }
0x118: {  	s23 =	sshra.s32 s23, $0x2;
	[sflag:s29] =	ssyncadd.s32 $0xFFFFE000  }
0x119: {  	[tilespmem:s30], [sflag:$0x1] =	stream.indirect.gather [spmem:s3], $0x40, s23, s31, $0xb8;
	[tilespmem:$0x1F940] =	vst v63  }
0x11a: {  	_ =	swait.ge [sflag:s0], $0x2000  }
0x11b: {  	[sflag:s0] =	ssyncset.done $0x0  }
0x11c: {  	s23 =	sadd.s32 $0x4E80, s23;
	[sflag:s0] =	ssyncadd.s32 $0xFFFFE000  }
0x11d: {  	[spmem:s2] =	stream.indirect.scatter.add.f32 [tilespmem:s30], [sflag:$0x2], $0x40, s23, s31, $0xb8;
	[tilespmem:$0x1F940] =	vst v63  }
0x11e: {  	_ =	swait.ge [sflag:s29], $0x2000  }
0x11f: {  	[sflag:s29] =	ssyncset.done $0x0  }
0x120: {  	[sflag:s29] =	ssyncadd.s32 $0xFFFFE000  }
0x121: {  	[bflag:$0x0] =	sbarrier.arrive $0xFFFF  }
0x122: {  	s25 =	rddreg [dreg:$0x10]  }
0x123: {  	[hbm:s25], [sflag:s5] =	dma.local [spmem:s12], $0x400  }
0x124: {  	_ =	swait.ge [sflag:s29], $0x400  }
0x125: {  	[sflag:s29] =	ssyncset.done $0x0  }
0x126: {  	s26 =	rddreg [dreg:$0x11];
	[sflag:s29] =	ssyncadd.s32 $0xFFFFFC00  }
0x127: {  	[hbm:s26], [sflag:s5] =	dma.local [spmem:s19], $0x400  }
0x128: {  	_ =	swait.ge [sflag:s29], $0x400  }
0x129: {  	[sflag:s29] =	ssyncset.done $0x0  }
0x12a: {  	s24 =	rddreg [dreg:$0x12];
	[sflag:s29] =	ssyncadd.s32 $0xFFFFFC00  }
0x12b: {  	[hbm:s24], [sflag:s5] =	dma.local [spmem:s20], $0x400  }
0x12c: {  	_ =	swait.ge [sflag:s29], $0x400  }
0x12d: {  	[sflag:s29] =	ssyncset.done $0x0  }
0x12e: {  	s25 =	rddreg [dreg:$0x13];
	[sflag:s29] =	ssyncadd.s32 $0xFFFFFC00  }
0x12f: {  	[hbm:s25], [sflag:s5] =	dma.local [spmem:s21], $0x400  }
0x130: {  	_ =	swait.ge [sflag:s29], $0x400  }
0x131: {  	[sflag:s29] =	ssyncset.done $0x0  }
0x132: {  	s26 =	rddreg [dreg:$0x14];
	[sflag:s29] =	ssyncadd.s32 $0xFFFFFC00  }
0x133: {  	[hbm:s26], [sflag:s5] =	dma.local [spmem:s22], $0x400  }
0x134: {  	s23 =	simm.s32 $0x0;
	_ =	swait.ge [sflag:s29], $0x400  }
0x135: {  	s24 =	sand.u32 $0x7F00, s23;
	[sflag:s29] =	ssyncset.done $0x0  }
0x136: {  	s25 =	sand.u32 $0x30, s23;
	s26 =	sshrl.u32 s24, $0x2;
	[sflag:s29] =	ssyncadd.s32 $0xFFFFFC00  }
0x137: {  	s24 =	simm.s32 $0x40;
	s25 =	sor.u32 s25, s26;
	[bflag:$0x0] =	sbarrier.arrive $0xFFFF  }
.LBB2_14:
0x138: {  	p0 =	sne.s32 s24, $0x7FC0  }
0x139: {  	[tilespmem:s25+$0x9D00] =	vst v0;
	s23 =	sadd.s32 $0x10, s23;
	s25 =	smov.u32 s24;
	s24 =	sadd.s32 $0x40, s24  }
.Ltmp6:
0x13a: {  	(pc) =	sbr.rel @p0 .LBB2_14-.Ltmp6, $4  }
0x13b: {  	_ = 	snop  }
0x13c: {  	s25 =	sand.u32 $0x7F00, s25  }
0x13d: {  	s26 =	sand.u32 $0x30, s23;
	s25 =	sshrl.u32 s25, $0x2  }
0x13e: {  	s25 =	sor.u32 s26, s25  }
0x13f: {  	[tilespmem:s25+$0x9D00] =	vst v0  }
0x140: {  	[spmem:s7] =	stream.linear.scatter [tilespmem:s30], [sflag:$0x2], $0x2000, $0x38;
	[tilespmem:$0x1F940] =	vst v63  }
0x141: {  	_ =	swait.ge [sflag:s29], $0x2000  }
0x142: {  	[sflag:s29] =	ssyncset.done $0x0  }
0x143: {  	[sflag:s29] =	ssyncadd.s32 $0xFFFFE000  }
0x144: {  	[spmem:s8] =	stream.linear.scatter [tilespmem:s30], [sflag:$0x2], $0x2000, $0x38;
	[tilespmem:$0x1F940] =	vst v63  }
0x145: {  	_ =	swait.ge [sflag:s29], $0x2000  }
0x146: {  	[sflag:s29] =	ssyncset.done $0x0  }
0x147: {  	[sflag:s29] =	ssyncadd.s32 $0xFFFFE000  }
0x148: {  	[spmem:s9] =	stream.linear.scatter [tilespmem:s30], [sflag:$0x2], $0x2000, $0x38;
	[tilespmem:$0x1F940] =	vst v63  }
0x149: {  	_ =	swait.ge [sflag:s29], $0x2000  }
0x14a: {  	[sflag:s29] =	ssyncset.done $0x0  }
0x14b: {  	[sflag:s29] =	ssyncadd.s32 $0xFFFFE000  }
0x14c: {  	[spmem:s10] =	stream.linear.scatter [tilespmem:s30], [sflag:$0x2], $0x2000, $0x38;
	[tilespmem:$0x1F940] =	vst v63  }
0x14d: {  	_ =	swait.ge [sflag:s29], $0x2000  }
0x14e: {  	[sflag:s29] =	ssyncset.done $0x0  }
0x14f: {  	[sflag:s29] =	ssyncadd.s32 $0xFFFFE000  }
0x150: {  	[spmem:s11] =	stream.linear.scatter [tilespmem:s30], [sflag:$0x2], $0x2000, $0x38;
	[tilespmem:$0x1F940] =	vst v63  }
0x151: {  	_ =	swait.ge [sflag:s29], $0x2000  }
0x152: {  	[sflag:s29] =	ssyncset.done $0x0  }
0x153: {  	s23 =	rddreg [dreg:$0x15];
	[sflag:s29] =	ssyncadd.s32 $0xFFFFE000  }
0x154: {  	[spmem:s6], [sflag:s5] =	dma.local [hbm:s23], $0x1388  }
0x155: {  	_ =	swait.ge [sflag:s29], $0x1388  }
0x156: {  	[sflag:s29] =	ssyncset.done $0x0  }
0x157: {  	[sflag:s29] =	ssyncadd.s32 $0xFFFFEC78  }
0x158: {  	s25 =	simm.s32 $0x0;
	[bflag:$0x0] =	sbarrier.arrive $0xFFFF  }
0x159: {  	[tilespmem:s30], [sflag:$0x1] =	stream.indirect.gather [spmem:s3], $0x40, s25, s31, $0xb8;
	[tilespmem:$0x1F940] =	vst v63  }
0x15a: {  	_ =	swait.ge [sflag:s0], $0x2000  }
0x15b: {  	[sflag:s0] =	ssyncset.done $0x0  }
0x15c: {  	s26 =	simm.s32 $0x4E80;
	[sflag:s0] =	ssyncadd.s32 $0xFFFFE000  }
0x15d: {  	[spmem:s2] =	stream.indirect.scatter.add.f32 [tilespmem:s30], [sflag:$0x2], $0x40, s26, s31, $0xb8;
	[tilespmem:$0x1F940] =	vst v63  }
0x15e: {  	_ =	swait.ge [sflag:s29], $0x2000  }
0x15f: {  	s24 =	simm.s32 $0x400;
	s23 =	simm.s32 $0x200;
	[sflag:s29] =	ssyncset.done $0x0  }
.LBB2_16:
0x160: {  	s25 =	sshra.s32 s23, $0x2  }
0x161: {  	[sflag:s29] =	ssyncadd.s32 $0xFFFFE000;
	s23 =	smov.u32 s24;
	s26 =	sadd.s32 $0x200, s24  }
0x162: {  	[tilespmem:s30], [sflag:$0x1] =	stream.indirect.gather [spmem:s3], $0x40, s25, s31, $0xb8;
	[tilespmem:$0x1F940] =	vst v63  }
0x163: {  	p0 =	sne.s32 s24, $0x13800;
	_ =	swait.ge [sflag:s0], $0x2000  }
.Ltmp7:
0x164: {  	[sflag:s0] =	ssyncset.done $0x0;
	(pc) =	sbr.rel @p0 .LBB2_16-.Ltmp7, $4  }
0x165: {  	s24 =	sadd.s32 $0x4E80, s25;
	[sflag:s0] =	ssyncadd.s32 $0xFFFFE000  }
0x166: {  	[spmem:s2] =	stream.indirect.scatter.add.f32 [tilespmem:s30], [sflag:$0x2], $0x40, s24, s31, $0xb8;
	[tilespmem:$0x1F940] =	vst v63  }
0x167: {  	_ =	swait.ge [sflag:s29], $0x2000  }
0x168: {  	s24 =	smov.u32 s26;
	[sflag:s29] =	ssyncset.done $0x0  }
0x169: {  	s23 =	sshra.s32 s23, $0x2;
	[sflag:s29] =	ssyncadd.s32 $0xFFFFE000  }
0x16a: {  	[tilespmem:s30], [sflag:$0x1] =	stream.indirect.gather [spmem:s3], $0x40, s23, s31, $0xb8;
	[tilespmem:$0x1F940] =	vst v63  }
0x16b: {  	_ =	swait.ge [sflag:s0], $0x2000  }
0x16c: {  	[sflag:s0] =	ssyncset.done $0x0  }
0x16d: {  	s23 =	sadd.s32 $0x4E80, s23;
	[sflag:s0] =	ssyncadd.s32 $0xFFFFE000  }
0x16e: {  	[spmem:s2] =	stream.indirect.scatter.add.f32 [tilespmem:s30], [sflag:$0x2], $0x40, s23, s31, $0xb8;
	[tilespmem:$0x1F940] =	vst v63  }
0x16f: {  	_ =	swait.ge [sflag:s29], $0x2000  }
0x170: {  	[sflag:s29] =	ssyncset.done $0x0  }
0x171: {  	[sflag:s29] =	ssyncadd.s32 $0xFFFFE000  }
0x172: {  	[bflag:$0x0] =	sbarrier.arrive $0xFFFF  }
0x173: {  	s25 =	rddreg [dreg:$0x16]  }
0x174: {  	[hbm:s25], [sflag:s5] =	dma.local [spmem:s12], $0x400  }
0x175: {  	_ =	swait.ge [sflag:s29], $0x400  }
0x176: {  	[sflag:s29] =	ssyncset.done $0x0  }
0x177: {  	s26 =	rddreg [dreg:$0x17];
	[sflag:s29] =	ssyncadd.s32 $0xFFFFFC00  }
0x178: {  	[hbm:s26], [sflag:s5] =	dma.local [spmem:s19], $0x400  }
0x179: {  	_ =	swait.ge [sflag:s29], $0x400  }
0x17a: {  	[sflag:s29] =	ssyncset.done $0x0  }
0x17b: {  	s24 =	rddreg [dreg:$0x18];
	[sflag:s29] =	ssyncadd.s32 $0xFFFFFC00  }
0x17c: {  	[hbm:s24], [sflag:s5] =	dma.local [spmem:s20], $0x400  }
0x17d: {  	_ =	swait.ge [sflag:s29], $0x400  }
0x17e: {  	[sflag:s29] =	ssyncset.done $0x0  }
0x17f: {  	s25 =	rddreg [dreg:$0x19];
	[sflag:s29] =	ssyncadd.s32 $0xFFFFFC00  }
0x180: {  	[hbm:s25], [sflag:s5] =	dma.local [spmem:s21], $0x400  }
0x181: {  	_ =	swait.ge [sflag:s29], $0x400  }
0x182: {  	[sflag:s29] =	ssyncset.done $0x0  }
0x183: {  	s26 =	rddreg [dreg:$0x1a];
	[sflag:s29] =	ssyncadd.s32 $0xFFFFFC00  }
0x184: {  	[hbm:s26], [sflag:s5] =	dma.local [spmem:s22], $0x400  }
0x185: {  	s23 =	simm.s32 $0x0;
	_ =	swait.ge [sflag:s29], $0x400  }
0x186: {  	s24 =	sand.u32 $0x7F00, s23;
	[sflag:s29] =	ssyncset.done $0x0  }
0x187: {  	s25 =	sand.u32 $0x30, s23;
	s26 =	sshrl.u32 s24, $0x2;
	[sflag:s29] =	ssyncadd.s32 $0xFFFFFC00  }
0x188: {  	s24 =	simm.s32 $0x40;
	s25 =	sor.u32 s25, s26;
	[bflag:$0x0] =	sbarrier.arrive $0xFFFF  }
.LBB2_18:
0x189: {  	p0 =	sne.s32 s24, $0x7FC0  }
0x18a: {  	[tilespmem:s25+$0x9D00] =	vst v0;
	s23 =	sadd.s32 $0x10, s23;
	s25 =	smov.u32 s24;
	s24 =	sadd.s32 $0x40, s24  }
.Ltmp8:
0x18b: {  	(pc) =	sbr.rel @p0 .LBB2_18-.Ltmp8, $4  }
0x18c: {  	_ = 	snop  }
0x18d: {  	s25 =	sand.u32 $0x7F00, s25  }
0x18e: {  	s26 =	sand.u32 $0x30, s23;
	s25 =	sshrl.u32 s25, $0x2  }
0x18f: {  	s25 =	sor.u32 s26, s25  }
0x190: {  	[tilespmem:s25+$0x9D00] =	vst v0  }
0x191: {  	[spmem:s7] =	stream.linear.scatter [tilespmem:s30], [sflag:$0x2], $0x2000, $0x38;
	[tilespmem:$0x1F940] =	vst v63  }
0x192: {  	_ =	swait.ge [sflag:s29], $0x2000  }
0x193: {  	[sflag:s29] =	ssyncset.done $0x0  }
0x194: {  	[sflag:s29] =	ssyncadd.s32 $0xFFFFE000  }
0x195: {  	[spmem:s8] =	stream.linear.scatter [tilespmem:s30], [sflag:$0x2], $0x2000, $0x38;
	[tilespmem:$0x1F940] =	vst v63  }
0x196: {  	_ =	swait.ge [sflag:s29], $0x2000  }
0x197: {  	[sflag:s29] =	ssyncset.done $0x0  }
0x198: {  	[sflag:s29] =	ssyncadd.s32 $0xFFFFE000  }
0x199: {  	[spmem:s9] =	stream.linear.scatter [tilespmem:s30], [sflag:$0x2], $0x2000, $0x38;
	[tilespmem:$0x1F940] =	vst v63  }
0x19a: {  	_ =	swait.ge [sflag:s29], $0x2000  }
0x19b: {  	[sflag:s29] =	ssyncset.done $0x0  }
0x19c: {  	[sflag:s29] =	ssyncadd.s32 $0xFFFFE000  }
0x19d: {  	[spmem:s10] =	stream.linear.scatter [tilespmem:s30], [sflag:$0x2], $0x2000, $0x38;
	[tilespmem:$0x1F940] =	vst v63  }
0x19e: {  	_ =	swait.ge [sflag:s29], $0x2000  }
0x19f: {  	[sflag:s29] =	ssyncset.done $0x0  }
0x1a0: {  	[sflag:s29] =	ssyncadd.s32 $0xFFFFE000  }
0x1a1: {  	[spmem:s11] =	stream.linear.scatter [tilespmem:s30], [sflag:$0x2], $0x2000, $0x38;
	[tilespmem:$0x1F940] =	vst v63  }
0x1a2: {  	_ =	swait.ge [sflag:s29], $0x2000  }
0x1a3: {  	[sflag:s29] =	ssyncset.done $0x0  }
0x1a4: {  	s23 =	rddreg [dreg:$0x1b];
	[sflag:s29] =	ssyncadd.s32 $0xFFFFE000  }
0x1a5: {  	[spmem:s6], [sflag:s5] =	dma.local [hbm:s23], $0x1388  }
0x1a6: {  	_ =	swait.ge [sflag:s29], $0x1388  }
0x1a7: {  	[sflag:s29] =	ssyncset.done $0x0  }
0x1a8: {  	[sflag:s29] =	ssyncadd.s32 $0xFFFFEC78  }
0x1a9: {  	s25 =	simm.s32 $0x0;
	[bflag:$0x0] =	sbarrier.arrive $0xFFFF  }
0x1aa: {  	[tilespmem:s30], [sflag:$0x1] =	stream.indirect.gather [spmem:s3], $0x40, s25, s31, $0xb8;
	[tilespmem:$0x1F940] =	vst v63  }
0x1ab: {  	_ =	swait.ge [sflag:s0], $0x2000  }
0x1ac: {  	[sflag:s0] =	ssyncset.done $0x0  }
0x1ad: {  	s26 =	simm.s32 $0x4E80;
	[sflag:s0] =	ssyncadd.s32 $0xFFFFE000  }
0x1ae: {  	[spmem:s2] =	stream.indirect.scatter.add.f32 [tilespmem:s30], [sflag:$0x2], $0x40, s26, s31, $0xb8;
	[tilespmem:$0x1F940] =	vst v63  }
0x1af: {  	_ =	swait.ge [sflag:s29], $0x2000  }
0x1b0: {  	s24 =	simm.s32 $0x400;
	s23 =	simm.s32 $0x200;
	[sflag:s29] =	ssyncset.done $0x0  }
.LBB2_20:
0x1b1: {  	s25 =	sshra.s32 s23, $0x2  }
0x1b2: {  	[sflag:s29] =	ssyncadd.s32 $0xFFFFE000;
	s23 =	smov.u32 s24;
	s26 =	sadd.s32 $0x200, s24  }
0x1b3: {  	[tilespmem:s30], [sflag:$0x1] =	stream.indirect.gather [spmem:s3], $0x40, s25, s31, $0xb8;
	[tilespmem:$0x1F940] =	vst v63  }
0x1b4: {  	p0 =	sne.s32 s24, $0x13800;
	_ =	swait.ge [sflag:s0], $0x2000  }
.Ltmp9:
0x1b5: {  	[sflag:s0] =	ssyncset.done $0x0;
	(pc) =	sbr.rel @p0 .LBB2_20-.Ltmp9, $4  }
0x1b6: {  	s24 =	sadd.s32 $0x4E80, s25;
	[sflag:s0] =	ssyncadd.s32 $0xFFFFE000  }
0x1b7: {  	[spmem:s2] =	stream.indirect.scatter.add.f32 [tilespmem:s30], [sflag:$0x2], $0x40, s24, s31, $0xb8;
	[tilespmem:$0x1F940] =	vst v63  }
0x1b8: {  	_ =	swait.ge [sflag:s29], $0x2000  }
0x1b9: {  	s24 =	smov.u32 s26;
	[sflag:s29] =	ssyncset.done $0x0  }
0x1ba: {  	s23 =	sshra.s32 s23, $0x2;
	[sflag:s29] =	ssyncadd.s32 $0xFFFFE000  }
0x1bb: {  	[tilespmem:s30], [sflag:$0x1] =	stream.indirect.gather [spmem:s3], $0x40, s23, s31, $0xb8;
	[tilespmem:$0x1F940] =	vst v63  }
0x1bc: {  	_ =	swait.ge [sflag:s0], $0x2000  }
0x1bd: {  	[sflag:s0] =	ssyncset.done $0x0  }
0x1be: {  	s23 =	sadd.s32 $0x4E80, s23;
	[sflag:s0] =	ssyncadd.s32 $0xFFFFE000  }
0x1bf: {  	[spmem:s2] =	stream.indirect.scatter.add.f32 [tilespmem:s30], [sflag:$0x2], $0x40, s23, s31, $0xb8;
	[tilespmem:$0x1F940] =	vst v63  }
0x1c0: {  	_ =	swait.ge [sflag:s29], $0x2000  }
0x1c1: {  	[sflag:s29] =	ssyncset.done $0x0  }
0x1c2: {  	[sflag:s29] =	ssyncadd.s32 $0xFFFFE000  }
0x1c3: {  	[bflag:$0x0] =	sbarrier.arrive $0xFFFF  }
0x1c4: {  	s25 =	rddreg [dreg:$0x1c]  }
0x1c5: {  	[hbm:s25], [sflag:s5] =	dma.local [spmem:s12], $0x400  }
0x1c6: {  	_ =	swait.ge [sflag:s29], $0x400  }
0x1c7: {  	[sflag:s29] =	ssyncset.done $0x0  }
0x1c8: {  	s26 =	rddreg [dreg:$0x1d];
	[sflag:s29] =	ssyncadd.s32 $0xFFFFFC00  }
0x1c9: {  	[hbm:s26], [sflag:s5] =	dma.local [spmem:s19], $0x400  }
0x1ca: {  	_ =	swait.ge [sflag:s29], $0x400  }
0x1cb: {  	[sflag:s29] =	ssyncset.done $0x0  }
0x1cc: {  	s24 =	rddreg [dreg:$0x1e];
	[sflag:s29] =	ssyncadd.s32 $0xFFFFFC00  }
0x1cd: {  	[hbm:s24], [sflag:s5] =	dma.local [spmem:s20], $0x400  }
0x1ce: {  	_ =	swait.ge [sflag:s29], $0x400  }
0x1cf: {  	[sflag:s29] =	ssyncset.done $0x0  }
0x1d0: {  	s25 =	rddreg [dreg:$0x1f];
	[sflag:s29] =	ssyncadd.s32 $0xFFFFFC00  }
0x1d1: {  	[hbm:s25], [sflag:s5] =	dma.local [spmem:s21], $0x400  }
0x1d2: {  	_ =	swait.ge [sflag:s29], $0x400  }
0x1d3: {  	s26 =	sld [smem:$0x7EC]  }
0x1d4: {  	[sflag:s29] =	ssyncset.done $0x0  }
0x1d5: {  	[sflag:s29] =	ssyncadd.s32 $0xFFFFFC00  }
0x1d6: {  	[hbm:s26], [sflag:s5] =	dma.local [spmem:s22], $0x400  }
0x1d7: {  	s23 =	simm.s32 $0x0;
	_ =	swait.ge [sflag:s29], $0x400  }
0x1d8: {  	s24 =	sand.u32 $0x7F00, s23;
	[sflag:s29] =	ssyncset.done $0x0  }
0x1d9: {  	s25 =	sand.u32 $0x30, s23;
	s26 =	sshrl.u32 s24, $0x2;
	[sflag:s29] =	ssyncadd.s32 $0xFFFFFC00  }
0x1da: {  	s24 =	simm.s32 $0x40;
	s25 =	sor.u32 s25, s26;
	[bflag:$0x0] =	sbarrier.arrive $0xFFFF  }
.LBB2_22:
0x1db: {  	p0 =	sne.s32 s24, $0x7FC0  }
0x1dc: {  	[tilespmem:s25+$0x9D00] =	vst v0;
	s23 =	sadd.s32 $0x10, s23;
	s25 =	smov.u32 s24;
	s24 =	sadd.s32 $0x40, s24  }
.Ltmp10:
0x1dd: {  	(pc) =	sbr.rel @p0 .LBB2_22-.Ltmp10, $4  }
0x1de: {  	_ = 	snop  }
0x1df: {  	s25 =	sand.u32 $0x7F00, s25  }
0x1e0: {  	s26 =	sand.u32 $0x30, s23;
	s25 =	sshrl.u32 s25, $0x2  }
0x1e1: {  	s25 =	sor.u32 s26, s25  }
0x1e2: {  	[tilespmem:s25+$0x9D00] =	vst v0  }
0x1e3: {  	[spmem:s7] =	stream.linear.scatter [tilespmem:s30], [sflag:$0x2], $0x2000, $0x38;
	[tilespmem:$0x1F940] =	vst v63  }
0x1e4: {  	_ =	swait.ge [sflag:s29], $0x2000  }
0x1e5: {  	[sflag:s29] =	ssyncset.done $0x0  }
0x1e6: {  	[sflag:s29] =	ssyncadd.s32 $0xFFFFE000  }
0x1e7: {  	[spmem:s8] =	stream.linear.scatter [tilespmem:s30], [sflag:$0x2], $0x2000, $0x38;
	[tilespmem:$0x1F940] =	vst v63  }
0x1e8: {  	_ =	swait.ge [sflag:s29], $0x2000  }
0x1e9: {  	[sflag:s29] =	ssyncset.done $0x0  }
0x1ea: {  	[sflag:s29] =	ssyncadd.s32 $0xFFFFE000  }
0x1eb: {  	[spmem:s9] =	stream.linear.scatter [tilespmem:s30], [sflag:$0x2], $0x2000, $0x38;
	[tilespmem:$0x1F940] =	vst v63  }
0x1ec: {  	_ =	swait.ge [sflag:s29], $0x2000  }
0x1ed: {  	[sflag:s29] =	ssyncset.done $0x0  }
0x1ee: {  	[sflag:s29] =	ssyncadd.s32 $0xFFFFE000  }
0x1ef: {  	[spmem:s10] =	stream.linear.scatter [tilespmem:s30], [sflag:$0x2], $0x2000, $0x38;
	[tilespmem:$0x1F940] =	vst v63  }
0x1f0: {  	_ =	swait.ge [sflag:s29], $0x2000  }
0x1f1: {  	[sflag:s29] =	ssyncset.done $0x0  }
0x1f2: {  	[sflag:s29] =	ssyncadd.s32 $0xFFFFE000  }
0x1f3: {  	[spmem:s11] =	stream.linear.scatter [tilespmem:s30], [sflag:$0x2], $0x2000, $0x38;
	[tilespmem:$0x1F940] =	vst v63  }
0x1f4: {  	_ =	swait.ge [sflag:s29], $0x2000  }
0x1f5: {  	s23 =	sld [smem:$0x7ED]  }
0x1f6: {  	[sflag:s29] =	ssyncset.done $0x0  }
0x1f7: {  	[sflag:s29] =	ssyncadd.s32 $0xFFFFE000  }
0x1f8: {  	[spmem:s6], [sflag:s5] =	dma.local [hbm:s23], $0x1388  }
0x1f9: {  	_ =	swait.ge [sflag:s29], $0x1388  }
0x1fa: {  	[sflag:s29] =	ssyncset.done $0x0  }
0x1fb: {  	[sflag:s29] =	ssyncadd.s32 $0xFFFFEC78  }
0x1fc: {  	s25 =	simm.s32 $0x0;
	[bflag:$0x0] =	sbarrier.arrive $0xFFFF  }
0x1fd: {  	[tilespmem:s30], [sflag:$0x1] =	stream.indirect.gather [spmem:s3], $0x40, s25, s31, $0xb8;
	[tilespmem:$0x1F940] =	vst v63  }
0x1fe: {  	_ =	swait.ge [sflag:s0], $0x2000  }
0x1ff: {  	[sflag:s0] =	ssyncset.done $0x0  }
0x200: {  	s26 =	simm.s32 $0x4E80;
	[sflag:s0] =	ssyncadd.s32 $0xFFFFE000  }
0x201: {  	[spmem:s2] =	stream.indirect.scatter.add.f32 [tilespmem:s30], [sflag:$0x2], $0x40, s26, s31, $0xb8;
	[tilespmem:$0x1F940] =	vst v63  }
0x202: {  	_ =	swait.ge [sflag:s29], $0x2000  }
0x203: {  	s24 =	simm.s32 $0x400;
	s23 =	simm.s32 $0x200;
	[sflag:s29] =	ssyncset.done $0x0  }
.LBB2_24:
0x204: {  	s25 =	sshra.s32 s23, $0x2  }
0x205: {  	[sflag:s29] =	ssyncadd.s32 $0xFFFFE000;
	s23 =	smov.u32 s24;
	s26 =	sadd.s32 $0x200, s24  }
0x206: {  	[tilespmem:s30], [sflag:$0x1] =	stream.indirect.gather [spmem:s3], $0x40, s25, s31, $0xb8;
	[tilespmem:$0x1F940] =	vst v63  }
0x207: {  	p0 =	sne.s32 s24, $0x13800;
	_ =	swait.ge [sflag:s0], $0x2000  }
.Ltmp11:
0x208: {  	[sflag:s0] =	ssyncset.done $0x0;
	(pc) =	sbr.rel @p0 .LBB2_24-.Ltmp11, $4  }
0x209: {  	s24 =	sadd.s32 $0x4E80, s25;
	[sflag:s0] =	ssyncadd.s32 $0xFFFFE000  }
0x20a: {  	[spmem:s2] =	stream.indirect.scatter.add.f32 [tilespmem:s30], [sflag:$0x2], $0x40, s24, s31, $0xb8;
	[tilespmem:$0x1F940] =	vst v63  }
0x20b: {  	_ =	swait.ge [sflag:s29], $0x2000  }
0x20c: {  	s24 =	smov.u32 s26;
	[sflag:s29] =	ssyncset.done $0x0  }
0x20d: {  	s23 =	sshra.s32 s23, $0x2;
	[sflag:s29] =	ssyncadd.s32 $0xFFFFE000  }
0x20e: {  	[tilespmem:s30], [sflag:$0x1] =	stream.indirect.gather [spmem:s3], $0x40, s23, s31, $0xb8;
	[tilespmem:$0x1F940] =	vst v63  }
0x20f: {  	_ =	swait.ge [sflag:s0], $0x2000  }
0x210: {  	[sflag:s0] =	ssyncset.done $0x0  }
0x211: {  	s23 =	sadd.s32 $0x4E80, s23;
	[sflag:s0] =	ssyncadd.s32 $0xFFFFE000  }
0x212: {  	[spmem:s2] =	stream.indirect.scatter.add.f32 [tilespmem:s30], [sflag:$0x2], $0x40, s23, s31, $0xb8;
	[tilespmem:$0x1F940] =	vst v63  }
0x213: {  	_ =	swait.ge [sflag:s29], $0x2000  }
0x214: {  	[sflag:s29] =	ssyncset.done $0x0  }
0x215: {  	[sflag:s29] =	ssyncadd.s32 $0xFFFFE000  }
0x216: {  	[bflag:$0x0] =	sbarrier.arrive $0xFFFF  }
0x217: {  	s25 =	sld [smem:$0x7EE];
	_ =	sdelay $0x2  }
0x218: {  	[hbm:s25], [sflag:s5] =	dma.local [spmem:s12], $0x400  }
0x219: {  	_ =	swait.ge [sflag:s29], $0x400  }
0x21a: {  	s26 =	sld [smem:$0x7EF]  }
0x21b: {  	[sflag:s29] =	ssyncset.done $0x0  }
0x21c: {  	[sflag:s29] =	ssyncadd.s32 $0xFFFFFC00  }
0x21d: {  	[hbm:s26], [sflag:s5] =	dma.local [spmem:s19], $0x400  }
0x21e: {  	_ =	swait.ge [sflag:s29], $0x400  }
0x21f: {  	s24 =	sld [smem:$0x7F0]  }
0x220: {  	[sflag:s29] =	ssyncset.done $0x0  }
0x221: {  	[sflag:s29] =	ssyncadd.s32 $0xFFFFFC00  }
0x222: {  	[hbm:s24], [sflag:s5] =	dma.local [spmem:s20], $0x400  }
0x223: {  	_ =	swait.ge [sflag:s29], $0x400  }
0x224: {  	s25 =	sld [smem:$0x7F1]  }
0x225: {  	[sflag:s29] =	ssyncset.done $0x0  }
0x226: {  	[sflag:s29] =	ssyncadd.s32 $0xFFFFFC00  }
0x227: {  	[hbm:s25], [sflag:s5] =	dma.local [spmem:s21], $0x400  }
0x228: {  	_ =	swait.ge [sflag:s29], $0x400  }
0x229: {  	s26 =	sld [smem:$0x7F2]  }
0x22a: {  	[sflag:s29] =	ssyncset.done $0x0  }
0x22b: {  	[sflag:s29] =	ssyncadd.s32 $0xFFFFFC00  }
0x22c: {  	[hbm:s26], [sflag:s5] =	dma.local [spmem:s22], $0x400  }
0x22d: {  	s23 =	simm.s32 $0x0;
	_ =	swait.ge [sflag:s29], $0x400  }
0x22e: {  	s24 =	sand.u32 $0x7F00, s23;
	[sflag:s29] =	ssyncset.done $0x0  }
0x22f: {  	s25 =	sand.u32 $0x30, s23;
	s26 =	sshrl.u32 s24, $0x2;
	[sflag:s29] =	ssyncadd.s32 $0xFFFFFC00  }
0x230: {  	s24 =	simm.s32 $0x40;
	s25 =	sor.u32 s25, s26;
	[bflag:$0x0] =	sbarrier.arrive $0xFFFF  }
.LBB2_26:
0x231: {  	p0 =	sne.s32 s24, $0x7FC0  }
0x232: {  	[tilespmem:s25+$0x9D00] =	vst v0;
	s23 =	sadd.s32 $0x10, s23;
	s25 =	smov.u32 s24;
	s24 =	sadd.s32 $0x40, s24  }
.Ltmp12:
0x233: {  	(pc) =	sbr.rel @p0 .LBB2_26-.Ltmp12, $4  }
0x234: {  	_ = 	snop  }
0x235: {  	s25 =	sand.u32 $0x7F00, s25  }
0x236: {  	s26 =	sand.u32 $0x30, s23;
	s25 =	sshrl.u32 s25, $0x2  }
0x237: {  	s25 =	sor.u32 s26, s25  }
0x238: {  	[tilespmem:s25+$0x9D00] =	vst v0  }
0x239: {  	[spmem:s7] =	stream.linear.scatter [tilespmem:s30], [sflag:$0x2], $0x2000, $0x38;
	[tilespmem:$0x1F940] =	vst v63  }
0x23a: {  	_ =	swait.ge [sflag:s29], $0x2000  }
0x23b: {  	[sflag:s29] =	ssyncset.done $0x0  }
0x23c: {  	[sflag:s29] =	ssyncadd.s32 $0xFFFFE000  }
0x23d: {  	[spmem:s8] =	stream.linear.scatter [tilespmem:s30], [sflag:$0x2], $0x2000, $0x38;
	[tilespmem:$0x1F940] =	vst v63  }
0x23e: {  	_ =	swait.ge [sflag:s29], $0x2000  }
0x23f: {  	[sflag:s29] =	ssyncset.done $0x0  }
0x240: {  	[sflag:s29] =	ssyncadd.s32 $0xFFFFE000  }
0x241: {  	[spmem:s9] =	stream.linear.scatter [tilespmem:s30], [sflag:$0x2], $0x2000, $0x38;
	[tilespmem:$0x1F940] =	vst v63  }
0x242: {  	_ =	swait.ge [sflag:s29], $0x2000  }
0x243: {  	[sflag:s29] =	ssyncset.done $0x0  }
0x244: {  	[sflag:s29] =	ssyncadd.s32 $0xFFFFE000  }
0x245: {  	[spmem:s10] =	stream.linear.scatter [tilespmem:s30], [sflag:$0x2], $0x2000, $0x38;
	[tilespmem:$0x1F940] =	vst v63  }
0x246: {  	_ =	swait.ge [sflag:s29], $0x2000  }
0x247: {  	[sflag:s29] =	ssyncset.done $0x0  }
0x248: {  	[sflag:s29] =	ssyncadd.s32 $0xFFFFE000  }
0x249: {  	[spmem:s11] =	stream.linear.scatter [tilespmem:s30], [sflag:$0x2], $0x2000, $0x38;
	[tilespmem:$0x1F940] =	vst v63  }
0x24a: {  	_ =	swait.ge [sflag:s29], $0x2000  }
0x24b: {  	s23 =	sld [smem:$0x7F3]  }
0x24c: {  	[sflag:s29] =	ssyncset.done $0x0  }
0x24d: {  	[sflag:s29] =	ssyncadd.s32 $0xFFFFE000  }
0x24e: {  	[spmem:s6], [sflag:s5] =	dma.local [hbm:s23], $0x1388  }
0x24f: {  	_ =	swait.ge [sflag:s29], $0x1388  }
0x250: {  	[sflag:s29] =	ssyncset.done $0x0  }
0x251: {  	[sflag:s29] =	ssyncadd.s32 $0xFFFFEC78  }
0x252: {  	s25 =	simm.s32 $0x0;
	[bflag:$0x0] =	sbarrier.arrive $0xFFFF  }
0x253: {  	[tilespmem:s30], [sflag:$0x1] =	stream.indirect.gather [spmem:s3], $0x40, s25, s31, $0xb8;
	[tilespmem:$0x1F940] =	vst v63  }
0x254: {  	_ =	swait.ge [sflag:s0], $0x2000  }
0x255: {  	[sflag:s0] =	ssyncset.done $0x0  }
0x256: {  	s26 =	simm.s32 $0x4E80;
	[sflag:s0] =	ssyncadd.s32 $0xFFFFE000  }
0x257: {  	[spmem:s2] =	stream.indirect.scatter.add.f32 [tilespmem:s30], [sflag:$0x2], $0x40, s26, s31, $0xb8;
	[tilespmem:$0x1F940] =	vst v63  }
0x258: {  	_ =	swait.ge [sflag:s29], $0x2000  }
0x259: {  	s24 =	simm.s32 $0x400;
	s23 =	simm.s32 $0x200;
	[sflag:s29] =	ssyncset.done $0x0  }
.LBB2_28:
0x25a: {  	s25 =	sshra.s32 s23, $0x2  }
0x25b: {  	[sflag:s29] =	ssyncadd.s32 $0xFFFFE000;
	s23 =	smov.u32 s24;
	s26 =	sadd.s32 $0x200, s24  }
0x25c: {  	[tilespmem:s30], [sflag:$0x1] =	stream.indirect.gather [spmem:s3], $0x40, s25, s31, $0xb8;
	[tilespmem:$0x1F940] =	vst v63  }
0x25d: {  	p0 =	sne.s32 s24, $0x13800;
	_ =	swait.ge [sflag:s0], $0x2000  }
.Ltmp13:
0x25e: {  	[sflag:s0] =	ssyncset.done $0x0;
	(pc) =	sbr.rel @p0 .LBB2_28-.Ltmp13, $4  }
0x25f: {  	s24 =	sadd.s32 $0x4E80, s25;
	[sflag:s0] =	ssyncadd.s32 $0xFFFFE000  }
0x260: {  	[spmem:s2] =	stream.indirect.scatter.add.f32 [tilespmem:s30], [sflag:$0x2], $0x40, s24, s31, $0xb8;
	[tilespmem:$0x1F940] =	vst v63  }
0x261: {  	_ =	swait.ge [sflag:s29], $0x2000  }
0x262: {  	s24 =	smov.u32 s26;
	[sflag:s29] =	ssyncset.done $0x0  }
0x263: {  	s23 =	sshra.s32 s23, $0x2;
	[sflag:s29] =	ssyncadd.s32 $0xFFFFE000  }
0x264: {  	[tilespmem:s30], [sflag:$0x1] =	stream.indirect.gather [spmem:s3], $0x40, s23, s31, $0xb8;
	[tilespmem:$0x1F940] =	vst v63  }
0x265: {  	_ =	swait.ge [sflag:s0], $0x2000  }
0x266: {  	[sflag:s0] =	ssyncset.done $0x0  }
0x267: {  	s23 =	sadd.s32 $0x4E80, s23;
	[sflag:s0] =	ssyncadd.s32 $0xFFFFE000  }
0x268: {  	[spmem:s2] =	stream.indirect.scatter.add.f32 [tilespmem:s30], [sflag:$0x2], $0x40, s23, s31, $0xb8;
	[tilespmem:$0x1F940] =	vst v63  }
0x269: {  	_ =	swait.ge [sflag:s29], $0x2000  }
0x26a: {  	[sflag:s29] =	ssyncset.done $0x0  }
0x26b: {  	[sflag:s29] =	ssyncadd.s32 $0xFFFFE000  }
0x26c: {  	[bflag:$0x0] =	sbarrier.arrive $0xFFFF  }
0x26d: {  	s25 =	sld [smem:$0x7F4];
	_ =	sdelay $0x2  }
0x26e: {  	[hbm:s25], [sflag:s5] =	dma.local [spmem:s12], $0x400  }
0x26f: {  	_ =	swait.ge [sflag:s29], $0x400  }
0x270: {  	s26 =	sld [smem:$0x7F5]  }
0x271: {  	[sflag:s29] =	ssyncset.done $0x0  }
0x272: {  	[sflag:s29] =	ssyncadd.s32 $0xFFFFFC00  }
0x273: {  	[hbm:s26], [sflag:s5] =	dma.local [spmem:s19], $0x400  }
0x274: {  	_ =	swait.ge [sflag:s29], $0x400  }
0x275: {  	s24 =	sld [smem:$0x7F6]  }
0x276: {  	[sflag:s29] =	ssyncset.done $0x0  }
0x277: {  	[sflag:s29] =	ssyncadd.s32 $0xFFFFFC00  }
0x278: {  	[hbm:s24], [sflag:s5] =	dma.local [spmem:s20], $0x400  }
0x279: {  	_ =	swait.ge [sflag:s29], $0x400  }
0x27a: {  	s25 =	sld [smem:$0x7F7]  }
0x27b: {  	[sflag:s29] =	ssyncset.done $0x0  }
0x27c: {  	[sflag:s29] =	ssyncadd.s32 $0xFFFFFC00  }
0x27d: {  	[hbm:s25], [sflag:s5] =	dma.local [spmem:s21], $0x400  }
0x27e: {  	_ =	swait.ge [sflag:s29], $0x400  }
0x27f: {  	s26 =	sld [smem:$0x7F8]  }
0x280: {  	[sflag:s29] =	ssyncset.done $0x0  }
0x281: {  	[sflag:s29] =	ssyncadd.s32 $0xFFFFFC00  }
0x282: {  	[hbm:s26], [sflag:s5] =	dma.local [spmem:s22], $0x400  }
0x283: {  	s23 =	simm.s32 $0x0;
	_ =	swait.ge [sflag:s29], $0x400  }
0x284: {  	s24 =	sand.u32 $0x7F00, s23;
	[sflag:s29] =	ssyncset.done $0x0  }
0x285: {  	s25 =	sand.u32 $0x30, s23;
	s26 =	sshrl.u32 s24, $0x2;
	[sflag:s29] =	ssyncadd.s32 $0xFFFFFC00  }
0x286: {  	s24 =	simm.s32 $0x40;
	s25 =	sor.u32 s25, s26;
	[bflag:$0x0] =	sbarrier.arrive $0xFFFF  }
.LBB2_30:
0x287: {  	p0 =	sne.s32 s24, $0x7FC0  }
0x288: {  	[tilespmem:s25+$0x9D00] =	vst v0;
	s23 =	sadd.s32 $0x10, s23;
	s25 =	smov.u32 s24;
	s24 =	sadd.s32 $0x40, s24  }
.Ltmp14:
0x289: {  	(pc) =	sbr.rel @p0 .LBB2_30-.Ltmp14, $4  }
0x28a: {  	_ = 	snop  }
0x28b: {  	s25 =	sand.u32 $0x7F00, s25  }
0x28c: {  	s26 =	sand.u32 $0x30, s23;
	s25 =	sshrl.u32 s25, $0x2  }
0x28d: {  	s25 =	sor.u32 s26, s25  }
0x28e: {  	[tilespmem:s25+$0x9D00] =	vst v0  }
0x28f: {  	[spmem:s7] =	stream.linear.scatter [tilespmem:s30], [sflag:$0x2], $0x2000, $0x38;
	[tilespmem:$0x1F940] =	vst v63  }
0x290: {  	_ =	swait.ge [sflag:s29], $0x2000  }
0x291: {  	[sflag:s29] =	ssyncset.done $0x0  }
0x292: {  	[sflag:s29] =	ssyncadd.s32 $0xFFFFE000  }
0x293: {  	[spmem:s8] =	stream.linear.scatter [tilespmem:s30], [sflag:$0x2], $0x2000, $0x38;
	[tilespmem:$0x1F940] =	vst v63  }
0x294: {  	_ =	swait.ge [sflag:s29], $0x2000  }
0x295: {  	[sflag:s29] =	ssyncset.done $0x0  }
0x296: {  	[sflag:s29] =	ssyncadd.s32 $0xFFFFE000  }
0x297: {  	[spmem:s9] =	stream.linear.scatter [tilespmem:s30], [sflag:$0x2], $0x2000, $0x38;
	[tilespmem:$0x1F940] =	vst v63  }
0x298: {  	_ =	swait.ge [sflag:s29], $0x2000  }
0x299: {  	[sflag:s29] =	ssyncset.done $0x0  }
0x29a: {  	[sflag:s29] =	ssyncadd.s32 $0xFFFFE000  }
0x29b: {  	[spmem:s10] =	stream.linear.scatter [tilespmem:s30], [sflag:$0x2], $0x2000, $0x38;
	[tilespmem:$0x1F940] =	vst v63  }
0x29c: {  	_ =	swait.ge [sflag:s29], $0x2000  }
0x29d: {  	[sflag:s29] =	ssyncset.done $0x0  }
0x29e: {  	[sflag:s29] =	ssyncadd.s32 $0xFFFFE000  }
0x29f: {  	[spmem:s11] =	stream.linear.scatter [tilespmem:s30], [sflag:$0x2], $0x2000, $0x38;
	[tilespmem:$0x1F940] =	vst v63  }
0x2a0: {  	_ =	swait.ge [sflag:s29], $0x2000  }
0x2a1: {  	s23 =	sld [smem:$0x7F9]  }
0x2a2: {  	[sflag:s29] =	ssyncset.done $0x0  }
0x2a3: {  	[sflag:s29] =	ssyncadd.s32 $0xFFFFE000  }
0x2a4: {  	[spmem:s6], [sflag:s5] =	dma.local [hbm:s23], $0x1388  }
0x2a5: {  	_ =	swait.ge [sflag:s29], $0x1388  }
0x2a6: {  	[sflag:s29] =	ssyncset.done $0x0  }
0x2a7: {  	[sflag:s29] =	ssyncadd.s32 $0xFFFFEC78  }
0x2a8: {  	s25 =	simm.s32 $0x0;
	[bflag:$0x0] =	sbarrier.arrive $0xFFFF  }
0x2a9: {  	[tilespmem:s30], [sflag:$0x1] =	stream.indirect.gather [spmem:s3], $0x40, s25, s31, $0xb8;
	[tilespmem:$0x1F940] =	vst v63  }
0x2aa: {  	_ =	swait.ge [sflag:s0], $0x2000  }
0x2ab: {  	[sflag:s0] =	ssyncset.done $0x0  }
0x2ac: {  	s26 =	simm.s32 $0x4E80;
	[sflag:s0] =	ssyncadd.s32 $0xFFFFE000  }
0x2ad: {  	[spmem:s2] =	stream.indirect.scatter.add.f32 [tilespmem:s30], [sflag:$0x2], $0x40, s26, s31, $0xb8;
	[tilespmem:$0x1F940] =	vst v63  }
0x2ae: {  	_ =	swait.ge [sflag:s29], $0x2000  }
0x2af: {  	s6 =	simm.s32 $0x200;
	s23 =	simm.s32 $0x400;
	[sflag:s29] =	ssyncset.done $0x0  }
.LBB2_32:
0x2b0: {  	s24 =	sshra.s32 s6, $0x2  }
0x2b1: {  	[sflag:s29] =	ssyncadd.s32 $0xFFFFE000;
	s6 =	smov.u32 s23;
	s25 =	sadd.s32 $0x200, s23  }
0x2b2: {  	[tilespmem:s30], [sflag:$0x1] =	stream.indirect.gather [spmem:s3], $0x40, s24, s31, $0xb8;
	[tilespmem:$0x1F940] =	vst v63  }
0x2b3: {  	p0 =	sne.s32 s23, $0x13800;
	_ =	swait.ge [sflag:s0], $0x2000  }
.Ltmp15:
0x2b4: {  	[sflag:s0] =	ssyncset.done $0x0;
	(pc) =	sbr.rel @p0 .LBB2_32-.Ltmp15, $4  }
0x2b5: {  	s23 =	sadd.s32 $0x4E80, s24;
	[sflag:s0] =	ssyncadd.s32 $0xFFFFE000  }
0x2b6: {  	[spmem:s2] =	stream.indirect.scatter.add.f32 [tilespmem:s30], [sflag:$0x2], $0x40, s23, s31, $0xb8;
	[tilespmem:$0x1F940] =	vst v63  }
0x2b7: {  	_ =	swait.ge [sflag:s29], $0x2000  }
0x2b8: {  	s23 =	smov.u32 s25;
	[sflag:s29] =	ssyncset.done $0x0  }
0x2b9: {  	s6 =	sshra.s32 s6, $0x2;
	[sflag:s29] =	ssyncadd.s32 $0xFFFFE000  }
0x2ba: {  	[tilespmem:s30], [sflag:$0x1] =	stream.indirect.gather [spmem:s3], $0x40, s6, s31, $0xb8;
	[tilespmem:$0x1F940] =	vst v63  }
0x2bb: {  	_ =	swait.ge [sflag:s0], $0x2000  }
0x2bc: {  	[sflag:s0] =	ssyncset.done $0x0  }
0x2bd: {  	s6 =	sadd.s32 $0x4E80, s6;
	[sflag:s0] =	ssyncadd.s32 $0xFFFFE000  }
0x2be: {  	[spmem:s2] =	stream.indirect.scatter.add.f32 [tilespmem:s30], [sflag:$0x2], $0x40, s6, s31, $0xb8;
	[tilespmem:$0x1F940] =	vst v63  }
0x2bf: {  	_ =	swait.ge [sflag:s29], $0x2000  }
0x2c0: {  	[sflag:s29] =	ssyncset.done $0x0  }
0x2c1: {  	[sflag:s29] =	ssyncadd.s32 $0xFFFFE000  }
0x2c2: {  	[bflag:$0x0] =	sbarrier.arrive $0xFFFF  }
0x2c3: {  	s26 =	sld [smem:$0x7FA];
	_ =	sdelay $0x2  }
0x2c4: {  	[hbm:s26], [sflag:s5] =	dma.local [spmem:s12], $0x400  }
0x2c5: {  	_ =	swait.ge [sflag:s29], $0x400  }
0x2c6: {  	s23 =	sld [smem:$0x7FB]  }
0x2c7: {  	[sflag:s29] =	ssyncset.done $0x0  }
0x2c8: {  	[sflag:s29] =	ssyncadd.s32 $0xFFFFFC00  }
0x2c9: {  	[hbm:s23], [sflag:s5] =	dma.local [spmem:s19], $0x400  }
0x2ca: {  	_ =	swait.ge [sflag:s29], $0x400  }
0x2cb: {  	s24 =	sld [smem:$0x7FC]  }
0x2cc: {  	[sflag:s29] =	ssyncset.done $0x0  }
0x2cd: {  	[sflag:s29] =	ssyncadd.s32 $0xFFFFFC00  }
0x2ce: {  	[hbm:s24], [sflag:s5] =	dma.local [spmem:s20], $0x400  }
0x2cf: {  	_ =	swait.ge [sflag:s29], $0x400  }
0x2d0: {  	s25 =	sld [smem:$0x7FD]  }
0x2d1: {  	[sflag:s29] =	ssyncset.done $0x0  }
0x2d2: {  	[sflag:s29] =	ssyncadd.s32 $0xFFFFFC00  }
0x2d3: {  	[hbm:s25], [sflag:s5] =	dma.local [spmem:s21], $0x400  }
0x2d4: {  	_ =	swait.ge [sflag:s29], $0x400  }
0x2d5: {  	[sflag:s29] =	ssyncset.done $0x0  }
0x2d6: {  	[sflag:s29] =	ssyncadd.s32 $0xFFFFFC00  }
0x2d7: {  	[hbm:s28], [sflag:s5] =	dma.local [spmem:s22], $0x400  }
0x2d8: {  	_ =	swait.ge [sflag:s29], $0x400  }
0x2d9: {  	s1 =	sadd.s32 $0x1, s1;
	s26 =	rddreg [dreg:$0xe]  }
0x2da: {  	p0 =	sne.s32 s1, s26  }
.Ltmp16:
0x2db: {  	_ = 	snop;
	(pc) =	sbr.rel @p0 .LBB2_1-.Ltmp16, $3  }
0x2dc: {  	[sflag:s29] =	ssyncset.done $0x0  }
0x2dd: {  	[sflag:s29] =	ssyncadd.s32 $0xFFFFFC00  }
0x2de: {  	[bflag:$0x0] =	sbarrier.arrive $0xFFFF;
	_ =	sdelay $0x1  }
0x2df: {  	_ =	sfence.sel $0x180000  }
0x2e0: {  	[bflag:$0x0] =	sbarrier.arrive $0xFFFF  }
0x2e1: {  	_ =	strace $0x9000004A  }
0x2e2: {  	s0 =	stileid.u32;
	[bflag:$0x2] =	sbarrier.arrive $0xFFFF  }
0x2e3: {  	p0 =	sne.s32 s0, $0x0;
	s0 =	rddreg [dreg:$0x4]  }
0x2e4: {  	s0 =	sadd.s32 @!p0 $0x100000, s0  }
0x2e5: {  	[sflag:s0] =	ssyncadd.tile.s32 @!p0 $0x1;
	_ =	shalt  }
.Lfunc_end2:
_tile_overlayer_lowered:
.L_overlay_start_2:
0x2e6: {  	(tag) =	ssettag $0x2  }
0x2e7: {  	s0 =	rddreg [dreg:$0x0];
	s2 =	stileid.u32  }
0x2e8: {  	s1 =	rddreg [dreg:$0x1];
	p0 =	sne.s32 s2, $0x0  }
0x2e9: {  	s3 =	rddreg [dreg:$0x2];
	[bflag:$0x3] =	sbarrier.arrive $0xFFFF;
	s2 =	simm.s32 @!p0 $0x1C02  }
0x2ea: {  	[timem:s3], [sflag:s2] =	dma.local @!p0 [hbm:s0], s1  }
0x2eb: {  	s0 =	simm.s32 @!p0 $0x2  }
0x2ec: {  	_ =	swait.ge @!p0 [sflag:s0], s1  }
0x2ed: {  	s1 =	ssub.s32 @!p0 $0x0, s1;
	[sflag:s0] =	ssyncset.done @!p0 $0x0  }
0x2ee: {  	[sflag:s0] =	ssyncadd.s32 @!p0 s1  }
0x2ef: {  	[bflag:$0x3] =	sbarrier.arrive $0xFFFF  }
0x2f0: {  	_ =	shalt  }

// kernel: kernel.7.cloned.1.call-start
scs
__scs_entry_jumppad:
0x0: {  	(pc) =	sbr.rel $0x88, $3  }
0x1: {  	(tag) =	ssettag $0x0;
	lr =	simm.s32 $0x1  }
0x2: {  	[smem:$0x3F9D] =	sst lr;
	_ =	strace $0xD0000000  }
0x3: {  	_ = 	snop  }
0x4: {  	_ = 	snop  }
0x5: {  	_ = 	snop  }
0x6: {  	_ = 	snop  }
0x7: {  	_ = 	snop  }
__scs_overlays_trampoline_lowered:
0x8: {  	[smem:$0x3FAC] =	sst s0  }
0x9: {  	[smem:$0x3FAD] =	sst s1  }
0xa: {  	[smem:$0x3FAE] =	sst s2  }
0xb: {  	[smem:$0x3FAF] =	sst s3  }
0xc: {  	[smem:$0x3FB0] =	sst s4  }
0xd: {  	[smem:$0x3FB1] =	sst s5  }
0xe: {  	[smem:$0x3FB2] =	sst s6  }
0xf: {  	[smem:$0x3FB3] =	sst s7  }
0x10: {  	[smem:$0x3FB4] =	sst s8  }
0x11: {  	[smem:$0x3FB5] =	sst s9;
	s0 =	simm.s32 @!p0 $0x0  }
0x12: {  	s1 =	sld [smem:$0x3F9B];
	s0 =	simm.s32 @p0 $0x1  }
0x13: {  	[smem:$0x3FB6] =	sst s0;
	s0 =	simm.s32 @!p1 $0x0  }
0x14: {  	s2 =	sld [smem:$0x3F9A];
	s0 =	simm.s32 @p1 $0x1  }
0x15: {  	[smem:$0x3FB7] =	sst s0;
	s0 =	simm.s32 @!p2 $0x0  }
0x16: {  	s3 =	sld [smem:$0x3FDB];
	s0 =	simm.s32 @p2 $0x1  }
0x17: {  	s4 =	simm.s32 $0x1BF5;
	[smem:$0x3FB9] =	sst s0  }
0x18: {  	s0 =	sld [smem:$0x3F9C];
	_ =	swait.ge [sflag:s4], $0x0  }
0x19: {  	s7 =	sld [smem:$0x3F9D]  }
0x1a: {  	s8 =	sadd.s32 $0xFFFFE003, lr  }
0x1b: {  	s9 =	sadd.s32 $0xFFFFFEF7, lr;
	s5 =	simm.s32 $0xFFFFFFFF;
	p2 =	slt.u32 s8, $0xFFFFF086  }
0x1c: {  	p1 =	slt.u32 s9, $0xF7A;
	s5 =	simm.s32 @!p2 $0x0  }
0x1d: {  	s5 =	simm.s32 @p1 $0x1;
	p0 =	seq.s32 s7, s2  }
0x1e: {  	s7 =	smul.u32 @!p0 $0xF7A, s2;
	p2 =	seq.s32 @!p0 s5, $0x0  }
0x1f: {  	s9 =	smul.u32 $0xF7A, s1;
	s8 =	simm.s32 @!p0 $0x1BF5;
	p2 =	por !p2, p0  }
0x20: {  	[sflag:s8] =	ssyncset.s32 @!p0 $0xFFFFF086;
	s6 =	sadd.s32 @!p0 s3, s7;
	s7 =	simm.s32 @!p0 $0x108  }
0x21: {  	s3 =	sadd.s32 s3, s9;
	s6 =	sadd.s32 @!p0 $0x88, s6;
	s7 =	simm.s32 @p2 $0x1082  }
0x22: {  	[simem:s7], [sflag:s8] =	dma.local @!p0 [hbm:s6], $0xF7A  }
0x23: {  	s9 =	sor.u32 $0xD0000000, s2;
	s6 =	simm.s32 $0x108;
	_ =	swait.ge @!p0 [sflag:s8], $0x0  }
0x24: {  	s3 =	sadd.s32 $0x88, s3;
	s6 =	simm.s32 @!p1 $0x1082;
	[sflag:s4] =	ssyncset.s32 $0xFFFFF086  }
0x25: {  	[simem:s6], [sflag:s4] =	dma.local [hbm:s3], $0xF7A  }
0x26: {  	[smem:$0x3F9D] =	sst s1;
	(tag) =	ssettag s2;
	_ =	strace s9  }
0x27: {  	s1 =	sld [smem:$0x3FAD]  }
0x28: {  	s2 =	sld [smem:$0x3FAE]  }
0x29: {  	s4 =	sld [smem:$0x3FB0]  }
0x2a: {  	p0 =	seq.s32 s5, $0x0;
	s5 =	sld [smem:$0x3FB1]  }
0x2b: {  	s6 =	sld [smem:$0x3FB2]  }
0x2c: {  	s7 =	sld [smem:$0x3FB3]  }
0x2d: {  	s3 =	simm.s32 $0x108;
	s8 =	sld [smem:$0x3FB4]  }
0x2e: {  	s3 =	simm.s32 @!p0 $0x1082;
	s9 =	sld [smem:$0x3FB5]  }
0x2f: {  	lr =	sadd.s32 s0, s3;
	s0 =	sld [smem:$0x3FAC]  }
0x30: {  	s3 =	sld [smem:$0x3FAF]  }
0x31: {  	[smem:$0x3FB8] =	sst s10  }
0x32: {  	s10 =	sld [smem:$0x3FB6];
	_ =	sdelay $0x3  }
0x33: {  	p0 =	seq.s32 s10, $0x1;
	s10 =	sld [smem:$0x3FB8];
	_ =	sdelay $0x3  }
0x34: {  	[smem:$0x3FB8] =	sst s10  }
0x35: {  	s10 =	sld [smem:$0x3FB7];
	_ =	sdelay $0x3  }
0x36: {  	p1 =	seq.s32 s10, $0x1;
	s10 =	sld [smem:$0x3FB8];
	_ =	sdelay $0x3  }
0x37: {  	[smem:$0x3FB8] =	sst s10  }
0x38: {  	s10 =	sld [smem:$0x3FB9]  }
0x39: {  	_ = 	snop;
	(pc) =	sbr.ind lr, $3  }
0x3a: {  	_ = 	snop  }
0x3b: {  	_ = 	snop  }
0x3c: {  	p2 =	seq.s32 s10, $0x1;
	s10 =	sld [smem:$0x3FB8]  }
0x3d: {  	_ =	shalt  }
0x3e: {  	_ =	shalt  }
0x3f: {  	_ =	shalt  }
0x40: {  	_ =	shalt  }
0x41: {  	_ =	shalt  }
0x42: {  	_ =	shalt  }
0x43: {  	_ =	shalt  }
0x44: {  	_ =	shalt  }
0x45: {  	_ =	shalt  }
0x46: {  	_ =	shalt  }
0x47: {  	_ =	shalt  }
0x48: {  	_ =	shalt  }
0x49: {  	_ =	shalt  }
0x4a: {  	_ =	shalt  }
0x4b: {  	_ =	shalt  }
0x4c: {  	_ =	shalt  }
0x4d: {  	_ =	shalt  }
0x4e: {  	_ =	shalt  }
0x4f: {  	_ =	shalt  }
0x50: {  	_ =	shalt  }
0x51: {  	_ =	shalt  }
0x52: {  	_ =	shalt  }
0x53: {  	_ =	shalt  }
0x54: {  	_ =	shalt  }
0x55: {  	_ =	shalt  }
0x56: {  	_ =	shalt  }
0x57: {  	_ =	shalt  }
0x58: {  	_ =	shalt  }
0x59: {  	_ =	shalt  }
0x5a: {  	_ =	shalt  }
0x5b: {  	_ =	shalt  }
0x5c: {  	_ =	shalt  }
0x5d: {  	_ =	shalt  }
0x5e: {  	_ =	shalt  }
0x5f: {  	_ =	shalt  }
0x60: {  	_ =	shalt  }
0x61: {  	_ =	shalt  }
0x62: {  	_ =	shalt  }
0x63: {  	_ =	shalt  }
0x64: {  	_ =	shalt  }
0x65: {  	_ =	shalt  }
0x66: {  	_ =	shalt  }
0x67: {  	_ =	shalt  }
0x68: {  	_ =	shalt  }
0x69: {  	_ =	shalt  }
0x6a: {  	_ =	shalt  }
0x6b: {  	_ =	shalt  }
0x6c: {  	_ =	shalt  }
0x6d: {  	_ =	shalt  }
0x6e: {  	_ =	shalt  }
0x6f: {  	_ =	shalt  }
0x70: {  	_ =	shalt  }
0x71: {  	_ =	shalt  }
0x72: {  	_ =	shalt  }
0x73: {  	_ =	shalt  }
0x74: {  	_ =	shalt  }
0x75: {  	_ =	shalt  }
0x76: {  	_ =	shalt  }
0x77: {  	_ =	shalt  }
0x78: {  	_ =	shalt  }
0x79: {  	_ =	shalt  }
0x7a: {  	_ =	shalt  }
0x7b: {  	_ =	shalt  }
0x7c: {  	_ =	shalt  }
0x7d: {  	_ =	shalt  }
0x7e: {  	_ =	shalt  }
0x7f: {  	_ =	shalt  }
0x80: {  	_ =	shalt  }
0x81: {  	_ =	shalt  }
0x82: {  	_ =	shalt  }
0x83: {  	_ =	shalt  }
0x84: {  	_ =	shalt  }
0x85: {  	_ =	shalt  }
0x86: {  	_ =	shalt  }
0x87: {  	_ =	shalt  }
.Lfunc_end0:
.L_simem_size_0:
called_computation_lowered:
.L_overlay_start_0:
0x88: {  	s2 =	sld [smem:$0x3FD9]  }
0x89: {  	s3 =	sld [smem:$0x3FFE];
	_ =	sdelay $0x1  }
0x8a: {  	s1 =	srdreg.scid  }
0x8b: {  	s0 =	sand.u32 $0x1, s1  }
0x8c: {  	s17 =	sshll.u32 s0, $0xA;
	s2 =	sadd.s32 s3, s2  }
0x8d: {  	s2 =	sadd.s32 s2, s17  }
0x8e: {  	[smem:$0x3FC4] =	sst s2  }
0x8f: {  	_ = 	snop  }
0x90: {  	s2 =	sld [smem:$0x3FD0];
	(tm) =	ssettm $0x1  }
0x91: {  	s18 =	sld [smem:$0x3FFB];
	_ =	sdelay $0x3  }
0x92: {  	_ =	strace s18  }
0x93: {  	s3 =	sld [smem:$0x3FFC];
	_ =	sdelay $0x3  }
0x94: {  	_ =	strace s3  }
0x95: {  	s3 =	sld [smem:$0x3FFD];
	_ =	sdelay $0x3  }
0x96: {  	_ =	strace s3  }
0x97: {  	_ =	strace $0x8FFFFFFF  }
0x98: {  	s19 =	sld [smem:$0x3FDB];
	_ =	sdelay $0x1  }
0x99: {  	s4 =	simm.s32 $_scs_section_size  }
0x9a: {  	s5 =	simm.s32 $_size__tile_overlayer_lowered;
	s6 =	simm.s32 $_tile_overlayer_lowered  }
0x9b: {  	s22 =	simm.s32 $0x1BFF;
	s21 =	sshll.u32 s6, $0x1;
	s3 =	sadd.s32 s4, s19  }
0x9c: {  	s7 =	simm.s32 $0x0;
	s20 =	sshll.u32 s5, $0x1;
	s5 =	sadd.s32 s21, s3  }
0x9d: {  	[timem:s7], [sflag:s22] =	dma.local [hbm:s5], s20  }
0x9e: {  	_ =	swait.ge [sflag:s22], s20  }
0x9f: {  	s4 =	ssub.s32 $0x0, s20;
	[sflag:s22] =	ssyncset.done $0x0  }
0xa0: {  	[sflag:s22] =	ssyncadd.s32 s4;
	_ =	sdelay $0x1  }
0xa1: {  	s23 =	simm.s32 $0x1B8B  }
0xa2: {  	_ =	swait.ge [sflag:s23], $0x1  }
0xa3: {  	[sflag:s23] =	ssyncset.done $0x0  }
0xa4: {  	s25 =	simm.s32 $0x1B8E;
	s24 =	sld [smem:$0x3FFE];
	[sflag:s23] =	ssyncadd.s32 $0xFFFFFFFF  }
0xa5: {  	s26 =	simm.s32 $execute0_lowered;
	[smem:$0x3FD2] =	sst s25  }
0xa6: {  	s5 =	sshll.u32 s26, $0x1;
	_ =	strace $0x80000046;
	[dreg:$0x1] =	wrdreg $0xFFFFFFFF  }
0xa7: {  	s28 =	simm.s32 $_size_execute0_lowered;
	s3 =	sadd.s32 s3, s5;
	[dreg:$0x0] =	wrdreg $0x0  }
0xa8: {  	s5 =	sshll.u32 s28, $0x1;
	[dreg:$0x2] =	wrdreg s3  }
0xa9: {  	[dreg:$0x3] =	wrdreg s5  }
0xaa: {  	[dreg:$0x4] =	wrdreg $0xC0  }
0xab: {  	_ =	task [dreg:s7], $0x5FFFF  }
0xac: {  	[dreg:$0x1] =	wrdreg $0xFFFFFFFF  }
0xad: {  	[dreg:$0x0] =	wrdreg $0x60  }
0xae: {  	[dreg:$0x2] =	wrdreg s24  }
0xaf: {  	[dreg:$0x3] =	wrdreg s2  }
0xb0: {  	[dreg:$0x4] =	wrdreg $0x9  }
0xb1: {  	_ =	task.clear_ibuf [dreg:s7], $0x5FFFF;
	_ =	strace $0x90000046  }
0xb2: {  	s29 =	simm.s32 $0x9;
	_ =	strace $0x80000048  }
0xb3: {  	_ =	swait.ge [sflag:s29], $0x1  }
0xb4: {  	[sflag:s29] =	ssyncadd.s32 $0xFFFFFFFF  }
0xb5: {  	_ =	strace $0x90000048  }
0xb6: {  	_ =	sfence  }
0xb7: {  	s30 =	sld [smem:$0x0];
	_ =	sdelay $0x2  }
0xb8: {  	s31 =	sshll.u32 s1, $0xD;
	s1 =	sshrl.u32 s1, $0x2  }
0xb9: {  	s3 =	sand.u32 $0x4000, s31;
	s1 =	sadd.s32 s1, s30  }
0xba: {  	s0 =	sor.u32 s3, s0;
	s1 =	sshll.u32 s1, $0x11  }
0xbb: {  	s0 =	sor.u32 s1, s0  }
0xbc: {  	s0 =	sadd.s32 $0x8F2B, s0  }
0xbd: {  	[sflag:s0] =	ssyncadd.remote.s32 $0x1  }
0xbe: {  	_ =	sfence.sel $0xFFFF  }
0xbf: {  	[dreg:$0x0] =	wrdreg $0xFFFFFFFF;
	(pc) =	sbr.abs _section_cstart, $3  }
0xc0: {  	[dreg:$0x1] =	wrdreg $0xFFFFFFFF  }
0xc1: {  	_ =	task.clear_ibuf [dreg:s7], $0x2FFFF;
	_ =	strace $0x9FFFFFFF  }
0xc2: {  	(tm) =	ssettm $0x7FFFFFFF  }
0xc3: {  	_ =	shalt  }
tec
execute0_lowered:
.L_overlay_start_1:
0x0: {  	(tag) =	ssettag $0x1  }
0x1: {  	s0 =	srdreg.scid  }
0x2: {  	s3 =	sand.u32 $0x1, s0  }
0x3: {  	s4 =	rddreg [dreg:$0x0];
	s0 =	stileid.u32;
	s1 =	sshll.u32 s3, $0x4  }
0x4: {  	s5 =	rddreg [dreg:$0x1];
	s9 =	simm.s32 $0x2780;
	s2 =	sor.u32 s0, s1  }
0x5: {  	s10 =	simm.s32 $0x0;
	s7 =	sshll.u32 s0, $0x7;
	s6 =	sshrl.u32 s2, $0x3  }
0x6: {  	s3 =	ssub.s32 $0x2, s3;
	s1 =	rddreg [dreg:$0x2];
	s8 =	smul.u32 $0x13C00, s6  }
0x7: {  	s7 =	sand.u32 $0x380, s7;
	s2 =	simm.s32 $0x0;
	s6 =	smul.u32 $0x14000, s6  }
0x8: {  	s31 =	sshrl.u32 s3, $0x1;
	[smem:$0x7FF] =	sst s2;
	s8 =	sor.u32 s7, s8  }
0x9: {  	_ =	strace $0x80000047;
	s6 =	sor.u32 s7, s6;
	s8 =	sshrl.u32 s8, $0x3  }
0xa: {  	s7 =	ssub.s32 s3, s31;
	s6 =	sshrl.u32 s6, $0x3;
	s4 =	sadd.s32 s8, s4  }
0xb: {  	s8 =	simm.s32 $0x1;
	s3 =	sadd.s32 $0xAC00, s4;
	s4 =	sadd.s32 s5, s6  }
0xc: {  	v0 =	vimm.f32 $0.0e+00;
	v1 =	vimm.f32 $1.000000000e+00;
	s5 =	smax.u32 s7, $0x1;
	s6 =	simm.s32 $0x80;
	s7 =	simm.s32 $0x400  }
.LBB2_1:
0xd: {  	[tilespmem:s2], [sflag:$0x1] =	stream.strided.gather [hbm4b:s3+s6], $0x2780, s7, s6, $0x38;
	[tilespmem:$0x4F80] =	vst v63  }
0xe: {  	_ =	swait.ge [sflag:s8], $0x2780  }
0xf: {  	[sflag:s8] =	ssyncset.done $0x0  }
0x10: {  	s11 =	simm.s32 $0x0;
	[sflag:s8] =	ssyncadd.s32 $0xFFFFD880  }
.LBB2_2:
0x11: {  	p0 =	sne.s32 s11, $0x9FC0  }
.Ltmp0:
0x12: {  	_ = 	snop;
	(pc) =	sbr.rel @p0 .LBB2_2-.Ltmp0, $3  }
0x13: {  	_ =	sdelay $0x1  }
0x14: {  	s12 =	sshra.s32 s11, $0x2  }
0x15: {  	s11 =	sadd.s32 $0x40, s11;
	[tilespmem:s12+$0x2780] =	vst v0  }
0x16: {  	s12 =	simm.s32 $0x0;
	s11 =	simm.s32 $0x40  }
.LBB2_4:
0x17: {  	p0 =	sne.s32 s11, $0x9CC0;
	v2 =	vld [tilespmem:s12+$0x0];
	_ =	sdelay $0x3  }
.Ltmp1:
0x18: {  	(pc) =	sbr.rel @p0 .LBB2_4-.Ltmp1, $2  }
0x19: {  	_ =	sdelay $0x2  }
0x1a: {  	s12 =	sshra.s32 s11, $0x2;
	s11 =	sadd.s32 $0x40, s11;
	[tilespmem:v2+s9+$0x0] =	vst.idx.add.f32.msk $0xffff, v1  }
0x1b: {  	v2 =	vld [tilespmem:s12+$0x0];
	_ =	sdelay $0x5  }
0x1c: {  	s10 =	sadd.s32 $0x1, s10  }
0x1d: {  	p0 =	sne.s32 s10, s5  }
.Ltmp2:
0x1e: {  	[tilespmem:v2+s9+$0x0] =	vst.idx.add.f32.msk $0xffff, v1;
	(pc) =	sbr.rel @p0 .LBB2_1-.Ltmp2, $4  }
0x1f: {  	[hbm4b:s4+s6] =	stream.strided.scatter [tilespmem:s9], [sflag:$0x1], $0x2800, s7, s6, $0x38;
	[tilespmem:$0x4F80] =	vst v63  }
0x20: {  	_ =	swait.ge [sflag:s8], $0x2800  }
0x21: {  	[sflag:s8] =	ssyncset.done $0x0  }
0x22: {  	[sflag:s8] =	ssyncadd.s32 $0xFFFFD800  }
0x23: {  	_ =	sfence.sel $0x180000  }
0x24: {  	[bflag:$0x0] =	sbarrier.arrive $0xFFFF  }
0x25: {  	p0 =	sne.s32 s0, $0x0;
	_ =	strace $0x90000047  }
0x26: {  	s0 =	sadd.s32 @!p0 $0x100000, s1;
	[bflag:$0x2] =	sbarrier.arrive $0xFFFF  }
0x27: {  	[sflag:s0] =	ssyncadd.tile.s32 @!p0 $0x1;
	_ =	shalt  }
.Lfunc_end2:
_tile_overlayer_lowered:
.L_overlay_start_2:
0x28: {  	(tag) =	ssettag $0x2  }
0x29: {  	s0 =	rddreg [dreg:$0x0];
	s2 =	stileid.u32  }
0x2a: {  	s1 =	rddreg [dreg:$0x1];
	p0 =	sne.s32 s2, $0x0  }
0x2b: {  	s3 =	rddreg [dreg:$0x2];
	[bflag:$0x3] =	sbarrier.arrive $0xFFFF;
	s2 =	simm.s32 @!p0 $0x1C01  }
0x2c: {  	[timem:s3], [sflag:s2] =	dma.local @!p0 [hbm:s0], s1  }
0x2d: {  	s0 =	simm.s32 @!p0 $0x1  }
0x2e: {  	_ =	swait.ge @!p0 [sflag:s0], s1  }
0x2f: {  	s1 =	ssub.s32 @!p0 $0x0, s1;
	[sflag:s0] =	ssyncset.done @!p0 $0x0  }
0x30: {  	[sflag:s0] =	ssyncadd.s32 @!p0 s1  }
0x31: {  	[bflag:$0x3] =	sbarrier.arrive $0xFFFF  }
0x32: {  	_ =	shalt  }

</sc_bundles>
